<compile_context>
chip_gen: v7x
topology: tpu7x:2x2x1
jax: 0.10.2.dev20260603
libtpu: 0.0.44.dev20260713+nightly
codegen_flags: <defaults>
</compile_context>

<pallas_src>
import functools

import jax
import jax.numpy as jnp
from jax import lax
from jax.experimental import pallas as pl
from jax.experimental.pallas import tpu as pltpu
from jax.experimental.pallas import tpu_sc as plsc

N = 10000
E = 320000
H = 128
L = 3
G = 64
C = 10

NPAD = 10240
NC = 2
NS = 16
NW = NC * NS
CHUNK = 128
NCHUNK0 = 79
NCHUNK1 = 79
EPW0 = NCHUNK0 * CHUNK
EPW1 = NCHUNK1 * CHUNK
EPAD = NS * (EPW0 + EPW1)
ROWS_PER_TILE = NPAD // NS
BLK = 2048

_HI = jax.lax.Precision.HIGHEST


def _dot(a, b):
    return jax.lax.dot_general(a, b, (((1,), (0,)), ((), ())),
                               precision=_HI, preferred_element_type=jnp.float32)



def _edge_body(m_hbm, src_hbm, dst_hbm, ewx_hbm, zrows_hbm, out_hbm,
               src_v, dst2, ewx0, ewx1, rows0, rows1, agg_sh,
               sg0, sg1, sd0, sd1, se0, se1, ss0, ss1):
    c = lax.axis_index("c")
    s = lax.axis_index("s")
    wid = s * NC + c
    nchunks = NCHUNK0
    npair = (NCHUNK0 - 1) // 2

    pltpu.sync_copy(src_hbm.at[wid], src_v)
    pltpu.sync_copy(zrows_hbm, agg_sh.at[pl.ds(s * ROWS_PER_TILE, ROWS_PER_TILE)])
    plsc.subcore_barrier()

    rbufs = (rows0, rows1)
    ewxs = (ewx0, ewx1)
    sgs = (sg0, sg1)
    sds = (sd0, sd1)
    ses = (se0, se1)
    sss = (ss0, ss1)

    def g_desc(j, b):
        return pltpu.make_async_copy(m_hbm.at[src_v.at[j]], rbufs[b], sgs[b])

    def d_desc(j, b):
        return pltpu.make_async_copy(dst_hbm.at[wid, j, 0], dst2.at[b], sds[b])

    def e_desc(j, b):
        return pltpu.make_async_copy(ewx_hbm.at[wid, j], ewxs[b], ses[b])

    def issue_in(j, b):
        g_desc(j, b).start()
        d_desc(j, b).start()
        e_desc(j, b).start()

    def wait_in(j, b):
        g_desc(j, b).wait()
        e_desc(j, b).wait()

    def s_wait(b):
        pltpu.make_async_copy(rbufs[b], agg_sh.at[dst2.at[b]], sss[b]).wait()

    def s_issue(b):
        pltpu.async_copy(rbufs[b], agg_sh.at[dst2.at[b]], sss[b], add=True)

    def multiply(b):
        rows_b = rbufs[b]
        ewx_b = ewxs[b]

        def g_step(g, carry):
            base = g * 8
            for k in range(8):
                w = ewx_b[g, pl.ds(k * 16, 16)]
                for cb in range(H // 16):
                    sl = pl.ds(cb * 16, 16)
                    rows_b[base + k, sl] = rows_b[base + k, sl] * w
            return carry

        lax.fori_loop(0, CHUNK // 8, g_step, 0, unroll=False)

    issue_in(0, 0)

    def pair(jj, carry):
        j0 = 2 * jj
        j1 = j0 + 1
        wait_in(j0, 0)

        @pl.when(jj > 0)
        def _():
            s_wait(1)

        issue_in(j1, 1)
        multiply(0)
        d_desc(j0, 0).wait()
        s_issue(0)
        wait_in(j1, 1)
        s_wait(0)
        issue_in(j0 + 2, 0)
        multiply(1)
        d_desc(j1, 1).wait()
        s_issue(1)
        return carry

    lax.fori_loop(0, npair, pair, 0, unroll=False)
    jt = nchunks - 1
    wait_in(jt, 0)
    s_wait(1)
    multiply(0)
    d_desc(jt, 0).wait()
    s_issue(0)
    s_wait(0)
    plsc.subcore_barrier()
    sl = pl.ds(s * ROWS_PER_TILE, ROWS_PER_TILE)
    pltpu.sync_copy(agg_sh.at[sl], out_hbm.at[c, sl])


@functools.partial(jax.jit, static_argnames=())
def _edge_call(m, src3, dst3, ew3, zrows):
    mesh = plsc.VectorSubcoreMesh(core_axis_name="c", subcore_axis_name="s")
    k = pl.kernel(
        _edge_body,
        out_type=jax.ShapeDtypeStruct((NC, NPAD, H), jnp.float32),
        mesh=mesh,
        scratch_types=[
            pltpu.VMEM((NCHUNK0, CHUNK), jnp.int32),
            pltpu.VMEM((2, CHUNK), jnp.int32),
            pltpu.VMEM((16, CHUNK), jnp.float32),
            pltpu.VMEM((16, CHUNK), jnp.float32),
            pltpu.VMEM((CHUNK, H), jnp.float32),
            pltpu.VMEM((CHUNK, H), jnp.float32),
            pltpu.VMEM_SHARED((NPAD, H), jnp.float32),
        ] + [pltpu.SemaphoreType.DMA] * 8,
    )
    return k(m, src3, dst3, ew3, zrows)



def _mm_body(h_ref, w_ref, o_ref):
    o_ref[...] = _dot(h_ref[...], w_ref[...])


def _mm(h, w, blk=BLK):
    return pl.pallas_call(
        _mm_body,
        grid=(NPAD // blk,),
        in_specs=[
            pl.BlockSpec((blk, H), lambda i: (i, 0)),
            pl.BlockSpec((H, H), lambda i: (0, 0)),
        ],
        out_specs=pl.BlockSpec((blk, H), lambda i: (i, 0)),
        out_shape=jax.ShapeDtypeStruct((NPAD, H), jnp.float32),
    )(h, w)


def _gru_body(parts_ref, h_ref, wih_t_ref, whh_t_ref, bih_ref, bhh_ref,
              wnext_ref, hout_ref, mout_ref):
    agg = parts_ref[0] + parts_ref[1]
    h = h_ref[...]
    gi = _dot(agg, wih_t_ref[...]) + bih_ref[...]
    gh = _dot(h, whh_t_ref[...]) + bhh_ref[...]
    i_r, i_z, i_n = gi[:, :H], gi[:, H:2 * H], gi[:, 2 * H:]
    h_r, h_z, h_n = gh[:, :H], gh[:, H:2 * H], gh[:, 2 * H:]
    r = jax.nn.sigmoid(i_r + h_r)
    z = jax.nn.sigmoid(i_z + h_z)
    n = jnp.tanh(i_n + r * h_n)
    hn = (1.0 - z) * n + z * h
    hout_ref[...] = hn
    mout_ref[...] = _dot(hn, wnext_ref[...])


def _gru(parts, h, wih_t, whh_t, bih, bhh, wnext, blk=BLK):
    return pl.pallas_call(
        _gru_body,
        grid=(NPAD // blk,),
        in_specs=[
            pl.BlockSpec((NC, blk, H), lambda i: (0, i, 0)),
            pl.BlockSpec((blk, H), lambda i: (i, 0)),
            pl.BlockSpec((H, 3 * H), lambda i: (0, 0)),
            pl.BlockSpec((H, 3 * H), lambda i: (0, 0)),
            pl.BlockSpec((1, 3 * H), lambda i: (0, 0)),
            pl.BlockSpec((1, 3 * H), lambda i: (0, 0)),
            pl.BlockSpec((H, H), lambda i: (0, 0)),
        ],
        out_specs=[
            pl.BlockSpec((blk, H), lambda i: (i, 0)),
            pl.BlockSpec((blk, H), lambda i: (i, 0)),
        ],
        out_shape=[
            jax.ShapeDtypeStruct((NPAD, H), jnp.float32),
            jax.ShapeDtypeStruct((NPAD, H), jnp.float32),
        ],
    )(parts, h, wih_t, whh_t, bih, bhh, wnext)


def _pool_body(h_ref, batch_ref, win_t_ref, bin_ref, wmid_t_ref, bmid_ref,
               wout_tp_ref, bout_p_ref, out_ref, pooled_acc, cnt_acc):
    i = pl.program_id(0)
    nb = pl.num_programs(0)

    @pl.when(i == 0)
    def _init():
        pooled_acc[...] = jnp.zeros_like(pooled_acc)
        cnt_acc[...] = jnp.zeros_like(cnt_acc)

    b = batch_ref[0]
    giota = jax.lax.broadcasted_iota(jnp.int32, (G, b.shape[1]), 0)
    maskf = (giota == b).astype(jnp.float32)
    pooled_acc[...] += _dot(maskf, h_ref[...])
    cnt = jnp.sum(maskf, axis=1, keepdims=True)
    cnt_acc[...] += jnp.broadcast_to(cnt, cnt_acc.shape)

    @pl.when(i == nb - 1)
    def _final():
        pooled = pooled_acc[...] / jnp.maximum(cnt_acc[...], 1.0)
        h1 = jnp.maximum(_dot(pooled, win_t_ref[...]) + bin_ref[...], 0.0)
        h2 = jnp.maximum(_dot(h1, wmid_t_ref[...]) + bmid_ref[...], 0.0)
        out_ref[...] = _dot(h2, wout_tp_ref[...]) + bout_p_ref[...]


def _pool_head(h, batch3, win_t, bin_, wmid_t, bmid, wout_tp, bout_p, blk=BLK):
    nb = NPAD // blk
    return pl.pallas_call(
        _pool_body,
        grid=(nb,),
        in_specs=[
            pl.BlockSpec((blk, H), lambda i: (i, 0)),
            pl.BlockSpec((1, 1, blk), lambda i: (i, 0, 0)),
            pl.BlockSpec((H, H), lambda i: (0, 0)),
            pl.BlockSpec((1, H), lambda i: (0, 0)),
            pl.BlockSpec((H, H), lambda i: (0, 0)),
            pl.BlockSpec((1, H), lambda i: (0, 0)),
            pl.BlockSpec((H, H), lambda i: (0, 0)),
            pl.BlockSpec((1, H), lambda i: (0, 0)),
        ],
        out_specs=pl.BlockSpec((G, H), lambda i: (0, 0)),
        out_shape=jax.ShapeDtypeStruct((G, H), jnp.float32),
        scratch_shapes=[
            pltpu.VMEM((G, H), jnp.float32),
            pltpu.VMEM((G, H), jnp.float32),
        ],
    )(h, batch3, win_t, bin_, wmid_t, bmid, wout_tp, bout_p)



def kernel(inputs, edge_index, batch, edge_weight, conv_weight, w_ih, w_hh,
           b_ih, b_hh, W_in, b_in, W_mid, b_mid, W_out, b_out):
    f32 = jnp.float32
    h = jnp.zeros((NPAD, H), f32).at[:N].set(inputs)
    src = edge_index[0]
    dst = edge_index[1]
    ew = edge_weight
    pad_e = EPAD - E

    def _slabs(x):
        e0 = x[:NS * EPW0].reshape(NS, EPW0)
        e1 = x[NS * EPW0:].reshape(NS, EPW1)
        e1p = jnp.pad(e1, ((0, 0), (0, EPW0 - EPW1)))
        return jnp.stack([e0, e1p], axis=1).reshape(NW, EPW0)

    src3 = _slabs(jnp.concatenate([src, jnp.zeros((pad_e,), jnp.int32)]))
    src3 = src3.reshape(NW, NCHUNK0, CHUNK)
    dst3 = _slabs(jnp.concatenate([dst, jnp.zeros((pad_e,), jnp.int32)]))
    dst3 = dst3.reshape(NW, NCHUNK0, 1, CHUNK)
    ew_s = _slabs(jnp.concatenate([ew, jnp.zeros((pad_e,), f32)]))
    ew3 = jnp.broadcast_to(ew_s[:, :, None], (NW, EPW0, 16)).reshape(NW, NCHUNK0, 16, CHUNK)
    zrows = jnp.zeros((ROWS_PER_TILE, H), f32)
    batch3 = jnp.full((NPAD,), jnp.int32(2**30), jnp.int32).at[:N].set(batch)
    batch3 = batch3.reshape(NPAD // BLK, 1, BLK)
    wih_t = w_ih.T
    whh_t = w_hh.T
    bih = b_ih.reshape(1, 3 * H)
    bhh = b_hh.reshape(1, 3 * H)
    win_t = W_in.T
    bin_ = b_in.reshape(1, H)
    wmid_t = W_mid.T
    bmid = b_mid.reshape(1, H)
    wout_tp = jnp.zeros((H, H), f32).at[:, :C].set(W_out.T)
    bout_p = jnp.zeros((1, H), f32).at[0, :C].set(b_out)

    m = _mm(h, conv_weight[0])
    for i in range(L):
        parts = _edge_call(m, src3, dst3, ew3, zrows)
        wnext = conv_weight[(i + 1) % L]
        h, m = _gru(parts, h, wih_t, whh_t, bih, bhh, wnext)

    out_p = _pool_head(h, batch3, win_t, bin_, wmid_t, bmid, wout_tp, bout_p)
    return out_p[:, :C]

# --- scband reference (transcript-rebuilt; emitter-appended) ---
"""Pipeline reference for scband-gated-gcn-33904471835040 (READ-ONLY COPY).

The authoritative reference and input builder live on the scoring server;
editing this copy changes nothing except your own understanding.
"""

import jax, jax.numpy as jnp
import numpy as np

N = 10000
E = 320000
H = 128
L = 3
G = 64
C = 10


def setup_inputs(seed: int = 0) -> dict:
    key = jax.random.key(seed)
    ks = jax.random.split(key, 12)
    inputs = jax.random.normal(ks[0], (N, H), dtype=jnp.float32)
    edge_index = jax.random.randint(ks[1], (2, E), 0, N, dtype=jnp.int32)
    batch = jnp.sort(jax.random.randint(ks[2], (N,), 0, G, dtype=jnp.int32))
    edge_weight = jax.random.uniform(ks[3], (E,), dtype=jnp.float32)
    s = 1.0 / np.sqrt(H)
    conv_weight = jax.random.normal(ks[4], (L, H, H), dtype=jnp.float32) * s
    w_ih = jax.random.normal(ks[5], (3 * H, H), dtype=jnp.float32) * s
    w_hh = jax.random.normal(ks[6], (3 * H, H), dtype=jnp.float32) * s
    b_ih = jnp.zeros((3 * H,), dtype=jnp.float32)
    b_hh = jnp.zeros((3 * H,), dtype=jnp.float32)
    W_in = jax.random.normal(ks[7], (H, H), dtype=jnp.float32) * s
    b_in = jnp.zeros((H,), dtype=jnp.float32)
    W_mid = jax.random.normal(ks[8], (H, H), dtype=jnp.float32) * s
    b_mid = jnp.zeros((H,), dtype=jnp.float32)
    W_out = jax.random.normal(ks[9], (C, H), dtype=jnp.float32) * s
    b_out = jnp.zeros((C,), dtype=jnp.float32)
    return {
        "inputs": inputs,
        "edge_index": edge_index,
        "batch": batch,
        "edge_weight": edge_weight,
        "conv_weight": conv_weight,
        "w_ih": w_ih,
        "w_hh": w_hh,
        "b_ih": b_ih,
        "b_hh": b_hh,
        "W_in": W_in,
        "b_in": b_in,
        "W_mid": W_mid,
        "b_mid": b_mid,
        "W_out": W_out,
        "b_out": b_out,
    }


def _gru_cell(m, h, w_ih, w_hh, b_ih, b_hh):
    gi = m @ w_ih.T + b_ih
    gh = h @ w_hh.T + b_hh
    i_r, i_z, i_n = jnp.split(gi, 3, axis=-1)
    h_r, h_z, h_n = jnp.split(gh, 3, axis=-1)
    r = jax.nn.sigmoid(i_r + h_r)
    z = jax.nn.sigmoid(i_z + h_z)
    n = jnp.tanh(i_n + r * h_n)
    return (1.0 - z) * n + z * h


def reference(inputs, edge_index, batch, edge_weight, conv_weight, w_ih, w_hh, b_ih, b_hh, W_in, b_in, W_mid, b_mid, W_out, b_out):
    # GatedGraphConv: in_feats == h_feats so no zero-padding needed
    h = inputs
    src = edge_index[0]
    dst = edge_index[1]
    for i in range(L):
        m = h @ conv_weight[i]
        msg = m[src] * edge_weight[:, None]
        agg = jnp.zeros((N, H), dtype=jnp.float32).at[dst].add(msg)
        h = _gru_cell(agg, h, w_ih, w_hh, b_ih, b_hh)
    # global_mean_pool (ratio == 1, readout == 'mean')
    counts = jnp.zeros((G,), dtype=jnp.float32).at[batch].add(1.0)
    pooled = jnp.zeros((G, H), dtype=jnp.float32).at[batch].add(h)
    pooled = pooled / jnp.maximum(counts, 1.0)[:, None]
    # dense head (dropout p=0.0 -> identity)
    h1 = jax.nn.relu(pooled @ W_in.T + b_in)
    h1 = jax.nn.relu(h1 @ W_mid.T + b_mid)
    out = h1 @ W_out.T + b_out
    return out

if __name__ == "__main__":
    import jax
    _d = setup_inputs()
    print(jax.jit(kernel)(*tuple(_d.values())))

</pallas_src>

<mosaic_0001>
#map = affine_map<(d0, d1) -> (0, 0)>
#map1 = affine_map<(d0, d1) -> (0, 0, 0)>
#map2 = affine_map<(d0, d1) -> (0, 0, 0, 0)>
module attributes {stable_mosaic.version = 14 : i64} {
  func.func @_edge_body(%arg0: i32, %arg1: i32, %arg2: memref<10240x128xf32, #tpu.memory_space<hbm>>, %arg3: memref<32x79x128xi32, #tpu.memory_space<hbm>>, %arg4: memref<32x79x1x128xi32, #tpu.memory_space<hbm>>, %arg5: memref<32x79x16x128xf32, #tpu.memory_space<hbm>>, %arg6: memref<640x128xf32, #tpu.memory_space<hbm>>, %arg7: memref<2x10240x128xf32, #tpu.memory_space<hbm>>, %arg8: memref<79x128xi32, #tpu.memory_space<vmem>>, %arg9: memref<2x128xi32, #tpu.memory_space<vmem>>, %arg10: memref<16x128xf32, #tpu.memory_space<vmem>>, %arg11: memref<16x128xf32, #tpu.memory_space<vmem>>, %arg12: memref<128x128xf32, #tpu.memory_space<vmem>>, %arg13: memref<128x128xf32, #tpu.memory_space<vmem>>, %arg14: memref<10240x128xf32, #tpu.memory_space<vmem_shared>>, %arg15: memref<!tpu.dma_semaphore, #tpu.memory_space<semaphore_mem>>, %arg16: memref<!tpu.dma_semaphore, #tpu.memory_space<semaphore_mem>>, %arg17: memref<!tpu.dma_semaphore, #tpu.memory_space<semaphore_mem>>, %arg18: memref<!tpu.dma_semaphore, #tpu.memory_space<semaphore_mem>>, %arg19: memref<!tpu.dma_semaphore, #tpu.memory_space<semaphore_mem>>, %arg20: memref<!tpu.dma_semaphore, #tpu.memory_space<semaphore_mem>>, %arg21: memref<!tpu.dma_semaphore, #tpu.memory_space<semaphore_mem>>, %arg22: memref<!tpu.dma_semaphore, #tpu.memory_space<semaphore_mem>>) attributes {dimension_semantics = [#tpu.dimension_semantics<core_parallel>, #tpu.dimension_semantics<subcore_parallel>], iteration_bounds = array<i64: 2, 16>, scalar_prefetch = 0 : i64, scratch_operands = 15 : i64, tpu.core_type = #tpu.core_type<sc_vector_subcore>, window_params = [{transform_indices = #map}, {transform_indices = #map1}, {transform_indices = #map2}, {transform_indices = #map2}, {transform_indices = #map}, {transform_indices = #map1}]} {
    %mul3A = arith.constant 2 : i32
    %mul3A_0 = arith.muli %arg1, %mul3A : i32
    %add3A = arith.addi %mul3A_0, %arg0 : i32
    "tpu.region"() ({
      %run_scoped3A = tpu.sem_alloc : memref<!tpu.dma_semaphore, #tpu.memory_space<semaphore_mem>>
      %dma_start3A_98 = arith.constant 0 : i32
      %dma_start3A_99 = arith.constant 0 : i32
      %dma_start3A_100 = tpu.memref_slice %arg3[%add3A, %dma_start3A_98, %dma_start3A_99] : memref<32x79x128xi32, #tpu.memory_space<hbm>> -> memref<1x79x128xi32, #tpu.memory_space<hbm>>
      %dma_start3A_101 = tpu.memref_squeeze %dma_start3A_100 : memref<1x79x128xi32, #tpu.memory_space<hbm>> -> memref<79x128xi32, #tpu.memory_space<hbm>>
      %dma_start3A_102 = arith.constant 0 : i32
      %dma_start3A_103 = arith.constant 0 : i32
      %dma_start3A_104 = tpu.memref_slice %arg3[%add3A, %dma_start3A_102, %dma_start3A_103] : memref<32x79x128xi32, #tpu.memory_space<hbm>> -> memref<1x79x128xi32, #tpu.memory_space<hbm>>
      %dma_start3A_105 = tpu.memref_squeeze %dma_start3A_104 : memref<1x79x128xi32, #tpu.memory_space<hbm>> -> memref<79x128xi32, #tpu.memory_space<hbm>>
      tpu.enqueue_dma source(%dma_start3A_105 : memref<79x128xi32, #tpu.memory_space<hbm>>) target(%arg8 : memref<79x128xi32, #tpu.memory_space<vmem>>) target_semaphore(%run_scoped3A : memref<!tpu.dma_semaphore, #tpu.memory_space<semaphore_mem>>)
      %dma_wait3A_106 = arith.constant 0 : i32
      %dma_wait3A_107 = arith.constant 0 : i32
      %dma_wait3A_108 = tpu.memref_slice %arg3[%add3A, %dma_wait3A_106, %dma_wait3A_107] : memref<32x79x128xi32, #tpu.memory_space<hbm>> -> memref<1x79x128xi32, #tpu.memory_space<hbm>>
      %dma_wait3A_109 = tpu.memref_squeeze %dma_wait3A_108 : memref<1x79x128xi32, #tpu.memory_space<hbm>> -> memref<79x128xi32, #tpu.memory_space<hbm>>
      %dma_wait3A_110 = arith.constant 0 : i32
      %dma_wait3A_111 = arith.constant 0 : i32
      %dma_wait3A_112 = tpu.memref_slice %arg3[%add3A, %dma_wait3A_110, %dma_wait3A_111] : memref<32x79x128xi32, #tpu.memory_space<hbm>> -> memref<1x79x128xi32, #tpu.memory_space<hbm>>
      %dma_wait3A_113 = tpu.memref_squeeze %dma_wait3A_112 : memref<1x79x128xi32, #tpu.memory_space<hbm>> -> memref<79x128xi32, #tpu.memory_space<hbm>>
      tpu.wait_dma2 semaphore(%run_scoped3A : memref<!tpu.dma_semaphore, #tpu.memory_space<semaphore_mem>>) src(%dma_wait3A_113 : memref<79x128xi32, #tpu.memory_space<hbm>>) dst(%arg8 : memref<79x128xi32, #tpu.memory_space<vmem>>)
      tpu.yield
    }) : () -> ()
    %mul3A_1 = arith.constant 640 : i32
    %mul3A_2 = arith.muli %arg1, %mul3A_1 : i32
    "tpu.region"() ({
      %run_scoped3A = tpu.sem_alloc : memref<!tpu.dma_semaphore, #tpu.memory_space<semaphore_mem>>
      %dma_start3A_98 = arith.constant 0 : i32
      %dma_start3A_99 = tpu.memref_slice %arg14[%mul3A_2, %dma_start3A_98] : memref<10240x128xf32, #tpu.memory_space<vmem_shared>> -> memref<640x128xf32, #tpu.memory_space<vmem_shared>>
      tpu.enqueue_dma source(%arg6 : memref<640x128xf32, #tpu.memory_space<hbm>>) target(%dma_start3A_99 : memref<640x128xf32, #tpu.memory_space<vmem_shared>>) target_semaphore(%run_scoped3A : memref<!tpu.dma_semaphore, #tpu.memory_space<semaphore_mem>>)
      %dma_wait3A_100 = arith.constant 0 : i32
      %dma_wait3A_101 = tpu.memref_slice %arg14[%mul3A_2, %dma_wait3A_100] : memref<10240x128xf32, #tpu.memory_space<vmem_shared>> -> memref<640x128xf32, #tpu.memory_space<vmem_shared>>
      tpu.wait_dma2 semaphore(%run_scoped3A : memref<!tpu.dma_semaphore, #tpu.memory_space<semaphore_mem>>) src(%arg6 : memref<640x128xf32, #tpu.memory_space<hbm>>) dst(%dma_wait3A_101 : memref<640x128xf32, #tpu.memory_space<vmem_shared>>)
      tpu.yield
    }) : () -> ()
    %barrier3A = arith.constant 0 : index
    tpu.barrier barrier_id(%barrier3A)
    %dma_start3A = arith.constant 0 : i32
    %dma_start3A_3 = arith.constant 0 : i32
    %dma_start3A_4 = tpu.memref_slice %arg8[%dma_start3A, %dma_start3A_3] : memref<79x128xi32, #tpu.memory_space<vmem>> -> memref<1x128xi32, #tpu.memory_space<vmem>>
    %dma_start3A_5 = tpu.memref_squeeze %dma_start3A_4 : memref<1x128xi32, #tpu.memory_space<vmem>> -> memref<128xi32, #tpu.memory_space<vmem>>
    %dma_start3A_6 = arith.constant 0 : i32
    %dma_start3A_7 = arith.constant 0 : i32
    %dma_start3A_8 = tpu.memref_slice %arg2[%dma_start3A_6, %dma_start3A_7] : memref<10240x128xf32, #tpu.memory_space<hbm>> -> memref<10240x128xf32, #tpu.memory_space<hbm>>
    tpu.enqueue_indirect_dma source(%dma_start3A_8 : memref<10240x128xf32, #tpu.memory_space<hbm>>) target(%arg12 : memref<128x128xf32, #tpu.memory_space<vmem>>) offsets(%dma_start3A_5 : memref<128xi32, #tpu.memory_space<vmem>>) semaphore(%arg15 : memref<!tpu.dma_semaphore, #tpu.memory_space<semaphore_mem>>)
    %dma_start3A_9 = arith.constant 0 : i32
    %dma_start3A_10 = arith.constant 0 : i32
    %dma_start3A_11 = arith.constant 0 : i32
    %dma_start3A_12 = arith.constant 0 : i32
    %dma_start3A_13 = tpu.memref_slice %arg9[%dma_start3A_11, %dma_start3A_12] : memref<2x128xi32, #tpu.memory_space<vmem>> -> memref<1x128xi32, #tpu.memory_space<vmem>>
    %dma_start3A_14 = tpu.memref_squeeze %dma_start3A_13 : memref<1x128xi32, #tpu.memory_space<vmem>> -> memref<128xi32, #tpu.memory_space<vmem>>
    %dma_start3A_15 = arith.constant 0 : i32
    %dma_start3A_16 = tpu.memref_slice %arg4[%add3A, %dma_start3A_9, %dma_start3A_10, %dma_start3A_15] : memref<32x79x1x128xi32, #tpu.memory_space<hbm>> -> memref<1x1x1x128xi32, #tpu.memory_space<hbm>>
    %dma_start3A_17 = tpu.memref_squeeze %dma_start3A_16 : memref<1x1x1x128xi32, #tpu.memory_space<hbm>> -> memref<128xi32, #tpu.memory_space<hbm>>
    %dma_start3A_18 = arith.constant 0 : i32
    %dma_start3A_19 = tpu.memref_slice %arg9[%dma_start3A_11, %dma_start3A_18] : memref<2x128xi32, #tpu.memory_space<vmem>> -> memref<1x128xi32, #tpu.memory_space<vmem>>
    %dma_start3A_20 = tpu.memref_squeeze %dma_start3A_19 : memref<1x128xi32, #tpu.memory_space<vmem>> -> memref<128xi32, #tpu.memory_space<vmem>>
    %dma_start3A_21 = arith.constant 0 : i32
    %dma_start3A_22 = tpu.memref_slice %arg4[%add3A, %dma_start3A_9, %dma_start3A_10, %dma_start3A_21] : memref<32x79x1x128xi32, #tpu.memory_space<hbm>> -> memref<1x1x1x128xi32, #tpu.memory_space<hbm>>
    %dma_start3A_23 = tpu.memref_squeeze %dma_start3A_22 : memref<1x1x1x128xi32, #tpu.memory_space<hbm>> -> memref<128xi32, #tpu.memory_space<hbm>>
    tpu.enqueue_dma source(%dma_start3A_23 : memref<128xi32, #tpu.memory_space<hbm>>) target(%dma_start3A_20 : memref<128xi32, #tpu.memory_space<vmem>>) target_semaphore(%arg17 : memref<!tpu.dma_semaphore, #tpu.memory_space<semaphore_mem>>)
    %dma_start3A_24 = arith.constant 0 : i32
    %dma_start3A_25 = arith.constant 0 : i32
    %dma_start3A_26 = arith.constant 0 : i32
    %dma_start3A_27 = tpu.memref_slice %arg5[%add3A, %dma_start3A_24, %dma_start3A_25, %dma_start3A_26] : memref<32x79x16x128xf32, #tpu.memory_space<hbm>> -> memref<1x1x16x128xf32, #tpu.memory_space<hbm>>
    %dma_start3A_28 = tpu.memref_squeeze %dma_start3A_27 : memref<1x1x16x128xf32, #tpu.memory_space<hbm>> -> memref<16x128xf32, #tpu.memory_space<hbm>>
    %dma_start3A_29 = arith.constant 0 : i32
    %dma_start3A_30 = arith.constant 0 : i32
    %dma_start3A_31 = tpu.memref_slice %arg5[%add3A, %dma_start3A_24, %dma_start3A_29, %dma_start3A_30] : memref<32x79x16x128xf32, #tpu.memory_space<hbm>> -> memref<1x1x16x128xf32, #tpu.memory_space<hbm>>
    %dma_start3A_32 = tpu.memref_squeeze %dma_start3A_31 : memref<1x1x16x128xf32, #tpu.memory_space<hbm>> -> memref<16x128xf32, #tpu.memory_space<hbm>>
    tpu.enqueue_dma source(%dma_start3A_32 : memref<16x128xf32, #tpu.memory_space<hbm>>) target(%arg10 : memref<16x128xf32, #tpu.memory_space<vmem>>) target_semaphore(%arg19 : memref<!tpu.dma_semaphore, #tpu.memory_space<semaphore_mem>>)
    %scan3A = arith.constant 0 : i32
    %scan3A_33 = arith.constant 0 : i32
    %scan3A_34 = arith.constant 39 : i32
    %scan3A_35 = arith.addi %scan3A_33, %scan3A_34 : i32
    %scan3A_36 = arith.constant 1 : i32
    scf.for %scan3A_98 = %scan3A_33 to %scan3A_35 step %scan3A_36  : i32 {
      %mul3A_99 = arith.constant 2 : i32
      %mul3A_100 = arith.muli %mul3A_99, %scan3A_98 : i32
      %add3A_101 = arith.constant 1 : i32
      %add3A_102 = arith.addi %mul3A_100, %add3A_101 : i32
      %dma_wait3A_103 = arith.constant 0 : i32
      %dma_wait3A_104 = tpu.memref_slice %arg8[%mul3A_100, %dma_wait3A_103] : memref<79x128xi32, #tpu.memory_space<vmem>> -> memref<1x128xi32, #tpu.memory_space<vmem>>
      %dma_wait3A_105 = tpu.memref_squeeze %dma_wait3A_104 : memref<1x128xi32, #tpu.memory_space<vmem>> -> memref<128xi32, #tpu.memory_space<vmem>>
      %dma_wait3A_106 = arith.constant 0 : i32
      %dma_wait3A_107 = arith.constant 0 : i32
      %dma_wait3A_108 = tpu.memref_slice %arg2[%dma_wait3A_106, %dma_wait3A_107] : memref<10240x128xf32, #tpu.memory_space<hbm>> -> memref<10240x128xf32, #tpu.memory_space<hbm>>
      tpu.wait_indirect_dma semaphore(%arg15 : memref<!tpu.dma_semaphore, #tpu.memory_space<semaphore_mem>>) src(%dma_wait3A_108 : memref<10240x128xf32, #tpu.memory_space<hbm>>) dst(%arg12 : memref<128x128xf32, #tpu.memory_space<vmem>>)
      %dma_wait3A_109 = arith.constant 0 : i32
      %dma_wait3A_110 = arith.constant 0 : i32
      %dma_wait3A_111 = tpu.memref_slice %arg5[%add3A, %mul3A_100, %dma_wait3A_109, %dma_wait3A_110] : memref<32x79x16x128xf32, #tpu.memory_space<hbm>> -> memref<1x1x16x128xf32, #tpu.memory_space<hbm>>
      %dma_wait3A_112 = tpu.memref_squeeze %dma_wait3A_111 : memref<1x1x16x128xf32, #tpu.memory_space<hbm>> -> memref<16x128xf32, #tpu.memory_space<hbm>>
      %dma_wait3A_113 = arith.constant 0 : i32
      %dma_wait3A_114 = arith.constant 0 : i32
      %dma_wait3A_115 = tpu.memref_slice %arg5[%add3A, %mul3A_100, %dma_wait3A_113, %dma_wait3A_114] : memref<32x79x16x128xf32, #tpu.memory_space<hbm>> -> memref<1x1x16x128xf32, #tpu.memory_space<hbm>>
      %dma_wait3A_116 = tpu.memref_squeeze %dma_wait3A_115 : memref<1x1x16x128xf32, #tpu.memory_space<hbm>> -> memref<16x128xf32, #tpu.memory_space<hbm>>
      tpu.wait_dma2 semaphore(%arg19 : memref<!tpu.dma_semaphore, #tpu.memory_space<semaphore_mem>>) src(%dma_wait3A_116 : memref<16x128xf32, #tpu.memory_space<hbm>>) dst(%arg10 : memref<16x128xf32, #tpu.memory_space<vmem>>)
      %gt3A = arith.constant 0 : i32
      %gt3A_117 = arith.cmpi sgt, %scan3A_98, %gt3A : i32
      %convert_element_type3A = arith.extui %gt3A_117 : i1 to i32
      %cond3A = arith.constant 0 : i32
      %cond3A_118 = arith.cmpi ne, %convert_element_type3A, %cond3A : i32
      scf.if %cond3A_118 {
        %dma_wait3A_252 = arith.constant 1 : i32
        %dma_wait3A_253 = arith.constant 0 : i32
        %dma_wait3A_254 = tpu.memref_slice %arg9[%dma_wait3A_252, %dma_wait3A_253] : memref<2x128xi32, #tpu.memory_space<vmem>> -> memref<1x128xi32, #tpu.memory_space<vmem>>
        %dma_wait3A_255 = tpu.memref_squeeze %dma_wait3A_254 : memref<1x128xi32, #tpu.memory_space<vmem>> -> memref<128xi32, #tpu.memory_space<vmem>>
        %dma_wait3A_256 = arith.constant 0 : i32
        %dma_wait3A_257 = arith.constant 0 : i32
        %dma_wait3A_258 = tpu.memref_slice %arg14[%dma_wait3A_256, %dma_wait3A_257] : memref<10240x128xf32, #tpu.memory_space<vmem_shared>> -> memref<10240x128xf32, #tpu.memory_space<vmem_shared>>
        tpu.wait_indirect_dma semaphore(%arg22 : memref<!tpu.dma_semaphore, #tpu.memory_space<semaphore_mem>>) src(%arg13 : memref<128x128xf32, #tpu.memory_space<vmem>>) dst(%dma_wait3A_258 : memref<10240x128xf32, #tpu.memory_space<vmem_shared>>)
      } else {
      }
      %dma_start3A_119 = arith.constant 0 : i32
      %dma_start3A_120 = tpu.memref_slice %arg8[%add3A_102, %dma_start3A_119] : memref<79x128xi32, #tpu.memory_space<vmem>> -> memref<1x128xi32, #tpu.memory_space<vmem>>
      %dma_start3A_121 = tpu.memref_squeeze %dma_start3A_120 : memref<1x128xi32, #tpu.memory_space<vmem>> -> memref<128xi32, #tpu.memory_space<vmem>>
      %dma_start3A_122 = arith.constant 0 : i32
      %dma_start3A_123 = arith.constant 0 : i32
      %dma_start3A_124 = tpu.memref_slice %arg2[%dma_start3A_122, %dma_start3A_123] : memref<10240x128xf32, #tpu.memory_space<hbm>> -> memref<10240x128xf32, #tpu.memory_space<hbm>>
      tpu.enqueue_indirect_dma source(%dma_start3A_124 : memref<10240x128xf32, #tpu.memory_space<hbm>>) target(%arg13 : memref<128x128xf32, #tpu.memory_space<vmem>>) offsets(%dma_start3A_121 : memref<128xi32, #tpu.memory_space<vmem>>) semaphore(%arg16 : memref<!tpu.dma_semaphore, #tpu.memory_space<semaphore_mem>>)
      %dma_start3A_125 = arith.constant 0 : i32
      %dma_start3A_126 = arith.constant 1 : i32
      %dma_start3A_127 = arith.constant 0 : i32
      %dma_start3A_128 = tpu.memref_slice %arg9[%dma_start3A_126, %dma_start3A_127] : memref<2x128xi32, #tpu.memory_space<vmem>> -> memref<1x128xi32, #tpu.memory_space<vmem>>
      %dma_start3A_129 = tpu.memref_squeeze %dma_start3A_128 : memref<1x128xi32, #tpu.memory_space<vmem>> -> memref<128xi32, #tpu.memory_space<vmem>>
      %dma_start3A_130 = arith.constant 0 : i32
      %dma_start3A_131 = tpu.memref_slice %arg4[%add3A, %add3A_102, %dma_start3A_125, %dma_start3A_130] : memref<32x79x1x128xi32, #tpu.memory_space<hbm>> -> memref<1x1x1x128xi32, #tpu.memory_space<hbm>>
      %dma_start3A_132 = tpu.memref_squeeze %dma_start3A_131 : memref<1x1x1x128xi32, #tpu.memory_space<hbm>> -> memref<128xi32, #tpu.memory_space<hbm>>
      %dma_start3A_133 = arith.constant 0 : i32
      %dma_start3A_134 = tpu.memref_slice %arg9[%dma_start3A_126, %dma_start3A_133] : memref<2x128xi32, #tpu.memory_space<vmem>> -> memref<1x128xi32, #tpu.memory_space<vmem>>
      %dma_start3A_135 = tpu.memref_squeeze %dma_start3A_134 : memref<1x128xi32, #tpu.memory_space<vmem>> -> memref<128xi32, #tpu.memory_space<vmem>>
      %dma_start3A_136 = arith.constant 0 : i32
      %dma_start3A_137 = tpu.memref_slice %arg4[%add3A, %add3A_102, %dma_start3A_125, %dma_start3A_136] : memref<32x79x1x128xi32, #tpu.memory_space<hbm>> -> memref<1x1x1x128xi32, #tpu.memory_space<hbm>>
      %dma_start3A_138 = tpu.memref_squeeze %dma_start3A_137 : memref<1x1x1x128xi32, #tpu.memory_space<hbm>> -> memref<128xi32, #tpu.memory_space<hbm>>
      tpu.enqueue_dma source(%dma_start3A_138 : memref<128xi32, #tpu.memory_space<hbm>>) target(%dma_start3A_135 : memref<128xi32, #tpu.memory_space<vmem>>) target_semaphore(%arg18 : memref<!tpu.dma_semaphore, #tpu.memory_space<semaphore_mem>>)
      %dma_start3A_139 = arith.constant 0 : i32
      %dma_start3A_140 = arith.constant 0 : i32
      %dma_start3A_141 = tpu.memref_slice %arg5[%add3A, %add3A_102, %dma_start3A_139, %dma_start3A_140] : memref<32x79x16x128xf32, #tpu.memory_space<hbm>> -> memref<1x1x16x128xf32, #tpu.memory_space<hbm>>
      %dma_start3A_142 = tpu.memref_squeeze %dma_start3A_141 : memref<1x1x16x128xf32, #tpu.memory_space<hbm>> -> memref<16x128xf32, #tpu.memory_space<hbm>>
      %dma_start3A_143 = arith.constant 0 : i32
      %dma_start3A_144 = arith.constant 0 : i32
      %dma_start3A_145 = tpu.memref_slice %arg5[%add3A, %add3A_102, %dma_start3A_143, %dma_start3A_144] : memref<32x79x16x128xf32, #tpu.memory_space<hbm>> -> memref<1x1x16x128xf32, #tpu.memory_space<hbm>>
      %dma_start3A_146 = tpu.memref_squeeze %dma_start3A_145 : memref<1x1x16x128xf32, #tpu.memory_space<hbm>> -> memref<16x128xf32, #tpu.memory_space<hbm>>
      tpu.enqueue_dma source(%dma_start3A_146 : memref<16x128xf32, #tpu.memory_space<hbm>>) target(%arg11 : memref<16x128xf32, #tpu.memory_space<vmem>>) target_semaphore(%arg20 : memref<!tpu.dma_semaphore, #tpu.memory_space<semaphore_mem>>)
      %scan3A_147 = arith.constant 0 : i32
      %scan3A_148 = arith.constant 0 : i32
      %scan3A_149 = arith.constant 16 : i32
      %scan3A_150 = arith.addi %scan3A_148, %scan3A_149 : i32
      %scan3A_151 = arith.constant 1 : i32
      scf.for %scan3A_252 = %scan3A_148 to %scan3A_150 step %scan3A_151  : i32 {
        %mul3A_253 = arith.constant 8 : i32
        %mul3A_254 = arith.muli %scan3A_252, %mul3A_253 : i32
        %get3A = arith.index_cast %scan3A_252 : i32 to index
        %get3A_255 = arith.constant 0 : index
        %get3A_256 = tpu.vector_load %arg10[%get3A, %get3A_255] {strides = array<i32>} : memref<16x128xf32, #tpu.memory_space<vmem>>, vector<1x16xf32>,
        %get3A_257 = vector.shape_cast %get3A_256 : vector<1x16xf32> to vector<16xf32>
        %add3A_258 = arith.constant 0 : i32
        %add3A_259 = arith.addi %mul3A_254, %add3A_258 : i32
        %get3A_260 = arith.index_cast %add3A_259 : i32 to index
        %get3A_261 = arith.constant 0 : index
        %get3A_262 = tpu.vector_load %arg12[%get3A_260, %get3A_261] {strides = array<i32>} : memref<128x128xf32, #tpu.memory_space<vmem>>, vector<1x16xf32>,
        %get3A_263 = vector.shape_cast %get3A_262 : vector<1x16xf32> to vector<16xf32>
        %mul3A_264 = arith.mulf %get3A_263, %get3A_257 : vector<16xf32>
        %add3A_265 = arith.constant 0 : i32
        %add3A_266 = arith.addi %mul3A_254, %add3A_265 : i32
        %swap3A = arith.index_cast %add3A_266 : i32 to index
        %swap3A_267 = arith.constant 0 : index
        %swap3A_268 = tpu.vector_load %arg12[%swap3A, %swap3A_267] {strides = array<i32>} : memref<128x128xf32, #tpu.memory_space<vmem>>, vector<1x16xf32>,
        %swap3A_269 = vector.shape_cast %swap3A_268 : vector<1x16xf32> to vector<16xf32>
        %swap3A_270 = vector.shape_cast %mul3A_264 : vector<16xf32> to vector<1x16xf32>
        tpu.vector_store %arg12[%swap3A, %swap3A_267], %swap3A_270 {strides = array<i32>} : memref<128x128xf32, #tpu.memory_space<vmem>>, vector<1x16xf32>,
        %add3A_271 = arith.constant 0 : i32
        %add3A_272 = arith.addi %mul3A_254, %add3A_271 : i32
        %get3A_273 = arith.index_cast %add3A_272 : i32 to index
        %get3A_274 = arith.constant 16 : index
        %get3A_275 = tpu.vector_load %arg12[%get3A_273, %get3A_274] {strides = array<i32>} : memref<128x128xf32, #tpu.memory_space<vmem>>, vector<1x16xf32>,
        %get3A_276 = vector.shape_cast %get3A_275 : vector<1x16xf32> to vector<16xf32>
        %mul3A_277 = arith.mulf %get3A_276, %get3A_257 : vector<16xf32>
        %add3A_278 = arith.constant 0 : i32
        %add3A_279 = arith.addi %mul3A_254, %add3A_278 : i32
        %swap3A_280 = arith.index_cast %add3A_279 : i32 to index
        %swap3A_281 = arith.constant 16 : index
        %swap3A_282 = tpu.vector_load %arg12[%swap3A_280, %swap3A_281] {strides = array<i32>} : memref<128x128xf32, #tpu.memory_space<vmem>>, vector<1x16xf32>,
        %swap3A_283 = vector.shape_cast %swap3A_282 : vector<1x16xf32> to vector<16xf32>
        %swap3A_284 = vector.shape_cast %mul3A_277 : vector<16xf32> to vector<1x16xf32>
        tpu.vector_store %arg12[%swap3A_280, %swap3A_281], %swap3A_284 {strides = array<i32>} : memref<128x128xf32, #tpu.memory_space<vmem>>, vector<1x16xf32>,
        %add3A_285 = arith.constant 0 : i32
        %add3A_286 = arith.addi %mul3A_254, %add3A_285 : i32
        %get3A_287 = arith.index_cast %add3A_286 : i32 to index
        %get3A_288 = arith.constant 32 : index
        %get3A_289 = tpu.vector_load %arg12[%get3A_287, %get3A_288] {strides = array<i32>} : memref<128x128xf32, #tpu.memory_space<vmem>>, vector<1x16xf32>,
        %get3A_290 = vector.shape_cast %get3A_289 : vector<1x16xf32> to vector<16xf32>
        %mul3A_291 = arith.mulf %get3A_290, %get3A_257 : vector<16xf32>
        %add3A_292 = arith.constant 0 : i32
        %add3A_293 = arith.addi %mul3A_254, %add3A_292 : i32
        %swap3A_294 = arith.index_cast %add3A_293 : i32 to index
        %swap3A_295 = arith.constant 32 : index
        %swap3A_296 = tpu.vector_load %arg12[%swap3A_294, %swap3A_295] {strides = array<i32>} : memref<128x128xf32, #tpu.memory_space<vmem>>, vector<1x16xf32>,
        %swap3A_297 = vector.shape_cast %swap3A_296 : vector<1x16xf32> to vector<16xf32>
        %swap3A_298 = vector.shape_cast %mul3A_291 : vector<16xf32> to vector<1x16xf32>
        tpu.vector_store %arg12[%swap3A_294, %swap3A_295], %swap3A_298 {strides = array<i32>} : memref<128x128xf32, #tpu.memory_space<vmem>>, vector<1x16xf32>,
        %add3A_299 = arith.constant 0 : i32
        %add3A_300 = arith.addi %mul3A_254, %add3A_299 : i32
        %get3A_301 = arith.index_cast %add3A_300 : i32 to index
        %get3A_302 = arith.constant 48 : index
        %get3A_303 = tpu.vector_load %arg12[%get3A_301, %get3A_302] {strides = array<i32>} : memref<128x128xf32, #tpu.memory_space<vmem>>, vector<1x16xf32>,
        %get3A_304 = vector.shape_cast %get3A_303 : vector<1x16xf32> to vector<16xf32>
        %mul3A_305 = arith.mulf %get3A_304, %get3A_257 : vector<16xf32>
        %add3A_306 = arith.constant 0 : i32
        %add3A_307 = arith.addi %mul3A_254, %add3A_306 : i32
        %swap3A_308 = arith.index_cast %add3A_307 : i32 to index
        %swap3A_309 = arith.constant 48 : index
        %swap3A_310 = tpu.vector_load %arg12[%swap3A_308, %swap3A_309] {strides = array<i32>} : memref<128x128xf32, #tpu.memory_space<vmem>>, vector<1x16xf32>,
        %swap3A_311 = vector.shape_cast %swap3A_310 : vector<1x16xf32> to vector<16xf32>
        %swap3A_312 = vector.shape_cast %mul3A_305 : vector<16xf32> to vector<1x16xf32>
        tpu.vector_store %arg12[%swap3A_308, %swap3A_309], %swap3A_312 {strides = array<i32>} : memref<128x128xf32, #tpu.memory_space<vmem>>, vector<1x16xf32>,
        %add3A_313 = arith.constant 0 : i32
        %add3A_314 = arith.addi %mul3A_254, %add3A_313 : i32
        %get3A_315 = arith.index_cast %add3A_314 : i32 to index
        %get3A_316 = arith.constant 64 : index
        %get3A_317 = tpu.vector_load %arg12[%get3A_315, %get3A_316] {strides = array<i32>} : memref<128x128xf32, #tpu.memory_space<vmem>>, vector<1x16xf32>,
        %get3A_318 = vector.shape_cast %get3A_317 : vector<1x16xf32> to vector<16xf32>
        %mul3A_319 = arith.mulf %get3A_318, %get3A_257 : vector<16xf32>
        %add3A_320 = arith.constant 0 : i32
        %add3A_321 = arith.addi %mul3A_254, %add3A_320 : i32
        %swap3A_322 = arith.index_cast %add3A_321 : i32 to index
        %swap3A_323 = arith.constant 64 : index
        %swap3A_324 = tpu.vector_load %arg12[%swap3A_322, %swap3A_323] {strides = array<i32>} : memref<128x128xf32, #tpu.memory_space<vmem>>, vector<1x16xf32>,
        %swap3A_325 = vector.shape_cast %swap3A_324 : vector<1x16xf32> to vector<16xf32>
        %swap3A_326 = vector.shape_cast %mul3A_319 : vector<16xf32> to vector<1x16xf32>
        tpu.vector_store %arg12[%swap3A_322, %swap3A_323], %swap3A_326 {strides = array<i32>} : memref<128x128xf32, #tpu.memory_space<vmem>>, vector<1x16xf32>,
        %add3A_327 = arith.constant 0 : i32
        %add3A_328 = arith.addi %mul3A_254, %add3A_327 : i32
        %get3A_329 = arith.index_cast %add3A_328 : i32 to index
        %get3A_330 = arith.constant 80 : index
        %get3A_331 = tpu.vector_load %arg12[%get3A_329, %get3A_330] {strides = array<i32>} : memref<128x128xf32, #tpu.memory_space<vmem>>, vector<1x16xf32>,
        %get3A_332 = vector.shape_cast %get3A_331 : vector<1x16xf32> to vector<16xf32>
        %mul3A_333 = arith.mulf %get3A_332, %get3A_257 : vector<16xf32>
        %add3A_334 = arith.constant 0 : i32
        %add3A_335 = arith.addi %mul3A_254, %add3A_334 : i32
        %swap3A_336 = arith.index_cast %add3A_335 : i32 to index
        %swap3A_337 = arith.constant 80 : index
        %swap3A_338 = tpu.vector_load %arg12[%swap3A_336, %swap3A_337] {strides = array<i32>} : memref<128x128xf32, #tpu.memory_space<vmem>>, vector<1x16xf32>,
        %swap3A_339 = vector.shape_cast %swap3A_338 : vector<1x16xf32> to vector<16xf32>
        %swap3A_340 = vector.shape_cast %mul3A_333 : vector<16xf32> to vector<1x16xf32>
        tpu.vector_store %arg12[%swap3A_336, %swap3A_337], %swap3A_340 {strides = array<i32>} : memref<128x128xf32, #tpu.memory_space<vmem>>, vector<1x16xf32>,
        %add3A_341 = arith.constant 0 : i32
        %add3A_342 = arith.addi %mul3A_254, %add3A_341 : i32
        %get3A_343 = arith.index_cast %add3A_342 : i32 to index
        %get3A_344 = arith.constant 96 : index
        %get3A_345 = tpu.vector_load %arg12[%get3A_343, %get3A_344] {strides = array<i32>} : memref<128x128xf32, #tpu.memory_space<vmem>>, vector<1x16xf32>,
        %get3A_346 = vector.shape_cast %get3A_345 : vector<1x16xf32> to vector<16xf32>
        %mul3A_347 = arith.mulf %get3A_346, %get3A_257 : vector<16xf32>
        %add3A_348 = arith.constant 0 : i32
        %add3A_349 = arith.addi %mul3A_254, %add3A_348 : i32
        %swap3A_350 = arith.index_cast %add3A_349 : i32 to index
        %swap3A_351 = arith.constant 96 : index
        %swap3A_352 = tpu.vector_load %arg12[%swap3A_350, %swap3A_351] {strides = array<i32>} : memref<128x128xf32, #tpu.memory_space<vmem>>, vector<1x16xf32>,
        %swap3A_353 = vector.shape_cast %swap3A_352 : vector<1x16xf32> to vector<16xf32>
        %swap3A_354 = vector.shape_cast %mul3A_347 : vector<16xf32> to vector<1x16xf32>
        tpu.vector_store %arg12[%swap3A_350, %swap3A_351], %swap3A_354 {strides = array<i32>} : memref<128x128xf32, #tpu.memory_space<vmem>>, vector<1x16xf32>,
        %add3A_355 = arith.constant 0 : i32
        %add3A_356 = arith.addi %mul3A_254, %add3A_355 : i32
        %get3A_357 = arith.index_cast %add3A_356 : i32 to index
        %get3A_358 = arith.constant 112 : index
        %get3A_359 = tpu.vector_load %arg12[%get3A_357, %get3A_358] {strides = array<i32>} : memref<128x128xf32, #tpu.memory_space<vmem>>, vector<1x16xf32>,
        %get3A_360 = vector.shape_cast %get3A_359 : vector<1x16xf32> to vector<16xf32>
        %mul3A_361 = arith.mulf %get3A_360, %get3A_257 : vector<16xf32>
        %add3A_362 = arith.constant 0 : i32
        %add3A_363 = arith.addi %mul3A_254, %add3A_362 : i32
        %swap3A_364 = arith.index_cast %add3A_363 : i32 to index
        %swap3A_365 = arith.constant 112 : index
        %swap3A_366 = tpu.vector_load %arg12[%swap3A_364, %swap3A_365] {strides = array<i32>} : memref<128x128xf32, #tpu.memory_space<vmem>>, vector<1x16xf32>,
        %swap3A_367 = vector.shape_cast %swap3A_366 : vector<1x16xf32> to vector<16xf32>
        %swap3A_368 = vector.shape_cast %mul3A_361 : vector<16xf32> to vector<1x16xf32>
        tpu.vector_store %arg12[%swap3A_364, %swap3A_365], %swap3A_368 {strides = array<i32>} : memref<128x128xf32, #tpu.memory_space<vmem>>, vector<1x16xf32>,
        %get3A_369 = arith.index_cast %scan3A_252 : i32 to index
        %get3A_370 = arith.constant 16 : index
        %get3A_371 = tpu.vector_load %arg10[%get3A_369, %get3A_370] {strides = array<i32>} : memref<16x128xf32, #tpu.memory_space<vmem>>, vector<1x16xf32>,
        %get3A_372 = vector.shape_cast %get3A_371 : vector<1x16xf32> to vector<16xf32>
        %add3A_373 = arith.constant 1 : i32
        %add3A_374 = arith.addi %mul3A_254, %add3A_373 : i32
        %get3A_375 = arith.index_cast %add3A_374 : i32 to index
        %get3A_376 = arith.constant 0 : index
        %get3A_377 = tpu.vector_load %arg12[%get3A_375, %get3A_376] {strides = array<i32>} : memref<128x128xf32, #tpu.memory_space<vmem>>, vector<1x16xf32>,
        %get3A_378 = vector.shape_cast %get3A_377 : vector<1x16xf32> to vector<16xf32>
        %mul3A_379 = arith.mulf %get3A_378, %get3A_372 : vector<16xf32>
        %add3A_380 = arith.constant 1 : i32
        %add3A_381 = arith.addi %mul3A_254, %add3A_380 : i32
        %swap3A_382 = arith.index_cast %add3A_381 : i32 to index
        %swap3A_383 = arith.constant 0 : index
        %swap3A_384 = tpu.vector_load %arg12[%swap3A_382, %swap3A_383] {strides = array<i32>} : memref<128x128xf32, #tpu.memory_space<vmem>>, vector<1x16xf32>,
        %swap3A_385 = vector.shape_cast %swap3A_384 : vector<1x16xf32> to vector<16xf32>
        %swap3A_386 = vector.shape_cast %mul3A_379 : vector<16xf32> to vector<1x16xf32>
        tpu.vector_store %arg12[%swap3A_382, %swap3A_383], %swap3A_386 {strides = array<i32>} : memref<128x128xf32, #tpu.memory_space<vmem>>, vector<1x16xf32>,
        %add3A_387 = arith.constant 1 : i32
        %add3A_388 = arith.addi %mul3A_254, %add3A_387 : i32
        %get3A_389 = arith.index_cast %add3A_388 : i32 to index
        %get3A_390 = arith.constant 16 : index
        %get3A_391 = tpu.vector_load %arg12[%get3A_389, %get3A_390] {strides = array<i32>} : memref<128x128xf32, #tpu.memory_space<vmem>>, vector<1x16xf32>,
        %get3A_392 = vector.shape_cast %get3A_391 : vector<1x16xf32> to vector<16xf32>
        %mul3A_393 = arith.mulf %get3A_392, %get3A_372 : vector<16xf32>
        %add3A_394 = arith.constant 1 : i32
        %add3A_395 = arith.addi %mul3A_254, %add3A_394 : i32
        %swap3A_396 = arith.index_cast %add3A_395 : i32 to index
        %swap3A_397 = arith.constant 16 : index
        %swap3A_398 = tpu.vector_load %arg12[%swap3A_396, %swap3A_397] {strides = array<i32>} : memref<128x128xf32, #tpu.memory_space<vmem>>, vector<1x16xf32>,
        %swap3A_399 = vector.shape_cast %swap3A_398 : vector<1x16xf32> to vector<16xf32>
        %swap3A_400 = vector.shape_cast %mul3A_393 : vector<16xf32> to vector<1x16xf32>
        tpu.vector_store %arg12[%swap3A_396, %swap3A_397], %swap3A_400 {strides = array<i32>} : memref<128x128xf32, #tpu.memory_space<vmem>>, vector<1x16xf32>,
        %add3A_401 = arith.constant 1 : i32
        %add3A_402 = arith.addi %mul3A_254, %add3A_401 : i32
        %get3A_403 = arith.index_cast %add3A_402 : i32 to index
        %get3A_404 = arith.constant 32 : index
        %get3A_405 = tpu.vector_load %arg12[%get3A_403, %get3A_404] {strides = array<i32>} : memref<128x128xf32, #tpu.memory_space<vmem>>, vector<1x16xf32>,
        %get3A_406 = vector.shape_cast %get3A_405 : vector<1x16xf32> to vector<16xf32>
        %mul3A_407 = arith.mulf %get3A_406, %get3A_372 : vector<16xf32>
        %add3A_408 = arith.constant 1 : i32
        %add3A_409 = arith.addi %mul3A_254, %add3A_408 : i32
        %swap3A_410 = arith.index_cast %add3A_409 : i32 to index
        %swap3A_411 = arith.constant 32 : index
        %swap3A_412 = tpu.vector_load %arg12[%swap3A_410, %swap3A_411] {strides = array<i32>} : memref<128x128xf32, #tpu.memory_space<vmem>>, vector<1x16xf32>,
        %swap3A_413 = vector.shape_cast %swap3A_412 : vector<1x16xf32> to vector<16xf32>
        %swap3A_414 = vector.shape_cast %mul3A_407 : vector<16xf32> to vector<1x16xf32>
        tpu.vector_store %arg12[%swap3A_410, %swap3A_411], %swap3A_414 {strides = array<i32>} : memref<128x128xf32, #tpu.memory_space<vmem>>, vector<1x16xf32>,
        %add3A_415 = arith.constant 1 : i32
        %add3A_416 = arith.addi %mul3A_254, %add3A_415 : i32
        %get3A_417 = arith.index_cast %add3A_416 : i32 to index
        %get3A_418 = arith.constant 48 : index
        %get3A_419 = tpu.vector_load %arg12[%get3A_417, %get3A_418] {strides = array<i32>} : memref<128x128xf32, #tpu.memory_space<vmem>>, vector<1x16xf32>,
        %get3A_420 = vector.shape_cast %get3A_419 : vector<1x16xf32> to vector<16xf32>
        %mul3A_421 = arith.mulf %get3A_420, %get3A_372 : vector<16xf32>
        %add3A_422 = arith.constant 1 : i32
        %add3A_423 = arith.addi %mul3A_254, %add3A_422 : i32
        %swap3A_424 = arith.index_cast %add3A_423 : i32 to index
        %swap3A_425 = arith.constant 48 : index
        %swap3A_426 = tpu.vector_load %arg12[%swap3A_424, %swap3A_425] {strides = array<i32>} : memref<128x128xf32, #tpu.memory_space<vmem>>, vector<1x16xf32>,
        %swap3A_427 = vector.shape_cast %swap3A_426 : vector<1x16xf32> to vector<16xf32>
        %swap3A_428 = vector.shape_cast %mul3A_421 : vector<16xf32> to vector<1x16xf32>
        tpu.vector_store %arg12[%swap3A_424, %swap3A_425], %swap3A_428 {strides = array<i32>} : memref<128x128xf32, #tpu.memory_space<vmem>>, vector<1x16xf32>,
        %add3A_429 = arith.constant 1 : i32
        %add3A_430 = arith.addi %mul3A_254, %add3A_429 : i32
        %get3A_431 = arith.index_cast %add3A_430 : i32 to index
        %get3A_432 = arith.constant 64 : index
        %get3A_433 = tpu.vector_load %arg12[%get3A_431, %get3A_432] {strides = array<i32>} : memref<128x128xf32, #tpu.memory_space<vmem>>, vector<1x16xf32>,
        %get3A_434 = vector.shape_cast %get3A_433 : vector<1x16xf32> to vector<16xf32>
        %mul3A_435 = arith.mulf %get3A_434, %get3A_372 : vector<16xf32>
        %add3A_436 = arith.constant 1 : i32
        %add3A_437 = arith.addi %mul3A_254, %add3A_436 : i32
        %swap3A_438 = arith.index_cast %add3A_437 : i32 to index
        %swap3A_439 = arith.constant 64 : index
        %swap3A_440 = tpu.vector_load %arg12[%swap3A_438, %swap3A_439] {strides = array<i32>} : memref<128x128xf32, #tpu.memory_space<vmem>>, vector<1x16xf32>,
        %swap3A_441 = vector.shape_cast %swap3A_440 : vector<1x16xf32> to vector<16xf32>
        %swap3A_442 = vector.shape_cast %mul3A_435 : vector<16xf32> to vector<1x16xf32>
        tpu.vector_store %arg12[%swap3A_438, %swap3A_439], %swap3A_442 {strides = array<i32>} : memref<128x128xf32, #tpu.memory_space<vmem>>, vector<1x16xf32>,
        %add3A_443 = arith.constant 1 : i32
        %add3A_444 = arith.addi %mul3A_254, %add3A_443 : i32
        %get3A_445 = arith.index_cast %add3A_444 : i32 to index
        %get3A_446 = arith.constant 80 : index
        %get3A_447 = tpu.vector_load %arg12[%get3A_445, %get3A_446] {strides = array<i32>} : memref<128x128xf32, #tpu.memory_space<vmem>>, vector<1x16xf32>,
        %get3A_448 = vector.shape_cast %get3A_447 : vector<1x16xf32> to vector<16xf32>
        %mul3A_449 = arith.mulf %get3A_448, %get3A_372 : vector<16xf32>
        %add3A_450 = arith.constant 1 : i32
        %add3A_451 = arith.addi %mul3A_254, %add3A_450 : i32
        %swap3A_452 = arith.index_cast %add3A_451 : i32 to index
        %swap3A_453 = arith.constant 80 : index
        %swap3A_454 = tpu.vector_load %arg12[%swap3A_452, %swap3A_453] {strides = array<i32>} : memref<128x128xf32, #tpu.memory_space<vmem>>, vector<1x16xf32>,
        %swap3A_455 = vector.shape_cast %swap3A_454 : vector<1x16xf32> to vector<16xf32>
        %swap3A_456 = vector.shape_cast %mul3A_449 : vector<16xf32> to vector<1x16xf32>
        tpu.vector_store %arg12[%swap3A_452, %swap3A_453], %swap3A_456 {strides = array<i32>} : memref<128x128xf32, #tpu.memory_space<vmem>>, vector<1x16xf32>,
        %add3A_457 = arith.constant 1 : i32
        %add3A_458 = arith.addi %mul3A_254, %add3A_457 : i32
        %get3A_459 = arith.index_cast %add3A_458 : i32 to index
        %get3A_460 = arith.constant 96 : index
        %get3A_461 = tpu.vector_load %arg12[%get3A_459, %get3A_460] {strides = array<i32>} : memref<128x128xf32, #tpu.memory_space<vmem>>, vector<1x16xf32>,
        %get3A_462 = vector.shape_cast %get3A_461 : vector<1x16xf32> to vector<16xf32>
        %mul3A_463 = arith.mulf %get3A_462, %get3A_372 : vector<16xf32>
        %add3A_464 = arith.constant 1 : i32
        %add3A_465 = arith.addi %mul3A_254, %add3A_464 : i32
        %swap3A_466 = arith.index_cast %add3A_465 : i32 to index
        %swap3A_467 = arith.constant 96 : index
        %swap3A_468 = tpu.vector_load %arg12[%swap3A_466, %swap3A_467] {strides = array<i32>} : memref<128x128xf32, #tpu.memory_space<vmem>>, vector<1x16xf32>,
        %swap3A_469 = vector.shape_cast %swap3A_468 : vector<1x16xf32> to vector<16xf32>
        %swap3A_470 = vector.shape_cast %mul3A_463 : vector<16xf32> to vector<1x16xf32>
        tpu.vector_store %arg12[%swap3A_466, %swap3A_467], %swap3A_470 {strides = array<i32>} : memref<128x128xf32, #tpu.memory_space<vmem>>, vector<1x16xf32>,
        %add3A_471 = arith.constant 1 : i32
        %add3A_472 = arith.addi %mul3A_254, %add3A_471 : i32
        %get3A_473 = arith.index_cast %add3A_472 : i32 to index
        %get3A_474 = arith.constant 112 : index
        %get3A_475 = tpu.vector_load %arg12[%get3A_473, %get3A_474] {strides = array<i32>} : memref<128x128xf32, #tpu.memory_space<vmem>>, vector<1x16xf32>,
        %get3A_476 = vector.shape_cast %get3A_475 : vector<1x16xf32> to vector<16xf32>
        %mul3A_477 = arith.mulf %get3A_476, %get3A_372 : vector<16xf32>
        %add3A_478 = arith.constant 1 : i32
        %add3A_479 = arith.addi %mul3A_254, %add3A_478 : i32
        %swap3A_480 = arith.index_cast %add3A_479 : i32 to index
        %swap3A_481 = arith.constant 112 : index
        %swap3A_482 = tpu.vector_load %arg12[%swap3A_480, %swap3A_481] {strides = array<i32>} : memref<128x128xf32, #tpu.memory_space<vmem>>, vector<1x16xf32>,
        %swap3A_483 = vector.shape_cast %swap3A_482 : vector<1x16xf32> to vector<16xf32>
        %swap3A_484 = vector.shape_cast %mul3A_477 : vector<16xf32> to vector<1x16xf32>
        tpu.vector_store %arg12[%swap3A_480, %swap3A_481], %swap3A_484 {strides = array<i32>} : memref<128x128xf32, #tpu.memory_space<vmem>>, vector<1x16xf32>,
        %get3A_485 = arith.index_cast %scan3A_252 : i32 to index
        %get3A_486 = arith.constant 32 : index
        %get3A_487 = tpu.vector_load %arg10[%get3A_485, %get3A_486] {strides = array<i32>} : memref<16x128xf32, #tpu.memory_space<vmem>>, vector<1x16xf32>,
        %get3A_488 = vector.shape_cast %get3A_487 : vector<1x16xf32> to vector<16xf32>
        %add3A_489 = arith.constant 2 : i32
        %add3A_490 = arith.addi %mul3A_254, %add3A_489 : i32
        %get3A_491 = arith.index_cast %add3A_490 : i32 to index
        %get3A_492 = arith.constant 0 : index
        %get3A_493 = tpu.vector_load %arg12[%get3A_491, %get3A_492] {strides = array<i32>} : memref<128x128xf32, #tpu.memory_space<vmem>>, vector<1x16xf32>,
        %get3A_494 = vector.shape_cast %get3A_493 : vector<1x16xf32> to vector<16xf32>
        %mul3A_495 = arith.mulf %get3A_494, %get3A_488 : vector<16xf32>
        %add3A_496 = arith.constant 2 : i32
        %add3A_497 = arith.addi %mul3A_254, %add3A_496 : i32
        %swap3A_498 = arith.index_cast %add3A_497 : i32 to index
        %swap3A_499 = arith.constant 0 : index
        %swap3A_500 = tpu.vector_load %arg12[%swap3A_498, %swap3A_499] {strides = array<i32>} : memref<128x128xf32, #tpu.memory_space<vmem>>, vector<1x16xf32>,
        %swap3A_501 = vector.shape_cast %swap3A_500 : vector<1x16xf32> to vector<16xf32>
        %swap3A_502 = vector.shape_cast %mul3A_495 : vector<16xf32> to vector<1x16xf32>
        tpu.vector_store %arg12[%swap3A_498, %swap3A_499], %swap3A_502 {strides = array<i32>} : memref<128x128xf32, #tpu.memory_space<vmem>>, vector<1x16xf32>,
        %add3A_503 = arith.constant 2 : i32
        %add3A_504 = arith.addi %mul3A_254, %add3A_503 : i32
        %get3A_505 = arith.index_cast %add3A_504 : i32 to index
        %get3A_506 = arith.constant 16 : index
        %get3A_507 = tpu.vector_load %arg12[%get3A_505, %get3A_506] {strides = array<i32>} : memref<128x128xf32, #tpu.memory_space<vmem>>, vector<1x16xf32>,
        %get3A_508 = vector.shape_cast %get3A_507 : vector<1x16xf32> to vector<16xf32>
        %mul3A_509 = arith.mulf %get3A_508, %get3A_488 : vector<16xf32>
        %add3A_510 = arith.constant 2 : i32
        %add3A_511 = arith.addi %mul3A_254, %add3A_510 : i32
        %swap3A_512 = arith.index_cast %add3A_511 : i32 to index
        %swap3A_513 = arith.constant 16 : index
        %swap3A_514 = tpu.vector_load %arg12[%swap3A_512, %swap3A_513] {strides = array<i32>} : memref<128x128xf32, #tpu.memory_space<vmem>>, vector<1x16xf32>,
        %swap3A_515 = vector.shape_cast %swap3A_514 : vector<1x16xf32> to vector<16xf32>
        %swap3A_516 = vector.shape_cast %mul3A_509 : vector<16xf32> to vector<1x16xf32>
        tpu.vector_store %arg12[%swap3A_512, %swap3A_513], %swap3A_516 {strides = array<i32>} : memref<128x128xf32, #tpu.memory_space<vmem>>, vector<1x16xf32>,
        %add3A_517 = arith.constant 2 : i32
        %add3A_518 = arith.addi %mul3A_254, %add3A_517 : i32
        %get3A_519 = arith.index_cast %add3A_518 : i32 to index
        %get3A_520 = arith.constant 32 : index
        %get3A_521 = tpu.vector_load %arg12[%get3A_519, %get3A_520] {strides = array<i32>} : memref<128x128xf32, #tpu.memory_space<vmem>>, vector<1x16xf32>,
        %get3A_522 = vector.shape_cast %get3A_521 : vector<1x16xf32> to vector<16xf32>
        %mul3A_523 = arith.mulf %get3A_522, %get3A_488 : vector<16xf32>
        %add3A_524 = arith.constant 2 : i32
        %add3A_525 = arith.addi %mul3A_254, %add3A_524 : i32
        %swap3A_526 = arith.index_cast %add3A_525 : i32 to index
        %swap3A_527 = arith.constant 32 : index
        %swap3A_528 = tpu.vector_load %arg12[%swap3A_526, %swap3A_527] {strides = array<i32>} : memref<128x128xf32, #tpu.memory_space<vmem>>, vector<1x16xf32>,
        %swap3A_529 = vector.shape_cast %swap3A_528 : vector<1x16xf32> to vector<16xf32>
        %swap3A_530 = vector.shape_cast %mul3A_523 : vector<16xf32> to vector<1x16xf32>
        tpu.vector_store %arg12[%swap3A_526, %swap3A_527], %swap3A_530 {strides = array<i32>} : memref<128x128xf32, #tpu.memory_space<vmem>>, vector<1x16xf32>,
        %add3A_531 = arith.constant 2 : i32
        %add3A_532 = arith.addi %mul3A_254, %add3A_531 : i32
        %get3A_533 = arith.index_cast %add3A_532 : i32 to index
        %get3A_534 = arith.constant 48 : index
        %get3A_535 = tpu.vector_load %arg12[%get3A_533, %get3A_534] {strides = array<i32>} : memref<128x128xf32, #tpu.memory_space<vmem>>, vector<1x16xf32>,
        %get3A_536 = vector.shape_cast %get3A_535 : vector<1x16xf32> to vector<16xf32>
        %mul3A_537 = arith.mulf %get3A_536, %get3A_488 : vector<16xf32>
        %add3A_538 = arith.constant 2 : i32
        %add3A_539 = arith.addi %mul3A_254, %add3A_538 : i32
        %swap3A_540 = arith.index_cast %add3A_539 : i32 to index
        %swap3A_541 = arith.constant 48 : index
        %swap3A_542 = tpu.vector_load %arg12[%swap3A_540, %swap3A_541] {strides = array<i32>} : memref<128x128xf32, #tpu.memory_space<vmem>>, vector<1x16xf32>,
        %swap3A_543 = vector.shape_cast %swap3A_542 : vector<1x16xf32> to vector<16xf32>
        %swap3A_544 = vector.shape_cast %mul3A_537 : vector<16xf32> to vector<1x16xf32>
        tpu.vector_store %arg12[%swap3A_540, %swap3A_541], %swap3A_544 {strides = array<i32>} : memref<128x128xf32, #tpu.memory_space<vmem>>, vector<1x16xf32>,
        %add3A_545 = arith.constant 2 : i32
        %add3A_546 = arith.addi %mul3A_254, %add3A_545 : i32
        %get3A_547 = arith.index_cast %add3A_546 : i32 to index
        %get3A_548 = arith.constant 64 : index
        %get3A_549 = tpu.vector_load %arg12[%get3A_547, %get3A_548] {strides = array<i32>} : memref<128x128xf32, #tpu.memory_space<vmem>>, vector<1x16xf32>,
        %get3A_550 = vector.shape_cast %get3A_549 : vector<1x16xf32> to vector<16xf32>
        %mul3A_551 = arith.mulf %get3A_550, %get3A_488 : vector<16xf32>
        %add3A_552 = arith.constant 2 : i32
        %add3A_553 = arith.addi %mul3A_254, %add3A_552 : i32
        %swap3A_554 = arith.index_cast %add3A_553 : i32 to index
        %swap3A_555 = arith.constant 64 : index
        %swap3A_556 = tpu.vector_load %arg12[%swap3A_554, %swap3A_555] {strides = array<i32>} : memref<128x128xf32, #tpu.memory_space<vmem>>, vector<1x16xf32>,
        %swap3A_557 = vector.shape_cast %swap3A_556 : vector<1x16xf32> to vector<16xf32>
        %swap3A_558 = vector.shape_cast %mul3A_551 : vector<16xf32> to vector<1x16xf32>
        tpu.vector_store %arg12[%swap3A_554, %swap3A_555], %swap3A_558 {strides = array<i32>} : memref<128x128xf32, #tpu.memory_space<vmem>>, vector<1x16xf32>,
        %add3A_559 = arith.constant 2 : i32
        %add3A_560 = arith.addi %mul3A_254, %add3A_559 : i32
        %get3A_561 = arith.index_cast %add3A_560 : i32 to index
        %get3A_562 = arith.constant 80 : index
        %get3A_563 = tpu.vector_load %arg12[%get3A_561, %get3A_562] {strides = array<i32>} : memref<128x128xf32, #tpu.memory_space<vmem>>, vector<1x16xf32>,
        %get3A_564 = vector.shape_cast %get3A_563 : vector<1x16xf32> to vector<16xf32>
        %mul3A_565 = arith.mulf %get3A_564, %get3A_488 : vector<16xf32>
        %add3A_566 = arith.constant 2 : i32
        %add3A_567 = arith.addi %mul3A_254, %add3A_566 : i32
        %swap3A_568 = arith.index_cast %add3A_567 : i32 to index
        %swap3A_569 = arith.constant 80 : index
        %swap3A_570 = tpu.vector_load %arg12[%swap3A_568, %swap3A_569] {strides = array<i32>} : memref<128x128xf32, #tpu.memory_space<vmem>>, vector<1x16xf32>,
        %swap3A_571 = vector.shape_cast %swap3A_570 : vector<1x16xf32> to vector<16xf32>
        %swap3A_572 = vector.shape_cast %mul3A_565 : vector<16xf32> to vector<1x16xf32>
        tpu.vector_store %arg12[%swap3A_568, %swap3A_569], %swap3A_572 {strides = array<i32>} : memref<128x128xf32, #tpu.memory_space<vmem>>, vector<1x16xf32>,
        %add3A_573 = arith.constant 2 : i32
        %add3A_574 = arith.addi %mul3A_254, %add3A_573 : i32
        %get3A_575 = arith.index_cast %add3A_574 : i32 to index
        %get3A_576 = arith.constant 96 : index
        %get3A_577 = tpu.vector_load %arg12[%get3A_575, %get3A_576] {strides = array<i32>} : memref<128x128xf32, #tpu.memory_space<vmem>>, vector<1x16xf32>,
        %get3A_578 = vector.shape_cast %get3A_577 : vector<1x16xf32> to vector<16xf32>
        %mul3A_579 = arith.mulf %get3A_578, %get3A_488 : vector<16xf32>
        %add3A_580 = arith.constant 2 : i32
        %add3A_581 = arith.addi %mul3A_254, %add3A_580 : i32
        %swap3A_582 = arith.index_cast %add3A_581 : i32 to index
        %swap3A_583 = arith.constant 96 : index
        %swap3A_584 = tpu.vector_load %arg12[%swap3A_582, %swap3A_583] {strides = array<i32>} : memref<128x128xf32, #tpu.memory_space<vmem>>, vector<1x16xf32>,
        %swap3A_585 = vector.shape_cast %swap3A_584 : vector<1x16xf32> to vector<16xf32>
        %swap3A_586 = vector.shape_cast %mul3A_579 : vector<16xf32> to vector<1x16xf32>
        tpu.vector_store %arg12[%swap3A_582, %swap3A_583], %swap3A_586 {strides = array<i32>} : memref<128x128xf32, #tpu.memory_space<vmem>>, vector<1x16xf32>,
        %add3A_587 = arith.constant 2 : i32
        %add3A_588 = arith.addi %mul3A_254, %add3A_587 : i32
        %get3A_589 = arith.index_cast %add3A_588 : i32 to index
        %get3A_590 = arith.constant 112 : index
        %get3A_591 = tpu.vector_load %arg12[%get3A_589, %get3A_590] {strides = array<i32>} : memref<128x128xf32, #tpu.memory_space<vmem>>, vector<1x16xf32>,
        %get3A_592 = vector.shape_cast %get3A_591 : vector<1x16xf32> to vector<16xf32>
        %mul3A_593 = arith.mulf %get3A_592, %get3A_488 : vector<16xf32>
        %add3A_594 = arith.constant 2 : i32
        %add3A_595 = arith.addi %mul3A_254, %add3A_594 : i32
        %swap3A_596 = arith.index_cast %add3A_595 : i32 to index
        %swap3A_597 = arith.constant 112 : index
        %swap3A_598 = tpu.vector_load %arg12[%swap3A_596, %swap3A_597] {strides = array<i32>} : memref<128x128xf32, #tpu.memory_space<vmem>>, vector<1x16xf32>,
        %swap3A_599 = vector.shape_cast %swap3A_598 : vector<1x16xf32> to vector<16xf32>
        %swap3A_600 = vector.shape_cast %mul3A_593 : vector<16xf32> to vector<1x16xf32>
        tpu.vector_store %arg12[%swap3A_596, %swap3A_597], %swap3A_600 {strides = array<i32>} : memref<128x128xf32, #tpu.memory_space<vmem>>, vector<1x16xf32>,
        %get3A_601 = arith.index_cast %scan3A_252 : i32 to index
        %get3A_602 = arith.constant 48 : index
        %get3A_603 = tpu.vector_load %arg10[%get3A_601, %get3A_602] {strides = array<i32>} : memref<16x128xf32, #tpu.memory_space<vmem>>, vector<1x16xf32>,
        %get3A_604 = vector.shape_cast %get3A_603 : vector<1x16xf32> to vector<16xf32>
        %add3A_605 = arith.constant 3 : i32
        %add3A_606 = arith.addi %mul3A_254, %add3A_605 : i32
        %get3A_607 = arith.index_cast %add3A_606 : i32 to index
        %get3A_608 = arith.constant 0 : index
        %get3A_609 = tpu.vector_load %arg12[%get3A_607, %get3A_608] {strides = array<i32>} : memref<128x128xf32, #tpu.memory_space<vmem>>, vector<1x16xf32>,
        %get3A_610 = vector.shape_cast %get3A_609 : vector<1x16xf32> to vector<16xf32>
        %mul3A_611 = arith.mulf %get3A_610, %get3A_604 : vector<16xf32>
        %add3A_612 = arith.constant 3 : i32
        %add3A_613 = arith.addi %mul3A_254, %add3A_612 : i32
        %swap3A_614 = arith.index_cast %add3A_613 : i32 to index
        %swap3A_615 = arith.constant 0 : index
        %swap3A_616 = tpu.vector_load %arg12[%swap3A_614, %swap3A_615] {strides = array<i32>} : memref<128x128xf32, #tpu.memory_space<vmem>>, vector<1x16xf32>,
        %swap3A_617 = vector.shape_cast %swap3A_616 : vector<1x16xf32> to vector<16xf32>
        %swap3A_618 = vector.shape_cast %mul3A_611 : vector<16xf32> to vector<1x16xf32>
        tpu.vector_store %arg12[%swap3A_614, %swap3A_615], %swap3A_618 {strides = array<i32>} : memref<128x128xf32, #tpu.memory_space<vmem>>, vector<1x16xf32>,
        %add3A_619 = arith.constant 3 : i32
        %add3A_620 = arith.addi %mul3A_254, %add3A_619 : i32
        %get3A_621 = arith.index_cast %add3A_620 : i32 to index
        %get3A_622 = arith.constant 16 : index
        %get3A_623 = tpu.vector_load %arg12[%get3A_621, %get3A_622] {strides = array<i32>} : memref<128x128xf32, #tpu.memory_space<vmem>>, vector<1x16xf32>,
        %get3A_624 = vector.shape_cast %get3A_623 : vector<1x16xf32> to vector<16xf32>
        %mul3A_625 = arith.mulf %get3A_624, %get3A_604 : vector<16xf32>
        %add3A_626 = arith.constant 3 : i32
        %add3A_627 = arith.addi %mul3A_254, %add3A_626 : i32
        %swap3A_628 = arith.index_cast %add3A_627 : i32 to index
        %swap3A_629 = arith.constant 16 : index
        %swap3A_630 = tpu.vector_load %arg12[%swap3A_628, %swap3A_629] {strides = array<i32>} : memref<128x128xf32, #tpu.memory_space<vmem>>, vector<1x16xf32>,
        %swap3A_631 = vector.shape_cast %swap3A_630 : vector<1x16xf32> to vector<16xf32>
        %swap3A_632 = vector.shape_cast %mul3A_625 : vector<16xf32> to vector<1x16xf32>
        tpu.vector_store %arg12[%swap3A_628, %swap3A_629], %swap3A_632 {strides = array<i32>} : memref<128x128xf32, #tpu.memory_space<vmem>>, vector<1x16xf32>,
        %add3A_633 = arith.constant 3 : i32
        %add3A_634 = arith.addi %mul3A_254, %add3A_633 : i32
        %get3A_635 = arith.index_cast %add3A_634 : i32 to index
        %get3A_636 = arith.constant 32 : index
        %get3A_637 = tpu.vector_load %arg12[%get3A_635, %get3A_636] {strides = array<i32>} : memref<128x128xf32, #tpu.memory_space<vmem>>, vector<1x16xf32>,
        %get3A_638 = vector.shape_cast %get3A_637 : vector<1x16xf32> to vector<16xf32>
        %mul3A_639 = arith.mulf %get3A_638, %get3A_604 : vector<16xf32>
        %add3A_640 = arith.constant 3 : i32
        %add3A_641 = arith.addi %mul3A_254, %add3A_640 : i32
        %swap3A_642 = arith.index_cast %add3A_641 : i32 to index
        %swap3A_643 = arith.constant 32 : index
        %swap3A_644 = tpu.vector_load %arg12[%swap3A_642, %swap3A_643] {strides = array<i32>} : memref<128x128xf32, #tpu.memory_space<vmem>>, vector<1x16xf32>,
        %swap3A_645 = vector.shape_cast %swap3A_644 : vector<1x16xf32> to vector<16xf32>
        %swap3A_646 = vector.shape_cast %mul3A_639 : vector<16xf32> to vector<1x16xf32>
        tpu.vector_store %arg12[%swap3A_642, %swap3A_643], %swap3A_646 {strides = array<i32>} : memref<128x128xf32, #tpu.memory_space<vmem>>, vector<1x16xf32>,
        %add3A_647 = arith.constant 3 : i32
        %add3A_648 = arith.addi %mul3A_254, %add3A_647 : i32
        %get3A_649 = arith.index_cast %add3A_648 : i32 to index
        %get3A_650 = arith.constant 48 : index
        %get3A_651 = tpu.vector_load %arg12[%get3A_649, %get3A_650] {strides = array<i32>} : memref<128x128xf32, #tpu.memory_space<vmem>>, vector<1x16xf32>,
        %get3A_652 = vector.shape_cast %get3A_651 : vector<1x16xf32> to vector<16xf32>
        %mul3A_653 = arith.mulf %get3A_652, %get3A_604 : vector<16xf32>
        %add3A_654 = arith.constant 3 : i32
        %add3A_655 = arith.addi %mul3A_254, %add3A_654 : i32
        %swap3A_656 = arith.index_cast %add3A_655 : i32 to index
        %swap3A_657 = arith.constant 48 : index
        %swap3A_658 = tpu.vector_load %arg12[%swap3A_656, %swap3A_657] {strides = array<i32>} : memref<128x128xf32, #tpu.memory_space<vmem>>, vector<1x16xf32>,
        %swap3A_659 = vector.shape_cast %swap3A_658 : vector<1x16xf32> to vector<16xf32>
        %swap3A_660 = vector.shape_cast %mul3A_653 : vector<16xf32> to vector<1x16xf32>
        tpu.vector_store %arg12[%swap3A_656, %swap3A_657], %swap3A_660 {strides = array<i32>} : memref<128x128xf32, #tpu.memory_space<vmem>>, vector<1x16xf32>,
        %add3A_661 = arith.constant 3 : i32
        %add3A_662 = arith.addi %mul3A_254, %add3A_661 : i32
        %get3A_663 = arith.index_cast %add3A_662 : i32 to index
        %get3A_664 = arith.constant 64 : index
        %get3A_665 = tpu.vector_load %arg12[%get3A_663, %get3A_664] {strides = array<i32>} : memref<128x128xf32, #tpu.memory_space<vmem>>, vector<1x16xf32>,
        %get3A_666 = vector.shape_cast %get3A_665 : vector<1x16xf32> to vector<16xf32>
        %mul3A_667 = arith.mulf %get3A_666, %get3A_604 : vector<16xf32>
        %add3A_668 = arith.constant 3 : i32
        %add3A_669 = arith.addi %mul3A_254, %add3A_668 : i32
        %swap3A_670 = arith.index_cast %add3A_669 : i32 to index
        %swap3A_671 = arith.constant 64 : index
        %swap3A_672 = tpu.vector_load %arg12[%swap3A_670, %swap3A_671] {strides = array<i32>} : memref<128x128xf32, #tpu.memory_space<vmem>>, vector<1x16xf32>,
        %swap3A_673 = vector.shape_cast %swap3A_672 : vector<1x16xf32> to vector<16xf32>
        %swap3A_674 = vector.shape_cast %mul3A_667 : vector<16xf32> to vector<1x16xf32>
        tpu.vector_store %arg12[%swap3A_670, %swap3A_671], %swap3A_674 {strides = array<i32>} : memref<128x128xf32, #tpu.memory_space<vmem>>, vector<1x16xf32>,
        %add3A_675 = arith.constant 3 : i32
        %add3A_676 = arith.addi %mul3A_254, %add3A_675 : i32
        %get3A_677 = arith.index_cast %add3A_676 : i32 to index
        %get3A_678 = arith.constant 80 : index
        %get3A_679 = tpu.vector_load %arg12[%get3A_677, %get3A_678] {strides = array<i32>} : memref<128x128xf32, #tpu.memory_space<vmem>>, vector<1x16xf32>,
        %get3A_680 = vector.shape_cast %get3A_679 : vector<1x16xf32> to vector<16xf32>
        %mul3A_681 = arith.mulf %get3A_680, %get3A_604 : vector<16xf32>
        %add3A_682 = arith.constant 3 : i32
        %add3A_683 = arith.addi %mul3A_254, %add3A_682 : i32
        %swap3A_684 = arith.index_cast %add3A_683 : i32 to index
        %swap3A_685 = arith.constant 80 : index
        %swap3A_686 = tpu.vector_load %arg12[%swap3A_684, %swap3A_685] {strides = array<i32>} : memref<128x128xf32, #tpu.memory_space<vmem>>, vector<1x16xf32>,
        %swap3A_687 = vector.shape_cast %swap3A_686 : vector<1x16xf32> to vector<16xf32>
        %swap3A_688 = vector.shape_cast %mul3A_681 : vector<16xf32> to vector<1x16xf32>
        tpu.vector_store %arg12[%swap3A_684, %swap3A_685], %swap3A_688 {strides = array<i32>} : memref<128x128xf32, #tpu.memory_space<vmem>>, vector<1x16xf32>,
        %add3A_689 = arith.constant 3 : i32
        %add3A_690 = arith.addi %mul3A_254, %add3A_689 : i32
        %get3A_691 = arith.index_cast %add3A_690 : i32 to index
        %get3A_692 = arith.constant 96 : index
        %get3A_693 = tpu.vector_load %arg12[%get3A_691, %get3A_692] {strides = array<i32>} : memref<128x128xf32, #tpu.memory_space<vmem>>, vector<1x16xf32>,
        %get3A_694 = vector.shape_cast %get3A_693 : vector<1x16xf32> to vector<16xf32>
        %mul3A_695 = arith.mulf %get3A_694, %get3A_604 : vector<16xf32>
        %add3A_696 = arith.constant 3 : i32
        %add3A_697 = arith.addi %mul3A_254, %add3A_696 : i32
        %swap3A_698 = arith.index_cast %add3A_697 : i32 to index
        %swap3A_699 = arith.constant 96 : index
        %swap3A_700 = tpu.vector_load %arg12[%swap3A_698, %swap3A_699] {strides = array<i32>} : memref<128x128xf32, #tpu.memory_space<vmem>>, vector<1x16xf32>,
        %swap3A_701 = vector.shape_cast %swap3A_700 : vector<1x16xf32> to vector<16xf32>
        %swap3A_702 = vector.shape_cast %mul3A_695 : vector<16xf32> to vector<1x16xf32>
        tpu.vector_store %arg12[%swap3A_698, %swap3A_699], %swap3A_702 {strides = array<i32>} : memref<128x128xf32, #tpu.memory_space<vmem>>, vector<1x16xf32>,
        %add3A_703 = arith.constant 3 : i32
        %add3A_704 = arith.addi %mul3A_254, %add3A_703 : i32
        %get3A_705 = arith.index_cast %add3A_704 : i32 to index
        %get3A_706 = arith.constant 112 : index
        %get3A_707 = tpu.vector_load %arg12[%get3A_705, %get3A_706] {strides = array<i32>} : memref<128x128xf32, #tpu.memory_space<vmem>>, vector<1x16xf32>,
        %get3A_708 = vector.shape_cast %get3A_707 : vector<1x16xf32> to vector<16xf32>
        %mul3A_709 = arith.mulf %get3A_708, %get3A_604 : vector<16xf32>
        %add3A_710 = arith.constant 3 : i32
        %add3A_711 = arith.addi %mul3A_254, %add3A_710 : i32
        %swap3A_712 = arith.index_cast %add3A_711 : i32 to index
        %swap3A_713 = arith.constant 112 : index
        %swap3A_714 = tpu.vector_load %arg12[%swap3A_712, %swap3A_713] {strides = array<i32>} : memref<128x128xf32, #tpu.memory_space<vmem>>, vector<1x16xf32>,
        %swap3A_715 = vector.shape_cast %swap3A_714 : vector<1x16xf32> to vector<16xf32>
        %swap3A_716 = vector.shape_cast %mul3A_709 : vector<16xf32> to vector<1x16xf32>
        tpu.vector_store %arg12[%swap3A_712, %swap3A_713], %swap3A_716 {strides = array<i32>} : memref<128x128xf32, #tpu.memory_space<vmem>>, vector<1x16xf32>,
        %get3A_717 = arith.index_cast %scan3A_252 : i32 to index
        %get3A_718 = arith.constant 64 : index
        %get3A_719 = tpu.vector_load %arg10[%get3A_717, %get3A_718] {strides = array<i32>} : memref<16x128xf32, #tpu.memory_space<vmem>>, vector<1x16xf32>,
        %get3A_720 = vector.shape_cast %get3A_719 : vector<1x16xf32> to vector<16xf32>
        %add3A_721 = arith.constant 4 : i32
        %add3A_722 = arith.addi %mul3A_254, %add3A_721 : i32
        %get3A_723 = arith.index_cast %add3A_722 : i32 to index
        %get3A_724 = arith.constant 0 : index
        %get3A_725 = tpu.vector_load %arg12[%get3A_723, %get3A_724] {strides = array<i32>} : memref<128x128xf32, #tpu.memory_space<vmem>>, vector<1x16xf32>,
        %get3A_726 = vector.shape_cast %get3A_725 : vector<1x16xf32> to vector<16xf32>
        %mul3A_727 = arith.mulf %get3A_726, %get3A_720 : vector<16xf32>
        %add3A_728 = arith.constant 4 : i32
        %add3A_729 = arith.addi %mul3A_254, %add3A_728 : i32
        %swap3A_730 = arith.index_cast %add3A_729 : i32 to index
        %swap3A_731 = arith.constant 0 : index
        %swap3A_732 = tpu.vector_load %arg12[%swap3A_730, %swap3A_731] {strides = array<i32>} : memref<128x128xf32, #tpu.memory_space<vmem>>, vector<1x16xf32>,
        %swap3A_733 = vector.shape_cast %swap3A_732 : vector<1x16xf32> to vector<16xf32>
        %swap3A_734 = vector.shape_cast %mul3A_727 : vector<16xf32> to vector<1x16xf32>
        tpu.vector_store %arg12[%swap3A_730, %swap3A_731], %swap3A_734 {strides = array<i32>} : memref<128x128xf32, #tpu.memory_space<vmem>>, vector<1x16xf32>,
        %add3A_735 = arith.constant 4 : i32
        %add3A_736 = arith.addi %mul3A_254, %add3A_735 : i32
        %get3A_737 = arith.index_cast %add3A_736 : i32 to index
        %get3A_738 = arith.constant 16 : index
        %get3A_739 = tpu.vector_load %arg12[%get3A_737, %get3A_738] {strides = array<i32>} : memref<128x128xf32, #tpu.memory_space<vmem>>, vector<1x16xf32>,
        %get3A_740 = vector.shape_cast %get3A_739 : vector<1x16xf32> to vector<16xf32>
        %mul3A_741 = arith.mulf %get3A_740, %get3A_720 : vector<16xf32>
        %add3A_742 = arith.constant 4 : i32
        %add3A_743 = arith.addi %mul3A_254, %add3A_742 : i32
        %swap3A_744 = arith.index_cast %add3A_743 : i32 to index
        %swap3A_745 = arith.constant 16 : index
        %swap3A_746 = tpu.vector_load %arg12[%swap3A_744, %swap3A_745] {strides = array<i32>} : memref<128x128xf32, #tpu.memory_space<vmem>>, vector<1x16xf32>,
        %swap3A_747 = vector.shape_cast %swap3A_746 : vector<1x16xf32> to vector<16xf32>
        %swap3A_748 = vector.shape_cast %mul3A_741 : vector<16xf32> to vector<1x16xf32>
        tpu.vector_store %arg12[%swap3A_744, %swap3A_745], %swap3A_748 {strides = array<i32>} : memref<128x128xf32, #tpu.memory_space<vmem>>, vector<1x16xf32>,
        %add3A_749 = arith.constant 4 : i32
        %add3A_750 = arith.addi %mul3A_254, %add3A_749 : i32
        %get3A_751 = arith.index_cast %add3A_750 : i32 to index
        %get3A_752 = arith.constant 32 : index
        %get3A_753 = tpu.vector_load %arg12[%get3A_751, %get3A_752] {strides = array<i32>} : memref<128x128xf32, #tpu.memory_space<vmem>>, vector<1x16xf32>,
        %get3A_754 = vector.shape_cast %get3A_753 : vector<1x16xf32> to vector<16xf32>
        %mul3A_755 = arith.mulf %get3A_754, %get3A_720 : vector<16xf32>
        %add3A_756 = arith.constant 4 : i32
        %add3A_757 = arith.addi %mul3A_254, %add3A_756 : i32
        %swap3A_758 = arith.index_cast %add3A_757 : i32 to index
        %swap3A_759 = arith.constant 32 : index
        %swap3A_760 = tpu.vector_load %arg12[%swap3A_758, %swap3A_759] {strides = array<i32>} : memref<128x128xf32, #tpu.memory_space<vmem>>, vector<1x16xf32>,
        %swap3A_761 = vector.shape_cast %swap3A_760 : vector<1x16xf32> to vector<16xf32>
        %swap3A_762 = vector.shape_cast %mul3A_755 : vector<16xf32> to vector<1x16xf32>
        tpu.vector_store %arg12[%swap3A_758, %swap3A_759], %swap3A_762 {strides = array<i32>} : memref<128x128xf32, #tpu.memory_space<vmem>>, vector<1x16xf32>,
        %add3A_763 = arith.constant 4 : i32
        %add3A_764 = arith.addi %mul3A_254, %add3A_763 : i32
        %get3A_765 = arith.index_cast %add3A_764 : i32 to index
        %get3A_766 = arith.constant 48 : index
        %get3A_767 = tpu.vector_load %arg12[%get3A_765, %get3A_766] {strides = array<i32>} : memref<128x128xf32, #tpu.memory_space<vmem>>, vector<1x16xf32>,
        %get3A_768 = vector.shape_cast %get3A_767 : vector<1x16xf32> to vector<16xf32>
        %mul3A_769 = arith.mulf %get3A_768, %get3A_720 : vector<16xf32>
        %add3A_770 = arith.constant 4 : i32
        %add3A_771 = arith.addi %mul3A_254, %add3A_770 : i32
        %swap3A_772 = arith.index_cast %add3A_771 : i32 to index
        %swap3A_773 = arith.constant 48 : index
        %swap3A_774 = tpu.vector_load %arg12[%swap3A_772, %swap3A_773] {strides = array<i32>} : memref<128x128xf32, #tpu.memory_space<vmem>>, vector<1x16xf32>,
        %swap3A_775 = vector.shape_cast %swap3A_774 : vector<1x16xf32> to vector<16xf32>
        %swap3A_776 = vector.shape_cast %mul3A_769 : vector<16xf32> to vector<1x16xf32>
        tpu.vector_store %arg12[%swap3A_772, %swap3A_773], %swap3A_776 {strides = array<i32>} : memref<128x128xf32, #tpu.memory_space<vmem>>, vector<1x16xf32>,
        %add3A_777 = arith.constant 4 : i32
        %add3A_778 = arith.addi %mul3A_254, %add3A_777 : i32
        %get3A_779 = arith.index_cast %add3A_778 : i32 to index
        %get3A_780 = arith.constant 64 : index
        %get3A_781 = tpu.vector_load %arg12[%get3A_779, %get3A_780] {strides = array<i32>} : memref<128x128xf32, #tpu.memory_space<vmem>>, vector<1x16xf32>,
        %get3A_782 = vector.shape_cast %get3A_781 : vector<1x16xf32> to vector<16xf32>
        %mul3A_783 = arith.mulf %get3A_782, %get3A_720 : vector<16xf32>
        %add3A_784 = arith.constant 4 : i32
        %add3A_785 = arith.addi %mul3A_254, %add3A_784 : i32
        %swap3A_786 = arith.index_cast %add3A_785 : i32 to index
        %swap3A_787 = arith.constant 64 : index
        %swap3A_788 = tpu.vector_load %arg12[%swap3A_786, %swap3A_787] {strides = array<i32>} : memref<128x128xf32, #tpu.memory_space<vmem>>, vector<1x16xf32>,
        %swap3A_789 = vector.shape_cast %swap3A_788 : vector<1x16xf32> to vector<16xf32>
        %swap3A_790 = vector.shape_cast %mul3A_783 : vector<16xf32> to vector<1x16xf32>
        tpu.vector_store %arg12[%swap3A_786, %swap3A_787], %swap3A_790 {strides = array<i32>} : memref<128x128xf32, #tpu.memory_space<vmem>>, vector<1x16xf32>,
        %add3A_791 = arith.constant 4 : i32
        %add3A_792 = arith.addi %mul3A_254, %add3A_791 : i32
        %get3A_793 = arith.index_cast %add3A_792 : i32 to index
        %get3A_794 = arith.constant 80 : index
        %get3A_795 = tpu.vector_load %arg12[%get3A_793, %get3A_794] {strides = array<i32>} : memref<128x128xf32, #tpu.memory_space<vmem>>, vector<1x16xf32>,
        %get3A_796 = vector.shape_cast %get3A_795 : vector<1x16xf32> to vector<16xf32>
        %mul3A_797 = arith.mulf %get3A_796, %get3A_720 : vector<16xf32>
        %add3A_798 = arith.constant 4 : i32
        %add3A_799 = arith.addi %mul3A_254, %add3A_798 : i32
        %swap3A_800 = arith.index_cast %add3A_799 : i32 to index
        %swap3A_801 = arith.constant 80 : index
        %swap3A_802 = tpu.vector_load %arg12[%swap3A_800, %swap3A_801] {strides = array<i32>} : memref<128x128xf32, #tpu.memory_space<vmem>>, vector<1x16xf32>,
        %swap3A_803 = vector.shape_cast %swap3A_802 : vector<1x16xf32> to vector<16xf32>
        %swap3A_804 = vector.shape_cast %mul3A_797 : vector<16xf32> to vector<1x16xf32>
        tpu.vector_store %arg12[%swap3A_800, %swap3A_801], %swap3A_804 {strides = array<i32>} : memref<128x128xf32, #tpu.memory_space<vmem>>, vector<1x16xf32>,
        %add3A_805 = arith.constant 4 : i32
        %add3A_806 = arith.addi %mul3A_254, %add3A_805 : i32
        %get3A_807 = arith.index_cast %add3A_806 : i32 to index
        %get3A_808 = arith.constant 96 : index
        %get3A_809 = tpu.vector_load %arg12[%get3A_807, %get3A_808] {strides = array<i32>} : memref<128x128xf32, #tpu.memory_space<vmem>>, vector<1x16xf32>,
        %get3A_810 = vector.shape_cast %get3A_809 : vector<1x16xf32> to vector<16xf32>
        %mul3A_811 = arith.mulf %get3A_810, %get3A_720 : vector<16xf32>
        %add3A_812 = arith.constant 4 : i32
        %add3A_813 = arith.addi %mul3A_254, %add3A_812 : i32
        %swap3A_814 = arith.index_cast %add3A_813 : i32 to index
        %swap3A_815 = arith.constant 96 : index
        %swap3A_816 = tpu.vector_load %arg12[%swap3A_814, %swap3A_815] {strides = array<i32>} : memref<128x128xf32, #tpu.memory_space<vmem>>, vector<1x16xf32>,
        %swap3A_817 = vector.shape_cast %swap3A_816 : vector<1x16xf32> to vector<16xf32>
        %swap3A_818 = vector.shape_cast %mul3A_811 : vector<16xf32> to vector<1x16xf32>
        tpu.vector_store %arg12[%swap3A_814, %swap3A_815], %swap3A_818 {strides = array<i32>} : memref<128x128xf32, #tpu.memory_space<vmem>>, vector<1x16xf32>,
        %add3A_819 = arith.constant 4 : i32
        %add3A_820 = arith.addi %mul3A_254, %add3A_819 : i32
        %get3A_821 = arith.index_cast %add3A_820 : i32 to index
        %get3A_822 = arith.constant 112 : index
        %get3A_823 = tpu.vector_load %arg12[%get3A_821, %get3A_822] {strides = array<i32>} : memref<128x128xf32, #tpu.memory_space<vmem>>, vector<1x16xf32>,
        %get3A_824 = vector.shape_cast %get3A_823 : vector<1x16xf32> to vector<16xf32>
        %mul3A_825 = arith.mulf %get3A_824, %get3A_720 : vector<16xf32>
        %add3A_826 = arith.constant 4 : i32
        %add3A_827 = arith.addi %mul3A_254, %add3A_826 : i32
        %swap3A_828 = arith.index_cast %add3A_827 : i32 to index
        %swap3A_829 = arith.constant 112 : index
        %swap3A_830 = tpu.vector_load %arg12[%swap3A_828, %swap3A_829] {strides = array<i32>} : memref<128x128xf32, #tpu.memory_space<vmem>>, vector<1x16xf32>,
        %swap3A_831 = vector.shape_cast %swap3A_830 : vector<1x16xf32> to vector<16xf32>
        %swap3A_832 = vector.shape_cast %mul3A_825 : vector<16xf32> to vector<1x16xf32>
        tpu.vector_store %arg12[%swap3A_828, %swap3A_829], %swap3A_832 {strides = array<i32>} : memref<128x128xf32, #tpu.memory_space<vmem>>, vector<1x16xf32>,
        %get3A_833 = arith.index_cast %scan3A_252 : i32 to index
        %get3A_834 = arith.constant 80 : index
        %get3A_835 = tpu.vector_load %arg10[%get3A_833, %get3A_834] {strides = array<i32>} : memref<16x128xf32, #tpu.memory_space<vmem>>, vector<1x16xf32>,
        %get3A_836 = vector.shape_cast %get3A_835 : vector<1x16xf32> to vector<16xf32>
        %add3A_837 = arith.constant 5 : i32
        %add3A_838 = arith.addi %mul3A_254, %add3A_837 : i32
        %get3A_839 = arith.index_cast %add3A_838 : i32 to index
        %get3A_840 = arith.constant 0 : index
        %get3A_841 = tpu.vector_load %arg12[%get3A_839, %get3A_840] {strides = array<i32>} : memref<128x128xf32, #tpu.memory_space<vmem>>, vector<1x16xf32>,
        %get3A_842 = vector.shape_cast %get3A_841 : vector<1x16xf32> to vector<16xf32>
        %mul3A_843 = arith.mulf %get3A_842, %get3A_836 : vector<16xf32>
        %add3A_844 = arith.constant 5 : i32
        %add3A_845 = arith.addi %mul3A_254, %add3A_844 : i32
        %swap3A_846 = arith.index_cast %add3A_845 : i32 to index
        %swap3A_847 = arith.constant 0 : index
        %swap3A_848 = tpu.vector_load %arg12[%swap3A_846, %swap3A_847] {strides = array<i32>} : memref<128x128xf32, #tpu.memory_space<vmem>>, vector<1x16xf32>,
        %swap3A_849 = vector.shape_cast %swap3A_848 : vector<1x16xf32> to vector<16xf32>
        %swap3A_850 = vector.shape_cast %mul3A_843 : vector<16xf32> to vector<1x16xf32>
        tpu.vector_store %arg12[%swap3A_846, %swap3A_847], %swap3A_850 {strides = array<i32>} : memref<128x128xf32, #tpu.memory_space<vmem>>, vector<1x16xf32>,
        %add3A_851 = arith.constant 5 : i32
        %add3A_852 = arith.addi %mul3A_254, %add3A_851 : i32
        %get3A_853 = arith.index_cast %add3A_852 : i32 to index
        %get3A_854 = arith.constant 16 : index
        %get3A_855 = tpu.vector_load %arg12[%get3A_853, %get3A_854] {strides = array<i32>} : memref<128x128xf32, #tpu.memory_space<vmem>>, vector<1x16xf32>,
        %get3A_856 = vector.shape_cast %get3A_855 : vector<1x16xf32> to vector<16xf32>
        %mul3A_857 = arith.mulf %get3A_856, %get3A_836 : vector<16xf32>
        %add3A_858 = arith.constant 5 : i32
        %add3A_859 = arith.addi %mul3A_254, %add3A_858 : i32
        %swap3A_860 = arith.index_cast %add3A_859 : i32 to index
        %swap3A_861 = arith.constant 16 : index
        %swap3A_862 = tpu.vector_load %arg12[%swap3A_860, %swap3A_861] {strides = array<i32>} : memref<128x128xf32, #tpu.memory_space<vmem>>, vector<1x16xf32>,
        %swap3A_863 = vector.shape_cast %swap3A_862 : vector<1x16xf32> to vector<16xf32>
        %swap3A_864 = vector.shape_cast %mul3A_857 : vector<16xf32> to vector<1x16xf32>
        tpu.vector_store %arg12[%swap3A_860, %swap3A_861], %swap3A_864 {strides = array<i32>} : memref<128x128xf32, #tpu.memory_space<vmem>>, vector<1x16xf32>,
        %add3A_865 = arith.constant 5 : i32
        %add3A_866 = arith.addi %mul3A_254, %add3A_865 : i32
        %get3A_867 = arith.index_cast %add3A_866 : i32 to index
        %get3A_868 = arith.constant 32 : index
        %get3A_869 = tpu.vector_load %arg12[%get3A_867, %get3A_868] {strides = array<i32>} : memref<128x128xf32, #tpu.memory_space<vmem>>, vector<1x16xf32>,
        %get3A_870 = vector.shape_cast %get3A_869 : vector<1x16xf32> to vector<16xf32>
        %mul3A_871 = arith.mulf %get3A_870, %get3A_836 : vector<16xf32>
        %add3A_872 = arith.constant 5 : i32
        %add3A_873 = arith.addi %mul3A_254, %add3A_872 : i32
        %swap3A_874 = arith.index_cast %add3A_873 : i32 to index
        %swap3A_875 = arith.constant 32 : index
        %swap3A_876 = tpu.vector_load %arg12[%swap3A_874, %swap3A_875] {strides = array<i32>} : memref<128x128xf32, #tpu.memory_space<vmem>>, vector<1x16xf32>,
        %swap3A_877 = vector.shape_cast %swap3A_876 : vector<1x16xf32> to vector<16xf32>
        %swap3A_878 = vector.shape_cast %mul3A_871 : vector<16xf32> to vector<1x16xf32>
        tpu.vector_store %arg12[%swap3A_874, %swap3A_875], %swap3A_878 {strides = array<i32>} : memref<128x128xf32, #tpu.memory_space<vmem>>, vector<1x16xf32>,
        %add3A_879 = arith.constant 5 : i32
        %add3A_880 = arith.addi %mul3A_254, %add3A_879 : i32
        %get3A_881 = arith.index_cast %add3A_880 : i32 to index
        %get3A_882 = arith.constant 48 : index
        %get3A_883 = tpu.vector_load %arg12[%get3A_881, %get3A_882] {strides = array<i32>} : memref<128x128xf32, #tpu.memory_space<vmem>>, vector<1x16xf32>,
        %get3A_884 = vector.shape_cast %get3A_883 : vector<1x16xf32> to vector<16xf32>
        %mul3A_885 = arith.mulf %get3A_884, %get3A_836 : vector<16xf32>
        %add3A_886 = arith.constant 5 : i32
        %add3A_887 = arith.addi %mul3A_254, %add3A_886 : i32
        %swap3A_888 = arith.index_cast %add3A_887 : i32 to index
        %swap3A_889 = arith.constant 48 : index
        %swap3A_890 = tpu.vector_load %arg12[%swap3A_888, %swap3A_889] {strides = array<i32>} : memref<128x128xf32, #tpu.memory_space<vmem>>, vector<1x16xf32>,
        %swap3A_891 = vector.shape_cast %swap3A_890 : vector<1x16xf32> to vector<16xf32>
        %swap3A_892 = vector.shape_cast %mul3A_885 : vector<16xf32> to vector<1x16xf32>
        tpu.vector_store %arg12[%swap3A_888, %swap3A_889], %swap3A_892 {strides = array<i32>} : memref<128x128xf32, #tpu.memory_space<vmem>>, vector<1x16xf32>,
        %add3A_893 = arith.constant 5 : i32
        %add3A_894 = arith.addi %mul3A_254, %add3A_893 : i32
        %get3A_895 = arith.index_cast %add3A_894 : i32 to index
        %get3A_896 = arith.constant 64 : index
        %get3A_897 = tpu.vector_load %arg12[%get3A_895, %get3A_896] {strides = array<i32>} : memref<128x128xf32, #tpu.memory_space<vmem>>, vector<1x16xf32>,
        %get3A_898 = vector.shape_cast %get3A_897 : vector<1x16xf32> to vector<16xf32>
        %mul3A_899 = arith.mulf %get3A_898, %get3A_836 : vector<16xf32>
        %add3A_900 = arith.constant 5 : i32
        %add3A_901 = arith.addi %mul3A_254, %add3A_900 : i32
        %swap3A_902 = arith.index_cast %add3A_901 : i32 to index
        %swap3A_903 = arith.constant 64 : index
        %swap3A_904 = tpu.vector_load %arg12[%swap3A_902, %swap3A_903] {strides = array<i32>} : memref<128x128xf32, #tpu.memory_space<vmem>>, vector<1x16xf32>,
        %swap3A_905 = vector.shape_cast %swap3A_904 : vector<1x16xf32> to vector<16xf32>
        %swap3A_906 = vector.shape_cast %mul3A_899 : vector<16xf32> to vector<1x16xf32>
        tpu.vector_store %arg12[%swap3A_902, %swap3A_903], %swap3A_906 {strides = array<i32>} : memref<128x128xf32, #tpu.memory_space<vmem>>, vector<1x16xf32>,
        %add3A_907 = arith.constant 5 : i32
        %add3A_908 = arith.addi %mul3A_254, %add3A_907 : i32
        %get3A_909 = arith.index_cast %add3A_908 : i32 to index
        %get3A_910 = arith.constant 80 : index
        %get3A_911 = tpu.vector_load %arg12[%get3A_909, %get3A_910] {strides = array<i32>} : memref<128x128xf32, #tpu.memory_space<vmem>>, vector<1x16xf32>,
        %get3A_912 = vector.shape_cast %get3A_911 : vector<1x16xf32> to vector<16xf32>
        %mul3A_913 = arith.mulf %get3A_912, %get3A_836 : vector<16xf32>
        %add3A_914 = arith.constant 5 : i32
        %add3A_915 = arith.addi %mul3A_254, %add3A_914 : i32
        %swap3A_916 = arith.index_cast %add3A_915 : i32 to index
        %swap3A_917 = arith.constant 80 : index
        %swap3A_918 = tpu.vector_load %arg12[%swap3A_916, %swap3A_917] {strides = array<i32>} : memref<128x128xf32, #tpu.memory_space<vmem>>, vector<1x16xf32>,
        %swap3A_919 = vector.shape_cast %swap3A_918 : vector<1x16xf32> to vector<16xf32>
        %swap3A_920 = vector.shape_cast %mul3A_913 : vector<16xf32> to vector<1x16xf32>
        tpu.vector_store %arg12[%swap3A_916, %swap3A_917], %swap3A_920 {strides = array<i32>} : memref<128x128xf32, #tpu.memory_space<vmem>>, vector<1x16xf32>,
        %add3A_921 = arith.constant 5 : i32
        %add3A_922 = arith.addi %mul3A_254, %add3A_921 : i32
        %get3A_923 = arith.index_cast %add3A_922 : i32 to index
        %get3A_924 = arith.constant 96 : index
        %get3A_925 = tpu.vector_load %arg12[%get3A_923, %get3A_924] {strides = array<i32>} : memref<128x128xf32, #tpu.memory_space<vmem>>, vector<1x16xf32>,
        %get3A_926 = vector.shape_cast %get3A_925 : vector<1x16xf32> to vector<16xf32>
        %mul3A_927 = arith.mulf %get3A_926, %get3A_836 : vector<16xf32>
        %add3A_928 = arith.constant 5 : i32
        %add3A_929 = arith.addi %mul3A_254, %add3A_928 : i32
        %swap3A_930 = arith.index_cast %add3A_929 : i32 to index
        %swap3A_931 = arith.constant 96 : index
        %swap3A_932 = tpu.vector_load %arg12[%swap3A_930, %swap3A_931] {strides = array<i32>} : memref<128x128xf32, #tpu.memory_space<vmem>>, vector<1x16xf32>,
        %swap3A_933 = vector.shape_cast %swap3A_932 : vector<1x16xf32> to vector<16xf32>
        %swap3A_934 = vector.shape_cast %mul3A_927 : vector<16xf32> to vector<1x16xf32>
        tpu.vector_store %arg12[%swap3A_930, %swap3A_931], %swap3A_934 {strides = array<i32>} : memref<128x128xf32, #tpu.memory_space<vmem>>, vector<1x16xf32>,
        %add3A_935 = arith.constant 5 : i32
        %add3A_936 = arith.addi %mul3A_254, %add3A_935 : i32
        %get3A_937 = arith.index_cast %add3A_936 : i32 to index
        %get3A_938 = arith.constant 112 : index
        %get3A_939 = tpu.vector_load %arg12[%get3A_937, %get3A_938] {strides = array<i32>} : memref<128x128xf32, #tpu.memory_space<vmem>>, vector<1x16xf32>,
        %get3A_940 = vector.shape_cast %get3A_939 : vector<1x16xf32> to vector<16xf32>
        %mul3A_941 = arith.mulf %get3A_940, %get3A_836 : vector<16xf32>
        %add3A_942 = arith.constant 5 : i32
        %add3A_943 = arith.addi %mul3A_254, %add3A_942 : i32
        %swap3A_944 = arith.index_cast %add3A_943 : i32 to index
        %swap3A_945 = arith.constant 112 : index
        %swap3A_946 = tpu.vector_load %arg12[%swap3A_944, %swap3A_945] {strides = array<i32>} : memref<128x128xf32, #tpu.memory_space<vmem>>, vector<1x16xf32>,
        %swap3A_947 = vector.shape_cast %swap3A_946 : vector<1x16xf32> to vector<16xf32>
        %swap3A_948 = vector.shape_cast %mul3A_941 : vector<16xf32> to vector<1x16xf32>
        tpu.vector_store %arg12[%swap3A_944, %swap3A_945], %swap3A_948 {strides = array<i32>} : memref<128x128xf32, #tpu.memory_space<vmem>>, vector<1x16xf32>,
        %get3A_949 = arith.index_cast %scan3A_252 : i32 to index
        %get3A_950 = arith.constant 96 : index
        %get3A_951 = tpu.vector_load %arg10[%get3A_949, %get3A_950] {strides = array<i32>} : memref<16x128xf32, #tpu.memory_space<vmem>>, vector<1x16xf32>,
        %get3A_952 = vector.shape_cast %get3A_951 : vector<1x16xf32> to vector<16xf32>
        %add3A_953 = arith.constant 6 : i32
        %add3A_954 = arith.addi %mul3A_254, %add3A_953 : i32
        %get3A_955 = arith.index_cast %add3A_954 : i32 to index
        %get3A_956 = arith.constant 0 : index
        %get3A_957 = tpu.vector_load %arg12[%get3A_955, %get3A_956] {strides = array<i32>} : memref<128x128xf32, #tpu.memory_space<vmem>>, vector<1x16xf32>,
        %get3A_958 = vector.shape_cast %get3A_957 : vector<1x16xf32> to vector<16xf32>
        %mul3A_959 = arith.mulf %get3A_958, %get3A_952 : vector<16xf32>
        %add3A_960 = arith.constant 6 : i32
        %add3A_961 = arith.addi %mul3A_254, %add3A_960 : i32
        %swap3A_962 = arith.index_cast %add3A_961 : i32 to index
        %swap3A_963 = arith.constant 0 : index
        %swap3A_964 = tpu.vector_load %arg12[%swap3A_962, %swap3A_963] {strides = array<i32>} : memref<128x128xf32, #tpu.memory_space<vmem>>, vector<1x16xf32>,
        %swap3A_965 = vector.shape_cast %swap3A_964 : vector<1x16xf32> to vector<16xf32>
        %swap3A_966 = vector.shape_cast %mul3A_959 : vector<16xf32> to vector<1x16xf32>
        tpu.vector_store %arg12[%swap3A_962, %swap3A_963], %swap3A_966 {strides = array<i32>} : memref<128x128xf32, #tpu.memory_space<vmem>>, vector<1x16xf32>,
        %add3A_967 = arith.constant 6 : i32
        %add3A_968 = arith.addi %mul3A_254, %add3A_967 : i32
        %get3A_969 = arith.index_cast %add3A_968 : i32 to index
        %get3A_970 = arith.constant 16 : index
        %get3A_971 = tpu.vector_load %arg12[%get3A_969, %get3A_970] {strides = array<i32>} : memref<128x128xf32, #tpu.memory_space<vmem>>, vector<1x16xf32>,
        %get3A_972 = vector.shape_cast %get3A_971 : vector<1x16xf32> to vector<16xf32>
        %mul3A_973 = arith.mulf %get3A_972, %get3A_952 : vector<16xf32>
        %add3A_974 = arith.constant 6 : i32
        %add3A_975 = arith.addi %mul3A_254, %add3A_974 : i32
        %swap3A_976 = arith.index_cast %add3A_975 : i32 to index
        %swap3A_977 = arith.constant 16 : index
        %swap3A_978 = tpu.vector_load %arg12[%swap3A_976, %swap3A_977] {strides = array<i32>} : memref<128x128xf32, #tpu.memory_space<vmem>>, vector<1x16xf32>,
        %swap3A_979 = vector.shape_cast %swap3A_978 : vector<1x16xf32> to vector<16xf32>
        %swap3A_980 = vector.shape_cast %mul3A_973 : vector<16xf32> to vector<1x16xf32>
        tpu.vector_store %arg12[%swap3A_976, %swap3A_977], %swap3A_980 {strides = array<i32>} : memref<128x128xf32, #tpu.memory_space<vmem>>, vector<1x16xf32>,
        %add3A_981 = arith.constant 6 : i32
        %add3A_982 = arith.addi %mul3A_254, %add3A_981 : i32
        %get3A_983 = arith.index_cast %add3A_982 : i32 to index
        %get3A_984 = arith.constant 32 : index
        %get3A_985 = tpu.vector_load %arg12[%get3A_983, %get3A_984] {strides = array<i32>} : memref<128x128xf32, #tpu.memory_space<vmem>>, vector<1x16xf32>,
        %get3A_986 = vector.shape_cast %get3A_985 : vector<1x16xf32> to vector<16xf32>
        %mul3A_987 = arith.mulf %get3A_986, %get3A_952 : vector<16xf32>
        %add3A_988 = arith.constant 6 : i32
        %add3A_989 = arith.addi %mul3A_254, %add3A_988 : i32
        %swap3A_990 = arith.index_cast %add3A_989 : i32 to index
        %swap3A_991 = arith.constant 32 : index
        %swap3A_992 = tpu.vector_load %arg12[%swap3A_990, %swap3A_991] {strides = array<i32>} : memref<128x128xf32, #tpu.memory_space<vmem>>, vector<1x16xf32>,
        %swap3A_993 = vector.shape_cast %swap3A_992 : vector<1x16xf32> to vector<16xf32>
        %swap3A_994 = vector.shape_cast %mul3A_987 : vector<16xf32> to vector<1x16xf32>
        tpu.vector_store %arg12[%swap3A_990, %swap3A_991], %swap3A_994 {strides = array<i32>} : memref<128x128xf32, #tpu.memory_space<vmem>>, vector<1x16xf32>,
        %add3A_995 = arith.constant 6 : i32
        %add3A_996 = arith.addi %mul3A_254, %add3A_995 : i32
        %get3A_997 = arith.index_cast %add3A_996 : i32 to index
        %get3A_998 = arith.constant 48 : index
        %get3A_999 = tpu.vector_load %arg12[%get3A_997, %get3A_998] {strides = array<i32>} : memref<128x128xf32, #tpu.memory_space<vmem>>, vector<1x16xf32>,
        %get3A_1000 = vector.shape_cast %get3A_999 : vector<1x16xf32> to vector<16xf32>
        %mul3A_1001 = arith.mulf %get3A_1000, %get3A_952 : vector<16xf32>
        %add3A_1002 = arith.constant 6 : i32
        %add3A_1003 = arith.addi %mul3A_254, %add3A_1002 : i32
        %swap3A_1004 = arith.index_cast %add3A_1003 : i32 to index
        %swap3A_1005 = arith.constant 48 : index
        %swap3A_1006 = tpu.vector_load %arg12[%swap3A_1004, %swap3A_1005] {strides = array<i32>} : memref<128x128xf32, #tpu.memory_space<vmem>>, vector<1x16xf32>,
        %swap3A_1007 = vector.shape_cast %swap3A_1006 : vector<1x16xf32> to vector<16xf32>
        %swap3A_1008 = vector.shape_cast %mul3A_1001 : vector<16xf32> to vector<1x16xf32>
        tpu.vector_store %arg12[%swap3A_1004, %swap3A_1005], %swap3A_1008 {strides = array<i32>} : memref<128x128xf32, #tpu.memory_space<vmem>>, vector<1x16xf32>,
        %add3A_1009 = arith.constant 6 : i32
        %add3A_1010 = arith.addi %mul3A_254, %add3A_1009 : i32
        %get3A_1011 = arith.index_cast %add3A_1010 : i32 to index
        %get3A_1012 = arith.constant 64 : index
        %get3A_1013 = tpu.vector_load %arg12[%get3A_1011, %get3A_1012] {strides = array<i32>} : memref<128x128xf32, #tpu.memory_space<vmem>>, vector<1x16xf32>,
        %get3A_1014 = vector.shape_cast %get3A_1013 : vector<1x16xf32> to vector<16xf32>
        %mul3A_1015 = arith.mulf %get3A_1014, %get3A_952 : vector<16xf32>
        %add3A_1016 = arith.constant 6 : i32
        %add3A_1017 = arith.addi %mul3A_254, %add3A_1016 : i32
        %swap3A_1018 = arith.index_cast %add3A_1017 : i32 to index
        %swap3A_1019 = arith.constant 64 : index
        %swap3A_1020 = tpu.vector_load %arg12[%swap3A_1018, %swap3A_1019] {strides = array<i32>} : memref<128x128xf32, #tpu.memory_space<vmem>>, vector<1x16xf32>,
        %swap3A_1021 = vector.shape_cast %swap3A_1020 : vector<1x16xf32> to vector<16xf32>
        %swap3A_1022 = vector.shape_cast %mul3A_1015 : vector<16xf32> to vector<1x16xf32>
        tpu.vector_store %arg12[%swap3A_1018, %swap3A_1019], %swap3A_1022 {strides = array<i32>} : memref<128x128xf32, #tpu.memory_space<vmem>>, vector<1x16xf32>,
        %add3A_1023 = arith.constant 6 : i32
        %add3A_1024 = arith.addi %mul3A_254, %add3A_1023 : i32
        %get3A_1025 = arith.index_cast %add3A_1024 : i32 to index
        %get3A_1026 = arith.constant 80 : index
        %get3A_1027 = tpu.vector_load %arg12[%get3A_1025, %get3A_1026] {strides = array<i32>} : memref<128x128xf32, #tpu.memory_space<vmem>>, vector<1x16xf32>,
        %get3A_1028 = vector.shape_cast %get3A_1027 : vector<1x16xf32> to vector<16xf32>
        %mul3A_1029 = arith.mulf %get3A_1028, %get3A_952 : vector<16xf32>
        %add3A_1030 = arith.constant 6 : i32
        %add3A_1031 = arith.addi %mul3A_254, %add3A_1030 : i32
        %swap3A_1032 = arith.index_cast %add3A_1031 : i32 to index
        %swap3A_1033 = arith.constant 80 : index
        %swap3A_1034 = tpu.vector_load %arg12[%swap3A_1032, %swap3A_1033] {strides = array<i32>} : memref<128x128xf32, #tpu.memory_space<vmem>>, vector<1x16xf32>,
        %swap3A_1035 = vector.shape_cast %swap3A_1034 : vector<1x16xf32> to vector<16xf32>
        %swap3A_1036 = vector.shape_cast %mul3A_1029 : vector<16xf32> to vector<1x16xf32>
        tpu.vector_store %arg12[%swap3A_1032, %swap3A_1033], %swap3A_1036 {strides = array<i32>} : memref<128x128xf32, #tpu.memory_space<vmem>>, vector<1x16xf32>,
        %add3A_1037 = arith.constant 6 : i32
        %add3A_1038 = arith.addi %mul3A_254, %add3A_1037 : i32
        %get3A_1039 = arith.index_cast %add3A_1038 : i32 to index
        %get3A_1040 = arith.constant 96 : index
        %get3A_1041 = tpu.vector_load %arg12[%get3A_1039, %get3A_1040] {strides = array<i32>} : memref<128x128xf32, #tpu.memory_space<vmem>>, vector<1x16xf32>,
        %get3A_1042 = vector.shape_cast %get3A_1041 : vector<1x16xf32> to vector<16xf32>
        %mul3A_1043 = arith.mulf %get3A_1042, %get3A_952 : vector<16xf32>
        %add3A_1044 = arith.constant 6 : i32
        %add3A_1045 = arith.addi %mul3A_254, %add3A_1044 : i32
        %swap3A_1046 = arith.index_cast %add3A_1045 : i32 to index
        %swap3A_1047 = arith.constant 96 : index
        %swap3A_1048 = tpu.vector_load %arg12[%swap3A_1046, %swap3A_1047] {strides = array<i32>} : memref<128x128xf32, #tpu.memory_space<vmem>>, vector<1x16xf32>,
        %swap3A_1049 = vector.shape_cast %swap3A_1048 : vector<1x16xf32> to vector<16xf32>
        %swap3A_1050 = vector.shape_cast %mul3A_1043 : vector<16xf32> to vector<1x16xf32>
        tpu.vector_store %arg12[%swap3A_1046, %swap3A_1047], %swap3A_1050 {strides = array<i32>} : memref<128x128xf32, #tpu.memory_space<vmem>>, vector<1x16xf32>,
        %add3A_1051 = arith.constant 6 : i32
        %add3A_1052 = arith.addi %mul3A_254, %add3A_1051 : i32
        %get3A_1053 = arith.index_cast %add3A_1052 : i32 to index
        %get3A_1054 = arith.constant 112 : index
        %get3A_1055 = tpu.vector_load %arg12[%get3A_1053, %get3A_1054] {strides = array<i32>} : memref<128x128xf32, #tpu.memory_space<vmem>>, vector<1x16xf32>,
        %get3A_1056 = vector.shape_cast %get3A_1055 : vector<1x16xf32> to vector<16xf32>
        %mul3A_1057 = arith.mulf %get3A_1056, %get3A_952 : vector<16xf32>
        %add3A_1058 = arith.constant 6 : i32
        %add3A_1059 = arith.addi %mul3A_254, %add3A_1058 : i32
        %swap3A_1060 = arith.index_cast %add3A_1059 : i32 to index
        %swap3A_1061 = arith.constant 112 : index
        %swap3A_1062 = tpu.vector_load %arg12[%swap3A_1060, %swap3A_1061] {strides = array<i32>} : memref<128x128xf32, #tpu.memory_space<vmem>>, vector<1x16xf32>,
        %swap3A_1063 = vector.shape_cast %swap3A_1062 : vector<1x16xf32> to vector<16xf32>
        %swap3A_1064 = vector.shape_cast %mul3A_1057 : vector<16xf32> to vector<1x16xf32>
        tpu.vector_store %arg12[%swap3A_1060, %swap3A_1061], %swap3A_1064 {strides = array<i32>} : memref<128x128xf32, #tpu.memory_space<vmem>>, vector<1x16xf32>,
        %get3A_1065 = arith.index_cast %scan3A_252 : i32 to index
        %get3A_1066 = arith.constant 112 : index
        %get3A_1067 = tpu.vector_load %arg10[%get3A_1065, %get3A_1066] {strides = array<i32>} : memref<16x128xf32, #tpu.memory_space<vmem>>, vector<1x16xf32>,
        %get3A_1068 = vector.shape_cast %get3A_1067 : vector<1x16xf32> to vector<16xf32>
        %add3A_1069 = arith.constant 7 : i32
        %add3A_1070 = arith.addi %mul3A_254, %add3A_1069 : i32
        %get3A_1071 = arith.index_cast %add3A_1070 : i32 to index
        %get3A_1072 = arith.constant 0 : index
        %get3A_1073 = tpu.vector_load %arg12[%get3A_1071, %get3A_1072] {strides = array<i32>} : memref<128x128xf32, #tpu.memory_space<vmem>>, vector<1x16xf32>,
        %get3A_1074 = vector.shape_cast %get3A_1073 : vector<1x16xf32> to vector<16xf32>
        %mul3A_1075 = arith.mulf %get3A_1074, %get3A_1068 : vector<16xf32>
        %add3A_1076 = arith.constant 7 : i32
        %add3A_1077 = arith.addi %mul3A_254, %add3A_1076 : i32
        %swap3A_1078 = arith.index_cast %add3A_1077 : i32 to index
        %swap3A_1079 = arith.constant 0 : index
        %swap3A_1080 = tpu.vector_load %arg12[%swap3A_1078, %swap3A_1079] {strides = array<i32>} : memref<128x128xf32, #tpu.memory_space<vmem>>, vector<1x16xf32>,
        %swap3A_1081 = vector.shape_cast %swap3A_1080 : vector<1x16xf32> to vector<16xf32>
        %swap3A_1082 = vector.shape_cast %mul3A_1075 : vector<16xf32> to vector<1x16xf32>
        tpu.vector_store %arg12[%swap3A_1078, %swap3A_1079], %swap3A_1082 {strides = array<i32>} : memref<128x128xf32, #tpu.memory_space<vmem>>, vector<1x16xf32>,
        %add3A_1083 = arith.constant 7 : i32
        %add3A_1084 = arith.addi %mul3A_254, %add3A_1083 : i32
        %get3A_1085 = arith.index_cast %add3A_1084 : i32 to index
        %get3A_1086 = arith.constant 16 : index
        %get3A_1087 = tpu.vector_load %arg12[%get3A_1085, %get3A_1086] {strides = array<i32>} : memref<128x128xf32, #tpu.memory_space<vmem>>, vector<1x16xf32>,
        %get3A_1088 = vector.shape_cast %get3A_1087 : vector<1x16xf32> to vector<16xf32>
        %mul3A_1089 = arith.mulf %get3A_1088, %get3A_1068 : vector<16xf32>
        %add3A_1090 = arith.constant 7 : i32
        %add3A_1091 = arith.addi %mul3A_254, %add3A_1090 : i32
        %swap3A_1092 = arith.index_cast %add3A_1091 : i32 to index
        %swap3A_1093 = arith.constant 16 : index
        %swap3A_1094 = tpu.vector_load %arg12[%swap3A_1092, %swap3A_1093] {strides = array<i32>} : memref<128x128xf32, #tpu.memory_space<vmem>>, vector<1x16xf32>,
        %swap3A_1095 = vector.shape_cast %swap3A_1094 : vector<1x16xf32> to vector<16xf32>
        %swap3A_1096 = vector.shape_cast %mul3A_1089 : vector<16xf32> to vector<1x16xf32>
        tpu.vector_store %arg12[%swap3A_1092, %swap3A_1093], %swap3A_1096 {strides = array<i32>} : memref<128x128xf32, #tpu.memory_space<vmem>>, vector<1x16xf32>,
        %add3A_1097 = arith.constant 7 : i32
        %add3A_1098 = arith.addi %mul3A_254, %add3A_1097 : i32
        %get3A_1099 = arith.index_cast %add3A_1098 : i32 to index
        %get3A_1100 = arith.constant 32 : index
        %get3A_1101 = tpu.vector_load %arg12[%get3A_1099, %get3A_1100] {strides = array<i32>} : memref<128x128xf32, #tpu.memory_space<vmem>>, vector<1x16xf32>,
        %get3A_1102 = vector.shape_cast %get3A_1101 : vector<1x16xf32> to vector<16xf32>
        %mul3A_1103 = arith.mulf %get3A_1102, %get3A_1068 : vector<16xf32>
        %add3A_1104 = arith.constant 7 : i32
        %add3A_1105 = arith.addi %mul3A_254, %add3A_1104 : i32
        %swap3A_1106 = arith.index_cast %add3A_1105 : i32 to index
        %swap3A_1107 = arith.constant 32 : index
        %swap3A_1108 = tpu.vector_load %arg12[%swap3A_1106, %swap3A_1107] {strides = array<i32>} : memref<128x128xf32, #tpu.memory_space<vmem>>, vector<1x16xf32>,
        %swap3A_1109 = vector.shape_cast %swap3A_1108 : vector<1x16xf32> to vector<16xf32>
        %swap3A_1110 = vector.shape_cast %mul3A_1103 : vector<16xf32> to vector<1x16xf32>
        tpu.vector_store %arg12[%swap3A_1106, %swap3A_1107], %swap3A_1110 {strides = array<i32>} : memref<128x128xf32, #tpu.memory_space<vmem>>, vector<1x16xf32>,
        %add3A_1111 = arith.constant 7 : i32
        %add3A_1112 = arith.addi %mul3A_254, %add3A_1111 : i32
        %get3A_1113 = arith.index_cast %add3A_1112 : i32 to index
        %get3A_1114 = arith.constant 48 : index
        %get3A_1115 = tpu.vector_load %arg12[%get3A_1113, %get3A_1114] {strides = array<i32>} : memref<128x128xf32, #tpu.memory_space<vmem>>, vector<1x16xf32>,
        %get3A_1116 = vector.shape_cast %get3A_1115 : vector<1x16xf32> to vector<16xf32>
        %mul3A_1117 = arith.mulf %get3A_1116, %get3A_1068 : vector<16xf32>
        %add3A_1118 = arith.constant 7 : i32
        %add3A_1119 = arith.addi %mul3A_254, %add3A_1118 : i32
        %swap3A_1120 = arith.index_cast %add3A_1119 : i32 to index
        %swap3A_1121 = arith.constant 48 : index
        %swap3A_1122 = tpu.vector_load %arg12[%swap3A_1120, %swap3A_1121] {strides = array<i32>} : memref<128x128xf32, #tpu.memory_space<vmem>>, vector<1x16xf32>,
        %swap3A_1123 = vector.shape_cast %swap3A_1122 : vector<1x16xf32> to vector<16xf32>
        %swap3A_1124 = vector.shape_cast %mul3A_1117 : vector<16xf32> to vector<1x16xf32>
        tpu.vector_store %arg12[%swap3A_1120, %swap3A_1121], %swap3A_1124 {strides = array<i32>} : memref<128x128xf32, #tpu.memory_space<vmem>>, vector<1x16xf32>,
        %add3A_1125 = arith.constant 7 : i32
        %add3A_1126 = arith.addi %mul3A_254, %add3A_1125 : i32
        %get3A_1127 = arith.index_cast %add3A_1126 : i32 to index
        %get3A_1128 = arith.constant 64 : index
        %get3A_1129 = tpu.vector_load %arg12[%get3A_1127, %get3A_1128] {strides = array<i32>} : memref<128x128xf32, #tpu.memory_space<vmem>>, vector<1x16xf32>,
        %get3A_1130 = vector.shape_cast %get3A_1129 : vector<1x16xf32> to vector<16xf32>
        %mul3A_1131 = arith.mulf %get3A_1130, %get3A_1068 : vector<16xf32>
        %add3A_1132 = arith.constant 7 : i32
        %add3A_1133 = arith.addi %mul3A_254, %add3A_1132 : i32
        %swap3A_1134 = arith.index_cast %add3A_1133 : i32 to index
        %swap3A_1135 = arith.constant 64 : index
        %swap3A_1136 = tpu.vector_load %arg12[%swap3A_1134, %swap3A_1135] {strides = array<i32>} : memref<128x128xf32, #tpu.memory_space<vmem>>, vector<1x16xf32>,
        %swap3A_1137 = vector.shape_cast %swap3A_1136 : vector<1x16xf32> to vector<16xf32>
        %swap3A_1138 = vector.shape_cast %mul3A_1131 : vector<16xf32> to vector<1x16xf32>
        tpu.vector_store %arg12[%swap3A_1134, %swap3A_1135], %swap3A_1138 {strides = array<i32>} : memref<128x128xf32, #tpu.memory_space<vmem>>, vector<1x16xf32>,
        %add3A_1139 = arith.constant 7 : i32
        %add3A_1140 = arith.addi %mul3A_254, %add3A_1139 : i32
        %get3A_1141 = arith.index_cast %add3A_1140 : i32 to index
        %get3A_1142 = arith.constant 80 : index
        %get3A_1143 = tpu.vector_load %arg12[%get3A_1141, %get3A_1142] {strides = array<i32>} : memref<128x128xf32, #tpu.memory_space<vmem>>, vector<1x16xf32>,
        %get3A_1144 = vector.shape_cast %get3A_1143 : vector<1x16xf32> to vector<16xf32>
        %mul3A_1145 = arith.mulf %get3A_1144, %get3A_1068 : vector<16xf32>
        %add3A_1146 = arith.constant 7 : i32
        %add3A_1147 = arith.addi %mul3A_254, %add3A_1146 : i32
        %swap3A_1148 = arith.index_cast %add3A_1147 : i32 to index
        %swap3A_1149 = arith.constant 80 : index
        %swap3A_1150 = tpu.vector_load %arg12[%swap3A_1148, %swap3A_1149] {strides = array<i32>} : memref<128x128xf32, #tpu.memory_space<vmem>>, vector<1x16xf32>,
        %swap3A_1151 = vector.shape_cast %swap3A_1150 : vector<1x16xf32> to vector<16xf32>
        %swap3A_1152 = vector.shape_cast %mul3A_1145 : vector<16xf32> to vector<1x16xf32>
        tpu.vector_store %arg12[%swap3A_1148, %swap3A_1149], %swap3A_1152 {strides = array<i32>} : memref<128x128xf32, #tpu.memory_space<vmem>>, vector<1x16xf32>,
        %add3A_1153 = arith.constant 7 : i32
        %add3A_1154 = arith.addi %mul3A_254, %add3A_1153 : i32
        %get3A_1155 = arith.index_cast %add3A_1154 : i32 to index
        %get3A_1156 = arith.constant 96 : index
        %get3A_1157 = tpu.vector_load %arg12[%get3A_1155, %get3A_1156] {strides = array<i32>} : memref<128x128xf32, #tpu.memory_space<vmem>>, vector<1x16xf32>,
        %get3A_1158 = vector.shape_cast %get3A_1157 : vector<1x16xf32> to vector<16xf32>
        %mul3A_1159 = arith.mulf %get3A_1158, %get3A_1068 : vector<16xf32>
        %add3A_1160 = arith.constant 7 : i32
        %add3A_1161 = arith.addi %mul3A_254, %add3A_1160 : i32
        %swap3A_1162 = arith.index_cast %add3A_1161 : i32 to index
        %swap3A_1163 = arith.constant 96 : index
        %swap3A_1164 = tpu.vector_load %arg12[%swap3A_1162, %swap3A_1163] {strides = array<i32>} : memref<128x128xf32, #tpu.memory_space<vmem>>, vector<1x16xf32>,
        %swap3A_1165 = vector.shape_cast %swap3A_1164 : vector<1x16xf32> to vector<16xf32>
        %swap3A_1166 = vector.shape_cast %mul3A_1159 : vector<16xf32> to vector<1x16xf32>
        tpu.vector_store %arg12[%swap3A_1162, %swap3A_1163], %swap3A_1166 {strides = array<i32>} : memref<128x128xf32, #tpu.memory_space<vmem>>, vector<1x16xf32>,
        %add3A_1167 = arith.constant 7 : i32
        %add3A_1168 = arith.addi %mul3A_254, %add3A_1167 : i32
        %get3A_1169 = arith.index_cast %add3A_1168 : i32 to index
        %get3A_1170 = arith.constant 112 : index
        %get3A_1171 = tpu.vector_load %arg12[%get3A_1169, %get3A_1170] {strides = array<i32>} : memref<128x128xf32, #tpu.memory_space<vmem>>, vector<1x16xf32>,
        %get3A_1172 = vector.shape_cast %get3A_1171 : vector<1x16xf32> to vector<16xf32>
        %mul3A_1173 = arith.mulf %get3A_1172, %get3A_1068 : vector<16xf32>
        %add3A_1174 = arith.constant 7 : i32
        %add3A_1175 = arith.addi %mul3A_254, %add3A_1174 : i32
        %swap3A_1176 = arith.index_cast %add3A_1175 : i32 to index
        %swap3A_1177 = arith.constant 112 : index
        %swap3A_1178 = tpu.vector_load %arg12[%swap3A_1176, %swap3A_1177] {strides = array<i32>} : memref<128x128xf32, #tpu.memory_space<vmem>>, vector<1x16xf32>,
        %swap3A_1179 = vector.shape_cast %swap3A_1178 : vector<1x16xf32> to vector<16xf32>
        %swap3A_1180 = vector.shape_cast %mul3A_1173 : vector<16xf32> to vector<1x16xf32>
        tpu.vector_store %arg12[%swap3A_1176, %swap3A_1177], %swap3A_1180 {strides = array<i32>} : memref<128x128xf32, #tpu.memory_space<vmem>>, vector<1x16xf32>,
      }
      %scan3A_152 = arith.constant 16 : i32
      %dma_wait3A_153 = arith.constant 0 : i32
      %dma_wait3A_154 = arith.constant 0 : i32
      %dma_wait3A_155 = arith.constant 0 : i32
      %dma_wait3A_156 = tpu.memref_slice %arg9[%dma_wait3A_154, %dma_wait3A_155] : memref<2x128xi32, #tpu.memory_space<vmem>> -> memref<1x128xi32, #tpu.memory_space<vmem>>
      %dma_wait3A_157 = tpu.memref_squeeze %dma_wait3A_156 : memref<1x128xi32, #tpu.memory_space<vmem>> -> memref<128xi32, #tpu.memory_space<vmem>>
      %dma_wait3A_158 = arith.constant 0 : i32
      %dma_wait3A_159 = tpu.memref_slice %arg4[%add3A, %mul3A_100, %dma_wait3A_153, %dma_wait3A_158] : memref<32x79x1x128xi32, #tpu.memory_space<hbm>> -> memref<1x1x1x128xi32, #tpu.memory_space<hbm>>
      %dma_wait3A_160 = tpu.memref_squeeze %dma_wait3A_159 : memref<1x1x1x128xi32, #tpu.memory_space<hbm>> -> memref<128xi32, #tpu.memory_space<hbm>>
      %dma_wait3A_161 = arith.constant 0 : i32
      %dma_wait3A_162 = tpu.memref_slice %arg9[%dma_wait3A_154, %dma_wait3A_161] : memref<2x128xi32, #tpu.memory_space<vmem>> -> memref<1x128xi32, #tpu.memory_space<vmem>>
      %dma_wait3A_163 = tpu.memref_squeeze %dma_wait3A_162 : memref<1x128xi32, #tpu.memory_space<vmem>> -> memref<128xi32, #tpu.memory_space<vmem>>
      %dma_wait3A_164 = arith.constant 0 : i32
      %dma_wait3A_165 = tpu.memref_slice %arg4[%add3A, %mul3A_100, %dma_wait3A_153, %dma_wait3A_164] : memref<32x79x1x128xi32, #tpu.memory_space<hbm>> -> memref<1x1x1x128xi32, #tpu.memory_space<hbm>>
      %dma_wait3A_166 = tpu.memref_squeeze %dma_wait3A_165 : memref<1x1x1x128xi32, #tpu.memory_space<hbm>> -> memref<128xi32, #tpu.memory_space<hbm>>
      tpu.wait_dma2 semaphore(%arg17 : memref<!tpu.dma_semaphore, #tpu.memory_space<semaphore_mem>>) src(%dma_wait3A_166 : memref<128xi32, #tpu.memory_space<hbm>>) dst(%dma_wait3A_163 : memref<128xi32, #tpu.memory_space<vmem>>)
      %dma_start3A_167 = arith.constant 0 : i32
      %dma_start3A_168 = arith.constant 0 : i32
      %dma_start3A_169 = tpu.memref_slice %arg9[%dma_start3A_167, %dma_start3A_168] : memref<2x128xi32, #tpu.memory_space<vmem>> -> memref<1x128xi32, #tpu.memory_space<vmem>>
      %dma_start3A_170 = tpu.memref_squeeze %dma_start3A_169 : memref<1x128xi32, #tpu.memory_space<vmem>> -> memref<128xi32, #tpu.memory_space<vmem>>
      %dma_start3A_171 = arith.constant 0 : i32
      %dma_start3A_172 = arith.constant 0 : i32
      %dma_start3A_173 = tpu.memref_slice %arg14[%dma_start3A_171, %dma_start3A_172] : memref<10240x128xf32, #tpu.memory_space<vmem_shared>> -> memref<10240x128xf32, #tpu.memory_space<vmem_shared>>
      tpu.enqueue_indirect_dma source(%arg12 : memref<128x128xf32, #tpu.memory_space<vmem>>) target(%dma_start3A_173 : memref<10240x128xf32, #tpu.memory_space<vmem_shared>>) offsets(%dma_start3A_170 : memref<128xi32, #tpu.memory_space<vmem>>) semaphore(%arg21 : memref<!tpu.dma_semaphore, #tpu.memory_space<semaphore_mem>>) {add = true}
      %dma_wait3A_174 = arith.constant 0 : i32
      %dma_wait3A_175 = tpu.memref_slice %arg8[%add3A_102, %dma_wait3A_174] : memref<79x128xi32, #tpu.memory_space<vmem>> -> memref<1x128xi32, #tpu.memory_space<vmem>>
      %dma_wait3A_176 = tpu.memref_squeeze %dma_wait3A_175 : memref<1x128xi32, #tpu.memory_space<vmem>> -> memref<128xi32, #tpu.memory_space<vmem>>
      %dma_wait3A_177 = arith.constant 0 : i32
      %dma_wait3A_178 = arith.constant 0 : i32
      %dma_wait3A_179 = tpu.memref_slice %arg2[%dma_wait3A_177, %dma_wait3A_178] : memref<10240x128xf32, #tpu.memory_space<hbm>> -> memref<10240x128xf32, #tpu.memory_space<hbm>>
      tpu.wait_indirect_dma semaphore(%arg16 : memref<!tpu.dma_semaphore, #tpu.memory_space<semaphore_mem>>) src(%dma_wait3A_179 : memref<10240x128xf32, #tpu.memory_space<hbm>>) dst(%arg13 : memref<128x128xf32, #tpu.memory_space<vmem>>)
      %dma_wait3A_180 = arith.constant 0 : i32
      %dma_wait3A_181 = arith.constant 0 : i32
      %dma_wait3A_182 = tpu.memref_slice %arg5[%add3A, %add3A_102, %dma_wait3A_180, %dma_wait3A_181] : memref<32x79x16x128xf32, #tpu.memory_space<hbm>> -> memref<1x1x16x128xf32, #tpu.memory_space<hbm>>
      %dma_wait3A_183 = tpu.memref_squeeze %dma_wait3A_182 : memref<1x1x16x128xf32, #tpu.memory_space<hbm>> -> memref<16x128xf32, #tpu.memory_space<hbm>>
      %dma_wait3A_184 = arith.constant 0 : i32
      %dma_wait3A_185 = arith.constant 0 : i32
      %dma_wait3A_186 = tpu.memref_slice %arg5[%add3A, %add3A_102, %dma_wait3A_184, %dma_wait3A_185] : memref<32x79x16x128xf32, #tpu.memory_space<hbm>> -> memref<1x1x16x128xf32, #tpu.memory_space<hbm>>
      %dma_wait3A_187 = tpu.memref_squeeze %dma_wait3A_186 : memref<1x1x16x128xf32, #tpu.memory_space<hbm>> -> memref<16x128xf32, #tpu.memory_space<hbm>>
      tpu.wait_dma2 semaphore(%arg20 : memref<!tpu.dma_semaphore, #tpu.memory_space<semaphore_mem>>) src(%dma_wait3A_187 : memref<16x128xf32, #tpu.memory_space<hbm>>) dst(%arg11 : memref<16x128xf32, #tpu.memory_space<vmem>>)
      %dma_wait3A_188 = arith.constant 0 : i32
      %dma_wait3A_189 = arith.constant 0 : i32
      %dma_wait3A_190 = tpu.memref_slice %arg9[%dma_wait3A_188, %dma_wait3A_189] : memref<2x128xi32, #tpu.memory_space<vmem>> -> memref<1x128xi32, #tpu.memory_space<vmem>>
      %dma_wait3A_191 = tpu.memref_squeeze %dma_wait3A_190 : memref<1x128xi32, #tpu.memory_space<vmem>> -> memref<128xi32, #tpu.memory_space<vmem>>
      %dma_wait3A_192 = arith.constant 0 : i32
      %dma_wait3A_193 = arith.constant 0 : i32
      %dma_wait3A_194 = tpu.memref_slice %arg14[%dma_wait3A_192, %dma_wait3A_193] : memref<10240x128xf32, #tpu.memory_space<vmem_shared>> -> memref<10240x128xf32, #tpu.memory_space<vmem_shared>>
      tpu.wait_indirect_dma semaphore(%arg21 : memref<!tpu.dma_semaphore, #tpu.memory_space<semaphore_mem>>) src(%arg12 : memref<128x128xf32, #tpu.memory_space<vmem>>) dst(%dma_wait3A_194 : memref<10240x128xf32, #tpu.memory_space<vmem_shared>>)
      %add3A_195 = arith.constant 2 : i32
      %add3A_196 = arith.addi %mul3A_100, %add3A_195 : i32
      %dma_start3A_197 = arith.constant 0 : i32
      %dma_start3A_198 = tpu.memref_slice %arg8[%add3A_196, %dma_start3A_197] : memref<79x128xi32, #tpu.memory_space<vmem>> -> memref<1x128xi32, #tpu.memory_space<vmem>>
      %dma_start3A_199 = tpu.memref_squeeze %dma_start3A_198 : memref<1x128xi32, #tpu.memory_space<vmem>> -> memref<128xi32, #tpu.memory_space<vmem>>
      %dma_start3A_200 = arith.constant 0 : i32
      %dma_start3A_201 = arith.constant 0 : i32
      %dma_start3A_202 = tpu.memref_slice %arg2[%dma_start3A_200, %dma_start3A_201] : memref<10240x128xf32, #tpu.memory_space<hbm>> -> memref<10240x128xf32, #tpu.memory_space<hbm>>
      tpu.enqueue_indirect_dma source(%dma_start3A_202 : memref<10240x128xf32, #tpu.memory_space<hbm>>) target(%arg12 : memref<128x128xf32, #tpu.memory_space<vmem>>) offsets(%dma_start3A_199 : memref<128xi32, #tpu.memory_space<vmem>>) semaphore(%arg15 : memref<!tpu.dma_semaphore, #tpu.memory_space<semaphore_mem>>)
      %dma_start3A_203 = arith.constant 0 : i32
      %dma_start3A_204 = arith.constant 0 : i32
      %dma_start3A_205 = arith.constant 0 : i32
      %dma_start3A_206 = tpu.memref_slice %arg9[%dma_start3A_204, %dma_start3A_205] : memref<2x128xi32, #tpu.memory_space<vmem>> -> memref<1x128xi32, #tpu.memory_space<vmem>>
      %dma_start3A_207 = tpu.memref_squeeze %dma_start3A_206 : memref<1x128xi32, #tpu.memory_space<vmem>> -> memref<128xi32, #tpu.memory_space<vmem>>
      %dma_start3A_208 = arith.constant 0 : i32
      %dma_start3A_209 = tpu.memref_slice %arg4[%add3A, %add3A_196, %dma_start3A_203, %dma_start3A_208] : memref<32x79x1x128xi32, #tpu.memory_space<hbm>> -> memref<1x1x1x128xi32, #tpu.memory_space<hbm>>
      %dma_start3A_210 = tpu.memref_squeeze %dma_start3A_209 : memref<1x1x1x128xi32, #tpu.memory_space<hbm>> -> memref<128xi32, #tpu.memory_space<hbm>>
      %dma_start3A_211 = arith.constant 0 : i32
      %dma_start3A_212 = tpu.memref_slice %arg9[%dma_start3A_204, %dma_start3A_211] : memref<2x128xi32, #tpu.memory_space<vmem>> -> memref<1x128xi32, #tpu.memory_space<vmem>>
      %dma_start3A_213 = tpu.memref_squeeze %dma_start3A_212 : memref<1x128xi32, #tpu.memory_space<vmem>> -> memref<128xi32, #tpu.memory_space<vmem>>
      %dma_start3A_214 = arith.constant 0 : i32
      %dma_start3A_215 = tpu.memref_slice %arg4[%add3A, %add3A_196, %dma_start3A_203, %dma_start3A_214] : memref<32x79x1x128xi32, #tpu.memory_space<hbm>> -> memref<1x1x1x128xi32, #tpu.memory_space<hbm>>
      %dma_start3A_216 = tpu.memref_squeeze %dma_start3A_215 : memref<1x1x1x128xi32, #tpu.memory_space<hbm>> -> memref<128xi32, #tpu.memory_space<hbm>>
      tpu.enqueue_dma source(%dma_start3A_216 : memref<128xi32, #tpu.memory_space<hbm>>) target(%dma_start3A_213 : memref<128xi32, #tpu.memory_space<vmem>>) target_semaphore(%arg17 : memref<!tpu.dma_semaphore, #tpu.memory_space<semaphore_mem>>)
      %dma_start3A_217 = arith.constant 0 : i32
      %dma_start3A_218 = arith.constant 0 : i32
      %dma_start3A_219 = tpu.memref_slice %arg5[%add3A, %add3A_196, %dma_start3A_217, %dma_start3A_218] : memref<32x79x16x128xf32, #tpu.memory_space<hbm>> -> memref<1x1x16x128xf32, #tpu.memory_space<hbm>>
      %dma_start3A_220 = tpu.memref_squeeze %dma_start3A_219 : memref<1x1x16x128xf32, #tpu.memory_space<hbm>> -> memref<16x128xf32, #tpu.memory_space<hbm>>
      %dma_start3A_221 = arith.constant 0 : i32
      %dma_start3A_222 = arith.constant 0 : i32
      %dma_start3A_223 = tpu.memref_slice %arg5[%add3A, %add3A_196, %dma_start3A_221, %dma_start3A_222] : memref<32x79x16x128xf32, #tpu.memory_space<hbm>> -> memref<1x1x16x128xf32, #tpu.memory_space<hbm>>
      %dma_start3A_224 = tpu.memref_squeeze %dma_start3A_223 : memref<1x1x16x128xf32, #tpu.memory_space<hbm>> -> memref<16x128xf32, #tpu.memory_space<hbm>>
      tpu.enqueue_dma source(%dma_start3A_224 : memref<16x128xf32, #tpu.memory_space<hbm>>) target(%arg10 : memref<16x128xf32, #tpu.memory_space<vmem>>) target_semaphore(%arg19 : memref<!tpu.dma_semaphore, #tpu.memory_space<semaphore_mem>>)
      %scan3A_225 = arith.constant 0 : i32
      %scan3A_226 = arith.constant 0 : i32
      %scan3A_227 = arith.constant 16 : i32
      %scan3A_228 = arith.addi %scan3A_226, %scan3A_227 : i32
      %scan3A_229 = arith.constant 1 : i32
      scf.for %scan3A_252 = %scan3A_226 to %scan3A_228 step %scan3A_229  : i32 {
        %mul3A_253 = arith.constant 8 : i32
        %mul3A_254 = arith.muli %scan3A_252, %mul3A_253 : i32
        %get3A = arith.index_cast %scan3A_252 : i32 to index
        %get3A_255 = arith.constant 0 : index
        %get3A_256 = tpu.vector_load %arg11[%get3A, %get3A_255] {strides = array<i32>} : memref<16x128xf32, #tpu.memory_space<vmem>>, vector<1x16xf32>,
        %get3A_257 = vector.shape_cast %get3A_256 : vector<1x16xf32> to vector<16xf32>
        %add3A_258 = arith.constant 0 : i32
        %add3A_259 = arith.addi %mul3A_254, %add3A_258 : i32
        %get3A_260 = arith.index_cast %add3A_259 : i32 to index
        %get3A_261 = arith.constant 0 : index
        %get3A_262 = tpu.vector_load %arg13[%get3A_260, %get3A_261] {strides = array<i32>} : memref<128x128xf32, #tpu.memory_space<vmem>>, vector<1x16xf32>,
        %get3A_263 = vector.shape_cast %get3A_262 : vector<1x16xf32> to vector<16xf32>
        %mul3A_264 = arith.mulf %get3A_263, %get3A_257 : vector<16xf32>
        %add3A_265 = arith.constant 0 : i32
        %add3A_266 = arith.addi %mul3A_254, %add3A_265 : i32
        %swap3A = arith.index_cast %add3A_266 : i32 to index
        %swap3A_267 = arith.constant 0 : index
        %swap3A_268 = tpu.vector_load %arg13[%swap3A, %swap3A_267] {strides = array<i32>} : memref<128x128xf32, #tpu.memory_space<vmem>>, vector<1x16xf32>,
        %swap3A_269 = vector.shape_cast %swap3A_268 : vector<1x16xf32> to vector<16xf32>
        %swap3A_270 = vector.shape_cast %mul3A_264 : vector<16xf32> to vector<1x16xf32>
        tpu.vector_store %arg13[%swap3A, %swap3A_267], %swap3A_270 {strides = array<i32>} : memref<128x128xf32, #tpu.memory_space<vmem>>, vector<1x16xf32>,
        %add3A_271 = arith.constant 0 : i32
        %add3A_272 = arith.addi %mul3A_254, %add3A_271 : i32
        %get3A_273 = arith.index_cast %add3A_272 : i32 to index
        %get3A_274 = arith.constant 16 : index
        %get3A_275 = tpu.vector_load %arg13[%get3A_273, %get3A_274] {strides = array<i32>} : memref<128x128xf32, #tpu.memory_space<vmem>>, vector<1x16xf32>,
        %get3A_276 = vector.shape_cast %get3A_275 : vector<1x16xf32> to vector<16xf32>
        %mul3A_277 = arith.mulf %get3A_276, %get3A_257 : vector<16xf32>
        %add3A_278 = arith.constant 0 : i32
        %add3A_279 = arith.addi %mul3A_254, %add3A_278 : i32
        %swap3A_280 = arith.index_cast %add3A_279 : i32 to index
        %swap3A_281 = arith.constant 16 : index
        %swap3A_282 = tpu.vector_load %arg13[%swap3A_280, %swap3A_281] {strides = array<i32>} : memref<128x128xf32, #tpu.memory_space<vmem>>, vector<1x16xf32>,
        %swap3A_283 = vector.shape_cast %swap3A_282 : vector<1x16xf32> to vector<16xf32>
        %swap3A_284 = vector.shape_cast %mul3A_277 : vector<16xf32> to vector<1x16xf32>
        tpu.vector_store %arg13[%swap3A_280, %swap3A_281], %swap3A_284 {strides = array<i32>} : memref<128x128xf32, #tpu.memory_space<vmem>>, vector<1x16xf32>,
        %add3A_285 = arith.constant 0 : i32
        %add3A_286 = arith.addi %mul3A_254, %add3A_285 : i32
        %get3A_287 = arith.index_cast %add3A_286 : i32 to index
        %get3A_288 = arith.constant 32 : index
        %get3A_289 = tpu.vector_load %arg13[%get3A_287, %get3A_288] {strides = array<i32>} : memref<128x128xf32, #tpu.memory_space<vmem>>, vector<1x16xf32>,
        %get3A_290 = vector.shape_cast %get3A_289 : vector<1x16xf32> to vector<16xf32>
        %mul3A_291 = arith.mulf %get3A_290, %get3A_257 : vector<16xf32>
        %add3A_292 = arith.constant 0 : i32
        %add3A_293 = arith.addi %mul3A_254, %add3A_292 : i32
        %swap3A_294 = arith.index_cast %add3A_293 : i32 to index
        %swap3A_295 = arith.constant 32 : index
        %swap3A_296 = tpu.vector_load %arg13[%swap3A_294, %swap3A_295] {strides = array<i32>} : memref<128x128xf32, #tpu.memory_space<vmem>>, vector<1x16xf32>,
        %swap3A_297 = vector.shape_cast %swap3A_296 : vector<1x16xf32> to vector<16xf32>
        %swap3A_298 = vector.shape_cast %mul3A_291 : vector<16xf32> to vector<1x16xf32>
        tpu.vector_store %arg13[%swap3A_294, %swap3A_295], %swap3A_298 {strides = array<i32>} : memref<128x128xf32, #tpu.memory_space<vmem>>, vector<1x16xf32>,
        %add3A_299 = arith.constant 0 : i32
        %add3A_300 = arith.addi %mul3A_254, %add3A_299 : i32
        %get3A_301 = arith.index_cast %add3A_300 : i32 to index
        %get3A_302 = arith.constant 48 : index
        %get3A_303 = tpu.vector_load %arg13[%get3A_301, %get3A_302] {strides = array<i32>} : memref<128x128xf32, #tpu.memory_space<vmem>>, vector<1x16xf32>,
        %get3A_304 = vector.shape_cast %get3A_303 : vector<1x16xf32> to vector<16xf32>
        %mul3A_305 = arith.mulf %get3A_304, %get3A_257 : vector<16xf32>
        %add3A_306 = arith.constant 0 : i32
        %add3A_307 = arith.addi %mul3A_254, %add3A_306 : i32
        %swap3A_308 = arith.index_cast %add3A_307 : i32 to index
        %swap3A_309 = arith.constant 48 : index
        %swap3A_310 = tpu.vector_load %arg13[%swap3A_308, %swap3A_309] {strides = array<i32>} : memref<128x128xf32, #tpu.memory_space<vmem>>, vector<1x16xf32>,
        %swap3A_311 = vector.shape_cast %swap3A_310 : vector<1x16xf32> to vector<16xf32>
        %swap3A_312 = vector.shape_cast %mul3A_305 : vector<16xf32> to vector<1x16xf32>
        tpu.vector_store %arg13[%swap3A_308, %swap3A_309], %swap3A_312 {strides = array<i32>} : memref<128x128xf32, #tpu.memory_space<vmem>>, vector<1x16xf32>,
        %add3A_313 = arith.constant 0 : i32
        %add3A_314 = arith.addi %mul3A_254, %add3A_313 : i32
        %get3A_315 = arith.index_cast %add3A_314 : i32 to index
        %get3A_316 = arith.constant 64 : index
        %get3A_317 = tpu.vector_load %arg13[%get3A_315, %get3A_316] {strides = array<i32>} : memref<128x128xf32, #tpu.memory_space<vmem>>, vector<1x16xf32>,
        %get3A_318 = vector.shape_cast %get3A_317 : vector<1x16xf32> to vector<16xf32>
        %mul3A_319 = arith.mulf %get3A_318, %get3A_257 : vector<16xf32>
        %add3A_320 = arith.constant 0 : i32
        %add3A_321 = arith.addi %mul3A_254, %add3A_320 : i32
        %swap3A_322 = arith.index_cast %add3A_321 : i32 to index
        %swap3A_323 = arith.constant 64 : index
        %swap3A_324 = tpu.vector_load %arg13[%swap3A_322, %swap3A_323] {strides = array<i32>} : memref<128x128xf32, #tpu.memory_space<vmem>>, vector<1x16xf32>,
        %swap3A_325 = vector.shape_cast %swap3A_324 : vector<1x16xf32> to vector<16xf32>
        %swap3A_326 = vector.shape_cast %mul3A_319 : vector<16xf32> to vector<1x16xf32>
        tpu.vector_store %arg13[%swap3A_322, %swap3A_323], %swap3A_326 {strides = array<i32>} : memref<128x128xf32, #tpu.memory_space<vmem>>, vector<1x16xf32>,
        %add3A_327 = arith.constant 0 : i32
        %add3A_328 = arith.addi %mul3A_254, %add3A_327 : i32
        %get3A_329 = arith.index_cast %add3A_328 : i32 to index
        %get3A_330 = arith.constant 80 : index
        %get3A_331 = tpu.vector_load %arg13[%get3A_329, %get3A_330] {strides = array<i32>} : memref<128x128xf32, #tpu.memory_space<vmem>>, vector<1x16xf32>,
        %get3A_332 = vector.shape_cast %get3A_331 : vector<1x16xf32> to vector<16xf32>
        %mul3A_333 = arith.mulf %get3A_332, %get3A_257 : vector<16xf32>
        %add3A_334 = arith.constant 0 : i32
        %add3A_335 = arith.addi %mul3A_254, %add3A_334 : i32
        %swap3A_336 = arith.index_cast %add3A_335 : i32 to index
        %swap3A_337 = arith.constant 80 : index
        %swap3A_338 = tpu.vector_load %arg13[%swap3A_336, %swap3A_337] {strides = array<i32>} : memref<128x128xf32, #tpu.memory_space<vmem>>, vector<1x16xf32>,
        %swap3A_339 = vector.shape_cast %swap3A_338 : vector<1x16xf32> to vector<16xf32>
        %swap3A_340 = vector.shape_cast %mul3A_333 : vector<16xf32> to vector<1x16xf32>
        tpu.vector_store %arg13[%swap3A_336, %swap3A_337], %swap3A_340 {strides = array<i32>} : memref<128x128xf32, #tpu.memory_space<vmem>>, vector<1x16xf32>,
        %add3A_341 = arith.constant 0 : i32
        %add3A_342 = arith.addi %mul3A_254, %add3A_341 : i32
        %get3A_343 = arith.index_cast %add3A_342 : i32 to index
        %get3A_344 = arith.constant 96 : index
        %get3A_345 = tpu.vector_load %arg13[%get3A_343, %get3A_344] {strides = array<i32>} : memref<128x128xf32, #tpu.memory_space<vmem>>, vector<1x16xf32>,
        %get3A_346 = vector.shape_cast %get3A_345 : vector<1x16xf32> to vector<16xf32>
        %mul3A_347 = arith.mulf %get3A_346, %get3A_257 : vector<16xf32>
        %add3A_348 = arith.constant 0 : i32
        %add3A_349 = arith.addi %mul3A_254, %add3A_348 : i32
        %swap3A_350 = arith.index_cast %add3A_349 : i32 to index
        %swap3A_351 = arith.constant 96 : index
        %swap3A_352 = tpu.vector_load %arg13[%swap3A_350, %swap3A_351] {strides = array<i32>} : memref<128x128xf32, #tpu.memory_space<vmem>>, vector<1x16xf32>,
        %swap3A_353 = vector.shape_cast %swap3A_352 : vector<1x16xf32> to vector<16xf32>
        %swap3A_354 = vector.shape_cast %mul3A_347 : vector<16xf32> to vector<1x16xf32>
        tpu.vector_store %arg13[%swap3A_350, %swap3A_351], %swap3A_354 {strides = array<i32>} : memref<128x128xf32, #tpu.memory_space<vmem>>, vector<1x16xf32>,
        %add3A_355 = arith.constant 0 : i32
        %add3A_356 = arith.addi %mul3A_254, %add3A_355 : i32
        %get3A_357 = arith.index_cast %add3A_356 : i32 to index
        %get3A_358 = arith.constant 112 : index
        %get3A_359 = tpu.vector_load %arg13[%get3A_357, %get3A_358] {strides = array<i32>} : memref<128x128xf32, #tpu.memory_space<vmem>>, vector<1x16xf32>,
        %get3A_360 = vector.shape_cast %get3A_359 : vector<1x16xf32> to vector<16xf32>
        %mul3A_361 = arith.mulf %get3A_360, %get3A_257 : vector<16xf32>
        %add3A_362 = arith.constant 0 : i32
        %add3A_363 = arith.addi %mul3A_254, %add3A_362 : i32
        %swap3A_364 = arith.index_cast %add3A_363 : i32 to index
        %swap3A_365 = arith.constant 112 : index
        %swap3A_366 = tpu.vector_load %arg13[%swap3A_364, %swap3A_365] {strides = array<i32>} : memref<128x128xf32, #tpu.memory_space<vmem>>, vector<1x16xf32>,
        %swap3A_367 = vector.shape_cast %swap3A_366 : vector<1x16xf32> to vector<16xf32>
        %swap3A_368 = vector.shape_cast %mul3A_361 : vector<16xf32> to vector<1x16xf32>
        tpu.vector_store %arg13[%swap3A_364, %swap3A_365], %swap3A_368 {strides = array<i32>} : memref<128x128xf32, #tpu.memory_space<vmem>>, vector<1x16xf32>,
        %get3A_369 = arith.index_cast %scan3A_252 : i32 to index
        %get3A_370 = arith.constant 16 : index
        %get3A_371 = tpu.vector_load %arg11[%get3A_369, %get3A_370] {strides = array<i32>} : memref<16x128xf32, #tpu.memory_space<vmem>>, vector<1x16xf32>,
        %get3A_372 = vector.shape_cast %get3A_371 : vector<1x16xf32> to vector<16xf32>
        %add3A_373 = arith.constant 1 : i32
        %add3A_374 = arith.addi %mul3A_254, %add3A_373 : i32
        %get3A_375 = arith.index_cast %add3A_374 : i32 to index
        %get3A_376 = arith.constant 0 : index
        %get3A_377 = tpu.vector_load %arg13[%get3A_375, %get3A_376] {strides = array<i32>} : memref<128x128xf32, #tpu.memory_space<vmem>>, vector<1x16xf32>,
        %get3A_378 = vector.shape_cast %get3A_377 : vector<1x16xf32> to vector<16xf32>
        %mul3A_379 = arith.mulf %get3A_378, %get3A_372 : vector<16xf32>
        %add3A_380 = arith.constant 1 : i32
        %add3A_381 = arith.addi %mul3A_254, %add3A_380 : i32
        %swap3A_382 = arith.index_cast %add3A_381 : i32 to index
        %swap3A_383 = arith.constant 0 : index
        %swap3A_384 = tpu.vector_load %arg13[%swap3A_382, %swap3A_383] {strides = array<i32>} : memref<128x128xf32, #tpu.memory_space<vmem>>, vector<1x16xf32>,
        %swap3A_385 = vector.shape_cast %swap3A_384 : vector<1x16xf32> to vector<16xf32>
        %swap3A_386 = vector.shape_cast %mul3A_379 : vector<16xf32> to vector<1x16xf32>
        tpu.vector_store %arg13[%swap3A_382, %swap3A_383], %swap3A_386 {strides = array<i32>} : memref<128x128xf32, #tpu.memory_space<vmem>>, vector<1x16xf32>,
        %add3A_387 = arith.constant 1 : i32
        %add3A_388 = arith.addi %mul3A_254, %add3A_387 : i32
        %get3A_389 = arith.index_cast %add3A_388 : i32 to index
        %get3A_390 = arith.constant 16 : index
        %get3A_391 = tpu.vector_load %arg13[%get3A_389, %get3A_390] {strides = array<i32>} : memref<128x128xf32, #tpu.memory_space<vmem>>, vector<1x16xf32>,
        %get3A_392 = vector.shape_cast %get3A_391 : vector<1x16xf32> to vector<16xf32>
        %mul3A_393 = arith.mulf %get3A_392, %get3A_372 : vector<16xf32>
        %add3A_394 = arith.constant 1 : i32
        %add3A_395 = arith.addi %mul3A_254, %add3A_394 : i32
        %swap3A_396 = arith.index_cast %add3A_395 : i32 to index
        %swap3A_397 = arith.constant 16 : index
        %swap3A_398 = tpu.vector_load %arg13[%swap3A_396, %swap3A_397] {strides = array<i32>} : memref<128x128xf32, #tpu.memory_space<vmem>>, vector<1x16xf32>,
        %swap3A_399 = vector.shape_cast %swap3A_398 : vector<1x16xf32> to vector<16xf32>
        %swap3A_400 = vector.shape_cast %mul3A_393 : vector<16xf32> to vector<1x16xf32>
        tpu.vector_store %arg13[%swap3A_396, %swap3A_397], %swap3A_400 {strides = array<i32>} : memref<128x128xf32, #tpu.memory_space<vmem>>, vector<1x16xf32>,
        %add3A_401 = arith.constant 1 : i32
        %add3A_402 = arith.addi %mul3A_254, %add3A_401 : i32
        %get3A_403 = arith.index_cast %add3A_402 : i32 to index
        %get3A_404 = arith.constant 32 : index
        %get3A_405 = tpu.vector_load %arg13[%get3A_403, %get3A_404] {strides = array<i32>} : memref<128x128xf32, #tpu.memory_space<vmem>>, vector<1x16xf32>,
        %get3A_406 = vector.shape_cast %get3A_405 : vector<1x16xf32> to vector<16xf32>
        %mul3A_407 = arith.mulf %get3A_406, %get3A_372 : vector<16xf32>
        %add3A_408 = arith.constant 1 : i32
        %add3A_409 = arith.addi %mul3A_254, %add3A_408 : i32
        %swap3A_410 = arith.index_cast %add3A_409 : i32 to index
        %swap3A_411 = arith.constant 32 : index
        %swap3A_412 = tpu.vector_load %arg13[%swap3A_410, %swap3A_411] {strides = array<i32>} : memref<128x128xf32, #tpu.memory_space<vmem>>, vector<1x16xf32>,
        %swap3A_413 = vector.shape_cast %swap3A_412 : vector<1x16xf32> to vector<16xf32>
        %swap3A_414 = vector.shape_cast %mul3A_407 : vector<16xf32> to vector<1x16xf32>
        tpu.vector_store %arg13[%swap3A_410, %swap3A_411], %swap3A_414 {strides = array<i32>} : memref<128x128xf32, #tpu.memory_space<vmem>>, vector<1x16xf32>,
        %add3A_415 = arith.constant 1 : i32
        %add3A_416 = arith.addi %mul3A_254, %add3A_415 : i32
        %get3A_417 = arith.index_cast %add3A_416 : i32 to index
        %get3A_418 = arith.constant 48 : index
        %get3A_419 = tpu.vector_load %arg13[%get3A_417, %get3A_418] {strides = array<i32>} : memref<128x128xf32, #tpu.memory_space<vmem>>, vector<1x16xf32>,
        %get3A_420 = vector.shape_cast %get3A_419 : vector<1x16xf32> to vector<16xf32>
        %mul3A_421 = arith.mulf %get3A_420, %get3A_372 : vector<16xf32>
        %add3A_422 = arith.constant 1 : i32
        %add3A_423 = arith.addi %mul3A_254, %add3A_422 : i32
        %swap3A_424 = arith.index_cast %add3A_423 : i32 to index
        %swap3A_425 = arith.constant 48 : index
        %swap3A_426 = tpu.vector_load %arg13[%swap3A_424, %swap3A_425] {strides = array<i32>} : memref<128x128xf32, #tpu.memory_space<vmem>>, vector<1x16xf32>,
        %swap3A_427 = vector.shape_cast %swap3A_426 : vector<1x16xf32> to vector<16xf32>
        %swap3A_428 = vector.shape_cast %mul3A_421 : vector<16xf32> to vector<1x16xf32>
        tpu.vector_store %arg13[%swap3A_424, %swap3A_425], %swap3A_428 {strides = array<i32>} : memref<128x128xf32, #tpu.memory_space<vmem>>, vector<1x16xf32>,
        %add3A_429 = arith.constant 1 : i32
        %add3A_430 = arith.addi %mul3A_254, %add3A_429 : i32
        %get3A_431 = arith.index_cast %add3A_430 : i32 to index
        %get3A_432 = arith.constant 64 : index
        %get3A_433 = tpu.vector_load %arg13[%get3A_431, %get3A_432] {strides = array<i32>} : memref<128x128xf32, #tpu.memory_space<vmem>>, vector<1x16xf32>,
        %get3A_434 = vector.shape_cast %get3A_433 : vector<1x16xf32> to vector<16xf32>
        %mul3A_435 = arith.mulf %get3A_434, %get3A_372 : vector<16xf32>
        %add3A_436 = arith.constant 1 : i32
        %add3A_437 = arith.addi %mul3A_254, %add3A_436 : i32
        %swap3A_438 = arith.index_cast %add3A_437 : i32 to index
        %swap3A_439 = arith.constant 64 : index
        %swap3A_440 = tpu.vector_load %arg13[%swap3A_438, %swap3A_439] {strides = array<i32>} : memref<128x128xf32, #tpu.memory_space<vmem>>, vector<1x16xf32>,
        %swap3A_441 = vector.shape_cast %swap3A_440 : vector<1x16xf32> to vector<16xf32>
        %swap3A_442 = vector.shape_cast %mul3A_435 : vector<16xf32> to vector<1x16xf32>
        tpu.vector_store %arg13[%swap3A_438, %swap3A_439], %swap3A_442 {strides = array<i32>} : memref<128x128xf32, #tpu.memory_space<vmem>>, vector<1x16xf32>,
        %add3A_443 = arith.constant 1 : i32
        %add3A_444 = arith.addi %mul3A_254, %add3A_443 : i32
        %get3A_445 = arith.index_cast %add3A_444 : i32 to index
        %get3A_446 = arith.constant 80 : index
        %get3A_447 = tpu.vector_load %arg13[%get3A_445, %get3A_446] {strides = array<i32>} : memref<128x128xf32, #tpu.memory_space<vmem>>, vector<1x16xf32>,
        %get3A_448 = vector.shape_cast %get3A_447 : vector<1x16xf32> to vector<16xf32>
        %mul3A_449 = arith.mulf %get3A_448, %get3A_372 : vector<16xf32>
        %add3A_450 = arith.constant 1 : i32
        %add3A_451 = arith.addi %mul3A_254, %add3A_450 : i32
        %swap3A_452 = arith.index_cast %add3A_451 : i32 to index
        %swap3A_453 = arith.constant 80 : index
        %swap3A_454 = tpu.vector_load %arg13[%swap3A_452, %swap3A_453] {strides = array<i32>} : memref<128x128xf32, #tpu.memory_space<vmem>>, vector<1x16xf32>,
        %swap3A_455 = vector.shape_cast %swap3A_454 : vector<1x16xf32> to vector<16xf32>
        %swap3A_456 = vector.shape_cast %mul3A_449 : vector<16xf32> to vector<1x16xf32>
        tpu.vector_store %arg13[%swap3A_452, %swap3A_453], %swap3A_456 {strides = array<i32>} : memref<128x128xf32, #tpu.memory_space<vmem>>, vector<1x16xf32>,
        %add3A_457 = arith.constant 1 : i32
        %add3A_458 = arith.addi %mul3A_254, %add3A_457 : i32
        %get3A_459 = arith.index_cast %add3A_458 : i32 to index
        %get3A_460 = arith.constant 96 : index
        %get3A_461 = tpu.vector_load %arg13[%get3A_459, %get3A_460] {strides = array<i32>} : memref<128x128xf32, #tpu.memory_space<vmem>>, vector<1x16xf32>,
        %get3A_462 = vector.shape_cast %get3A_461 : vector<1x16xf32> to vector<16xf32>
        %mul3A_463 = arith.mulf %get3A_462, %get3A_372 : vector<16xf32>
        %add3A_464 = arith.constant 1 : i32
        %add3A_465 = arith.addi %mul3A_254, %add3A_464 : i32
        %swap3A_466 = arith.index_cast %add3A_465 : i32 to index
        %swap3A_467 = arith.constant 96 : index
        %swap3A_468 = tpu.vector_load %arg13[%swap3A_466, %swap3A_467] {strides = array<i32>} : memref<128x128xf32, #tpu.memory_space<vmem>>, vector<1x16xf32>,
        %swap3A_469 = vector.shape_cast %swap3A_468 : vector<1x16xf32> to vector<16xf32>
        %swap3A_470 = vector.shape_cast %mul3A_463 : vector<16xf32> to vector<1x16xf32>
        tpu.vector_store %arg13[%swap3A_466, %swap3A_467], %swap3A_470 {strides = array<i32>} : memref<128x128xf32, #tpu.memory_space<vmem>>, vector<1x16xf32>,
        %add3A_471 = arith.constant 1 : i32
        %add3A_472 = arith.addi %mul3A_254, %add3A_471 : i32
        %get3A_473 = arith.index_cast %add3A_472 : i32 to index
        %get3A_474 = arith.constant 112 : index
        %get3A_475 = tpu.vector_load %arg13[%get3A_473, %get3A_474] {strides = array<i32>} : memref<128x128xf32, #tpu.memory_space<vmem>>, vector<1x16xf32>,
        %get3A_476 = vector.shape_cast %get3A_475 : vector<1x16xf32> to vector<16xf32>
        %mul3A_477 = arith.mulf %get3A_476, %get3A_372 : vector<16xf32>
        %add3A_478 = arith.constant 1 : i32
        %add3A_479 = arith.addi %mul3A_254, %add3A_478 : i32
        %swap3A_480 = arith.index_cast %add3A_479 : i32 to index
        %swap3A_481 = arith.constant 112 : index
        %swap3A_482 = tpu.vector_load %arg13[%swap3A_480, %swap3A_481] {strides = array<i32>} : memref<128x128xf32, #tpu.memory_space<vmem>>, vector<1x16xf32>,
        %swap3A_483 = vector.shape_cast %swap3A_482 : vector<1x16xf32> to vector<16xf32>
        %swap3A_484 = vector.shape_cast %mul3A_477 : vector<16xf32> to vector<1x16xf32>
        tpu.vector_store %arg13[%swap3A_480, %swap3A_481], %swap3A_484 {strides = array<i32>} : memref<128x128xf32, #tpu.memory_space<vmem>>, vector<1x16xf32>,
        %get3A_485 = arith.index_cast %scan3A_252 : i32 to index
        %get3A_486 = arith.constant 32 : index
        %get3A_487 = tpu.vector_load %arg11[%get3A_485, %get3A_486] {strides = array<i32>} : memref<16x128xf32, #tpu.memory_space<vmem>>, vector<1x16xf32>,
        %get3A_488 = vector.shape_cast %get3A_487 : vector<1x16xf32> to vector<16xf32>
        %add3A_489 = arith.constant 2 : i32
        %add3A_490 = arith.addi %mul3A_254, %add3A_489 : i32
        %get3A_491 = arith.index_cast %add3A_490 : i32 to index
        %get3A_492 = arith.constant 0 : index
        %get3A_493 = tpu.vector_load %arg13[%get3A_491, %get3A_492] {strides = array<i32>} : memref<128x128xf32, #tpu.memory_space<vmem>>, vector<1x16xf32>,
        %get3A_494 = vector.shape_cast %get3A_493 : vector<1x16xf32> to vector<16xf32>
        %mul3A_495 = arith.mulf %get3A_494, %get3A_488 : vector<16xf32>
        %add3A_496 = arith.constant 2 : i32
        %add3A_497 = arith.addi %mul3A_254, %add3A_496 : i32
        %swap3A_498 = arith.index_cast %add3A_497 : i32 to index
        %swap3A_499 = arith.constant 0 : index
        %swap3A_500 = tpu.vector_load %arg13[%swap3A_498, %swap3A_499] {strides = array<i32>} : memref<128x128xf32, #tpu.memory_space<vmem>>, vector<1x16xf32>,
        %swap3A_501 = vector.shape_cast %swap3A_500 : vector<1x16xf32> to vector<16xf32>
        %swap3A_502 = vector.shape_cast %mul3A_495 : vector<16xf32> to vector<1x16xf32>
        tpu.vector_store %arg13[%swap3A_498, %swap3A_499], %swap3A_502 {strides = array<i32>} : memref<128x128xf32, #tpu.memory_space<vmem>>, vector<1x16xf32>,
        %add3A_503 = arith.constant 2 : i32
        %add3A_504 = arith.addi %mul3A_254, %add3A_503 : i32
        %get3A_505 = arith.index_cast %add3A_504 : i32 to index
        %get3A_506 = arith.constant 16 : index
        %get3A_507 = tpu.vector_load %arg13[%get3A_505, %get3A_506] {strides = array<i32>} : memref<128x128xf32, #tpu.memory_space<vmem>>, vector<1x16xf32>,
        %get3A_508 = vector.shape_cast %get3A_507 : vector<1x16xf32> to vector<16xf32>
        %mul3A_509 = arith.mulf %get3A_508, %get3A_488 : vector<16xf32>
        %add3A_510 = arith.constant 2 : i32
        %add3A_511 = arith.addi %mul3A_254, %add3A_510 : i32
        %swap3A_512 = arith.index_cast %add3A_511 : i32 to index
        %swap3A_513 = arith.constant 16 : index
        %swap3A_514 = tpu.vector_load %arg13[%swap3A_512, %swap3A_513] {strides = array<i32>} : memref<128x128xf32, #tpu.memory_space<vmem>>, vector<1x16xf32>,
        %swap3A_515 = vector.shape_cast %swap3A_514 : vector<1x16xf32> to vector<16xf32>
        %swap3A_516 = vector.shape_cast %mul3A_509 : vector<16xf32> to vector<1x16xf32>
        tpu.vector_store %arg13[%swap3A_512, %swap3A_513], %swap3A_516 {strides = array<i32>} : memref<128x128xf32, #tpu.memory_space<vmem>>, vector<1x16xf32>,
        %add3A_517 = arith.constant 2 : i32
        %add3A_518 = arith.addi %mul3A_254, %add3A_517 : i32
        %get3A_519 = arith.index_cast %add3A_518 : i32 to index
        %get3A_520 = arith.constant 32 : index
        %get3A_521 = tpu.vector_load %arg13[%get3A_519, %get3A_520] {strides = array<i32>} : memref<128x128xf32, #tpu.memory_space<vmem>>, vector<1x16xf32>,
        %get3A_522 = vector.shape_cast %get3A_521 : vector<1x16xf32> to vector<16xf32>
        %mul3A_523 = arith.mulf %get3A_522, %get3A_488 : vector<16xf32>
        %add3A_524 = arith.constant 2 : i32
        %add3A_525 = arith.addi %mul3A_254, %add3A_524 : i32
        %swap3A_526 = arith.index_cast %add3A_525 : i32 to index
        %swap3A_527 = arith.constant 32 : index
        %swap3A_528 = tpu.vector_load %arg13[%swap3A_526, %swap3A_527] {strides = array<i32>} : memref<128x128xf32, #tpu.memory_space<vmem>>, vector<1x16xf32>,
        %swap3A_529 = vector.shape_cast %swap3A_528 : vector<1x16xf32> to vector<16xf32>
        %swap3A_530 = vector.shape_cast %mul3A_523 : vector<16xf32> to vector<1x16xf32>
        tpu.vector_store %arg13[%swap3A_526, %swap3A_527], %swap3A_530 {strides = array<i32>} : memref<128x128xf32, #tpu.memory_space<vmem>>, vector<1x16xf32>,
        %add3A_531 = arith.constant 2 : i32
        %add3A_532 = arith.addi %mul3A_254, %add3A_531 : i32
        %get3A_533 = arith.index_cast %add3A_532 : i32 to index
        %get3A_534 = arith.constant 48 : index
        %get3A_535 = tpu.vector_load %arg13[%get3A_533, %get3A_534] {strides = array<i32>} : memref<128x128xf32, #tpu.memory_space<vmem>>, vector<1x16xf32>,
        %get3A_536 = vector.shape_cast %get3A_535 : vector<1x16xf32> to vector<16xf32>
        %mul3A_537 = arith.mulf %get3A_536, %get3A_488 : vector<16xf32>
        %add3A_538 = arith.constant 2 : i32
        %add3A_539 = arith.addi %mul3A_254, %add3A_538 : i32
        %swap3A_540 = arith.index_cast %add3A_539 : i32 to index
        %swap3A_541 = arith.constant 48 : index
        %swap3A_542 = tpu.vector_load %arg13[%swap3A_540, %swap3A_541] {strides = array<i32>} : memref<128x128xf32, #tpu.memory_space<vmem>>, vector<1x16xf32>,
        %swap3A_543 = vector.shape_cast %swap3A_542 : vector<1x16xf32> to vector<16xf32>
        %swap3A_544 = vector.shape_cast %mul3A_537 : vector<16xf32> to vector<1x16xf32>
        tpu.vector_store %arg13[%swap3A_540, %swap3A_541], %swap3A_544 {strides = array<i32>} : memref<128x128xf32, #tpu.memory_space<vmem>>, vector<1x16xf32>,
        %add3A_545 = arith.constant 2 : i32
        %add3A_546 = arith.addi %mul3A_254, %add3A_545 : i32
        %get3A_547 = arith.index_cast %add3A_546 : i32 to index
        %get3A_548 = arith.constant 64 : index
        %get3A_549 = tpu.vector_load %arg13[%get3A_547, %get3A_548] {strides = array<i32>} : memref<128x128xf32, #tpu.memory_space<vmem>>, vector<1x16xf32>,
        %get3A_550 = vector.shape_cast %get3A_549 : vector<1x16xf32> to vector<16xf32>
        %mul3A_551 = arith.mulf %get3A_550, %get3A_488 : vector<16xf32>
        %add3A_552 = arith.constant 2 : i32
        %add3A_553 = arith.addi %mul3A_254, %add3A_552 : i32
        %swap3A_554 = arith.index_cast %add3A_553 : i32 to index
        %swap3A_555 = arith.constant 64 : index
        %swap3A_556 = tpu.vector_load %arg13[%swap3A_554, %swap3A_555] {strides = array<i32>} : memref<128x128xf32, #tpu.memory_space<vmem>>, vector<1x16xf32>,
        %swap3A_557 = vector.shape_cast %swap3A_556 : vector<1x16xf32> to vector<16xf32>
        %swap3A_558 = vector.shape_cast %mul3A_551 : vector<16xf32> to vector<1x16xf32>
        tpu.vector_store %arg13[%swap3A_554, %swap3A_555], %swap3A_558 {strides = array<i32>} : memref<128x128xf32, #tpu.memory_space<vmem>>, vector<1x16xf32>,
        %add3A_559 = arith.constant 2 : i32
        %add3A_560 = arith.addi %mul3A_254, %add3A_559 : i32
        %get3A_561 = arith.index_cast %add3A_560 : i32 to index
        %get3A_562 = arith.constant 80 : index
        %get3A_563 = tpu.vector_load %arg13[%get3A_561, %get3A_562] {strides = array<i32>} : memref<128x128xf32, #tpu.memory_space<vmem>>, vector<1x16xf32>,
        %get3A_564 = vector.shape_cast %get3A_563 : vector<1x16xf32> to vector<16xf32>
        %mul3A_565 = arith.mulf %get3A_564, %get3A_488 : vector<16xf32>
        %add3A_566 = arith.constant 2 : i32
        %add3A_567 = arith.addi %mul3A_254, %add3A_566 : i32
        %swap3A_568 = arith.index_cast %add3A_567 : i32 to index
        %swap3A_569 = arith.constant 80 : index
        %swap3A_570 = tpu.vector_load %arg13[%swap3A_568, %swap3A_569] {strides = array<i32>} : memref<128x128xf32, #tpu.memory_space<vmem>>, vector<1x16xf32>,
        %swap3A_571 = vector.shape_cast %swap3A_570 : vector<1x16xf32> to vector<16xf32>
        %swap3A_572 = vector.shape_cast %mul3A_565 : vector<16xf32> to vector<1x16xf32>
        tpu.vector_store %arg13[%swap3A_568, %swap3A_569], %swap3A_572 {strides = array<i32>} : memref<128x128xf32, #tpu.memory_space<vmem>>, vector<1x16xf32>,
        %add3A_573 = arith.constant 2 : i32
        %add3A_574 = arith.addi %mul3A_254, %add3A_573 : i32
        %get3A_575 = arith.index_cast %add3A_574 : i32 to index
        %get3A_576 = arith.constant 96 : index
        %get3A_577 = tpu.vector_load %arg13[%get3A_575, %get3A_576] {strides = array<i32>} : memref<128x128xf32, #tpu.memory_space<vmem>>, vector<1x16xf32>,
        %get3A_578 = vector.shape_cast %get3A_577 : vector<1x16xf32> to vector<16xf32>
        %mul3A_579 = arith.mulf %get3A_578, %get3A_488 : vector<16xf32>
        %add3A_580 = arith.constant 2 : i32
        %add3A_581 = arith.addi %mul3A_254, %add3A_580 : i32
        %swap3A_582 = arith.index_cast %add3A_581 : i32 to index
        %swap3A_583 = arith.constant 96 : index
        %swap3A_584 = tpu.vector_load %arg13[%swap3A_582, %swap3A_583] {strides = array<i32>} : memref<128x128xf32, #tpu.memory_space<vmem>>, vector<1x16xf32>,
        %swap3A_585 = vector.shape_cast %swap3A_584 : vector<1x16xf32> to vector<16xf32>
        %swap3A_586 = vector.shape_cast %mul3A_579 : vector<16xf32> to vector<1x16xf32>
        tpu.vector_store %arg13[%swap3A_582, %swap3A_583], %swap3A_586 {strides = array<i32>} : memref<128x128xf32, #tpu.memory_space<vmem>>, vector<1x16xf32>,
        %add3A_587 = arith.constant 2 : i32
        %add3A_588 = arith.addi %mul3A_254, %add3A_587 : i32
        %get3A_589 = arith.index_cast %add3A_588 : i32 to index
        %get3A_590 = arith.constant 112 : index
        %get3A_591 = tpu.vector_load %arg13[%get3A_589, %get3A_590] {strides = array<i32>} : memref<128x128xf32, #tpu.memory_space<vmem>>, vector<1x16xf32>,
        %get3A_592 = vector.shape_cast %get3A_591 : vector<1x16xf32> to vector<16xf32>
        %mul3A_593 = arith.mulf %get3A_592, %get3A_488 : vector<16xf32>
        %add3A_594 = arith.constant 2 : i32
        %add3A_595 = arith.addi %mul3A_254, %add3A_594 : i32
        %swap3A_596 = arith.index_cast %add3A_595 : i32 to index
        %swap3A_597 = arith.constant 112 : index
        %swap3A_598 = tpu.vector_load %arg13[%swap3A_596, %swap3A_597] {strides = array<i32>} : memref<128x128xf32, #tpu.memory_space<vmem>>, vector<1x16xf32>,
        %swap3A_599 = vector.shape_cast %swap3A_598 : vector<1x16xf32> to vector<16xf32>
        %swap3A_600 = vector.shape_cast %mul3A_593 : vector<16xf32> to vector<1x16xf32>
        tpu.vector_store %arg13[%swap3A_596, %swap3A_597], %swap3A_600 {strides = array<i32>} : memref<128x128xf32, #tpu.memory_space<vmem>>, vector<1x16xf32>,
        %get3A_601 = arith.index_cast %scan3A_252 : i32 to index
        %get3A_602 = arith.constant 48 : index
        %get3A_603 = tpu.vector_load %arg11[%get3A_601, %get3A_602] {strides = array<i32>} : memref<16x128xf32, #tpu.memory_space<vmem>>, vector<1x16xf32>,
        %get3A_604 = vector.shape_cast %get3A_603 : vector<1x16xf32> to vector<16xf32>
        %add3A_605 = arith.constant 3 : i32
        %add3A_606 = arith.addi %mul3A_254, %add3A_605 : i32
        %get3A_607 = arith.index_cast %add3A_606 : i32 to index
        %get3A_608 = arith.constant 0 : index
        %get3A_609 = tpu.vector_load %arg13[%get3A_607, %get3A_608] {strides = array<i32>} : memref<128x128xf32, #tpu.memory_space<vmem>>, vector<1x16xf32>,
        %get3A_610 = vector.shape_cast %get3A_609 : vector<1x16xf32> to vector<16xf32>
        %mul3A_611 = arith.mulf %get3A_610, %get3A_604 : vector<16xf32>
        %add3A_612 = arith.constant 3 : i32
        %add3A_613 = arith.addi %mul3A_254, %add3A_612 : i32
        %swap3A_614 = arith.index_cast %add3A_613 : i32 to index
        %swap3A_615 = arith.constant 0 : index
        %swap3A_616 = tpu.vector_load %arg13[%swap3A_614, %swap3A_615] {strides = array<i32>} : memref<128x128xf32, #tpu.memory_space<vmem>>, vector<1x16xf32>,
        %swap3A_617 = vector.shape_cast %swap3A_616 : vector<1x16xf32> to vector<16xf32>
        %swap3A_618 = vector.shape_cast %mul3A_611 : vector<16xf32> to vector<1x16xf32>
        tpu.vector_store %arg13[%swap3A_614, %swap3A_615], %swap3A_618 {strides = array<i32>} : memref<128x128xf32, #tpu.memory_space<vmem>>, vector<1x16xf32>,
        %add3A_619 = arith.constant 3 : i32
        %add3A_620 = arith.addi %mul3A_254, %add3A_619 : i32
        %get3A_621 = arith.index_cast %add3A_620 : i32 to index
        %get3A_622 = arith.constant 16 : index
        %get3A_623 = tpu.vector_load %arg13[%get3A_621, %get3A_622] {strides = array<i32>} : memref<128x128xf32, #tpu.memory_space<vmem>>, vector<1x16xf32>,
        %get3A_624 = vector.shape_cast %get3A_623 : vector<1x16xf32> to vector<16xf32>
        %mul3A_625 = arith.mulf %get3A_624, %get3A_604 : vector<16xf32>
        %add3A_626 = arith.constant 3 : i32
        %add3A_627 = arith.addi %mul3A_254, %add3A_626 : i32
        %swap3A_628 = arith.index_cast %add3A_627 : i32 to index
        %swap3A_629 = arith.constant 16 : index
        %swap3A_630 = tpu.vector_load %arg13[%swap3A_628, %swap3A_629] {strides = array<i32>} : memref<128x128xf32, #tpu.memory_space<vmem>>, vector<1x16xf32>,
        %swap3A_631 = vector.shape_cast %swap3A_630 : vector<1x16xf32> to vector<16xf32>
        %swap3A_632 = vector.shape_cast %mul3A_625 : vector<16xf32> to vector<1x16xf32>
        tpu.vector_store %arg13[%swap3A_628, %swap3A_629], %swap3A_632 {strides = array<i32>} : memref<128x128xf32, #tpu.memory_space<vmem>>, vector<1x16xf32>,
        %add3A_633 = arith.constant 3 : i32
        %add3A_634 = arith.addi %mul3A_254, %add3A_633 : i32
        %get3A_635 = arith.index_cast %add3A_634 : i32 to index
        %get3A_636 = arith.constant 32 : index
        %get3A_637 = tpu.vector_load %arg13[%get3A_635, %get3A_636] {strides = array<i32>} : memref<128x128xf32, #tpu.memory_space<vmem>>, vector<1x16xf32>,
        %get3A_638 = vector.shape_cast %get3A_637 : vector<1x16xf32> to vector<16xf32>
        %mul3A_639 = arith.mulf %get3A_638, %get3A_604 : vector<16xf32>
        %add3A_640 = arith.constant 3 : i32
        %add3A_641 = arith.addi %mul3A_254, %add3A_640 : i32
        %swap3A_642 = arith.index_cast %add3A_641 : i32 to index
        %swap3A_643 = arith.constant 32 : index
        %swap3A_644 = tpu.vector_load %arg13[%swap3A_642, %swap3A_643] {strides = array<i32>} : memref<128x128xf32, #tpu.memory_space<vmem>>, vector<1x16xf32>,
        %swap3A_645 = vector.shape_cast %swap3A_644 : vector<1x16xf32> to vector<16xf32>
        %swap3A_646 = vector.shape_cast %mul3A_639 : vector<16xf32> to vector<1x16xf32>
        tpu.vector_store %arg13[%swap3A_642, %swap3A_643], %swap3A_646 {strides = array<i32>} : memref<128x128xf32, #tpu.memory_space<vmem>>, vector<1x16xf32>,
        %add3A_647 = arith.constant 3 : i32
        %add3A_648 = arith.addi %mul3A_254, %add3A_647 : i32
        %get3A_649 = arith.index_cast %add3A_648 : i32 to index
        %get3A_650 = arith.constant 48 : index
        %get3A_651 = tpu.vector_load %arg13[%get3A_649, %get3A_650] {strides = array<i32>} : memref<128x128xf32, #tpu.memory_space<vmem>>, vector<1x16xf32>,
        %get3A_652 = vector.shape_cast %get3A_651 : vector<1x16xf32> to vector<16xf32>
        %mul3A_653 = arith.mulf %get3A_652, %get3A_604 : vector<16xf32>
        %add3A_654 = arith.constant 3 : i32
        %add3A_655 = arith.addi %mul3A_254, %add3A_654 : i32
        %swap3A_656 = arith.index_cast %add3A_655 : i32 to index
        %swap3A_657 = arith.constant 48 : index
        %swap3A_658 = tpu.vector_load %arg13[%swap3A_656, %swap3A_657] {strides = array<i32>} : memref<128x128xf32, #tpu.memory_space<vmem>>, vector<1x16xf32>,
        %swap3A_659 = vector.shape_cast %swap3A_658 : vector<1x16xf32> to vector<16xf32>
        %swap3A_660 = vector.shape_cast %mul3A_653 : vector<16xf32> to vector<1x16xf32>
        tpu.vector_store %arg13[%swap3A_656, %swap3A_657], %swap3A_660 {strides = array<i32>} : memref<128x128xf32, #tpu.memory_space<vmem>>, vector<1x16xf32>,
        %add3A_661 = arith.constant 3 : i32
        %add3A_662 = arith.addi %mul3A_254, %add3A_661 : i32
        %get3A_663 = arith.index_cast %add3A_662 : i32 to index
        %get3A_664 = arith.constant 64 : index
        %get3A_665 = tpu.vector_load %arg13[%get3A_663, %get3A_664] {strides = array<i32>} : memref<128x128xf32, #tpu.memory_space<vmem>>, vector<1x16xf32>,
        %get3A_666 = vector.shape_cast %get3A_665 : vector<1x16xf32> to vector<16xf32>
        %mul3A_667 = arith.mulf %get3A_666, %get3A_604 : vector<16xf32>
        %add3A_668 = arith.constant 3 : i32
        %add3A_669 = arith.addi %mul3A_254, %add3A_668 : i32
        %swap3A_670 = arith.index_cast %add3A_669 : i32 to index
        %swap3A_671 = arith.constant 64 : index
        %swap3A_672 = tpu.vector_load %arg13[%swap3A_670, %swap3A_671] {strides = array<i32>} : memref<128x128xf32, #tpu.memory_space<vmem>>, vector<1x16xf32>,
        %swap3A_673 = vector.shape_cast %swap3A_672 : vector<1x16xf32> to vector<16xf32>
        %swap3A_674 = vector.shape_cast %mul3A_667 : vector<16xf32> to vector<1x16xf32>
        tpu.vector_store %arg13[%swap3A_670, %swap3A_671], %swap3A_674 {strides = array<i32>} : memref<128x128xf32, #tpu.memory_space<vmem>>, vector<1x16xf32>,
        %add3A_675 = arith.constant 3 : i32
        %add3A_676 = arith.addi %mul3A_254, %add3A_675 : i32
        %get3A_677 = arith.index_cast %add3A_676 : i32 to index
        %get3A_678 = arith.constant 80 : index
        %get3A_679 = tpu.vector_load %arg13[%get3A_677, %get3A_678] {strides = array<i32>} : memref<128x128xf32, #tpu.memory_space<vmem>>, vector<1x16xf32>,
        %get3A_680 = vector.shape_cast %get3A_679 : vector<1x16xf32> to vector<16xf32>
        %mul3A_681 = arith.mulf %get3A_680, %get3A_604 : vector<16xf32>
        %add3A_682 = arith.constant 3 : i32
        %add3A_683 = arith.addi %mul3A_254, %add3A_682 : i32
        %swap3A_684 = arith.index_cast %add3A_683 : i32 to index
        %swap3A_685 = arith.constant 80 : index
        %swap3A_686 = tpu.vector_load %arg13[%swap3A_684, %swap3A_685] {strides = array<i32>} : memref<128x128xf32, #tpu.memory_space<vmem>>, vector<1x16xf32>,
        %swap3A_687 = vector.shape_cast %swap3A_686 : vector<1x16xf32> to vector<16xf32>
        %swap3A_688 = vector.shape_cast %mul3A_681 : vector<16xf32> to vector<1x16xf32>
        tpu.vector_store %arg13[%swap3A_684, %swap3A_685], %swap3A_688 {strides = array<i32>} : memref<128x128xf32, #tpu.memory_space<vmem>>, vector<1x16xf32>,
        %add3A_689 = arith.constant 3 : i32
        %add3A_690 = arith.addi %mul3A_254, %add3A_689 : i32
        %get3A_691 = arith.index_cast %add3A_690 : i32 to index
        %get3A_692 = arith.constant 96 : index
        %get3A_693 = tpu.vector_load %arg13[%get3A_691, %get3A_692] {strides = array<i32>} : memref<128x128xf32, #tpu.memory_space<vmem>>, vector<1x16xf32>,
        %get3A_694 = vector.shape_cast %get3A_693 : vector<1x16xf32> to vector<16xf32>
        %mul3A_695 = arith.mulf %get3A_694, %get3A_604 : vector<16xf32>
        %add3A_696 = arith.constant 3 : i32
        %add3A_697 = arith.addi %mul3A_254, %add3A_696 : i32
        %swap3A_698 = arith.index_cast %add3A_697 : i32 to index
        %swap3A_699 = arith.constant 96 : index
        %swap3A_700 = tpu.vector_load %arg13[%swap3A_698, %swap3A_699] {strides = array<i32>} : memref<128x128xf32, #tpu.memory_space<vmem>>, vector<1x16xf32>,
        %swap3A_701 = vector.shape_cast %swap3A_700 : vector<1x16xf32> to vector<16xf32>
        %swap3A_702 = vector.shape_cast %mul3A_695 : vector<16xf32> to vector<1x16xf32>
        tpu.vector_store %arg13[%swap3A_698, %swap3A_699], %swap3A_702 {strides = array<i32>} : memref<128x128xf32, #tpu.memory_space<vmem>>, vector<1x16xf32>,
        %add3A_703 = arith.constant 3 : i32
        %add3A_704 = arith.addi %mul3A_254, %add3A_703 : i32
        %get3A_705 = arith.index_cast %add3A_704 : i32 to index
        %get3A_706 = arith.constant 112 : index
        %get3A_707 = tpu.vector_load %arg13[%get3A_705, %get3A_706] {strides = array<i32>} : memref<128x128xf32, #tpu.memory_space<vmem>>, vector<1x16xf32>,
        %get3A_708 = vector.shape_cast %get3A_707 : vector<1x16xf32> to vector<16xf32>
        %mul3A_709 = arith.mulf %get3A_708, %get3A_604 : vector<16xf32>
        %add3A_710 = arith.constant 3 : i32
        %add3A_711 = arith.addi %mul3A_254, %add3A_710 : i32
        %swap3A_712 = arith.index_cast %add3A_711 : i32 to index
        %swap3A_713 = arith.constant 112 : index
        %swap3A_714 = tpu.vector_load %arg13[%swap3A_712, %swap3A_713] {strides = array<i32>} : memref<128x128xf32, #tpu.memory_space<vmem>>, vector<1x16xf32>,
        %swap3A_715 = vector.shape_cast %swap3A_714 : vector<1x16xf32> to vector<16xf32>
        %swap3A_716 = vector.shape_cast %mul3A_709 : vector<16xf32> to vector<1x16xf32>
        tpu.vector_store %arg13[%swap3A_712, %swap3A_713], %swap3A_716 {strides = array<i32>} : memref<128x128xf32, #tpu.memory_space<vmem>>, vector<1x16xf32>,
        %get3A_717 = arith.index_cast %scan3A_252 : i32 to index
        %get3A_718 = arith.constant 64 : index
        %get3A_719 = tpu.vector_load %arg11[%get3A_717, %get3A_718] {strides = array<i32>} : memref<16x128xf32, #tpu.memory_space<vmem>>, vector<1x16xf32>,
        %get3A_720 = vector.shape_cast %get3A_719 : vector<1x16xf32> to vector<16xf32>
        %add3A_721 = arith.constant 4 : i32
        %add3A_722 = arith.addi %mul3A_254, %add3A_721 : i32
        %get3A_723 = arith.index_cast %add3A_722 : i32 to index
        %get3A_724 = arith.constant 0 : index
        %get3A_725 = tpu.vector_load %arg13[%get3A_723, %get3A_724] {strides = array<i32>} : memref<128x128xf32, #tpu.memory_space<vmem>>, vector<1x16xf32>,
        %get3A_726 = vector.shape_cast %get3A_725 : vector<1x16xf32> to vector<16xf32>
        %mul3A_727 = arith.mulf %get3A_726, %get3A_720 : vector<16xf32>
        %add3A_728 = arith.constant 4 : i32
        %add3A_729 = arith.addi %mul3A_254, %add3A_728 : i32
        %swap3A_730 = arith.index_cast %add3A_729 : i32 to index
        %swap3A_731 = arith.constant 0 : index
        %swap3A_732 = tpu.vector_load %arg13[%swap3A_730, %swap3A_731] {strides = array<i32>} : memref<128x128xf32, #tpu.memory_space<vmem>>, vector<1x16xf32>,
        %swap3A_733 = vector.shape_cast %swap3A_732 : vector<1x16xf32> to vector<16xf32>
        %swap3A_734 = vector.shape_cast %mul3A_727 : vector<16xf32> to vector<1x16xf32>
        tpu.vector_store %arg13[%swap3A_730, %swap3A_731], %swap3A_734 {strides = array<i32>} : memref<128x128xf32, #tpu.memory_space<vmem>>, vector<1x16xf32>,
        %add3A_735 = arith.constant 4 : i32
        %add3A_736 = arith.addi %mul3A_254, %add3A_735 : i32
        %get3A_737 = arith.index_cast %add3A_736 : i32 to index
        %get3A_738 = arith.constant 16 : index
        %get3A_739 = tpu.vector_load %arg13[%get3A_737, %get3A_738] {strides = array<i32>} : memref<128x128xf32, #tpu.memory_space<vmem>>, vector<1x16xf32>,
        %get3A_740 = vector.shape_cast %get3A_739 : vector<1x16xf32> to vector<16xf32>
        %mul3A_741 = arith.mulf %get3A_740, %get3A_720 : vector<16xf32>
        %add3A_742 = arith.constant 4 : i32
        %add3A_743 = arith.addi %mul3A_254, %add3A_742 : i32
        %swap3A_744 = arith.index_cast %add3A_743 : i32 to index
        %swap3A_745 = arith.constant 16 : index
        %swap3A_746 = tpu.vector_load %arg13[%swap3A_744, %swap3A_745] {strides = array<i32>} : memref<128x128xf32, #tpu.memory_space<vmem>>, vector<1x16xf32>,
        %swap3A_747 = vector.shape_cast %swap3A_746 : vector<1x16xf32> to vector<16xf32>
        %swap3A_748 = vector.shape_cast %mul3A_741 : vector<16xf32> to vector<1x16xf32>
        tpu.vector_store %arg13[%swap3A_744, %swap3A_745], %swap3A_748 {strides = array<i32>} : memref<128x128xf32, #tpu.memory_space<vmem>>, vector<1x16xf32>,
        %add3A_749 = arith.constant 4 : i32
        %add3A_750 = arith.addi %mul3A_254, %add3A_749 : i32
        %get3A_751 = arith.index_cast %add3A_750 : i32 to index
        %get3A_752 = arith.constant 32 : index
        %get3A_753 = tpu.vector_load %arg13[%get3A_751, %get3A_752] {strides = array<i32>} : memref<128x128xf32, #tpu.memory_space<vmem>>, vector<1x16xf32>,
        %get3A_754 = vector.shape_cast %get3A_753 : vector<1x16xf32> to vector<16xf32>
        %mul3A_755 = arith.mulf %get3A_754, %get3A_720 : vector<16xf32>
        %add3A_756 = arith.constant 4 : i32
        %add3A_757 = arith.addi %mul3A_254, %add3A_756 : i32
        %swap3A_758 = arith.index_cast %add3A_757 : i32 to index
        %swap3A_759 = arith.constant 32 : index
        %swap3A_760 = tpu.vector_load %arg13[%swap3A_758, %swap3A_759] {strides = array<i32>} : memref<128x128xf32, #tpu.memory_space<vmem>>, vector<1x16xf32>,
        %swap3A_761 = vector.shape_cast %swap3A_760 : vector<1x16xf32> to vector<16xf32>
        %swap3A_762 = vector.shape_cast %mul3A_755 : vector<16xf32> to vector<1x16xf32>
        tpu.vector_store %arg13[%swap3A_758, %swap3A_759], %swap3A_762 {strides = array<i32>} : memref<128x128xf32, #tpu.memory_space<vmem>>, vector<1x16xf32>,
        %add3A_763 = arith.constant 4 : i32
        %add3A_764 = arith.addi %mul3A_254, %add3A_763 : i32
        %get3A_765 = arith.index_cast %add3A_764 : i32 to index
        %get3A_766 = arith.constant 48 : index
        %get3A_767 = tpu.vector_load %arg13[%get3A_765, %get3A_766] {strides = array<i32>} : memref<128x128xf32, #tpu.memory_space<vmem>>, vector<1x16xf32>,
        %get3A_768 = vector.shape_cast %get3A_767 : vector<1x16xf32> to vector<16xf32>
        %mul3A_769 = arith.mulf %get3A_768, %get3A_720 : vector<16xf32>
        %add3A_770 = arith.constant 4 : i32
        %add3A_771 = arith.addi %mul3A_254, %add3A_770 : i32
        %swap3A_772 = arith.index_cast %add3A_771 : i32 to index
        %swap3A_773 = arith.constant 48 : index
        %swap3A_774 = tpu.vector_load %arg13[%swap3A_772, %swap3A_773] {strides = array<i32>} : memref<128x128xf32, #tpu.memory_space<vmem>>, vector<1x16xf32>,
        %swap3A_775 = vector.shape_cast %swap3A_774 : vector<1x16xf32> to vector<16xf32>
        %swap3A_776 = vector.shape_cast %mul3A_769 : vector<16xf32> to vector<1x16xf32>
        tpu.vector_store %arg13[%swap3A_772, %swap3A_773], %swap3A_776 {strides = array<i32>} : memref<128x128xf32, #tpu.memory_space<vmem>>, vector<1x16xf32>,
        %add3A_777 = arith.constant 4 : i32
        %add3A_778 = arith.addi %mul3A_254, %add3A_777 : i32
        %get3A_779 = arith.index_cast %add3A_778 : i32 to index
        %get3A_780 = arith.constant 64 : index
        %get3A_781 = tpu.vector_load %arg13[%get3A_779, %get3A_780] {strides = array<i32>} : memref<128x128xf32, #tpu.memory_space<vmem>>, vector<1x16xf32>,
        %get3A_782 = vector.shape_cast %get3A_781 : vector<1x16xf32> to vector<16xf32>
        %mul3A_783 = arith.mulf %get3A_782, %get3A_720 : vector<16xf32>
        %add3A_784 = arith.constant 4 : i32
        %add3A_785 = arith.addi %mul3A_254, %add3A_784 : i32
        %swap3A_786 = arith.index_cast %add3A_785 : i32 to index
        %swap3A_787 = arith.constant 64 : index
        %swap3A_788 = tpu.vector_load %arg13[%swap3A_786, %swap3A_787] {strides = array<i32>} : memref<128x128xf32, #tpu.memory_space<vmem>>, vector<1x16xf32>,
        %swap3A_789 = vector.shape_cast %swap3A_788 : vector<1x16xf32> to vector<16xf32>
        %swap3A_790 = vector.shape_cast %mul3A_783 : vector<16xf32> to vector<1x16xf32>
        tpu.vector_store %arg13[%swap3A_786, %swap3A_787], %swap3A_790 {strides = array<i32>} : memref<128x128xf32, #tpu.memory_space<vmem>>, vector<1x16xf32>,
        %add3A_791 = arith.constant 4 : i32
        %add3A_792 = arith.addi %mul3A_254, %add3A_791 : i32
        %get3A_793 = arith.index_cast %add3A_792 : i32 to index
        %get3A_794 = arith.constant 80 : index
        %get3A_795 = tpu.vector_load %arg13[%get3A_793, %get3A_794] {strides = array<i32>} : memref<128x128xf32, #tpu.memory_space<vmem>>, vector<1x16xf32>,
        %get3A_796 = vector.shape_cast %get3A_795 : vector<1x16xf32> to vector<16xf32>
        %mul3A_797 = arith.mulf %get3A_796, %get3A_720 : vector<16xf32>
        %add3A_798 = arith.constant 4 : i32
        %add3A_799 = arith.addi %mul3A_254, %add3A_798 : i32
        %swap3A_800 = arith.index_cast %add3A_799 : i32 to index
        %swap3A_801 = arith.constant 80 : index
        %swap3A_802 = tpu.vector_load %arg13[%swap3A_800, %swap3A_801] {strides = array<i32>} : memref<128x128xf32, #tpu.memory_space<vmem>>, vector<1x16xf32>,
        %swap3A_803 = vector.shape_cast %swap3A_802 : vector<1x16xf32> to vector<16xf32>
        %swap3A_804 = vector.shape_cast %mul3A_797 : vector<16xf32> to vector<1x16xf32>
        tpu.vector_store %arg13[%swap3A_800, %swap3A_801], %swap3A_804 {strides = array<i32>} : memref<128x128xf32, #tpu.memory_space<vmem>>, vector<1x16xf32>,
        %add3A_805 = arith.constant 4 : i32
        %add3A_806 = arith.addi %mul3A_254, %add3A_805 : i32
        %get3A_807 = arith.index_cast %add3A_806 : i32 to index
        %get3A_808 = arith.constant 96 : index
        %get3A_809 = tpu.vector_load %arg13[%get3A_807, %get3A_808] {strides = array<i32>} : memref<128x128xf32, #tpu.memory_space<vmem>>, vector<1x16xf32>,
        %get3A_810 = vector.shape_cast %get3A_809 : vector<1x16xf32> to vector<16xf32>
        %mul3A_811 = arith.mulf %get3A_810, %get3A_720 : vector<16xf32>
        %add3A_812 = arith.constant 4 : i32
        %add3A_813 = arith.addi %mul3A_254, %add3A_812 : i32
        %swap3A_814 = arith.index_cast %add3A_813 : i32 to index
        %swap3A_815 = arith.constant 96 : index
        %swap3A_816 = tpu.vector_load %arg13[%swap3A_814, %swap3A_815] {strides = array<i32>} : memref<128x128xf32, #tpu.memory_space<vmem>>, vector<1x16xf32>,
        %swap3A_817 = vector.shape_cast %swap3A_816 : vector<1x16xf32> to vector<16xf32>
        %swap3A_818 = vector.shape_cast %mul3A_811 : vector<16xf32> to vector<1x16xf32>
        tpu.vector_store %arg13[%swap3A_814, %swap3A_815], %swap3A_818 {strides = array<i32>} : memref<128x128xf32, #tpu.memory_space<vmem>>, vector<1x16xf32>,
        %add3A_819 = arith.constant 4 : i32
        %add3A_820 = arith.addi %mul3A_254, %add3A_819 : i32
        %get3A_821 = arith.index_cast %add3A_820 : i32 to index
        %get3A_822 = arith.constant 112 : index
        %get3A_823 = tpu.vector_load %arg13[%get3A_821, %get3A_822] {strides = array<i32>} : memref<128x128xf32, #tpu.memory_space<vmem>>, vector<1x16xf32>,
        %get3A_824 = vector.shape_cast %get3A_823 : vector<1x16xf32> to vector<16xf32>
        %mul3A_825 = arith.mulf %get3A_824, %get3A_720 : vector<16xf32>
        %add3A_826 = arith.constant 4 : i32
        %add3A_827 = arith.addi %mul3A_254, %add3A_826 : i32
        %swap3A_828 = arith.index_cast %add3A_827 : i32 to index
        %swap3A_829 = arith.constant 112 : index
        %swap3A_830 = tpu.vector_load %arg13[%swap3A_828, %swap3A_829] {strides = array<i32>} : memref<128x128xf32, #tpu.memory_space<vmem>>, vector<1x16xf32>,
        %swap3A_831 = vector.shape_cast %swap3A_830 : vector<1x16xf32> to vector<16xf32>
        %swap3A_832 = vector.shape_cast %mul3A_825 : vector<16xf32> to vector<1x16xf32>
        tpu.vector_store %arg13[%swap3A_828, %swap3A_829], %swap3A_832 {strides = array<i32>} : memref<128x128xf32, #tpu.memory_space<vmem>>, vector<1x16xf32>,
        %get3A_833 = arith.index_cast %scan3A_252 : i32 to index
        %get3A_834 = arith.constant 80 : index
        %get3A_835 = tpu.vector_load %arg11[%get3A_833, %get3A_834] {strides = array<i32>} : memref<16x128xf32, #tpu.memory_space<vmem>>, vector<1x16xf32>,
        %get3A_836 = vector.shape_cast %get3A_835 : vector<1x16xf32> to vector<16xf32>
        %add3A_837 = arith.constant 5 : i32
        %add3A_838 = arith.addi %mul3A_254, %add3A_837 : i32
        %get3A_839 = arith.index_cast %add3A_838 : i32 to index
        %get3A_840 = arith.constant 0 : index
        %get3A_841 = tpu.vector_load %arg13[%get3A_839, %get3A_840] {strides = array<i32>} : memref<128x128xf32, #tpu.memory_space<vmem>>, vector<1x16xf32>,
        %get3A_842 = vector.shape_cast %get3A_841 : vector<1x16xf32> to vector<16xf32>
        %mul3A_843 = arith.mulf %get3A_842, %get3A_836 : vector<16xf32>
        %add3A_844 = arith.constant 5 : i32
        %add3A_845 = arith.addi %mul3A_254, %add3A_844 : i32
        %swap3A_846 = arith.index_cast %add3A_845 : i32 to index
        %swap3A_847 = arith.constant 0 : index
        %swap3A_848 = tpu.vector_load %arg13[%swap3A_846, %swap3A_847] {strides = array<i32>} : memref<128x128xf32, #tpu.memory_space<vmem>>, vector<1x16xf32>,
        %swap3A_849 = vector.shape_cast %swap3A_848 : vector<1x16xf32> to vector<16xf32>
        %swap3A_850 = vector.shape_cast %mul3A_843 : vector<16xf32> to vector<1x16xf32>
        tpu.vector_store %arg13[%swap3A_846, %swap3A_847], %swap3A_850 {strides = array<i32>} : memref<128x128xf32, #tpu.memory_space<vmem>>, vector<1x16xf32>,
        %add3A_851 = arith.constant 5 : i32
        %add3A_852 = arith.addi %mul3A_254, %add3A_851 : i32
        %get3A_853 = arith.index_cast %add3A_852 : i32 to index
        %get3A_854 = arith.constant 16 : index
        %get3A_855 = tpu.vector_load %arg13[%get3A_853, %get3A_854] {strides = array<i32>} : memref<128x128xf32, #tpu.memory_space<vmem>>, vector<1x16xf32>,
        %get3A_856 = vector.shape_cast %get3A_855 : vector<1x16xf32> to vector<16xf32>
        %mul3A_857 = arith.mulf %get3A_856, %get3A_836 : vector<16xf32>
        %add3A_858 = arith.constant 5 : i32
        %add3A_859 = arith.addi %mul3A_254, %add3A_858 : i32
        %swap3A_860 = arith.index_cast %add3A_859 : i32 to index
        %swap3A_861 = arith.constant 16 : index
        %swap3A_862 = tpu.vector_load %arg13[%swap3A_860, %swap3A_861] {strides = array<i32>} : memref<128x128xf32, #tpu.memory_space<vmem>>, vector<1x16xf32>,
        %swap3A_863 = vector.shape_cast %swap3A_862 : vector<1x16xf32> to vector<16xf32>
        %swap3A_864 = vector.shape_cast %mul3A_857 : vector<16xf32> to vector<1x16xf32>
        tpu.vector_store %arg13[%swap3A_860, %swap3A_861], %swap3A_864 {strides = array<i32>} : memref<128x128xf32, #tpu.memory_space<vmem>>, vector<1x16xf32>,
        %add3A_865 = arith.constant 5 : i32
        %add3A_866 = arith.addi %mul3A_254, %add3A_865 : i32
        %get3A_867 = arith.index_cast %add3A_866 : i32 to index
        %get3A_868 = arith.constant 32 : index
        %get3A_869 = tpu.vector_load %arg13[%get3A_867, %get3A_868] {strides = array<i32>} : memref<128x128xf32, #tpu.memory_space<vmem>>, vector<1x16xf32>,
        %get3A_870 = vector.shape_cast %get3A_869 : vector<1x16xf32> to vector<16xf32>
        %mul3A_871 = arith.mulf %get3A_870, %get3A_836 : vector<16xf32>
        %add3A_872 = arith.constant 5 : i32
        %add3A_873 = arith.addi %mul3A_254, %add3A_872 : i32
        %swap3A_874 = arith.index_cast %add3A_873 : i32 to index
        %swap3A_875 = arith.constant 32 : index
        %swap3A_876 = tpu.vector_load %arg13[%swap3A_874, %swap3A_875] {strides = array<i32>} : memref<128x128xf32, #tpu.memory_space<vmem>>, vector<1x16xf32>,
        %swap3A_877 = vector.shape_cast %swap3A_876 : vector<1x16xf32> to vector<16xf32>
        %swap3A_878 = vector.shape_cast %mul3A_871 : vector<16xf32> to vector<1x16xf32>
        tpu.vector_store %arg13[%swap3A_874, %swap3A_875], %swap3A_878 {strides = array<i32>} : memref<128x128xf32, #tpu.memory_space<vmem>>, vector<1x16xf32>,
        %add3A_879 = arith.constant 5 : i32
        %add3A_880 = arith.addi %mul3A_254, %add3A_879 : i32
        %get3A_881 = arith.index_cast %add3A_880 : i32 to index
        %get3A_882 = arith.constant 48 : index
        %get3A_883 = tpu.vector_load %arg13[%get3A_881, %get3A_882] {strides = array<i32>} : memref<128x128xf32, #tpu.memory_space<vmem>>, vector<1x16xf32>,
        %get3A_884 = vector.shape_cast %get3A_883 : vector<1x16xf32> to vector<16xf32>
        %mul3A_885 = arith.mulf %get3A_884, %get3A_836 : vector<16xf32>
        %add3A_886 = arith.constant 5 : i32
        %add3A_887 = arith.addi %mul3A_254, %add3A_886 : i32
        %swap3A_888 = arith.index_cast %add3A_887 : i32 to index
        %swap3A_889 = arith.constant 48 : index
        %swap3A_890 = tpu.vector_load %arg13[%swap3A_888, %swap3A_889] {strides = array<i32>} : memref<128x128xf32, #tpu.memory_space<vmem>>, vector<1x16xf32>,
        %swap3A_891 = vector.shape_cast %swap3A_890 : vector<1x16xf32> to vector<16xf32>
        %swap3A_892 = vector.shape_cast %mul3A_885 : vector<16xf32> to vector<1x16xf32>
        tpu.vector_store %arg13[%swap3A_888, %swap3A_889], %swap3A_892 {strides = array<i32>} : memref<128x128xf32, #tpu.memory_space<vmem>>, vector<1x16xf32>,
        %add3A_893 = arith.constant 5 : i32
        %add3A_894 = arith.addi %mul3A_254, %add3A_893 : i32
        %get3A_895 = arith.index_cast %add3A_894 : i32 to index
        %get3A_896 = arith.constant 64 : index
        %get3A_897 = tpu.vector_load %arg13[%get3A_895, %get3A_896] {strides = array<i32>} : memref<128x128xf32, #tpu.memory_space<vmem>>, vector<1x16xf32>,
        %get3A_898 = vector.shape_cast %get3A_897 : vector<1x16xf32> to vector<16xf32>
        %mul3A_899 = arith.mulf %get3A_898, %get3A_836 : vector<16xf32>
        %add3A_900 = arith.constant 5 : i32
        %add3A_901 = arith.addi %mul3A_254, %add3A_900 : i32
        %swap3A_902 = arith.index_cast %add3A_901 : i32 to index
        %swap3A_903 = arith.constant 64 : index
        %swap3A_904 = tpu.vector_load %arg13[%swap3A_902, %swap3A_903] {strides = array<i32>} : memref<128x128xf32, #tpu.memory_space<vmem>>, vector<1x16xf32>,
        %swap3A_905 = vector.shape_cast %swap3A_904 : vector<1x16xf32> to vector<16xf32>
        %swap3A_906 = vector.shape_cast %mul3A_899 : vector<16xf32> to vector<1x16xf32>
        tpu.vector_store %arg13[%swap3A_902, %swap3A_903], %swap3A_906 {strides = array<i32>} : memref<128x128xf32, #tpu.memory_space<vmem>>, vector<1x16xf32>,
        %add3A_907 = arith.constant 5 : i32
        %add3A_908 = arith.addi %mul3A_254, %add3A_907 : i32
        %get3A_909 = arith.index_cast %add3A_908 : i32 to index
        %get3A_910 = arith.constant 80 : index
        %get3A_911 = tpu.vector_load %arg13[%get3A_909, %get3A_910] {strides = array<i32>} : memref<128x128xf32, #tpu.memory_space<vmem>>, vector<1x16xf32>,
        %get3A_912 = vector.shape_cast %get3A_911 : vector<1x16xf32> to vector<16xf32>
        %mul3A_913 = arith.mulf %get3A_912, %get3A_836 : vector<16xf32>
        %add3A_914 = arith.constant 5 : i32
        %add3A_915 = arith.addi %mul3A_254, %add3A_914 : i32
        %swap3A_916 = arith.index_cast %add3A_915 : i32 to index
        %swap3A_917 = arith.constant 80 : index
        %swap3A_918 = tpu.vector_load %arg13[%swap3A_916, %swap3A_917] {strides = array<i32>} : memref<128x128xf32, #tpu.memory_space<vmem>>, vector<1x16xf32>,
        %swap3A_919 = vector.shape_cast %swap3A_918 : vector<1x16xf32> to vector<16xf32>
        %swap3A_920 = vector.shape_cast %mul3A_913 : vector<16xf32> to vector<1x16xf32>
        tpu.vector_store %arg13[%swap3A_916, %swap3A_917], %swap3A_920 {strides = array<i32>} : memref<128x128xf32, #tpu.memory_space<vmem>>, vector<1x16xf32>,
        %add3A_921 = arith.constant 5 : i32
        %add3A_922 = arith.addi %mul3A_254, %add3A_921 : i32
        %get3A_923 = arith.index_cast %add3A_922 : i32 to index
        %get3A_924 = arith.constant 96 : index
        %get3A_925 = tpu.vector_load %arg13[%get3A_923, %get3A_924] {strides = array<i32>} : memref<128x128xf32, #tpu.memory_space<vmem>>, vector<1x16xf32>,
        %get3A_926 = vector.shape_cast %get3A_925 : vector<1x16xf32> to vector<16xf32>
        %mul3A_927 = arith.mulf %get3A_926, %get3A_836 : vector<16xf32>
        %add3A_928 = arith.constant 5 : i32
        %add3A_929 = arith.addi %mul3A_254, %add3A_928 : i32
        %swap3A_930 = arith.index_cast %add3A_929 : i32 to index
        %swap3A_931 = arith.constant 96 : index
        %swap3A_932 = tpu.vector_load %arg13[%swap3A_930, %swap3A_931] {strides = array<i32>} : memref<128x128xf32, #tpu.memory_space<vmem>>, vector<1x16xf32>,
        %swap3A_933 = vector.shape_cast %swap3A_932 : vector<1x16xf32> to vector<16xf32>
        %swap3A_934 = vector.shape_cast %mul3A_927 : vector<16xf32> to vector<1x16xf32>
        tpu.vector_store %arg13[%swap3A_930, %swap3A_931], %swap3A_934 {strides = array<i32>} : memref<128x128xf32, #tpu.memory_space<vmem>>, vector<1x16xf32>,
        %add3A_935 = arith.constant 5 : i32
        %add3A_936 = arith.addi %mul3A_254, %add3A_935 : i32
        %get3A_937 = arith.index_cast %add3A_936 : i32 to index
        %get3A_938 = arith.constant 112 : index
        %get3A_939 = tpu.vector_load %arg13[%get3A_937, %get3A_938] {strides = array<i32>} : memref<128x128xf32, #tpu.memory_space<vmem>>, vector<1x16xf32>,
        %get3A_940 = vector.shape_cast %get3A_939 : vector<1x16xf32> to vector<16xf32>
        %mul3A_941 = arith.mulf %get3A_940, %get3A_836 : vector<16xf32>
        %add3A_942 = arith.constant 5 : i32
        %add3A_943 = arith.addi %mul3A_254, %add3A_942 : i32
        %swap3A_944 = arith.index_cast %add3A_943 : i32 to index
        %swap3A_945 = arith.constant 112 : index
        %swap3A_946 = tpu.vector_load %arg13[%swap3A_944, %swap3A_945] {strides = array<i32>} : memref<128x128xf32, #tpu.memory_space<vmem>>, vector<1x16xf32>,
        %swap3A_947 = vector.shape_cast %swap3A_946 : vector<1x16xf32> to vector<16xf32>
        %swap3A_948 = vector.shape_cast %mul3A_941 : vector<16xf32> to vector<1x16xf32>
        tpu.vector_store %arg13[%swap3A_944, %swap3A_945], %swap3A_948 {strides = array<i32>} : memref<128x128xf32, #tpu.memory_space<vmem>>, vector<1x16xf32>,
        %get3A_949 = arith.index_cast %scan3A_252 : i32 to index
        %get3A_950 = arith.constant 96 : index
        %get3A_951 = tpu.vector_load %arg11[%get3A_949, %get3A_950] {strides = array<i32>} : memref<16x128xf32, #tpu.memory_space<vmem>>, vector<1x16xf32>,
        %get3A_952 = vector.shape_cast %get3A_951 : vector<1x16xf32> to vector<16xf32>
        %add3A_953 = arith.constant 6 : i32
        %add3A_954 = arith.addi %mul3A_254, %add3A_953 : i32
        %get3A_955 = arith.index_cast %add3A_954 : i32 to index
        %get3A_956 = arith.constant 0 : index
        %get3A_957 = tpu.vector_load %arg13[%get3A_955, %get3A_956] {strides = array<i32>} : memref<128x128xf32, #tpu.memory_space<vmem>>, vector<1x16xf32>,
        %get3A_958 = vector.shape_cast %get3A_957 : vector<1x16xf32> to vector<16xf32>
        %mul3A_959 = arith.mulf %get3A_958, %get3A_952 : vector<16xf32>
        %add3A_960 = arith.constant 6 : i32
        %add3A_961 = arith.addi %mul3A_254, %add3A_960 : i32
        %swap3A_962 = arith.index_cast %add3A_961 : i32 to index
        %swap3A_963 = arith.constant 0 : index
        %swap3A_964 = tpu.vector_load %arg13[%swap3A_962, %swap3A_963] {strides = array<i32>} : memref<128x128xf32, #tpu.memory_space<vmem>>, vector<1x16xf32>,
        %swap3A_965 = vector.shape_cast %swap3A_964 : vector<1x16xf32> to vector<16xf32>
        %swap3A_966 = vector.shape_cast %mul3A_959 : vector<16xf32> to vector<1x16xf32>
        tpu.vector_store %arg13[%swap3A_962, %swap3A_963], %swap3A_966 {strides = array<i32>} : memref<128x128xf32, #tpu.memory_space<vmem>>, vector<1x16xf32>,
        %add3A_967 = arith.constant 6 : i32
        %add3A_968 = arith.addi %mul3A_254, %add3A_967 : i32
        %get3A_969 = arith.index_cast %add3A_968 : i32 to index
        %get3A_970 = arith.constant 16 : index
        %get3A_971 = tpu.vector_load %arg13[%get3A_969, %get3A_970] {strides = array<i32>} : memref<128x128xf32, #tpu.memory_space<vmem>>, vector<1x16xf32>,
        %get3A_972 = vector.shape_cast %get3A_971 : vector<1x16xf32> to vector<16xf32>
        %mul3A_973 = arith.mulf %get3A_972, %get3A_952 : vector<16xf32>
        %add3A_974 = arith.constant 6 : i32
        %add3A_975 = arith.addi %mul3A_254, %add3A_974 : i32
        %swap3A_976 = arith.index_cast %add3A_975 : i32 to index
        %swap3A_977 = arith.constant 16 : index
        %swap3A_978 = tpu.vector_load %arg13[%swap3A_976, %swap3A_977] {strides = array<i32>} : memref<128x128xf32, #tpu.memory_space<vmem>>, vector<1x16xf32>,
        %swap3A_979 = vector.shape_cast %swap3A_978 : vector<1x16xf32> to vector<16xf32>
        %swap3A_980 = vector.shape_cast %mul3A_973 : vector<16xf32> to vector<1x16xf32>
        tpu.vector_store %arg13[%swap3A_976, %swap3A_977], %swap3A_980 {strides = array<i32>} : memref<128x128xf32, #tpu.memory_space<vmem>>, vector<1x16xf32>,
        %add3A_981 = arith.constant 6 : i32
        %add3A_982 = arith.addi %mul3A_254, %add3A_981 : i32
        %get3A_983 = arith.index_cast %add3A_982 : i32 to index
        %get3A_984 = arith.constant 32 : index
        %get3A_985 = tpu.vector_load %arg13[%get3A_983, %get3A_984] {strides = array<i32>} : memref<128x128xf32, #tpu.memory_space<vmem>>, vector<1x16xf32>,
        %get3A_986 = vector.shape_cast %get3A_985 : vector<1x16xf32> to vector<16xf32>
        %mul3A_987 = arith.mulf %get3A_986, %get3A_952 : vector<16xf32>
        %add3A_988 = arith.constant 6 : i32
        %add3A_989 = arith.addi %mul3A_254, %add3A_988 : i32
        %swap3A_990 = arith.index_cast %add3A_989 : i32 to index
        %swap3A_991 = arith.constant 32 : index
        %swap3A_992 = tpu.vector_load %arg13[%swap3A_990, %swap3A_991] {strides = array<i32>} : memref<128x128xf32, #tpu.memory_space<vmem>>, vector<1x16xf32>,
        %swap3A_993 = vector.shape_cast %swap3A_992 : vector<1x16xf32> to vector<16xf32>
        %swap3A_994 = vector.shape_cast %mul3A_987 : vector<16xf32> to vector<1x16xf32>
        tpu.vector_store %arg13[%swap3A_990, %swap3A_991], %swap3A_994 {strides = array<i32>} : memref<128x128xf32, #tpu.memory_space<vmem>>, vector<1x16xf32>,
        %add3A_995 = arith.constant 6 : i32
        %add3A_996 = arith.addi %mul3A_254, %add3A_995 : i32
        %get3A_997 = arith.index_cast %add3A_996 : i32 to index
        %get3A_998 = arith.constant 48 : index
        %get3A_999 = tpu.vector_load %arg13[%get3A_997, %get3A_998] {strides = array<i32>} : memref<128x128xf32, #tpu.memory_space<vmem>>, vector<1x16xf32>,
        %get3A_1000 = vector.shape_cast %get3A_999 : vector<1x16xf32> to vector<16xf32>
        %mul3A_1001 = arith.mulf %get3A_1000, %get3A_952 : vector<16xf32>
        %add3A_1002 = arith.constant 6 : i32
        %add3A_1003 = arith.addi %mul3A_254, %add3A_1002 : i32
        %swap3A_1004 = arith.index_cast %add3A_1003 : i32 to index
        %swap3A_1005 = arith.constant 48 : index
        %swap3A_1006 = tpu.vector_load %arg13[%swap3A_1004, %swap3A_1005] {strides = array<i32>} : memref<128x128xf32, #tpu.memory_space<vmem>>, vector<1x16xf32>,
        %swap3A_1007 = vector.shape_cast %swap3A_1006 : vector<1x16xf32> to vector<16xf32>
        %swap3A_1008 = vector.shape_cast %mul3A_1001 : vector<16xf32> to vector<1x16xf32>
        tpu.vector_store %arg13[%swap3A_1004, %swap3A_1005], %swap3A_1008 {strides = array<i32>} : memref<128x128xf32, #tpu.memory_space<vmem>>, vector<1x16xf32>,
        %add3A_1009 = arith.constant 6 : i32
        %add3A_1010 = arith.addi %mul3A_254, %add3A_1009 : i32
        %get3A_1011 = arith.index_cast %add3A_1010 : i32 to index
        %get3A_1012 = arith.constant 64 : index
        %get3A_1013 = tpu.vector_load %arg13[%get3A_1011, %get3A_1012] {strides = array<i32>} : memref<128x128xf32, #tpu.memory_space<vmem>>, vector<1x16xf32>,
        %get3A_1014 = vector.shape_cast %get3A_1013 : vector<1x16xf32> to vector<16xf32>
        %mul3A_1015 = arith.mulf %get3A_1014, %get3A_952 : vector<16xf32>
        %add3A_1016 = arith.constant 6 : i32
        %add3A_1017 = arith.addi %mul3A_254, %add3A_1016 : i32
        %swap3A_1018 = arith.index_cast %add3A_1017 : i32 to index
        %swap3A_1019 = arith.constant 64 : index
        %swap3A_1020 = tpu.vector_load %arg13[%swap3A_1018, %swap3A_1019] {strides = array<i32>} : memref<128x128xf32, #tpu.memory_space<vmem>>, vector<1x16xf32>,
        %swap3A_1021 = vector.shape_cast %swap3A_1020 : vector<1x16xf32> to vector<16xf32>
        %swap3A_1022 = vector.shape_cast %mul3A_1015 : vector<16xf32> to vector<1x16xf32>
        tpu.vector_store %arg13[%swap3A_1018, %swap3A_1019], %swap3A_1022 {strides = array<i32>} : memref<128x128xf32, #tpu.memory_space<vmem>>, vector<1x16xf32>,
        %add3A_1023 = arith.constant 6 : i32
        %add3A_1024 = arith.addi %mul3A_254, %add3A_1023 : i32
        %get3A_1025 = arith.index_cast %add3A_1024 : i32 to index
        %get3A_1026 = arith.constant 80 : index
        %get3A_1027 = tpu.vector_load %arg13[%get3A_1025, %get3A_1026] {strides = array<i32>} : memref<128x128xf32, #tpu.memory_space<vmem>>, vector<1x16xf32>,
        %get3A_1028 = vector.shape_cast %get3A_1027 : vector<1x16xf32> to vector<16xf32>
        %mul3A_1029 = arith.mulf %get3A_1028, %get3A_952 : vector<16xf32>
        %add3A_1030 = arith.constant 6 : i32
        %add3A_1031 = arith.addi %mul3A_254, %add3A_1030 : i32
        %swap3A_1032 = arith.index_cast %add3A_1031 : i32 to index
        %swap3A_1033 = arith.constant 80 : index
        %swap3A_1034 = tpu.vector_load %arg13[%swap3A_1032, %swap3A_1033] {strides = array<i32>} : memref<128x128xf32, #tpu.memory_space<vmem>>, vector<1x16xf32>,
        %swap3A_1035 = vector.shape_cast %swap3A_1034 : vector<1x16xf32> to vector<16xf32>
        %swap3A_1036 = vector.shape_cast %mul3A_1029 : vector<16xf32> to vector<1x16xf32>
        tpu.vector_store %arg13[%swap3A_1032, %swap3A_1033], %swap3A_1036 {strides = array<i32>} : memref<128x128xf32, #tpu.memory_space<vmem>>, vector<1x16xf32>,
        %add3A_1037 = arith.constant 6 : i32
        %add3A_1038 = arith.addi %mul3A_254, %add3A_1037 : i32
        %get3A_1039 = arith.index_cast %add3A_1038 : i32 to index
        %get3A_1040 = arith.constant 96 : index
        %get3A_1041 = tpu.vector_load %arg13[%get3A_1039, %get3A_1040] {strides = array<i32>} : memref<128x128xf32, #tpu.memory_space<vmem>>, vector<1x16xf32>,
        %get3A_1042 = vector.shape_cast %get3A_1041 : vector<1x16xf32> to vector<16xf32>
        %mul3A_1043 = arith.mulf %get3A_1042, %get3A_952 : vector<16xf32>
        %add3A_1044 = arith.constant 6 : i32
        %add3A_1045 = arith.addi %mul3A_254, %add3A_1044 : i32
        %swap3A_1046 = arith.index_cast %add3A_1045 : i32 to index
        %swap3A_1047 = arith.constant 96 : index
        %swap3A_1048 = tpu.vector_load %arg13[%swap3A_1046, %swap3A_1047] {strides = array<i32>} : memref<128x128xf32, #tpu.memory_space<vmem>>, vector<1x16xf32>,
        %swap3A_1049 = vector.shape_cast %swap3A_1048 : vector<1x16xf32> to vector<16xf32>
        %swap3A_1050 = vector.shape_cast %mul3A_1043 : vector<16xf32> to vector<1x16xf32>
        tpu.vector_store %arg13[%swap3A_1046, %swap3A_1047], %swap3A_1050 {strides = array<i32>} : memref<128x128xf32, #tpu.memory_space<vmem>>, vector<1x16xf32>,
        %add3A_1051 = arith.constant 6 : i32
        %add3A_1052 = arith.addi %mul3A_254, %add3A_1051 : i32
        %get3A_1053 = arith.index_cast %add3A_1052 : i32 to index
        %get3A_1054 = arith.constant 112 : index
        %get3A_1055 = tpu.vector_load %arg13[%get3A_1053, %get3A_1054] {strides = array<i32>} : memref<128x128xf32, #tpu.memory_space<vmem>>, vector<1x16xf32>,
        %get3A_1056 = vector.shape_cast %get3A_1055 : vector<1x16xf32> to vector<16xf32>
        %mul3A_1057 = arith.mulf %get3A_1056, %get3A_952 : vector<16xf32>
        %add3A_1058 = arith.constant 6 : i32
        %add3A_1059 = arith.addi %mul3A_254, %add3A_1058 : i32
        %swap3A_1060 = arith.index_cast %add3A_1059 : i32 to index
        %swap3A_1061 = arith.constant 112 : index
        %swap3A_1062 = tpu.vector_load %arg13[%swap3A_1060, %swap3A_1061] {strides = array<i32>} : memref<128x128xf32, #tpu.memory_space<vmem>>, vector<1x16xf32>,
        %swap3A_1063 = vector.shape_cast %swap3A_1062 : vector<1x16xf32> to vector<16xf32>
        %swap3A_1064 = vector.shape_cast %mul3A_1057 : vector<16xf32> to vector<1x16xf32>
        tpu.vector_store %arg13[%swap3A_1060, %swap3A_1061], %swap3A_1064 {strides = array<i32>} : memref<128x128xf32, #tpu.memory_space<vmem>>, vector<1x16xf32>,
        %get3A_1065 = arith.index_cast %scan3A_252 : i32 to index
        %get3A_1066 = arith.constant 112 : index
        %get3A_1067 = tpu.vector_load %arg11[%get3A_1065, %get3A_1066] {strides = array<i32>} : memref<16x128xf32, #tpu.memory_space<vmem>>, vector<1x16xf32>,
        %get3A_1068 = vector.shape_cast %get3A_1067 : vector<1x16xf32> to vector<16xf32>
        %add3A_1069 = arith.constant 7 : i32
        %add3A_1070 = arith.addi %mul3A_254, %add3A_1069 : i32
        %get3A_1071 = arith.index_cast %add3A_1070 : i32 to index
        %get3A_1072 = arith.constant 0 : index
        %get3A_1073 = tpu.vector_load %arg13[%get3A_1071, %get3A_1072] {strides = array<i32>} : memref<128x128xf32, #tpu.memory_space<vmem>>, vector<1x16xf32>,
        %get3A_1074 = vector.shape_cast %get3A_1073 : vector<1x16xf32> to vector<16xf32>
        %mul3A_1075 = arith.mulf %get3A_1074, %get3A_1068 : vector<16xf32>
        %add3A_1076 = arith.constant 7 : i32
        %add3A_1077 = arith.addi %mul3A_254, %add3A_1076 : i32
        %swap3A_1078 = arith.index_cast %add3A_1077 : i32 to index
        %swap3A_1079 = arith.constant 0 : index
        %swap3A_1080 = tpu.vector_load %arg13[%swap3A_1078, %swap3A_1079] {strides = array<i32>} : memref<128x128xf32, #tpu.memory_space<vmem>>, vector<1x16xf32>,
        %swap3A_1081 = vector.shape_cast %swap3A_1080 : vector<1x16xf32> to vector<16xf32>
        %swap3A_1082 = vector.shape_cast %mul3A_1075 : vector<16xf32> to vector<1x16xf32>
        tpu.vector_store %arg13[%swap3A_1078, %swap3A_1079], %swap3A_1082 {strides = array<i32>} : memref<128x128xf32, #tpu.memory_space<vmem>>, vector<1x16xf32>,
        %add3A_1083 = arith.constant 7 : i32
        %add3A_1084 = arith.addi %mul3A_254, %add3A_1083 : i32
        %get3A_1085 = arith.index_cast %add3A_1084 : i32 to index
        %get3A_1086 = arith.constant 16 : index
        %get3A_1087 = tpu.vector_load %arg13[%get3A_1085, %get3A_1086] {strides = array<i32>} : memref<128x128xf32, #tpu.memory_space<vmem>>, vector<1x16xf32>,
        %get3A_1088 = vector.shape_cast %get3A_1087 : vector<1x16xf32> to vector<16xf32>
        %mul3A_1089 = arith.mulf %get3A_1088, %get3A_1068 : vector<16xf32>
        %add3A_1090 = arith.constant 7 : i32
        %add3A_1091 = arith.addi %mul3A_254, %add3A_1090 : i32
        %swap3A_1092 = arith.index_cast %add3A_1091 : i32 to index
        %swap3A_1093 = arith.constant 16 : index
        %swap3A_1094 = tpu.vector_load %arg13[%swap3A_1092, %swap3A_1093] {strides = array<i32>} : memref<128x128xf32, #tpu.memory_space<vmem>>, vector<1x16xf32>,
        %swap3A_1095 = vector.shape_cast %swap3A_1094 : vector<1x16xf32> to vector<16xf32>
        %swap3A_1096 = vector.shape_cast %mul3A_1089 : vector<16xf32> to vector<1x16xf32>
        tpu.vector_store %arg13[%swap3A_1092, %swap3A_1093], %swap3A_1096 {strides = array<i32>} : memref<128x128xf32, #tpu.memory_space<vmem>>, vector<1x16xf32>,
        %add3A_1097 = arith.constant 7 : i32
        %add3A_1098 = arith.addi %mul3A_254, %add3A_1097 : i32
        %get3A_1099 = arith.index_cast %add3A_1098 : i32 to index
        %get3A_1100 = arith.constant 32 : index
        %get3A_1101 = tpu.vector_load %arg13[%get3A_1099, %get3A_1100] {strides = array<i32>} : memref<128x128xf32, #tpu.memory_space<vmem>>, vector<1x16xf32>,
        %get3A_1102 = vector.shape_cast %get3A_1101 : vector<1x16xf32> to vector<16xf32>
        %mul3A_1103 = arith.mulf %get3A_1102, %get3A_1068 : vector<16xf32>
        %add3A_1104 = arith.constant 7 : i32
        %add3A_1105 = arith.addi %mul3A_254, %add3A_1104 : i32
        %swap3A_1106 = arith.index_cast %add3A_1105 : i32 to index
        %swap3A_1107 = arith.constant 32 : index
        %swap3A_1108 = tpu.vector_load %arg13[%swap3A_1106, %swap3A_1107] {strides = array<i32>} : memref<128x128xf32, #tpu.memory_space<vmem>>, vector<1x16xf32>,
        %swap3A_1109 = vector.shape_cast %swap3A_1108 : vector<1x16xf32> to vector<16xf32>
        %swap3A_1110 = vector.shape_cast %mul3A_1103 : vector<16xf32> to vector<1x16xf32>
        tpu.vector_store %arg13[%swap3A_1106, %swap3A_1107], %swap3A_1110 {strides = array<i32>} : memref<128x128xf32, #tpu.memory_space<vmem>>, vector<1x16xf32>,
        %add3A_1111 = arith.constant 7 : i32
        %add3A_1112 = arith.addi %mul3A_254, %add3A_1111 : i32
        %get3A_1113 = arith.index_cast %add3A_1112 : i32 to index
        %get3A_1114 = arith.constant 48 : index
        %get3A_1115 = tpu.vector_load %arg13[%get3A_1113, %get3A_1114] {strides = array<i32>} : memref<128x128xf32, #tpu.memory_space<vmem>>, vector<1x16xf32>,
        %get3A_1116 = vector.shape_cast %get3A_1115 : vector<1x16xf32> to vector<16xf32>
        %mul3A_1117 = arith.mulf %get3A_1116, %get3A_1068 : vector<16xf32>
        %add3A_1118 = arith.constant 7 : i32
        %add3A_1119 = arith.addi %mul3A_254, %add3A_1118 : i32
        %swap3A_1120 = arith.index_cast %add3A_1119 : i32 to index
        %swap3A_1121 = arith.constant 48 : index
        %swap3A_1122 = tpu.vector_load %arg13[%swap3A_1120, %swap3A_1121] {strides = array<i32>} : memref<128x128xf32, #tpu.memory_space<vmem>>, vector<1x16xf32>,
        %swap3A_1123 = vector.shape_cast %swap3A_1122 : vector<1x16xf32> to vector<16xf32>
        %swap3A_1124 = vector.shape_cast %mul3A_1117 : vector<16xf32> to vector<1x16xf32>
        tpu.vector_store %arg13[%swap3A_1120, %swap3A_1121], %swap3A_1124 {strides = array<i32>} : memref<128x128xf32, #tpu.memory_space<vmem>>, vector<1x16xf32>,
        %add3A_1125 = arith.constant 7 : i32
        %add3A_1126 = arith.addi %mul3A_254, %add3A_1125 : i32
        %get3A_1127 = arith.index_cast %add3A_1126 : i32 to index
        %get3A_1128 = arith.constant 64 : index
        %get3A_1129 = tpu.vector_load %arg13[%get3A_1127, %get3A_1128] {strides = array<i32>} : memref<128x128xf32, #tpu.memory_space<vmem>>, vector<1x16xf32>,
        %get3A_1130 = vector.shape_cast %get3A_1129 : vector<1x16xf32> to vector<16xf32>
        %mul3A_1131 = arith.mulf %get3A_1130, %get3A_1068 : vector<16xf32>
        %add3A_1132 = arith.constant 7 : i32
        %add3A_1133 = arith.addi %mul3A_254, %add3A_1132 : i32
        %swap3A_1134 = arith.index_cast %add3A_1133 : i32 to index
        %swap3A_1135 = arith.constant 64 : index
        %swap3A_1136 = tpu.vector_load %arg13[%swap3A_1134, %swap3A_1135] {strides = array<i32>} : memref<128x128xf32, #tpu.memory_space<vmem>>, vector<1x16xf32>,
        %swap3A_1137 = vector.shape_cast %swap3A_1136 : vector<1x16xf32> to vector<16xf32>
        %swap3A_1138 = vector.shape_cast %mul3A_1131 : vector<16xf32> to vector<1x16xf32>
        tpu.vector_store %arg13[%swap3A_1134, %swap3A_1135], %swap3A_1138 {strides = array<i32>} : memref<128x128xf32, #tpu.memory_space<vmem>>, vector<1x16xf32>,
        %add3A_1139 = arith.constant 7 : i32
        %add3A_1140 = arith.addi %mul3A_254, %add3A_1139 : i32
        %get3A_1141 = arith.index_cast %add3A_1140 : i32 to index
        %get3A_1142 = arith.constant 80 : index
        %get3A_1143 = tpu.vector_load %arg13[%get3A_1141, %get3A_1142] {strides = array<i32>} : memref<128x128xf32, #tpu.memory_space<vmem>>, vector<1x16xf32>,
        %get3A_1144 = vector.shape_cast %get3A_1143 : vector<1x16xf32> to vector<16xf32>
        %mul3A_1145 = arith.mulf %get3A_1144, %get3A_1068 : vector<16xf32>
        %add3A_1146 = arith.constant 7 : i32
        %add3A_1147 = arith.addi %mul3A_254, %add3A_1146 : i32
        %swap3A_1148 = arith.index_cast %add3A_1147 : i32 to index
        %swap3A_1149 = arith.constant 80 : index
        %swap3A_1150 = tpu.vector_load %arg13[%swap3A_1148, %swap3A_1149] {strides = array<i32>} : memref<128x128xf32, #tpu.memory_space<vmem>>, vector<1x16xf32>,
        %swap3A_1151 = vector.shape_cast %swap3A_1150 : vector<1x16xf32> to vector<16xf32>
        %swap3A_1152 = vector.shape_cast %mul3A_1145 : vector<16xf32> to vector<1x16xf32>
        tpu.vector_store %arg13[%swap3A_1148, %swap3A_1149], %swap3A_1152 {strides = array<i32>} : memref<128x128xf32, #tpu.memory_space<vmem>>, vector<1x16xf32>,
        %add3A_1153 = arith.constant 7 : i32
        %add3A_1154 = arith.addi %mul3A_254, %add3A_1153 : i32
        %get3A_1155 = arith.index_cast %add3A_1154 : i32 to index
        %get3A_1156 = arith.constant 96 : index
        %get3A_1157 = tpu.vector_load %arg13[%get3A_1155, %get3A_1156] {strides = array<i32>} : memref<128x128xf32, #tpu.memory_space<vmem>>, vector<1x16xf32>,
        %get3A_1158 = vector.shape_cast %get3A_1157 : vector<1x16xf32> to vector<16xf32>
        %mul3A_1159 = arith.mulf %get3A_1158, %get3A_1068 : vector<16xf32>
        %add3A_1160 = arith.constant 7 : i32
        %add3A_1161 = arith.addi %mul3A_254, %add3A_1160 : i32
        %swap3A_1162 = arith.index_cast %add3A_1161 : i32 to index
        %swap3A_1163 = arith.constant 96 : index
        %swap3A_1164 = tpu.vector_load %arg13[%swap3A_1162, %swap3A_1163] {strides = array<i32>} : memref<128x128xf32, #tpu.memory_space<vmem>>, vector<1x16xf32>,
        %swap3A_1165 = vector.shape_cast %swap3A_1164 : vector<1x16xf32> to vector<16xf32>
        %swap3A_1166 = vector.shape_cast %mul3A_1159 : vector<16xf32> to vector<1x16xf32>
        tpu.vector_store %arg13[%swap3A_1162, %swap3A_1163], %swap3A_1166 {strides = array<i32>} : memref<128x128xf32, #tpu.memory_space<vmem>>, vector<1x16xf32>,
        %add3A_1167 = arith.constant 7 : i32
        %add3A_1168 = arith.addi %mul3A_254, %add3A_1167 : i32
        %get3A_1169 = arith.index_cast %add3A_1168 : i32 to index
        %get3A_1170 = arith.constant 112 : index
        %get3A_1171 = tpu.vector_load %arg13[%get3A_1169, %get3A_1170] {strides = array<i32>} : memref<128x128xf32, #tpu.memory_space<vmem>>, vector<1x16xf32>,
        %get3A_1172 = vector.shape_cast %get3A_1171 : vector<1x16xf32> to vector<16xf32>
        %mul3A_1173 = arith.mulf %get3A_1172, %get3A_1068 : vector<16xf32>
        %add3A_1174 = arith.constant 7 : i32
        %add3A_1175 = arith.addi %mul3A_254, %add3A_1174 : i32
        %swap3A_1176 = arith.index_cast %add3A_1175 : i32 to index
        %swap3A_1177 = arith.constant 112 : index
        %swap3A_1178 = tpu.vector_load %arg13[%swap3A_1176, %swap3A_1177] {strides = array<i32>} : memref<128x128xf32, #tpu.memory_space<vmem>>, vector<1x16xf32>,
        %swap3A_1179 = vector.shape_cast %swap3A_1178 : vector<1x16xf32> to vector<16xf32>
        %swap3A_1180 = vector.shape_cast %mul3A_1173 : vector<16xf32> to vector<1x16xf32>
        tpu.vector_store %arg13[%swap3A_1176, %swap3A_1177], %swap3A_1180 {strides = array<i32>} : memref<128x128xf32, #tpu.memory_space<vmem>>, vector<1x16xf32>,
      }
      %scan3A_230 = arith.constant 16 : i32
      %dma_wait3A_231 = arith.constant 0 : i32
      %dma_wait3A_232 = arith.constant 1 : i32
      %dma_wait3A_233 = arith.constant 0 : i32
      %dma_wait3A_234 = tpu.memref_slice %arg9[%dma_wait3A_232, %dma_wait3A_233] : memref<2x128xi32, #tpu.memory_space<vmem>> -> memref<1x128xi32, #tpu.memory_space<vmem>>
      %dma_wait3A_235 = tpu.memref_squeeze %dma_wait3A_234 : memref<1x128xi32, #tpu.memory_space<vmem>> -> memref<128xi32, #tpu.memory_space<vmem>>
      %dma_wait3A_236 = arith.constant 0 : i32
      %dma_wait3A_237 = tpu.memref_slice %arg4[%add3A, %add3A_102, %dma_wait3A_231, %dma_wait3A_236] : memref<32x79x1x128xi32, #tpu.memory_space<hbm>> -> memref<1x1x1x128xi32, #tpu.memory_space<hbm>>
      %dma_wait3A_238 = tpu.memref_squeeze %dma_wait3A_237 : memref<1x1x1x128xi32, #tpu.memory_space<hbm>> -> memref<128xi32, #tpu.memory_space<hbm>>
      %dma_wait3A_239 = arith.constant 0 : i32
      %dma_wait3A_240 = tpu.memref_slice %arg9[%dma_wait3A_232, %dma_wait3A_239] : memref<2x128xi32, #tpu.memory_space<vmem>> -> memref<1x128xi32, #tpu.memory_space<vmem>>
      %dma_wait3A_241 = tpu.memref_squeeze %dma_wait3A_240 : memref<1x128xi32, #tpu.memory_space<vmem>> -> memref<128xi32, #tpu.memory_space<vmem>>
      %dma_wait3A_242 = arith.constant 0 : i32
      %dma_wait3A_243 = tpu.memref_slice %arg4[%add3A, %add3A_102, %dma_wait3A_231, %dma_wait3A_242] : memref<32x79x1x128xi32, #tpu.memory_space<hbm>> -> memref<1x1x1x128xi32, #tpu.memory_space<hbm>>
      %dma_wait3A_244 = tpu.memref_squeeze %dma_wait3A_243 : memref<1x1x1x128xi32, #tpu.memory_space<hbm>> -> memref<128xi32, #tpu.memory_space<hbm>>
      tpu.wait_dma2 semaphore(%arg18 : memref<!tpu.dma_semaphore, #tpu.memory_space<semaphore_mem>>) src(%dma_wait3A_244 : memref<128xi32, #tpu.memory_space<hbm>>) dst(%dma_wait3A_241 : memref<128xi32, #tpu.memory_space<vmem>>)
      %dma_start3A_245 = arith.constant 1 : i32
      %dma_start3A_246 = arith.constant 0 : i32
      %dma_start3A_247 = tpu.memref_slice %arg9[%dma_start3A_245, %dma_start3A_246] : memref<2x128xi32, #tpu.memory_space<vmem>> -> memref<1x128xi32, #tpu.memory_space<vmem>>
      %dma_start3A_248 = tpu.memref_squeeze %dma_start3A_247 : memref<1x128xi32, #tpu.memory_space<vmem>> -> memref<128xi32, #tpu.memory_space<vmem>>
      %dma_start3A_249 = arith.constant 0 : i32
      %dma_start3A_250 = arith.constant 0 : i32
      %dma_start3A_251 = tpu.memref_slice %arg14[%dma_start3A_249, %dma_start3A_250] : memref<10240x128xf32, #tpu.memory_space<vmem_shared>> -> memref<10240x128xf32, #tpu.memory_space<vmem_shared>>
      tpu.enqueue_indirect_dma source(%arg13 : memref<128x128xf32, #tpu.memory_space<vmem>>) target(%dma_start3A_251 : memref<10240x128xf32, #tpu.memory_space<vmem_shared>>) offsets(%dma_start3A_248 : memref<128xi32, #tpu.memory_space<vmem>>) semaphore(%arg22 : memref<!tpu.dma_semaphore, #tpu.memory_space<semaphore_mem>>) {add = true}
    }
    %scan3A_37 = arith.constant 39 : i32
    %dma_wait3A = arith.constant 78 : i32
    %dma_wait3A_38 = arith.constant 0 : i32
    %dma_wait3A_39 = tpu.memref_slice %arg8[%dma_wait3A, %dma_wait3A_38] : memref<79x128xi32, #tpu.memory_space<vmem>> -> memref<1x128xi32, #tpu.memory_space<vmem>>
    %dma_wait3A_40 = tpu.memref_squeeze %dma_wait3A_39 : memref<1x128xi32, #tpu.memory_space<vmem>> -> memref<128xi32, #tpu.memory_space<vmem>>
    %dma_wait3A_41 = arith.constant 0 : i32
    %dma_wait3A_42 = arith.constant 0 : i32
    %dma_wait3A_43 = tpu.memref_slice %arg2[%dma_wait3A_41, %dma_wait3A_42] : memref<10240x128xf32, #tpu.memory_space<hbm>> -> memref<10240x128xf32, #tpu.memory_space<hbm>>
    tpu.wait_indirect_dma semaphore(%arg15 : memref<!tpu.dma_semaphore, #tpu.memory_space<semaphore_mem>>) src(%dma_wait3A_43 : memref<10240x128xf32, #tpu.memory_space<hbm>>) dst(%arg12 : memref<128x128xf32, #tpu.memory_space<vmem>>)
    %dma_wait3A_44 = arith.constant 78 : i32
    %dma_wait3A_45 = arith.constant 0 : i32
    %dma_wait3A_46 = arith.constant 0 : i32
    %dma_wait3A_47 = tpu.memref_slice %arg5[%add3A, %dma_wait3A_44, %dma_wait3A_45, %dma_wait3A_46] : memref<32x79x16x128xf32, #tpu.memory_space<hbm>> -> memref<1x1x16x128xf32, #tpu.memory_space<hbm>>
    %dma_wait3A_48 = tpu.memref_squeeze %dma_wait3A_47 : memref<1x1x16x128xf32, #tpu.memory_space<hbm>> -> memref<16x128xf32, #tpu.memory_space<hbm>>
    %dma_wait3A_49 = arith.constant 0 : i32
    %dma_wait3A_50 = arith.constant 0 : i32
    %dma_wait3A_51 = tpu.memref_slice %arg5[%add3A, %dma_wait3A_44, %dma_wait3A_49, %dma_wait3A_50] : memref<32x79x16x128xf32, #tpu.memory_space<hbm>> -> memref<1x1x16x128xf32, #tpu.memory_space<hbm>>
    %dma_wait3A_52 = tpu.memref_squeeze %dma_wait3A_51 : memref<1x1x16x128xf32, #tpu.memory_space<hbm>> -> memref<16x128xf32, #tpu.memory_space<hbm>>
    tpu.wait_dma2 semaphore(%arg19 : memref<!tpu.dma_semaphore, #tpu.memory_space<semaphore_mem>>) src(%dma_wait3A_52 : memref<16x128xf32, #tpu.memory_space<hbm>>) dst(%arg10 : memref<16x128xf32, #tpu.memory_space<vmem>>)
    %dma_wait3A_53 = arith.constant 1 : i32
    %dma_wait3A_54 = arith.constant 0 : i32
    %dma_wait3A_55 = tpu.memref_slice %arg9[%dma_wait3A_53, %dma_wait3A_54] : memref<2x128xi32, #tpu.memory_space<vmem>> -> memref<1x128xi32, #tpu.memory_space<vmem>>
    %dma_wait3A_56 = tpu.memref_squeeze %dma_wait3A_55 : memref<1x128xi32, #tpu.memory_space<vmem>> -> memref<128xi32, #tpu.memory_space<vmem>>
    %dma_wait3A_57 = arith.constant 0 : i32
    %dma_wait3A_58 = arith.constant 0 : i32
    %dma_wait3A_59 = tpu.memref_slice %arg14[%dma_wait3A_57, %dma_wait3A_58] : memref<10240x128xf32, #tpu.memory_space<vmem_shared>> -> memref<10240x128xf32, #tpu.memory_space<vmem_shared>>
    tpu.wait_indirect_dma semaphore(%arg22 : memref<!tpu.dma_semaphore, #tpu.memory_space<semaphore_mem>>) src(%arg13 : memref<128x128xf32, #tpu.memory_space<vmem>>) dst(%dma_wait3A_59 : memref<10240x128xf32, #tpu.memory_space<vmem_shared>>)
    %scan3A_60 = arith.constant 0 : i32
    %scan3A_61 = arith.constant 0 : i32
    %scan3A_62 = arith.constant 16 : i32
    %scan3A_63 = arith.addi %scan3A_61, %scan3A_62 : i32
    %scan3A_64 = arith.constant 1 : i32
    scf.for %scan3A_98 = %scan3A_61 to %scan3A_63 step %scan3A_64  : i32 {
      %mul3A_99 = arith.constant 8 : i32
      %mul3A_100 = arith.muli %scan3A_98, %mul3A_99 : i32
      %get3A = arith.index_cast %scan3A_98 : i32 to index
      %get3A_101 = arith.constant 0 : index
      %get3A_102 = tpu.vector_load %arg10[%get3A, %get3A_101] {strides = array<i32>} : memref<16x128xf32, #tpu.memory_space<vmem>>, vector<1x16xf32>,
      %get3A_103 = vector.shape_cast %get3A_102 : vector<1x16xf32> to vector<16xf32>
      %add3A_104 = arith.constant 0 : i32
      %add3A_105 = arith.addi %mul3A_100, %add3A_104 : i32
      %get3A_106 = arith.index_cast %add3A_105 : i32 to index
      %get3A_107 = arith.constant 0 : index
      %get3A_108 = tpu.vector_load %arg12[%get3A_106, %get3A_107] {strides = array<i32>} : memref<128x128xf32, #tpu.memory_space<vmem>>, vector<1x16xf32>,
      %get3A_109 = vector.shape_cast %get3A_108 : vector<1x16xf32> to vector<16xf32>
      %mul3A_110 = arith.mulf %get3A_109, %get3A_103 : vector<16xf32>
      %add3A_111 = arith.constant 0 : i32
      %add3A_112 = arith.addi %mul3A_100, %add3A_111 : i32
      %swap3A = arith.index_cast %add3A_112 : i32 to index
      %swap3A_113 = arith.constant 0 : index
      %swap3A_114 = tpu.vector_load %arg12[%swap3A, %swap3A_113] {strides = array<i32>} : memref<128x128xf32, #tpu.memory_space<vmem>>, vector<1x16xf32>,
      %swap3A_115 = vector.shape_cast %swap3A_114 : vector<1x16xf32> to vector<16xf32>
      %swap3A_116 = vector.shape_cast %mul3A_110 : vector<16xf32> to vector<1x16xf32>
      tpu.vector_store %arg12[%swap3A, %swap3A_113], %swap3A_116 {strides = array<i32>} : memref<128x128xf32, #tpu.memory_space<vmem>>, vector<1x16xf32>,
      %add3A_117 = arith.constant 0 : i32
      %add3A_118 = arith.addi %mul3A_100, %add3A_117 : i32
      %get3A_119 = arith.index_cast %add3A_118 : i32 to index
      %get3A_120 = arith.constant 16 : index
      %get3A_121 = tpu.vector_load %arg12[%get3A_119, %get3A_120] {strides = array<i32>} : memref<128x128xf32, #tpu.memory_space<vmem>>, vector<1x16xf32>,
      %get3A_122 = vector.shape_cast %get3A_121 : vector<1x16xf32> to vector<16xf32>
      %mul3A_123 = arith.mulf %get3A_122, %get3A_103 : vector<16xf32>
      %add3A_124 = arith.constant 0 : i32
      %add3A_125 = arith.addi %mul3A_100, %add3A_124 : i32
      %swap3A_126 = arith.index_cast %add3A_125 : i32 to index
      %swap3A_127 = arith.constant 16 : index
      %swap3A_128 = tpu.vector_load %arg12[%swap3A_126, %swap3A_127] {strides = array<i32>} : memref<128x128xf32, #tpu.memory_space<vmem>>, vector<1x16xf32>,
      %swap3A_129 = vector.shape_cast %swap3A_128 : vector<1x16xf32> to vector<16xf32>
      %swap3A_130 = vector.shape_cast %mul3A_123 : vector<16xf32> to vector<1x16xf32>
      tpu.vector_store %arg12[%swap3A_126, %swap3A_127], %swap3A_130 {strides = array<i32>} : memref<128x128xf32, #tpu.memory_space<vmem>>, vector<1x16xf32>,
      %add3A_131 = arith.constant 0 : i32
      %add3A_132 = arith.addi %mul3A_100, %add3A_131 : i32
      %get3A_133 = arith.index_cast %add3A_132 : i32 to index
      %get3A_134 = arith.constant 32 : index
      %get3A_135 = tpu.vector_load %arg12[%get3A_133, %get3A_134] {strides = array<i32>} : memref<128x128xf32, #tpu.memory_space<vmem>>, vector<1x16xf32>,
      %get3A_136 = vector.shape_cast %get3A_135 : vector<1x16xf32> to vector<16xf32>
      %mul3A_137 = arith.mulf %get3A_136, %get3A_103 : vector<16xf32>
      %add3A_138 = arith.constant 0 : i32
      %add3A_139 = arith.addi %mul3A_100, %add3A_138 : i32
      %swap3A_140 = arith.index_cast %add3A_139 : i32 to index
      %swap3A_141 = arith.constant 32 : index
      %swap3A_142 = tpu.vector_load %arg12[%swap3A_140, %swap3A_141] {strides = array<i32>} : memref<128x128xf32, #tpu.memory_space<vmem>>, vector<1x16xf32>,
      %swap3A_143 = vector.shape_cast %swap3A_142 : vector<1x16xf32> to vector<16xf32>
      %swap3A_144 = vector.shape_cast %mul3A_137 : vector<16xf32> to vector<1x16xf32>
      tpu.vector_store %arg12[%swap3A_140, %swap3A_141], %swap3A_144 {strides = array<i32>} : memref<128x128xf32, #tpu.memory_space<vmem>>, vector<1x16xf32>,
      %add3A_145 = arith.constant 0 : i32
      %add3A_146 = arith.addi %mul3A_100, %add3A_145 : i32
      %get3A_147 = arith.index_cast %add3A_146 : i32 to index
      %get3A_148 = arith.constant 48 : index
      %get3A_149 = tpu.vector_load %arg12[%get3A_147, %get3A_148] {strides = array<i32>} : memref<128x128xf32, #tpu.memory_space<vmem>>, vector<1x16xf32>,
      %get3A_150 = vector.shape_cast %get3A_149 : vector<1x16xf32> to vector<16xf32>
      %mul3A_151 = arith.mulf %get3A_150, %get3A_103 : vector<16xf32>
      %add3A_152 = arith.constant 0 : i32
      %add3A_153 = arith.addi %mul3A_100, %add3A_152 : i32
      %swap3A_154 = arith.index_cast %add3A_153 : i32 to index
      %swap3A_155 = arith.constant 48 : index
      %swap3A_156 = tpu.vector_load %arg12[%swap3A_154, %swap3A_155] {strides = array<i32>} : memref<128x128xf32, #tpu.memory_space<vmem>>, vector<1x16xf32>,
      %swap3A_157 = vector.shape_cast %swap3A_156 : vector<1x16xf32> to vector<16xf32>
      %swap3A_158 = vector.shape_cast %mul3A_151 : vector<16xf32> to vector<1x16xf32>
      tpu.vector_store %arg12[%swap3A_154, %swap3A_155], %swap3A_158 {strides = array<i32>} : memref<128x128xf32, #tpu.memory_space<vmem>>, vector<1x16xf32>,
      %add3A_159 = arith.constant 0 : i32
      %add3A_160 = arith.addi %mul3A_100, %add3A_159 : i32
      %get3A_161 = arith.index_cast %add3A_160 : i32 to index
      %get3A_162 = arith.constant 64 : index
      %get3A_163 = tpu.vector_load %arg12[%get3A_161, %get3A_162] {strides = array<i32>} : memref<128x128xf32, #tpu.memory_space<vmem>>, vector<1x16xf32>,
      %get3A_164 = vector.shape_cast %get3A_163 : vector<1x16xf32> to vector<16xf32>
      %mul3A_165 = arith.mulf %get3A_164, %get3A_103 : vector<16xf32>
      %add3A_166 = arith.constant 0 : i32
      %add3A_167 = arith.addi %mul3A_100, %add3A_166 : i32
      %swap3A_168 = arith.index_cast %add3A_167 : i32 to index
      %swap3A_169 = arith.constant 64 : index
      %swap3A_170 = tpu.vector_load %arg12[%swap3A_168, %swap3A_169] {strides = array<i32>} : memref<128x128xf32, #tpu.memory_space<vmem>>, vector<1x16xf32>,
      %swap3A_171 = vector.shape_cast %swap3A_170 : vector<1x16xf32> to vector<16xf32>
      %swap3A_172 = vector.shape_cast %mul3A_165 : vector<16xf32> to vector<1x16xf32>
      tpu.vector_store %arg12[%swap3A_168, %swap3A_169], %swap3A_172 {strides = array<i32>} : memref<128x128xf32, #tpu.memory_space<vmem>>, vector<1x16xf32>,
      %add3A_173 = arith.constant 0 : i32
      %add3A_174 = arith.addi %mul3A_100, %add3A_173 : i32
      %get3A_175 = arith.index_cast %add3A_174 : i32 to index
      %get3A_176 = arith.constant 80 : index
      %get3A_177 = tpu.vector_load %arg12[%get3A_175, %get3A_176] {strides = array<i32>} : memref<128x128xf32, #tpu.memory_space<vmem>>, vector<1x16xf32>,
      %get3A_178 = vector.shape_cast %get3A_177 : vector<1x16xf32> to vector<16xf32>
      %mul3A_179 = arith.mulf %get3A_178, %get3A_103 : vector<16xf32>
      %add3A_180 = arith.constant 0 : i32
      %add3A_181 = arith.addi %mul3A_100, %add3A_180 : i32
      %swap3A_182 = arith.index_cast %add3A_181 : i32 to index
      %swap3A_183 = arith.constant 80 : index
      %swap3A_184 = tpu.vector_load %arg12[%swap3A_182, %swap3A_183] {strides = array<i32>} : memref<128x128xf32, #tpu.memory_space<vmem>>, vector<1x16xf32>,
      %swap3A_185 = vector.shape_cast %swap3A_184 : vector<1x16xf32> to vector<16xf32>
      %swap3A_186 = vector.shape_cast %mul3A_179 : vector<16xf32> to vector<1x16xf32>
      tpu.vector_store %arg12[%swap3A_182, %swap3A_183], %swap3A_186 {strides = array<i32>} : memref<128x128xf32, #tpu.memory_space<vmem>>, vector<1x16xf32>,
      %add3A_187 = arith.constant 0 : i32
      %add3A_188 = arith.addi %mul3A_100, %add3A_187 : i32
      %get3A_189 = arith.index_cast %add3A_188 : i32 to index
      %get3A_190 = arith.constant 96 : index
      %get3A_191 = tpu.vector_load %arg12[%get3A_189, %get3A_190] {strides = array<i32>} : memref<128x128xf32, #tpu.memory_space<vmem>>, vector<1x16xf32>,
      %get3A_192 = vector.shape_cast %get3A_191 : vector<1x16xf32> to vector<16xf32>
      %mul3A_193 = arith.mulf %get3A_192, %get3A_103 : vector<16xf32>
      %add3A_194 = arith.constant 0 : i32
      %add3A_195 = arith.addi %mul3A_100, %add3A_194 : i32
      %swap3A_196 = arith.index_cast %add3A_195 : i32 to index
      %swap3A_197 = arith.constant 96 : index
      %swap3A_198 = tpu.vector_load %arg12[%swap3A_196, %swap3A_197] {strides = array<i32>} : memref<128x128xf32, #tpu.memory_space<vmem>>, vector<1x16xf32>,
      %swap3A_199 = vector.shape_cast %swap3A_198 : vector<1x16xf32> to vector<16xf32>
      %swap3A_200 = vector.shape_cast %mul3A_193 : vector<16xf32> to vector<1x16xf32>
      tpu.vector_store %arg12[%swap3A_196, %swap3A_197], %swap3A_200 {strides = array<i32>} : memref<128x128xf32, #tpu.memory_space<vmem>>, vector<1x16xf32>,
      %add3A_201 = arith.constant 0 : i32
      %add3A_202 = arith.addi %mul3A_100, %add3A_201 : i32
      %get3A_203 = arith.index_cast %add3A_202 : i32 to index
      %get3A_204 = arith.constant 112 : index
      %get3A_205 = tpu.vector_load %arg12[%get3A_203, %get3A_204] {strides = array<i32>} : memref<128x128xf32, #tpu.memory_space<vmem>>, vector<1x16xf32>,
      %get3A_206 = vector.shape_cast %get3A_205 : vector<1x16xf32> to vector<16xf32>
      %mul3A_207 = arith.mulf %get3A_206, %get3A_103 : vector<16xf32>
      %add3A_208 = arith.constant 0 : i32
      %add3A_209 = arith.addi %mul3A_100, %add3A_208 : i32
      %swap3A_210 = arith.index_cast %add3A_209 : i32 to index
      %swap3A_211 = arith.constant 112 : index
      %swap3A_212 = tpu.vector_load %arg12[%swap3A_210, %swap3A_211] {strides = array<i32>} : memref<128x128xf32, #tpu.memory_space<vmem>>, vector<1x16xf32>,
      %swap3A_213 = vector.shape_cast %swap3A_212 : vector<1x16xf32> to vector<16xf32>
      %swap3A_214 = vector.shape_cast %mul3A_207 : vector<16xf32> to vector<1x16xf32>
      tpu.vector_store %arg12[%swap3A_210, %swap3A_211], %swap3A_214 {strides = array<i32>} : memref<128x128xf32, #tpu.memory_space<vmem>>, vector<1x16xf32>,
      %get3A_215 = arith.index_cast %scan3A_98 : i32 to index
      %get3A_216 = arith.constant 16 : index
      %get3A_217 = tpu.vector_load %arg10[%get3A_215, %get3A_216] {strides = array<i32>} : memref<16x128xf32, #tpu.memory_space<vmem>>, vector<1x16xf32>,
      %get3A_218 = vector.shape_cast %get3A_217 : vector<1x16xf32> to vector<16xf32>
      %add3A_219 = arith.constant 1 : i32
      %add3A_220 = arith.addi %mul3A_100, %add3A_219 : i32
      %get3A_221 = arith.index_cast %add3A_220 : i32 to index
      %get3A_222 = arith.constant 0 : index
      %get3A_223 = tpu.vector_load %arg12[%get3A_221, %get3A_222] {strides = array<i32>} : memref<128x128xf32, #tpu.memory_space<vmem>>, vector<1x16xf32>,
      %get3A_224 = vector.shape_cast %get3A_223 : vector<1x16xf32> to vector<16xf32>
      %mul3A_225 = arith.mulf %get3A_224, %get3A_218 : vector<16xf32>
      %add3A_226 = arith.constant 1 : i32
      %add3A_227 = arith.addi %mul3A_100, %add3A_226 : i32
      %swap3A_228 = arith.index_cast %add3A_227 : i32 to index
      %swap3A_229 = arith.constant 0 : index
      %swap3A_230 = tpu.vector_load %arg12[%swap3A_228, %swap3A_229] {strides = array<i32>} : memref<128x128xf32, #tpu.memory_space<vmem>>, vector<1x16xf32>,
      %swap3A_231 = vector.shape_cast %swap3A_230 : vector<1x16xf32> to vector<16xf32>
      %swap3A_232 = vector.shape_cast %mul3A_225 : vector<16xf32> to vector<1x16xf32>
      tpu.vector_store %arg12[%swap3A_228, %swap3A_229], %swap3A_232 {strides = array<i32>} : memref<128x128xf32, #tpu.memory_space<vmem>>, vector<1x16xf32>,
      %add3A_233 = arith.constant 1 : i32
      %add3A_234 = arith.addi %mul3A_100, %add3A_233 : i32
      %get3A_235 = arith.index_cast %add3A_234 : i32 to index
      %get3A_236 = arith.constant 16 : index
      %get3A_237 = tpu.vector_load %arg12[%get3A_235, %get3A_236] {strides = array<i32>} : memref<128x128xf32, #tpu.memory_space<vmem>>, vector<1x16xf32>,
      %get3A_238 = vector.shape_cast %get3A_237 : vector<1x16xf32> to vector<16xf32>
      %mul3A_239 = arith.mulf %get3A_238, %get3A_218 : vector<16xf32>
      %add3A_240 = arith.constant 1 : i32
      %add3A_241 = arith.addi %mul3A_100, %add3A_240 : i32
      %swap3A_242 = arith.index_cast %add3A_241 : i32 to index
      %swap3A_243 = arith.constant 16 : index
      %swap3A_244 = tpu.vector_load %arg12[%swap3A_242, %swap3A_243] {strides = array<i32>} : memref<128x128xf32, #tpu.memory_space<vmem>>, vector<1x16xf32>,
      %swap3A_245 = vector.shape_cast %swap3A_244 : vector<1x16xf32> to vector<16xf32>
      %swap3A_246 = vector.shape_cast %mul3A_239 : vector<16xf32> to vector<1x16xf32>
      tpu.vector_store %arg12[%swap3A_242, %swap3A_243], %swap3A_246 {strides = array<i32>} : memref<128x128xf32, #tpu.memory_space<vmem>>, vector<1x16xf32>,
      %add3A_247 = arith.constant 1 : i32
      %add3A_248 = arith.addi %mul3A_100, %add3A_247 : i32
      %get3A_249 = arith.index_cast %add3A_248 : i32 to index
      %get3A_250 = arith.constant 32 : index
      %get3A_251 = tpu.vector_load %arg12[%get3A_249, %get3A_250] {strides = array<i32>} : memref<128x128xf32, #tpu.memory_space<vmem>>, vector<1x16xf32>,
      %get3A_252 = vector.shape_cast %get3A_251 : vector<1x16xf32> to vector<16xf32>
      %mul3A_253 = arith.mulf %get3A_252, %get3A_218 : vector<16xf32>
      %add3A_254 = arith.constant 1 : i32
      %add3A_255 = arith.addi %mul3A_100, %add3A_254 : i32
      %swap3A_256 = arith.index_cast %add3A_255 : i32 to index
      %swap3A_257 = arith.constant 32 : index
      %swap3A_258 = tpu.vector_load %arg12[%swap3A_256, %swap3A_257] {strides = array<i32>} : memref<128x128xf32, #tpu.memory_space<vmem>>, vector<1x16xf32>,
      %swap3A_259 = vector.shape_cast %swap3A_258 : vector<1x16xf32> to vector<16xf32>
      %swap3A_260 = vector.shape_cast %mul3A_253 : vector<16xf32> to vector<1x16xf32>
      tpu.vector_store %arg12[%swap3A_256, %swap3A_257], %swap3A_260 {strides = array<i32>} : memref<128x128xf32, #tpu.memory_space<vmem>>, vector<1x16xf32>,
      %add3A_261 = arith.constant 1 : i32
      %add3A_262 = arith.addi %mul3A_100, %add3A_261 : i32
      %get3A_263 = arith.index_cast %add3A_262 : i32 to index
      %get3A_264 = arith.constant 48 : index
      %get3A_265 = tpu.vector_load %arg12[%get3A_263, %get3A_264] {strides = array<i32>} : memref<128x128xf32, #tpu.memory_space<vmem>>, vector<1x16xf32>,
      %get3A_266 = vector.shape_cast %get3A_265 : vector<1x16xf32> to vector<16xf32>
      %mul3A_267 = arith.mulf %get3A_266, %get3A_218 : vector<16xf32>
      %add3A_268 = arith.constant 1 : i32
      %add3A_269 = arith.addi %mul3A_100, %add3A_268 : i32
      %swap3A_270 = arith.index_cast %add3A_269 : i32 to index
      %swap3A_271 = arith.constant 48 : index
      %swap3A_272 = tpu.vector_load %arg12[%swap3A_270, %swap3A_271] {strides = array<i32>} : memref<128x128xf32, #tpu.memory_space<vmem>>, vector<1x16xf32>,
      %swap3A_273 = vector.shape_cast %swap3A_272 : vector<1x16xf32> to vector<16xf32>
      %swap3A_274 = vector.shape_cast %mul3A_267 : vector<16xf32> to vector<1x16xf32>
      tpu.vector_store %arg12[%swap3A_270, %swap3A_271], %swap3A_274 {strides = array<i32>} : memref<128x128xf32, #tpu.memory_space<vmem>>, vector<1x16xf32>,
      %add3A_275 = arith.constant 1 : i32
      %add3A_276 = arith.addi %mul3A_100, %add3A_275 : i32
      %get3A_277 = arith.index_cast %add3A_276 : i32 to index
      %get3A_278 = arith.constant 64 : index
      %get3A_279 = tpu.vector_load %arg12[%get3A_277, %get3A_278] {strides = array<i32>} : memref<128x128xf32, #tpu.memory_space<vmem>>, vector<1x16xf32>,
      %get3A_280 = vector.shape_cast %get3A_279 : vector<1x16xf32> to vector<16xf32>
      %mul3A_281 = arith.mulf %get3A_280, %get3A_218 : vector<16xf32>
      %add3A_282 = arith.constant 1 : i32
      %add3A_283 = arith.addi %mul3A_100, %add3A_282 : i32
      %swap3A_284 = arith.index_cast %add3A_283 : i32 to index
      %swap3A_285 = arith.constant 64 : index
      %swap3A_286 = tpu.vector_load %arg12[%swap3A_284, %swap3A_285] {strides = array<i32>} : memref<128x128xf32, #tpu.memory_space<vmem>>, vector<1x16xf32>,
      %swap3A_287 = vector.shape_cast %swap3A_286 : vector<1x16xf32> to vector<16xf32>
      %swap3A_288 = vector.shape_cast %mul3A_281 : vector<16xf32> to vector<1x16xf32>
      tpu.vector_store %arg12[%swap3A_284, %swap3A_285], %swap3A_288 {strides = array<i32>} : memref<128x128xf32, #tpu.memory_space<vmem>>, vector<1x16xf32>,
      %add3A_289 = arith.constant 1 : i32
      %add3A_290 = arith.addi %mul3A_100, %add3A_289 : i32
      %get3A_291 = arith.index_cast %add3A_290 : i32 to index
      %get3A_292 = arith.constant 80 : index
      %get3A_293 = tpu.vector_load %arg12[%get3A_291, %get3A_292] {strides = array<i32>} : memref<128x128xf32, #tpu.memory_space<vmem>>, vector<1x16xf32>,
      %get3A_294 = vector.shape_cast %get3A_293 : vector<1x16xf32> to vector<16xf32>
      %mul3A_295 = arith.mulf %get3A_294, %get3A_218 : vector<16xf32>
      %add3A_296 = arith.constant 1 : i32
      %add3A_297 = arith.addi %mul3A_100, %add3A_296 : i32
      %swap3A_298 = arith.index_cast %add3A_297 : i32 to index
      %swap3A_299 = arith.constant 80 : index
      %swap3A_300 = tpu.vector_load %arg12[%swap3A_298, %swap3A_299] {strides = array<i32>} : memref<128x128xf32, #tpu.memory_space<vmem>>, vector<1x16xf32>,
      %swap3A_301 = vector.shape_cast %swap3A_300 : vector<1x16xf32> to vector<16xf32>
      %swap3A_302 = vector.shape_cast %mul3A_295 : vector<16xf32> to vector<1x16xf32>
      tpu.vector_store %arg12[%swap3A_298, %swap3A_299], %swap3A_302 {strides = array<i32>} : memref<128x128xf32, #tpu.memory_space<vmem>>, vector<1x16xf32>,
      %add3A_303 = arith.constant 1 : i32
      %add3A_304 = arith.addi %mul3A_100, %add3A_303 : i32
      %get3A_305 = arith.index_cast %add3A_304 : i32 to index
      %get3A_306 = arith.constant 96 : index
      %get3A_307 = tpu.vector_load %arg12[%get3A_305, %get3A_306] {strides = array<i32>} : memref<128x128xf32, #tpu.memory_space<vmem>>, vector<1x16xf32>,
      %get3A_308 = vector.shape_cast %get3A_307 : vector<1x16xf32> to vector<16xf32>
      %mul3A_309 = arith.mulf %get3A_308, %get3A_218 : vector<16xf32>
      %add3A_310 = arith.constant 1 : i32
      %add3A_311 = arith.addi %mul3A_100, %add3A_310 : i32
      %swap3A_312 = arith.index_cast %add3A_311 : i32 to index
      %swap3A_313 = arith.constant 96 : index
      %swap3A_314 = tpu.vector_load %arg12[%swap3A_312, %swap3A_313] {strides = array<i32>} : memref<128x128xf32, #tpu.memory_space<vmem>>, vector<1x16xf32>,
      %swap3A_315 = vector.shape_cast %swap3A_314 : vector<1x16xf32> to vector<16xf32>
      %swap3A_316 = vector.shape_cast %mul3A_309 : vector<16xf32> to vector<1x16xf32>
      tpu.vector_store %arg12[%swap3A_312, %swap3A_313], %swap3A_316 {strides = array<i32>} : memref<128x128xf32, #tpu.memory_space<vmem>>, vector<1x16xf32>,
      %add3A_317 = arith.constant 1 : i32
      %add3A_318 = arith.addi %mul3A_100, %add3A_317 : i32
      %get3A_319 = arith.index_cast %add3A_318 : i32 to index
      %get3A_320 = arith.constant 112 : index
      %get3A_321 = tpu.vector_load %arg12[%get3A_319, %get3A_320] {strides = array<i32>} : memref<128x128xf32, #tpu.memory_space<vmem>>, vector<1x16xf32>,
      %get3A_322 = vector.shape_cast %get3A_321 : vector<1x16xf32> to vector<16xf32>
      %mul3A_323 = arith.mulf %get3A_322, %get3A_218 : vector<16xf32>
      %add3A_324 = arith.constant 1 : i32
      %add3A_325 = arith.addi %mul3A_100, %add3A_324 : i32
      %swap3A_326 = arith.index_cast %add3A_325 : i32 to index
      %swap3A_327 = arith.constant 112 : index
      %swap3A_328 = tpu.vector_load %arg12[%swap3A_326, %swap3A_327] {strides = array<i32>} : memref<128x128xf32, #tpu.memory_space<vmem>>, vector<1x16xf32>,
      %swap3A_329 = vector.shape_cast %swap3A_328 : vector<1x16xf32> to vector<16xf32>
      %swap3A_330 = vector.shape_cast %mul3A_323 : vector<16xf32> to vector<1x16xf32>
      tpu.vector_store %arg12[%swap3A_326, %swap3A_327], %swap3A_330 {strides = array<i32>} : memref<128x128xf32, #tpu.memory_space<vmem>>, vector<1x16xf32>,
      %get3A_331 = arith.index_cast %scan3A_98 : i32 to index
      %get3A_332 = arith.constant 32 : index
      %get3A_333 = tpu.vector_load %arg10[%get3A_331, %get3A_332] {strides = array<i32>} : memref<16x128xf32, #tpu.memory_space<vmem>>, vector<1x16xf32>,
      %get3A_334 = vector.shape_cast %get3A_333 : vector<1x16xf32> to vector<16xf32>
      %add3A_335 = arith.constant 2 : i32
      %add3A_336 = arith.addi %mul3A_100, %add3A_335 : i32
      %get3A_337 = arith.index_cast %add3A_336 : i32 to index
      %get3A_338 = arith.constant 0 : index
      %get3A_339 = tpu.vector_load %arg12[%get3A_337, %get3A_338] {strides = array<i32>} : memref<128x128xf32, #tpu.memory_space<vmem>>, vector<1x16xf32>,
      %get3A_340 = vector.shape_cast %get3A_339 : vector<1x16xf32> to vector<16xf32>
      %mul3A_341 = arith.mulf %get3A_340, %get3A_334 : vector<16xf32>
      %add3A_342 = arith.constant 2 : i32
      %add3A_343 = arith.addi %mul3A_100, %add3A_342 : i32
      %swap3A_344 = arith.index_cast %add3A_343 : i32 to index
      %swap3A_345 = arith.constant 0 : index
      %swap3A_346 = tpu.vector_load %arg12[%swap3A_344, %swap3A_345] {strides = array<i32>} : memref<128x128xf32, #tpu.memory_space<vmem>>, vector<1x16xf32>,
      %swap3A_347 = vector.shape_cast %swap3A_346 : vector<1x16xf32> to vector<16xf32>
      %swap3A_348 = vector.shape_cast %mul3A_341 : vector<16xf32> to vector<1x16xf32>
      tpu.vector_store %arg12[%swap3A_344, %swap3A_345], %swap3A_348 {strides = array<i32>} : memref<128x128xf32, #tpu.memory_space<vmem>>, vector<1x16xf32>,
      %add3A_349 = arith.constant 2 : i32
      %add3A_350 = arith.addi %mul3A_100, %add3A_349 : i32
      %get3A_351 = arith.index_cast %add3A_350 : i32 to index
      %get3A_352 = arith.constant 16 : index
      %get3A_353 = tpu.vector_load %arg12[%get3A_351, %get3A_352] {strides = array<i32>} : memref<128x128xf32, #tpu.memory_space<vmem>>, vector<1x16xf32>,
      %get3A_354 = vector.shape_cast %get3A_353 : vector<1x16xf32> to vector<16xf32>
      %mul3A_355 = arith.mulf %get3A_354, %get3A_334 : vector<16xf32>
      %add3A_356 = arith.constant 2 : i32
      %add3A_357 = arith.addi %mul3A_100, %add3A_356 : i32
      %swap3A_358 = arith.index_cast %add3A_357 : i32 to index
      %swap3A_359 = arith.constant 16 : index
      %swap3A_360 = tpu.vector_load %arg12[%swap3A_358, %swap3A_359] {strides = array<i32>} : memref<128x128xf32, #tpu.memory_space<vmem>>, vector<1x16xf32>,
      %swap3A_361 = vector.shape_cast %swap3A_360 : vector<1x16xf32> to vector<16xf32>
      %swap3A_362 = vector.shape_cast %mul3A_355 : vector<16xf32> to vector<1x16xf32>
      tpu.vector_store %arg12[%swap3A_358, %swap3A_359], %swap3A_362 {strides = array<i32>} : memref<128x128xf32, #tpu.memory_space<vmem>>, vector<1x16xf32>,
      %add3A_363 = arith.constant 2 : i32
      %add3A_364 = arith.addi %mul3A_100, %add3A_363 : i32
      %get3A_365 = arith.index_cast %add3A_364 : i32 to index
      %get3A_366 = arith.constant 32 : index
      %get3A_367 = tpu.vector_load %arg12[%get3A_365, %get3A_366] {strides = array<i32>} : memref<128x128xf32, #tpu.memory_space<vmem>>, vector<1x16xf32>,
      %get3A_368 = vector.shape_cast %get3A_367 : vector<1x16xf32> to vector<16xf32>
      %mul3A_369 = arith.mulf %get3A_368, %get3A_334 : vector<16xf32>
      %add3A_370 = arith.constant 2 : i32
      %add3A_371 = arith.addi %mul3A_100, %add3A_370 : i32
      %swap3A_372 = arith.index_cast %add3A_371 : i32 to index
      %swap3A_373 = arith.constant 32 : index
      %swap3A_374 = tpu.vector_load %arg12[%swap3A_372, %swap3A_373] {strides = array<i32>} : memref<128x128xf32, #tpu.memory_space<vmem>>, vector<1x16xf32>,
      %swap3A_375 = vector.shape_cast %swap3A_374 : vector<1x16xf32> to vector<16xf32>
      %swap3A_376 = vector.shape_cast %mul3A_369 : vector<16xf32> to vector<1x16xf32>
      tpu.vector_store %arg12[%swap3A_372, %swap3A_373], %swap3A_376 {strides = array<i32>} : memref<128x128xf32, #tpu.memory_space<vmem>>, vector<1x16xf32>,
      %add3A_377 = arith.constant 2 : i32
      %add3A_378 = arith.addi %mul3A_100, %add3A_377 : i32
      %get3A_379 = arith.index_cast %add3A_378 : i32 to index
      %get3A_380 = arith.constant 48 : index
      %get3A_381 = tpu.vector_load %arg12[%get3A_379, %get3A_380] {strides = array<i32>} : memref<128x128xf32, #tpu.memory_space<vmem>>, vector<1x16xf32>,
      %get3A_382 = vector.shape_cast %get3A_381 : vector<1x16xf32> to vector<16xf32>
      %mul3A_383 = arith.mulf %get3A_382, %get3A_334 : vector<16xf32>
      %add3A_384 = arith.constant 2 : i32
      %add3A_385 = arith.addi %mul3A_100, %add3A_384 : i32
      %swap3A_386 = arith.index_cast %add3A_385 : i32 to index
      %swap3A_387 = arith.constant 48 : index
      %swap3A_388 = tpu.vector_load %arg12[%swap3A_386, %swap3A_387] {strides = array<i32>} : memref<128x128xf32, #tpu.memory_space<vmem>>, vector<1x16xf32>,
      %swap3A_389 = vector.shape_cast %swap3A_388 : vector<1x16xf32> to vector<16xf32>
      %swap3A_390 = vector.shape_cast %mul3A_383 : vector<16xf32> to vector<1x16xf32>
      tpu.vector_store %arg12[%swap3A_386, %swap3A_387], %swap3A_390 {strides = array<i32>} : memref<128x128xf32, #tpu.memory_space<vmem>>, vector<1x16xf32>,
      %add3A_391 = arith.constant 2 : i32
      %add3A_392 = arith.addi %mul3A_100, %add3A_391 : i32
      %get3A_393 = arith.index_cast %add3A_392 : i32 to index
      %get3A_394 = arith.constant 64 : index
      %get3A_395 = tpu.vector_load %arg12[%get3A_393, %get3A_394] {strides = array<i32>} : memref<128x128xf32, #tpu.memory_space<vmem>>, vector<1x16xf32>,
      %get3A_396 = vector.shape_cast %get3A_395 : vector<1x16xf32> to vector<16xf32>
      %mul3A_397 = arith.mulf %get3A_396, %get3A_334 : vector<16xf32>
      %add3A_398 = arith.constant 2 : i32
      %add3A_399 = arith.addi %mul3A_100, %add3A_398 : i32
      %swap3A_400 = arith.index_cast %add3A_399 : i32 to index
      %swap3A_401 = arith.constant 64 : index
      %swap3A_402 = tpu.vector_load %arg12[%swap3A_400, %swap3A_401] {strides = array<i32>} : memref<128x128xf32, #tpu.memory_space<vmem>>, vector<1x16xf32>,
      %swap3A_403 = vector.shape_cast %swap3A_402 : vector<1x16xf32> to vector<16xf32>
      %swap3A_404 = vector.shape_cast %mul3A_397 : vector<16xf32> to vector<1x16xf32>
      tpu.vector_store %arg12[%swap3A_400, %swap3A_401], %swap3A_404 {strides = array<i32>} : memref<128x128xf32, #tpu.memory_space<vmem>>, vector<1x16xf32>,
      %add3A_405 = arith.constant 2 : i32
      %add3A_406 = arith.addi %mul3A_100, %add3A_405 : i32
      %get3A_407 = arith.index_cast %add3A_406 : i32 to index
      %get3A_408 = arith.constant 80 : index
      %get3A_409 = tpu.vector_load %arg12[%get3A_407, %get3A_408] {strides = array<i32>} : memref<128x128xf32, #tpu.memory_space<vmem>>, vector<1x16xf32>,
      %get3A_410 = vector.shape_cast %get3A_409 : vector<1x16xf32> to vector<16xf32>
      %mul3A_411 = arith.mulf %get3A_410, %get3A_334 : vector<16xf32>
      %add3A_412 = arith.constant 2 : i32
      %add3A_413 = arith.addi %mul3A_100, %add3A_412 : i32
      %swap3A_414 = arith.index_cast %add3A_413 : i32 to index
      %swap3A_415 = arith.constant 80 : index
      %swap3A_416 = tpu.vector_load %arg12[%swap3A_414, %swap3A_415] {strides = array<i32>} : memref<128x128xf32, #tpu.memory_space<vmem>>, vector<1x16xf32>,
      %swap3A_417 = vector.shape_cast %swap3A_416 : vector<1x16xf32> to vector<16xf32>
      %swap3A_418 = vector.shape_cast %mul3A_411 : vector<16xf32> to vector<1x16xf32>
      tpu.vector_store %arg12[%swap3A_414, %swap3A_415], %swap3A_418 {strides = array<i32>} : memref<128x128xf32, #tpu.memory_space<vmem>>, vector<1x16xf32>,
      %add3A_419 = arith.constant 2 : i32
      %add3A_420 = arith.addi %mul3A_100, %add3A_419 : i32
      %get3A_421 = arith.index_cast %add3A_420 : i32 to index
      %get3A_422 = arith.constant 96 : index
      %get3A_423 = tpu.vector_load %arg12[%get3A_421, %get3A_422] {strides = array<i32>} : memref<128x128xf32, #tpu.memory_space<vmem>>, vector<1x16xf32>,
      %get3A_424 = vector.shape_cast %get3A_423 : vector<1x16xf32> to vector<16xf32>
      %mul3A_425 = arith.mulf %get3A_424, %get3A_334 : vector<16xf32>
      %add3A_426 = arith.constant 2 : i32
      %add3A_427 = arith.addi %mul3A_100, %add3A_426 : i32
      %swap3A_428 = arith.index_cast %add3A_427 : i32 to index
      %swap3A_429 = arith.constant 96 : index
      %swap3A_430 = tpu.vector_load %arg12[%swap3A_428, %swap3A_429] {strides = array<i32>} : memref<128x128xf32, #tpu.memory_space<vmem>>, vector<1x16xf32>,
      %swap3A_431 = vector.shape_cast %swap3A_430 : vector<1x16xf32> to vector<16xf32>
      %swap3A_432 = vector.shape_cast %mul3A_425 : vector<16xf32> to vector<1x16xf32>
      tpu.vector_store %arg12[%swap3A_428, %swap3A_429], %swap3A_432 {strides = array<i32>} : memref<128x128xf32, #tpu.memory_space<vmem>>, vector<1x16xf32>,
      %add3A_433 = arith.constant 2 : i32
      %add3A_434 = arith.addi %mul3A_100, %add3A_433 : i32
      %get3A_435 = arith.index_cast %add3A_434 : i32 to index
      %get3A_436 = arith.constant 112 : index
      %get3A_437 = tpu.vector_load %arg12[%get3A_435, %get3A_436] {strides = array<i32>} : memref<128x128xf32, #tpu.memory_space<vmem>>, vector<1x16xf32>,
      %get3A_438 = vector.shape_cast %get3A_437 : vector<1x16xf32> to vector<16xf32>
      %mul3A_439 = arith.mulf %get3A_438, %get3A_334 : vector<16xf32>
      %add3A_440 = arith.constant 2 : i32
      %add3A_441 = arith.addi %mul3A_100, %add3A_440 : i32
      %swap3A_442 = arith.index_cast %add3A_441 : i32 to index
      %swap3A_443 = arith.constant 112 : index
      %swap3A_444 = tpu.vector_load %arg12[%swap3A_442, %swap3A_443] {strides = array<i32>} : memref<128x128xf32, #tpu.memory_space<vmem>>, vector<1x16xf32>,
      %swap3A_445 = vector.shape_cast %swap3A_444 : vector<1x16xf32> to vector<16xf32>
      %swap3A_446 = vector.shape_cast %mul3A_439 : vector<16xf32> to vector<1x16xf32>
      tpu.vector_store %arg12[%swap3A_442, %swap3A_443], %swap3A_446 {strides = array<i32>} : memref<128x128xf32, #tpu.memory_space<vmem>>, vector<1x16xf32>,
      %get3A_447 = arith.index_cast %scan3A_98 : i32 to index
      %get3A_448 = arith.constant 48 : index
      %get3A_449 = tpu.vector_load %arg10[%get3A_447, %get3A_448] {strides = array<i32>} : memref<16x128xf32, #tpu.memory_space<vmem>>, vector<1x16xf32>,
      %get3A_450 = vector.shape_cast %get3A_449 : vector<1x16xf32> to vector<16xf32>
      %add3A_451 = arith.constant 3 : i32
      %add3A_452 = arith.addi %mul3A_100, %add3A_451 : i32
      %get3A_453 = arith.index_cast %add3A_452 : i32 to index
      %get3A_454 = arith.constant 0 : index
      %get3A_455 = tpu.vector_load %arg12[%get3A_453, %get3A_454] {strides = array<i32>} : memref<128x128xf32, #tpu.memory_space<vmem>>, vector<1x16xf32>,
      %get3A_456 = vector.shape_cast %get3A_455 : vector<1x16xf32> to vector<16xf32>
      %mul3A_457 = arith.mulf %get3A_456, %get3A_450 : vector<16xf32>
      %add3A_458 = arith.constant 3 : i32
      %add3A_459 = arith.addi %mul3A_100, %add3A_458 : i32
      %swap3A_460 = arith.index_cast %add3A_459 : i32 to index
      %swap3A_461 = arith.constant 0 : index
      %swap3A_462 = tpu.vector_load %arg12[%swap3A_460, %swap3A_461] {strides = array<i32>} : memref<128x128xf32, #tpu.memory_space<vmem>>, vector<1x16xf32>,
      %swap3A_463 = vector.shape_cast %swap3A_462 : vector<1x16xf32> to vector<16xf32>
      %swap3A_464 = vector.shape_cast %mul3A_457 : vector<16xf32> to vector<1x16xf32>
      tpu.vector_store %arg12[%swap3A_460, %swap3A_461], %swap3A_464 {strides = array<i32>} : memref<128x128xf32, #tpu.memory_space<vmem>>, vector<1x16xf32>,
      %add3A_465 = arith.constant 3 : i32
      %add3A_466 = arith.addi %mul3A_100, %add3A_465 : i32
      %get3A_467 = arith.index_cast %add3A_466 : i32 to index
      %get3A_468 = arith.constant 16 : index
      %get3A_469 = tpu.vector_load %arg12[%get3A_467, %get3A_468] {strides = array<i32>} : memref<128x128xf32, #tpu.memory_space<vmem>>, vector<1x16xf32>,
      %get3A_470 = vector.shape_cast %get3A_469 : vector<1x16xf32> to vector<16xf32>
      %mul3A_471 = arith.mulf %get3A_470, %get3A_450 : vector<16xf32>
      %add3A_472 = arith.constant 3 : i32
      %add3A_473 = arith.addi %mul3A_100, %add3A_472 : i32
      %swap3A_474 = arith.index_cast %add3A_473 : i32 to index
      %swap3A_475 = arith.constant 16 : index
      %swap3A_476 = tpu.vector_load %arg12[%swap3A_474, %swap3A_475] {strides = array<i32>} : memref<128x128xf32, #tpu.memory_space<vmem>>, vector<1x16xf32>,
      %swap3A_477 = vector.shape_cast %swap3A_476 : vector<1x16xf32> to vector<16xf32>
      %swap3A_478 = vector.shape_cast %mul3A_471 : vector<16xf32> to vector<1x16xf32>
      tpu.vector_store %arg12[%swap3A_474, %swap3A_475], %swap3A_478 {strides = array<i32>} : memref<128x128xf32, #tpu.memory_space<vmem>>, vector<1x16xf32>,
      %add3A_479 = arith.constant 3 : i32
      %add3A_480 = arith.addi %mul3A_100, %add3A_479 : i32
      %get3A_481 = arith.index_cast %add3A_480 : i32 to index
      %get3A_482 = arith.constant 32 : index
      %get3A_483 = tpu.vector_load %arg12[%get3A_481, %get3A_482] {strides = array<i32>} : memref<128x128xf32, #tpu.memory_space<vmem>>, vector<1x16xf32>,
      %get3A_484 = vector.shape_cast %get3A_483 : vector<1x16xf32> to vector<16xf32>
      %mul3A_485 = arith.mulf %get3A_484, %get3A_450 : vector<16xf32>
      %add3A_486 = arith.constant 3 : i32
      %add3A_487 = arith.addi %mul3A_100, %add3A_486 : i32
      %swap3A_488 = arith.index_cast %add3A_487 : i32 to index
      %swap3A_489 = arith.constant 32 : index
      %swap3A_490 = tpu.vector_load %arg12[%swap3A_488, %swap3A_489] {strides = array<i32>} : memref<128x128xf32, #tpu.memory_space<vmem>>, vector<1x16xf32>,
      %swap3A_491 = vector.shape_cast %swap3A_490 : vector<1x16xf32> to vector<16xf32>
      %swap3A_492 = vector.shape_cast %mul3A_485 : vector<16xf32> to vector<1x16xf32>
      tpu.vector_store %arg12[%swap3A_488, %swap3A_489], %swap3A_492 {strides = array<i32>} : memref<128x128xf32, #tpu.memory_space<vmem>>, vector<1x16xf32>,
      %add3A_493 = arith.constant 3 : i32
      %add3A_494 = arith.addi %mul3A_100, %add3A_493 : i32
      %get3A_495 = arith.index_cast %add3A_494 : i32 to index
      %get3A_496 = arith.constant 48 : index
      %get3A_497 = tpu.vector_load %arg12[%get3A_495, %get3A_496] {strides = array<i32>} : memref<128x128xf32, #tpu.memory_space<vmem>>, vector<1x16xf32>,
      %get3A_498 = vector.shape_cast %get3A_497 : vector<1x16xf32> to vector<16xf32>
      %mul3A_499 = arith.mulf %get3A_498, %get3A_450 : vector<16xf32>
      %add3A_500 = arith.constant 3 : i32
      %add3A_501 = arith.addi %mul3A_100, %add3A_500 : i32
      %swap3A_502 = arith.index_cast %add3A_501 : i32 to index
      %swap3A_503 = arith.constant 48 : index
      %swap3A_504 = tpu.vector_load %arg12[%swap3A_502, %swap3A_503] {strides = array<i32>} : memref<128x128xf32, #tpu.memory_space<vmem>>, vector<1x16xf32>,
      %swap3A_505 = vector.shape_cast %swap3A_504 : vector<1x16xf32> to vector<16xf32>
      %swap3A_506 = vector.shape_cast %mul3A_499 : vector<16xf32> to vector<1x16xf32>
      tpu.vector_store %arg12[%swap3A_502, %swap3A_503], %swap3A_506 {strides = array<i32>} : memref<128x128xf32, #tpu.memory_space<vmem>>, vector<1x16xf32>,
      %add3A_507 = arith.constant 3 : i32
      %add3A_508 = arith.addi %mul3A_100, %add3A_507 : i32
      %get3A_509 = arith.index_cast %add3A_508 : i32 to index
      %get3A_510 = arith.constant 64 : index
      %get3A_511 = tpu.vector_load %arg12[%get3A_509, %get3A_510] {strides = array<i32>} : memref<128x128xf32, #tpu.memory_space<vmem>>, vector<1x16xf32>,
      %get3A_512 = vector.shape_cast %get3A_511 : vector<1x16xf32> to vector<16xf32>
      %mul3A_513 = arith.mulf %get3A_512, %get3A_450 : vector<16xf32>
      %add3A_514 = arith.constant 3 : i32
      %add3A_515 = arith.addi %mul3A_100, %add3A_514 : i32
      %swap3A_516 = arith.index_cast %add3A_515 : i32 to index
      %swap3A_517 = arith.constant 64 : index
      %swap3A_518 = tpu.vector_load %arg12[%swap3A_516, %swap3A_517] {strides = array<i32>} : memref<128x128xf32, #tpu.memory_space<vmem>>, vector<1x16xf32>,
      %swap3A_519 = vector.shape_cast %swap3A_518 : vector<1x16xf32> to vector<16xf32>
      %swap3A_520 = vector.shape_cast %mul3A_513 : vector<16xf32> to vector<1x16xf32>
      tpu.vector_store %arg12[%swap3A_516, %swap3A_517], %swap3A_520 {strides = array<i32>} : memref<128x128xf32, #tpu.memory_space<vmem>>, vector<1x16xf32>,
      %add3A_521 = arith.constant 3 : i32
      %add3A_522 = arith.addi %mul3A_100, %add3A_521 : i32
      %get3A_523 = arith.index_cast %add3A_522 : i32 to index
      %get3A_524 = arith.constant 80 : index
      %get3A_525 = tpu.vector_load %arg12[%get3A_523, %get3A_524] {strides = array<i32>} : memref<128x128xf32, #tpu.memory_space<vmem>>, vector<1x16xf32>,
      %get3A_526 = vector.shape_cast %get3A_525 : vector<1x16xf32> to vector<16xf32>
      %mul3A_527 = arith.mulf %get3A_526, %get3A_450 : vector<16xf32>
      %add3A_528 = arith.constant 3 : i32
      %add3A_529 = arith.addi %mul3A_100, %add3A_528 : i32
      %swap3A_530 = arith.index_cast %add3A_529 : i32 to index
      %swap3A_531 = arith.constant 80 : index
      %swap3A_532 = tpu.vector_load %arg12[%swap3A_530, %swap3A_531] {strides = array<i32>} : memref<128x128xf32, #tpu.memory_space<vmem>>, vector<1x16xf32>,
      %swap3A_533 = vector.shape_cast %swap3A_532 : vector<1x16xf32> to vector<16xf32>
      %swap3A_534 = vector.shape_cast %mul3A_527 : vector<16xf32> to vector<1x16xf32>
      tpu.vector_store %arg12[%swap3A_530, %swap3A_531], %swap3A_534 {strides = array<i32>} : memref<128x128xf32, #tpu.memory_space<vmem>>, vector<1x16xf32>,
      %add3A_535 = arith.constant 3 : i32
      %add3A_536 = arith.addi %mul3A_100, %add3A_535 : i32
      %get3A_537 = arith.index_cast %add3A_536 : i32 to index
      %get3A_538 = arith.constant 96 : index
      %get3A_539 = tpu.vector_load %arg12[%get3A_537, %get3A_538] {strides = array<i32>} : memref<128x128xf32, #tpu.memory_space<vmem>>, vector<1x16xf32>,
      %get3A_540 = vector.shape_cast %get3A_539 : vector<1x16xf32> to vector<16xf32>
      %mul3A_541 = arith.mulf %get3A_540, %get3A_450 : vector<16xf32>
      %add3A_542 = arith.constant 3 : i32
      %add3A_543 = arith.addi %mul3A_100, %add3A_542 : i32
      %swap3A_544 = arith.index_cast %add3A_543 : i32 to index
      %swap3A_545 = arith.constant 96 : index
      %swap3A_546 = tpu.vector_load %arg12[%swap3A_544, %swap3A_545] {strides = array<i32>} : memref<128x128xf32, #tpu.memory_space<vmem>>, vector<1x16xf32>,
      %swap3A_547 = vector.shape_cast %swap3A_546 : vector<1x16xf32> to vector<16xf32>
      %swap3A_548 = vector.shape_cast %mul3A_541 : vector<16xf32> to vector<1x16xf32>
      tpu.vector_store %arg12[%swap3A_544, %swap3A_545], %swap3A_548 {strides = array<i32>} : memref<128x128xf32, #tpu.memory_space<vmem>>, vector<1x16xf32>,
      %add3A_549 = arith.constant 3 : i32
      %add3A_550 = arith.addi %mul3A_100, %add3A_549 : i32
      %get3A_551 = arith.index_cast %add3A_550 : i32 to index
      %get3A_552 = arith.constant 112 : index
      %get3A_553 = tpu.vector_load %arg12[%get3A_551, %get3A_552] {strides = array<i32>} : memref<128x128xf32, #tpu.memory_space<vmem>>, vector<1x16xf32>,
      %get3A_554 = vector.shape_cast %get3A_553 : vector<1x16xf32> to vector<16xf32>
      %mul3A_555 = arith.mulf %get3A_554, %get3A_450 : vector<16xf32>
      %add3A_556 = arith.constant 3 : i32
      %add3A_557 = arith.addi %mul3A_100, %add3A_556 : i32
      %swap3A_558 = arith.index_cast %add3A_557 : i32 to index
      %swap3A_559 = arith.constant 112 : index
      %swap3A_560 = tpu.vector_load %arg12[%swap3A_558, %swap3A_559] {strides = array<i32>} : memref<128x128xf32, #tpu.memory_space<vmem>>, vector<1x16xf32>,
      %swap3A_561 = vector.shape_cast %swap3A_560 : vector<1x16xf32> to vector<16xf32>
      %swap3A_562 = vector.shape_cast %mul3A_555 : vector<16xf32> to vector<1x16xf32>
      tpu.vector_store %arg12[%swap3A_558, %swap3A_559], %swap3A_562 {strides = array<i32>} : memref<128x128xf32, #tpu.memory_space<vmem>>, vector<1x16xf32>,
      %get3A_563 = arith.index_cast %scan3A_98 : i32 to index
      %get3A_564 = arith.constant 64 : index
      %get3A_565 = tpu.vector_load %arg10[%get3A_563, %get3A_564] {strides = array<i32>} : memref<16x128xf32, #tpu.memory_space<vmem>>, vector<1x16xf32>,
      %get3A_566 = vector.shape_cast %get3A_565 : vector<1x16xf32> to vector<16xf32>
      %add3A_567 = arith.constant 4 : i32
      %add3A_568 = arith.addi %mul3A_100, %add3A_567 : i32
      %get3A_569 = arith.index_cast %add3A_568 : i32 to index
      %get3A_570 = arith.constant 0 : index
      %get3A_571 = tpu.vector_load %arg12[%get3A_569, %get3A_570] {strides = array<i32>} : memref<128x128xf32, #tpu.memory_space<vmem>>, vector<1x16xf32>,
      %get3A_572 = vector.shape_cast %get3A_571 : vector<1x16xf32> to vector<16xf32>
      %mul3A_573 = arith.mulf %get3A_572, %get3A_566 : vector<16xf32>
      %add3A_574 = arith.constant 4 : i32
      %add3A_575 = arith.addi %mul3A_100, %add3A_574 : i32
      %swap3A_576 = arith.index_cast %add3A_575 : i32 to index
      %swap3A_577 = arith.constant 0 : index
      %swap3A_578 = tpu.vector_load %arg12[%swap3A_576, %swap3A_577] {strides = array<i32>} : memref<128x128xf32, #tpu.memory_space<vmem>>, vector<1x16xf32>,
      %swap3A_579 = vector.shape_cast %swap3A_578 : vector<1x16xf32> to vector<16xf32>
      %swap3A_580 = vector.shape_cast %mul3A_573 : vector<16xf32> to vector<1x16xf32>
      tpu.vector_store %arg12[%swap3A_576, %swap3A_577], %swap3A_580 {strides = array<i32>} : memref<128x128xf32, #tpu.memory_space<vmem>>, vector<1x16xf32>,
      %add3A_581 = arith.constant 4 : i32
      %add3A_582 = arith.addi %mul3A_100, %add3A_581 : i32
      %get3A_583 = arith.index_cast %add3A_582 : i32 to index
      %get3A_584 = arith.constant 16 : index
      %get3A_585 = tpu.vector_load %arg12[%get3A_583, %get3A_584] {strides = array<i32>} : memref<128x128xf32, #tpu.memory_space<vmem>>, vector<1x16xf32>,
      %get3A_586 = vector.shape_cast %get3A_585 : vector<1x16xf32> to vector<16xf32>
      %mul3A_587 = arith.mulf %get3A_586, %get3A_566 : vector<16xf32>
      %add3A_588 = arith.constant 4 : i32
      %add3A_589 = arith.addi %mul3A_100, %add3A_588 : i32
      %swap3A_590 = arith.index_cast %add3A_589 : i32 to index
      %swap3A_591 = arith.constant 16 : index
      %swap3A_592 = tpu.vector_load %arg12[%swap3A_590, %swap3A_591] {strides = array<i32>} : memref<128x128xf32, #tpu.memory_space<vmem>>, vector<1x16xf32>,
      %swap3A_593 = vector.shape_cast %swap3A_592 : vector<1x16xf32> to vector<16xf32>
      %swap3A_594 = vector.shape_cast %mul3A_587 : vector<16xf32> to vector<1x16xf32>
      tpu.vector_store %arg12[%swap3A_590, %swap3A_591], %swap3A_594 {strides = array<i32>} : memref<128x128xf32, #tpu.memory_space<vmem>>, vector<1x16xf32>,
      %add3A_595 = arith.constant 4 : i32
      %add3A_596 = arith.addi %mul3A_100, %add3A_595 : i32
      %get3A_597 = arith.index_cast %add3A_596 : i32 to index
      %get3A_598 = arith.constant 32 : index
      %get3A_599 = tpu.vector_load %arg12[%get3A_597, %get3A_598] {strides = array<i32>} : memref<128x128xf32, #tpu.memory_space<vmem>>, vector<1x16xf32>,
      %get3A_600 = vector.shape_cast %get3A_599 : vector<1x16xf32> to vector<16xf32>
      %mul3A_601 = arith.mulf %get3A_600, %get3A_566 : vector<16xf32>
      %add3A_602 = arith.constant 4 : i32
      %add3A_603 = arith.addi %mul3A_100, %add3A_602 : i32
      %swap3A_604 = arith.index_cast %add3A_603 : i32 to index
      %swap3A_605 = arith.constant 32 : index
      %swap3A_606 = tpu.vector_load %arg12[%swap3A_604, %swap3A_605] {strides = array<i32>} : memref<128x128xf32, #tpu.memory_space<vmem>>, vector<1x16xf32>,
      %swap3A_607 = vector.shape_cast %swap3A_606 : vector<1x16xf32> to vector<16xf32>
      %swap3A_608 = vector.shape_cast %mul3A_601 : vector<16xf32> to vector<1x16xf32>
      tpu.vector_store %arg12[%swap3A_604, %swap3A_605], %swap3A_608 {strides = array<i32>} : memref<128x128xf32, #tpu.memory_space<vmem>>, vector<1x16xf32>,
      %add3A_609 = arith.constant 4 : i32
      %add3A_610 = arith.addi %mul3A_100, %add3A_609 : i32
      %get3A_611 = arith.index_cast %add3A_610 : i32 to index
      %get3A_612 = arith.constant 48 : index
      %get3A_613 = tpu.vector_load %arg12[%get3A_611, %get3A_612] {strides = array<i32>} : memref<128x128xf32, #tpu.memory_space<vmem>>, vector<1x16xf32>,
      %get3A_614 = vector.shape_cast %get3A_613 : vector<1x16xf32> to vector<16xf32>
      %mul3A_615 = arith.mulf %get3A_614, %get3A_566 : vector<16xf32>
      %add3A_616 = arith.constant 4 : i32
      %add3A_617 = arith.addi %mul3A_100, %add3A_616 : i32
      %swap3A_618 = arith.index_cast %add3A_617 : i32 to index
      %swap3A_619 = arith.constant 48 : index
      %swap3A_620 = tpu.vector_load %arg12[%swap3A_618, %swap3A_619] {strides = array<i32>} : memref<128x128xf32, #tpu.memory_space<vmem>>, vector<1x16xf32>,
      %swap3A_621 = vector.shape_cast %swap3A_620 : vector<1x16xf32> to vector<16xf32>
      %swap3A_622 = vector.shape_cast %mul3A_615 : vector<16xf32> to vector<1x16xf32>
      tpu.vector_store %arg12[%swap3A_618, %swap3A_619], %swap3A_622 {strides = array<i32>} : memref<128x128xf32, #tpu.memory_space<vmem>>, vector<1x16xf32>,
      %add3A_623 = arith.constant 4 : i32
      %add3A_624 = arith.addi %mul3A_100, %add3A_623 : i32
      %get3A_625 = arith.index_cast %add3A_624 : i32 to index
      %get3A_626 = arith.constant 64 : index
      %get3A_627 = tpu.vector_load %arg12[%get3A_625, %get3A_626] {strides = array<i32>} : memref<128x128xf32, #tpu.memory_space<vmem>>, vector<1x16xf32>,
      %get3A_628 = vector.shape_cast %get3A_627 : vector<1x16xf32> to vector<16xf32>
      %mul3A_629 = arith.mulf %get3A_628, %get3A_566 : vector<16xf32>
      %add3A_630 = arith.constant 4 : i32
      %add3A_631 = arith.addi %mul3A_100, %add3A_630 : i32
      %swap3A_632 = arith.index_cast %add3A_631 : i32 to index
      %swap3A_633 = arith.constant 64 : index
      %swap3A_634 = tpu.vector_load %arg12[%swap3A_632, %swap3A_633] {strides = array<i32>} : memref<128x128xf32, #tpu.memory_space<vmem>>, vector<1x16xf32>,
      %swap3A_635 = vector.shape_cast %swap3A_634 : vector<1x16xf32> to vector<16xf32>
      %swap3A_636 = vector.shape_cast %mul3A_629 : vector<16xf32> to vector<1x16xf32>
      tpu.vector_store %arg12[%swap3A_632, %swap3A_633], %swap3A_636 {strides = array<i32>} : memref<128x128xf32, #tpu.memory_space<vmem>>, vector<1x16xf32>,
      %add3A_637 = arith.constant 4 : i32
      %add3A_638 = arith.addi %mul3A_100, %add3A_637 : i32
      %get3A_639 = arith.index_cast %add3A_638 : i32 to index
      %get3A_640 = arith.constant 80 : index
      %get3A_641 = tpu.vector_load %arg12[%get3A_639, %get3A_640] {strides = array<i32>} : memref<128x128xf32, #tpu.memory_space<vmem>>, vector<1x16xf32>,
      %get3A_642 = vector.shape_cast %get3A_641 : vector<1x16xf32> to vector<16xf32>
      %mul3A_643 = arith.mulf %get3A_642, %get3A_566 : vector<16xf32>
      %add3A_644 = arith.constant 4 : i32
      %add3A_645 = arith.addi %mul3A_100, %add3A_644 : i32
      %swap3A_646 = arith.index_cast %add3A_645 : i32 to index
      %swap3A_647 = arith.constant 80 : index
      %swap3A_648 = tpu.vector_load %arg12[%swap3A_646, %swap3A_647] {strides = array<i32>} : memref<128x128xf32, #tpu.memory_space<vmem>>, vector<1x16xf32>,
      %swap3A_649 = vector.shape_cast %swap3A_648 : vector<1x16xf32> to vector<16xf32>
      %swap3A_650 = vector.shape_cast %mul3A_643 : vector<16xf32> to vector<1x16xf32>
      tpu.vector_store %arg12[%swap3A_646, %swap3A_647], %swap3A_650 {strides = array<i32>} : memref<128x128xf32, #tpu.memory_space<vmem>>, vector<1x16xf32>,
      %add3A_651 = arith.constant 4 : i32
      %add3A_652 = arith.addi %mul3A_100, %add3A_651 : i32
      %get3A_653 = arith.index_cast %add3A_652 : i32 to index
      %get3A_654 = arith.constant 96 : index
      %get3A_655 = tpu.vector_load %arg12[%get3A_653, %get3A_654] {strides = array<i32>} : memref<128x128xf32, #tpu.memory_space<vmem>>, vector<1x16xf32>,
      %get3A_656 = vector.shape_cast %get3A_655 : vector<1x16xf32> to vector<16xf32>
      %mul3A_657 = arith.mulf %get3A_656, %get3A_566 : vector<16xf32>
      %add3A_658 = arith.constant 4 : i32
      %add3A_659 = arith.addi %mul3A_100, %add3A_658 : i32
      %swap3A_660 = arith.index_cast %add3A_659 : i32 to index
      %swap3A_661 = arith.constant 96 : index
      %swap3A_662 = tpu.vector_load %arg12[%swap3A_660, %swap3A_661] {strides = array<i32>} : memref<128x128xf32, #tpu.memory_space<vmem>>, vector<1x16xf32>,
      %swap3A_663 = vector.shape_cast %swap3A_662 : vector<1x16xf32> to vector<16xf32>
      %swap3A_664 = vector.shape_cast %mul3A_657 : vector<16xf32> to vector<1x16xf32>
      tpu.vector_store %arg12[%swap3A_660, %swap3A_661], %swap3A_664 {strides = array<i32>} : memref<128x128xf32, #tpu.memory_space<vmem>>, vector<1x16xf32>,
      %add3A_665 = arith.constant 4 : i32
      %add3A_666 = arith.addi %mul3A_100, %add3A_665 : i32
      %get3A_667 = arith.index_cast %add3A_666 : i32 to index
      %get3A_668 = arith.constant 112 : index
      %get3A_669 = tpu.vector_load %arg12[%get3A_667, %get3A_668] {strides = array<i32>} : memref<128x128xf32, #tpu.memory_space<vmem>>, vector<1x16xf32>,
      %get3A_670 = vector.shape_cast %get3A_669 : vector<1x16xf32> to vector<16xf32>
      %mul3A_671 = arith.mulf %get3A_670, %get3A_566 : vector<16xf32>
      %add3A_672 = arith.constant 4 : i32
      %add3A_673 = arith.addi %mul3A_100, %add3A_672 : i32
      %swap3A_674 = arith.index_cast %add3A_673 : i32 to index
      %swap3A_675 = arith.constant 112 : index
      %swap3A_676 = tpu.vector_load %arg12[%swap3A_674, %swap3A_675] {strides = array<i32>} : memref<128x128xf32, #tpu.memory_space<vmem>>, vector<1x16xf32>,
      %swap3A_677 = vector.shape_cast %swap3A_676 : vector<1x16xf32> to vector<16xf32>
      %swap3A_678 = vector.shape_cast %mul3A_671 : vector<16xf32> to vector<1x16xf32>
      tpu.vector_store %arg12[%swap3A_674, %swap3A_675], %swap3A_678 {strides = array<i32>} : memref<128x128xf32, #tpu.memory_space<vmem>>, vector<1x16xf32>,
      %get3A_679 = arith.index_cast %scan3A_98 : i32 to index
      %get3A_680 = arith.constant 80 : index
      %get3A_681 = tpu.vector_load %arg10[%get3A_679, %get3A_680] {strides = array<i32>} : memref<16x128xf32, #tpu.memory_space<vmem>>, vector<1x16xf32>,
      %get3A_682 = vector.shape_cast %get3A_681 : vector<1x16xf32> to vector<16xf32>
      %add3A_683 = arith.constant 5 : i32
      %add3A_684 = arith.addi %mul3A_100, %add3A_683 : i32
      %get3A_685 = arith.index_cast %add3A_684 : i32 to index
      %get3A_686 = arith.constant 0 : index
      %get3A_687 = tpu.vector_load %arg12[%get3A_685, %get3A_686] {strides = array<i32>} : memref<128x128xf32, #tpu.memory_space<vmem>>, vector<1x16xf32>,
      %get3A_688 = vector.shape_cast %get3A_687 : vector<1x16xf32> to vector<16xf32>
      %mul3A_689 = arith.mulf %get3A_688, %get3A_682 : vector<16xf32>
      %add3A_690 = arith.constant 5 : i32
      %add3A_691 = arith.addi %mul3A_100, %add3A_690 : i32
      %swap3A_692 = arith.index_cast %add3A_691 : i32 to index
      %swap3A_693 = arith.constant 0 : index
      %swap3A_694 = tpu.vector_load %arg12[%swap3A_692, %swap3A_693] {strides = array<i32>} : memref<128x128xf32, #tpu.memory_space<vmem>>, vector<1x16xf32>,
      %swap3A_695 = vector.shape_cast %swap3A_694 : vector<1x16xf32> to vector<16xf32>
      %swap3A_696 = vector.shape_cast %mul3A_689 : vector<16xf32> to vector<1x16xf32>
      tpu.vector_store %arg12[%swap3A_692, %swap3A_693], %swap3A_696 {strides = array<i32>} : memref<128x128xf32, #tpu.memory_space<vmem>>, vector<1x16xf32>,
      %add3A_697 = arith.constant 5 : i32
      %add3A_698 = arith.addi %mul3A_100, %add3A_697 : i32
      %get3A_699 = arith.index_cast %add3A_698 : i32 to index
      %get3A_700 = arith.constant 16 : index
      %get3A_701 = tpu.vector_load %arg12[%get3A_699, %get3A_700] {strides = array<i32>} : memref<128x128xf32, #tpu.memory_space<vmem>>, vector<1x16xf32>,
      %get3A_702 = vector.shape_cast %get3A_701 : vector<1x16xf32> to vector<16xf32>
      %mul3A_703 = arith.mulf %get3A_702, %get3A_682 : vector<16xf32>
      %add3A_704 = arith.constant 5 : i32
      %add3A_705 = arith.addi %mul3A_100, %add3A_704 : i32
      %swap3A_706 = arith.index_cast %add3A_705 : i32 to index
      %swap3A_707 = arith.constant 16 : index
      %swap3A_708 = tpu.vector_load %arg12[%swap3A_706, %swap3A_707] {strides = array<i32>} : memref<128x128xf32, #tpu.memory_space<vmem>>, vector<1x16xf32>,
      %swap3A_709 = vector.shape_cast %swap3A_708 : vector<1x16xf32> to vector<16xf32>
      %swap3A_710 = vector.shape_cast %mul3A_703 : vector<16xf32> to vector<1x16xf32>
      tpu.vector_store %arg12[%swap3A_706, %swap3A_707], %swap3A_710 {strides = array<i32>} : memref<128x128xf32, #tpu.memory_space<vmem>>, vector<1x16xf32>,
      %add3A_711 = arith.constant 5 : i32
      %add3A_712 = arith.addi %mul3A_100, %add3A_711 : i32
      %get3A_713 = arith.index_cast %add3A_712 : i32 to index
      %get3A_714 = arith.constant 32 : index
      %get3A_715 = tpu.vector_load %arg12[%get3A_713, %get3A_714] {strides = array<i32>} : memref<128x128xf32, #tpu.memory_space<vmem>>, vector<1x16xf32>,
      %get3A_716 = vector.shape_cast %get3A_715 : vector<1x16xf32> to vector<16xf32>
      %mul3A_717 = arith.mulf %get3A_716, %get3A_682 : vector<16xf32>
      %add3A_718 = arith.constant 5 : i32
      %add3A_719 = arith.addi %mul3A_100, %add3A_718 : i32
      %swap3A_720 = arith.index_cast %add3A_719 : i32 to index
      %swap3A_721 = arith.constant 32 : index
      %swap3A_722 = tpu.vector_load %arg12[%swap3A_720, %swap3A_721] {strides = array<i32>} : memref<128x128xf32, #tpu.memory_space<vmem>>, vector<1x16xf32>,
      %swap3A_723 = vector.shape_cast %swap3A_722 : vector<1x16xf32> to vector<16xf32>
      %swap3A_724 = vector.shape_cast %mul3A_717 : vector<16xf32> to vector<1x16xf32>
      tpu.vector_store %arg12[%swap3A_720, %swap3A_721], %swap3A_724 {strides = array<i32>} : memref<128x128xf32, #tpu.memory_space<vmem>>, vector<1x16xf32>,
      %add3A_725 = arith.constant 5 : i32
      %add3A_726 = arith.addi %mul3A_100, %add3A_725 : i32
      %get3A_727 = arith.index_cast %add3A_726 : i32 to index
      %get3A_728 = arith.constant 48 : index
      %get3A_729 = tpu.vector_load %arg12[%get3A_727, %get3A_728] {strides = array<i32>} : memref<128x128xf32, #tpu.memory_space<vmem>>, vector<1x16xf32>,
      %get3A_730 = vector.shape_cast %get3A_729 : vector<1x16xf32> to vector<16xf32>
      %mul3A_731 = arith.mulf %get3A_730, %get3A_682 : vector<16xf32>
      %add3A_732 = arith.constant 5 : i32
      %add3A_733 = arith.addi %mul3A_100, %add3A_732 : i32
      %swap3A_734 = arith.index_cast %add3A_733 : i32 to index
      %swap3A_735 = arith.constant 48 : index
      %swap3A_736 = tpu.vector_load %arg12[%swap3A_734, %swap3A_735] {strides = array<i32>} : memref<128x128xf32, #tpu.memory_space<vmem>>, vector<1x16xf32>,
      %swap3A_737 = vector.shape_cast %swap3A_736 : vector<1x16xf32> to vector<16xf32>
      %swap3A_738 = vector.shape_cast %mul3A_731 : vector<16xf32> to vector<1x16xf32>
      tpu.vector_store %arg12[%swap3A_734, %swap3A_735], %swap3A_738 {strides = array<i32>} : memref<128x128xf32, #tpu.memory_space<vmem>>, vector<1x16xf32>,
      %add3A_739 = arith.constant 5 : i32
      %add3A_740 = arith.addi %mul3A_100, %add3A_739 : i32
      %get3A_741 = arith.index_cast %add3A_740 : i32 to index
      %get3A_742 = arith.constant 64 : index
      %get3A_743 = tpu.vector_load %arg12[%get3A_741, %get3A_742] {strides = array<i32>} : memref<128x128xf32, #tpu.memory_space<vmem>>, vector<1x16xf32>,
      %get3A_744 = vector.shape_cast %get3A_743 : vector<1x16xf32> to vector<16xf32>
      %mul3A_745 = arith.mulf %get3A_744, %get3A_682 : vector<16xf32>
      %add3A_746 = arith.constant 5 : i32
      %add3A_747 = arith.addi %mul3A_100, %add3A_746 : i32
      %swap3A_748 = arith.index_cast %add3A_747 : i32 to index
      %swap3A_749 = arith.constant 64 : index
      %swap3A_750 = tpu.vector_load %arg12[%swap3A_748, %swap3A_749] {strides = array<i32>} : memref<128x128xf32, #tpu.memory_space<vmem>>, vector<1x16xf32>,
      %swap3A_751 = vector.shape_cast %swap3A_750 : vector<1x16xf32> to vector<16xf32>
      %swap3A_752 = vector.shape_cast %mul3A_745 : vector<16xf32> to vector<1x16xf32>
      tpu.vector_store %arg12[%swap3A_748, %swap3A_749], %swap3A_752 {strides = array<i32>} : memref<128x128xf32, #tpu.memory_space<vmem>>, vector<1x16xf32>,
      %add3A_753 = arith.constant 5 : i32
      %add3A_754 = arith.addi %mul3A_100, %add3A_753 : i32
      %get3A_755 = arith.index_cast %add3A_754 : i32 to index
      %get3A_756 = arith.constant 80 : index
      %get3A_757 = tpu.vector_load %arg12[%get3A_755, %get3A_756] {strides = array<i32>} : memref<128x128xf32, #tpu.memory_space<vmem>>, vector<1x16xf32>,
      %get3A_758 = vector.shape_cast %get3A_757 : vector<1x16xf32> to vector<16xf32>
      %mul3A_759 = arith.mulf %get3A_758, %get3A_682 : vector<16xf32>
      %add3A_760 = arith.constant 5 : i32
      %add3A_761 = arith.addi %mul3A_100, %add3A_760 : i32
      %swap3A_762 = arith.index_cast %add3A_761 : i32 to index
      %swap3A_763 = arith.constant 80 : index
      %swap3A_764 = tpu.vector_load %arg12[%swap3A_762, %swap3A_763] {strides = array<i32>} : memref<128x128xf32, #tpu.memory_space<vmem>>, vector<1x16xf32>,
      %swap3A_765 = vector.shape_cast %swap3A_764 : vector<1x16xf32> to vector<16xf32>
      %swap3A_766 = vector.shape_cast %mul3A_759 : vector<16xf32> to vector<1x16xf32>
      tpu.vector_store %arg12[%swap3A_762, %swap3A_763], %swap3A_766 {strides = array<i32>} : memref<128x128xf32, #tpu.memory_space<vmem>>, vector<1x16xf32>,
      %add3A_767 = arith.constant 5 : i32
      %add3A_768 = arith.addi %mul3A_100, %add3A_767 : i32
      %get3A_769 = arith.index_cast %add3A_768 : i32 to index
      %get3A_770 = arith.constant 96 : index
      %get3A_771 = tpu.vector_load %arg12[%get3A_769, %get3A_770] {strides = array<i32>} : memref<128x128xf32, #tpu.memory_space<vmem>>, vector<1x16xf32>,
      %get3A_772 = vector.shape_cast %get3A_771 : vector<1x16xf32> to vector<16xf32>
      %mul3A_773 = arith.mulf %get3A_772, %get3A_682 : vector<16xf32>
      %add3A_774 = arith.constant 5 : i32
      %add3A_775 = arith.addi %mul3A_100, %add3A_774 : i32
      %swap3A_776 = arith.index_cast %add3A_775 : i32 to index
      %swap3A_777 = arith.constant 96 : index
      %swap3A_778 = tpu.vector_load %arg12[%swap3A_776, %swap3A_777] {strides = array<i32>} : memref<128x128xf32, #tpu.memory_space<vmem>>, vector<1x16xf32>,
      %swap3A_779 = vector.shape_cast %swap3A_778 : vector<1x16xf32> to vector<16xf32>
      %swap3A_780 = vector.shape_cast %mul3A_773 : vector<16xf32> to vector<1x16xf32>
      tpu.vector_store %arg12[%swap3A_776, %swap3A_777], %swap3A_780 {strides = array<i32>} : memref<128x128xf32, #tpu.memory_space<vmem>>, vector<1x16xf32>,
      %add3A_781 = arith.constant 5 : i32
      %add3A_782 = arith.addi %mul3A_100, %add3A_781 : i32
      %get3A_783 = arith.index_cast %add3A_782 : i32 to index
      %get3A_784 = arith.constant 112 : index
      %get3A_785 = tpu.vector_load %arg12[%get3A_783, %get3A_784] {strides = array<i32>} : memref<128x128xf32, #tpu.memory_space<vmem>>, vector<1x16xf32>,
      %get3A_786 = vector.shape_cast %get3A_785 : vector<1x16xf32> to vector<16xf32>
      %mul3A_787 = arith.mulf %get3A_786, %get3A_682 : vector<16xf32>
      %add3A_788 = arith.constant 5 : i32
      %add3A_789 = arith.addi %mul3A_100, %add3A_788 : i32
      %swap3A_790 = arith.index_cast %add3A_789 : i32 to index
      %swap3A_791 = arith.constant 112 : index
      %swap3A_792 = tpu.vector_load %arg12[%swap3A_790, %swap3A_791] {strides = array<i32>} : memref<128x128xf32, #tpu.memory_space<vmem>>, vector<1x16xf32>,
      %swap3A_793 = vector.shape_cast %swap3A_792 : vector<1x16xf32> to vector<16xf32>
      %swap3A_794 = vector.shape_cast %mul3A_787 : vector<16xf32> to vector<1x16xf32>
      tpu.vector_store %arg12[%swap3A_790, %swap3A_791], %swap3A_794 {strides = array<i32>} : memref<128x128xf32, #tpu.memory_space<vmem>>, vector<1x16xf32>,
      %get3A_795 = arith.index_cast %scan3A_98 : i32 to index
      %get3A_796 = arith.constant 96 : index
      %get3A_797 = tpu.vector_load %arg10[%get3A_795, %get3A_796] {strides = array<i32>} : memref<16x128xf32, #tpu.memory_space<vmem>>, vector<1x16xf32>,
      %get3A_798 = vector.shape_cast %get3A_797 : vector<1x16xf32> to vector<16xf32>
      %add3A_799 = arith.constant 6 : i32
      %add3A_800 = arith.addi %mul3A_100, %add3A_799 : i32
      %get3A_801 = arith.index_cast %add3A_800 : i32 to index
      %get3A_802 = arith.constant 0 : index
      %get3A_803 = tpu.vector_load %arg12[%get3A_801, %get3A_802] {strides = array<i32>} : memref<128x128xf32, #tpu.memory_space<vmem>>, vector<1x16xf32>,
      %get3A_804 = vector.shape_cast %get3A_803 : vector<1x16xf32> to vector<16xf32>
      %mul3A_805 = arith.mulf %get3A_804, %get3A_798 : vector<16xf32>
      %add3A_806 = arith.constant 6 : i32
      %add3A_807 = arith.addi %mul3A_100, %add3A_806 : i32
      %swap3A_808 = arith.index_cast %add3A_807 : i32 to index
      %swap3A_809 = arith.constant 0 : index
      %swap3A_810 = tpu.vector_load %arg12[%swap3A_808, %swap3A_809] {strides = array<i32>} : memref<128x128xf32, #tpu.memory_space<vmem>>, vector<1x16xf32>,
      %swap3A_811 = vector.shape_cast %swap3A_810 : vector<1x16xf32> to vector<16xf32>
      %swap3A_812 = vector.shape_cast %mul3A_805 : vector<16xf32> to vector<1x16xf32>
      tpu.vector_store %arg12[%swap3A_808, %swap3A_809], %swap3A_812 {strides = array<i32>} : memref<128x128xf32, #tpu.memory_space<vmem>>, vector<1x16xf32>,
      %add3A_813 = arith.constant 6 : i32
      %add3A_814 = arith.addi %mul3A_100, %add3A_813 : i32
      %get3A_815 = arith.index_cast %add3A_814 : i32 to index
      %get3A_816 = arith.constant 16 : index
      %get3A_817 = tpu.vector_load %arg12[%get3A_815, %get3A_816] {strides = array<i32>} : memref<128x128xf32, #tpu.memory_space<vmem>>, vector<1x16xf32>,
      %get3A_818 = vector.shape_cast %get3A_817 : vector<1x16xf32> to vector<16xf32>
      %mul3A_819 = arith.mulf %get3A_818, %get3A_798 : vector<16xf32>
      %add3A_820 = arith.constant 6 : i32
      %add3A_821 = arith.addi %mul3A_100, %add3A_820 : i32
      %swap3A_822 = arith.index_cast %add3A_821 : i32 to index
      %swap3A_823 = arith.constant 16 : index
      %swap3A_824 = tpu.vector_load %arg12[%swap3A_822, %swap3A_823] {strides = array<i32>} : memref<128x128xf32, #tpu.memory_space<vmem>>, vector<1x16xf32>,
      %swap3A_825 = vector.shape_cast %swap3A_824 : vector<1x16xf32> to vector<16xf32>
      %swap3A_826 = vector.shape_cast %mul3A_819 : vector<16xf32> to vector<1x16xf32>
      tpu.vector_store %arg12[%swap3A_822, %swap3A_823], %swap3A_826 {strides = array<i32>} : memref<128x128xf32, #tpu.memory_space<vmem>>, vector<1x16xf32>,
      %add3A_827 = arith.constant 6 : i32
      %add3A_828 = arith.addi %mul3A_100, %add3A_827 : i32
      %get3A_829 = arith.index_cast %add3A_828 : i32 to index
      %get3A_830 = arith.constant 32 : index
      %get3A_831 = tpu.vector_load %arg12[%get3A_829, %get3A_830] {strides = array<i32>} : memref<128x128xf32, #tpu.memory_space<vmem>>, vector<1x16xf32>,
      %get3A_832 = vector.shape_cast %get3A_831 : vector<1x16xf32> to vector<16xf32>
      %mul3A_833 = arith.mulf %get3A_832, %get3A_798 : vector<16xf32>
      %add3A_834 = arith.constant 6 : i32
      %add3A_835 = arith.addi %mul3A_100, %add3A_834 : i32
      %swap3A_836 = arith.index_cast %add3A_835 : i32 to index
      %swap3A_837 = arith.constant 32 : index
      %swap3A_838 = tpu.vector_load %arg12[%swap3A_836, %swap3A_837] {strides = array<i32>} : memref<128x128xf32, #tpu.memory_space<vmem>>, vector<1x16xf32>,
      %swap3A_839 = vector.shape_cast %swap3A_838 : vector<1x16xf32> to vector<16xf32>
      %swap3A_840 = vector.shape_cast %mul3A_833 : vector<16xf32> to vector<1x16xf32>
      tpu.vector_store %arg12[%swap3A_836, %swap3A_837], %swap3A_840 {strides = array<i32>} : memref<128x128xf32, #tpu.memory_space<vmem>>, vector<1x16xf32>,
      %add3A_841 = arith.constant 6 : i32
      %add3A_842 = arith.addi %mul3A_100, %add3A_841 : i32
      %get3A_843 = arith.index_cast %add3A_842 : i32 to index
      %get3A_844 = arith.constant 48 : index
      %get3A_845 = tpu.vector_load %arg12[%get3A_843, %get3A_844] {strides = array<i32>} : memref<128x128xf32, #tpu.memory_space<vmem>>, vector<1x16xf32>,
      %get3A_846 = vector.shape_cast %get3A_845 : vector<1x16xf32> to vector<16xf32>
      %mul3A_847 = arith.mulf %get3A_846, %get3A_798 : vector<16xf32>
      %add3A_848 = arith.constant 6 : i32
      %add3A_849 = arith.addi %mul3A_100, %add3A_848 : i32
      %swap3A_850 = arith.index_cast %add3A_849 : i32 to index
      %swap3A_851 = arith.constant 48 : index
      %swap3A_852 = tpu.vector_load %arg12[%swap3A_850, %swap3A_851] {strides = array<i32>} : memref<128x128xf32, #tpu.memory_space<vmem>>, vector<1x16xf32>,
      %swap3A_853 = vector.shape_cast %swap3A_852 : vector<1x16xf32> to vector<16xf32>
      %swap3A_854 = vector.shape_cast %mul3A_847 : vector<16xf32> to vector<1x16xf32>
      tpu.vector_store %arg12[%swap3A_850, %swap3A_851], %swap3A_854 {strides = array<i32>} : memref<128x128xf32, #tpu.memory_space<vmem>>, vector<1x16xf32>,
      %add3A_855 = arith.constant 6 : i32
      %add3A_856 = arith.addi %mul3A_100, %add3A_855 : i32
      %get3A_857 = arith.index_cast %add3A_856 : i32 to index
      %get3A_858 = arith.constant 64 : index
      %get3A_859 = tpu.vector_load %arg12[%get3A_857, %get3A_858] {strides = array<i32>} : memref<128x128xf32, #tpu.memory_space<vmem>>, vector<1x16xf32>,
      %get3A_860 = vector.shape_cast %get3A_859 : vector<1x16xf32> to vector<16xf32>
      %mul3A_861 = arith.mulf %get3A_860, %get3A_798 : vector<16xf32>
      %add3A_862 = arith.constant 6 : i32
      %add3A_863 = arith.addi %mul3A_100, %add3A_862 : i32
      %swap3A_864 = arith.index_cast %add3A_863 : i32 to index
      %swap3A_865 = arith.constant 64 : index
      %swap3A_866 = tpu.vector_load %arg12[%swap3A_864, %swap3A_865] {strides = array<i32>} : memref<128x128xf32, #tpu.memory_space<vmem>>, vector<1x16xf32>,
      %swap3A_867 = vector.shape_cast %swap3A_866 : vector<1x16xf32> to vector<16xf32>
      %swap3A_868 = vector.shape_cast %mul3A_861 : vector<16xf32> to vector<1x16xf32>
      tpu.vector_store %arg12[%swap3A_864, %swap3A_865], %swap3A_868 {strides = array<i32>} : memref<128x128xf32, #tpu.memory_space<vmem>>, vector<1x16xf32>,
      %add3A_869 = arith.constant 6 : i32
      %add3A_870 = arith.addi %mul3A_100, %add3A_869 : i32
      %get3A_871 = arith.index_cast %add3A_870 : i32 to index
      %get3A_872 = arith.constant 80 : index
      %get3A_873 = tpu.vector_load %arg12[%get3A_871, %get3A_872] {strides = array<i32>} : memref<128x128xf32, #tpu.memory_space<vmem>>, vector<1x16xf32>,
      %get3A_874 = vector.shape_cast %get3A_873 : vector<1x16xf32> to vector<16xf32>
      %mul3A_875 = arith.mulf %get3A_874, %get3A_798 : vector<16xf32>
      %add3A_876 = arith.constant 6 : i32
      %add3A_877 = arith.addi %mul3A_100, %add3A_876 : i32
      %swap3A_878 = arith.index_cast %add3A_877 : i32 to index
      %swap3A_879 = arith.constant 80 : index
      %swap3A_880 = tpu.vector_load %arg12[%swap3A_878, %swap3A_879] {strides = array<i32>} : memref<128x128xf32, #tpu.memory_space<vmem>>, vector<1x16xf32>,
      %swap3A_881 = vector.shape_cast %swap3A_880 : vector<1x16xf32> to vector<16xf32>
      %swap3A_882 = vector.shape_cast %mul3A_875 : vector<16xf32> to vector<1x16xf32>
      tpu.vector_store %arg12[%swap3A_878, %swap3A_879], %swap3A_882 {strides = array<i32>} : memref<128x128xf32, #tpu.memory_space<vmem>>, vector<1x16xf32>,
      %add3A_883 = arith.constant 6 : i32
      %add3A_884 = arith.addi %mul3A_100, %add3A_883 : i32
      %get3A_885 = arith.index_cast %add3A_884 : i32 to index
      %get3A_886 = arith.constant 96 : index
      %get3A_887 = tpu.vector_load %arg12[%get3A_885, %get3A_886] {strides = array<i32>} : memref<128x128xf32, #tpu.memory_space<vmem>>, vector<1x16xf32>,
      %get3A_888 = vector.shape_cast %get3A_887 : vector<1x16xf32> to vector<16xf32>
      %mul3A_889 = arith.mulf %get3A_888, %get3A_798 : vector<16xf32>
      %add3A_890 = arith.constant 6 : i32
      %add3A_891 = arith.addi %mul3A_100, %add3A_890 : i32
      %swap3A_892 = arith.index_cast %add3A_891 : i32 to index
      %swap3A_893 = arith.constant 96 : index
      %swap3A_894 = tpu.vector_load %arg12[%swap3A_892, %swap3A_893] {strides = array<i32>} : memref<128x128xf32, #tpu.memory_space<vmem>>, vector<1x16xf32>,
      %swap3A_895 = vector.shape_cast %swap3A_894 : vector<1x16xf32> to vector<16xf32>
      %swap3A_896 = vector.shape_cast %mul3A_889 : vector<16xf32> to vector<1x16xf32>
      tpu.vector_store %arg12[%swap3A_892, %swap3A_893], %swap3A_896 {strides = array<i32>} : memref<128x128xf32, #tpu.memory_space<vmem>>, vector<1x16xf32>,
      %add3A_897 = arith.constant 6 : i32
      %add3A_898 = arith.addi %mul3A_100, %add3A_897 : i32
      %get3A_899 = arith.index_cast %add3A_898 : i32 to index
      %get3A_900 = arith.constant 112 : index
      %get3A_901 = tpu.vector_load %arg12[%get3A_899, %get3A_900] {strides = array<i32>} : memref<128x128xf32, #tpu.memory_space<vmem>>, vector<1x16xf32>,
      %get3A_902 = vector.shape_cast %get3A_901 : vector<1x16xf32> to vector<16xf32>
      %mul3A_903 = arith.mulf %get3A_902, %get3A_798 : vector<16xf32>
      %add3A_904 = arith.constant 6 : i32
      %add3A_905 = arith.addi %mul3A_100, %add3A_904 : i32
      %swap3A_906 = arith.index_cast %add3A_905 : i32 to index
      %swap3A_907 = arith.constant 112 : index
      %swap3A_908 = tpu.vector_load %arg12[%swap3A_906, %swap3A_907] {strides = array<i32>} : memref<128x128xf32, #tpu.memory_space<vmem>>, vector<1x16xf32>,
      %swap3A_909 = vector.shape_cast %swap3A_908 : vector<1x16xf32> to vector<16xf32>
      %swap3A_910 = vector.shape_cast %mul3A_903 : vector<16xf32> to vector<1x16xf32>
      tpu.vector_store %arg12[%swap3A_906, %swap3A_907], %swap3A_910 {strides = array<i32>} : memref<128x128xf32, #tpu.memory_space<vmem>>, vector<1x16xf32>,
      %get3A_911 = arith.index_cast %scan3A_98 : i32 to index
      %get3A_912 = arith.constant 112 : index
      %get3A_913 = tpu.vector_load %arg10[%get3A_911, %get3A_912] {strides = array<i32>} : memref<16x128xf32, #tpu.memory_space<vmem>>, vector<1x16xf32>,
      %get3A_914 = vector.shape_cast %get3A_913 : vector<1x16xf32> to vector<16xf32>
      %add3A_915 = arith.constant 7 : i32
      %add3A_916 = arith.addi %mul3A_100, %add3A_915 : i32
      %get3A_917 = arith.index_cast %add3A_916 : i32 to index
      %get3A_918 = arith.constant 0 : index
      %get3A_919 = tpu.vector_load %arg12[%get3A_917, %get3A_918] {strides = array<i32>} : memref<128x128xf32, #tpu.memory_space<vmem>>, vector<1x16xf32>,
      %get3A_920 = vector.shape_cast %get3A_919 : vector<1x16xf32> to vector<16xf32>
      %mul3A_921 = arith.mulf %get3A_920, %get3A_914 : vector<16xf32>
      %add3A_922 = arith.constant 7 : i32
      %add3A_923 = arith.addi %mul3A_100, %add3A_922 : i32
      %swap3A_924 = arith.index_cast %add3A_923 : i32 to index
      %swap3A_925 = arith.constant 0 : index
      %swap3A_926 = tpu.vector_load %arg12[%swap3A_924, %swap3A_925] {strides = array<i32>} : memref<128x128xf32, #tpu.memory_space<vmem>>, vector<1x16xf32>,
      %swap3A_927 = vector.shape_cast %swap3A_926 : vector<1x16xf32> to vector<16xf32>
      %swap3A_928 = vector.shape_cast %mul3A_921 : vector<16xf32> to vector<1x16xf32>
      tpu.vector_store %arg12[%swap3A_924, %swap3A_925], %swap3A_928 {strides = array<i32>} : memref<128x128xf32, #tpu.memory_space<vmem>>, vector<1x16xf32>,
      %add3A_929 = arith.constant 7 : i32
      %add3A_930 = arith.addi %mul3A_100, %add3A_929 : i32
      %get3A_931 = arith.index_cast %add3A_930 : i32 to index
      %get3A_932 = arith.constant 16 : index
      %get3A_933 = tpu.vector_load %arg12[%get3A_931, %get3A_932] {strides = array<i32>} : memref<128x128xf32, #tpu.memory_space<vmem>>, vector<1x16xf32>,
      %get3A_934 = vector.shape_cast %get3A_933 : vector<1x16xf32> to vector<16xf32>
      %mul3A_935 = arith.mulf %get3A_934, %get3A_914 : vector<16xf32>
      %add3A_936 = arith.constant 7 : i32
      %add3A_937 = arith.addi %mul3A_100, %add3A_936 : i32
      %swap3A_938 = arith.index_cast %add3A_937 : i32 to index
      %swap3A_939 = arith.constant 16 : index
      %swap3A_940 = tpu.vector_load %arg12[%swap3A_938, %swap3A_939] {strides = array<i32>} : memref<128x128xf32, #tpu.memory_space<vmem>>, vector<1x16xf32>,
      %swap3A_941 = vector.shape_cast %swap3A_940 : vector<1x16xf32> to vector<16xf32>
      %swap3A_942 = vector.shape_cast %mul3A_935 : vector<16xf32> to vector<1x16xf32>
      tpu.vector_store %arg12[%swap3A_938, %swap3A_939], %swap3A_942 {strides = array<i32>} : memref<128x128xf32, #tpu.memory_space<vmem>>, vector<1x16xf32>,
      %add3A_943 = arith.constant 7 : i32
      %add3A_944 = arith.addi %mul3A_100, %add3A_943 : i32
      %get3A_945 = arith.index_cast %add3A_944 : i32 to index
      %get3A_946 = arith.constant 32 : index
      %get3A_947 = tpu.vector_load %arg12[%get3A_945, %get3A_946] {strides = array<i32>} : memref<128x128xf32, #tpu.memory_space<vmem>>, vector<1x16xf32>,
      %get3A_948 = vector.shape_cast %get3A_947 : vector<1x16xf32> to vector<16xf32>
      %mul3A_949 = arith.mulf %get3A_948, %get3A_914 : vector<16xf32>
      %add3A_950 = arith.constant 7 : i32
      %add3A_951 = arith.addi %mul3A_100, %add3A_950 : i32
      %swap3A_952 = arith.index_cast %add3A_951 : i32 to index
      %swap3A_953 = arith.constant 32 : index
      %swap3A_954 = tpu.vector_load %arg12[%swap3A_952, %swap3A_953] {strides = array<i32>} : memref<128x128xf32, #tpu.memory_space<vmem>>, vector<1x16xf32>,
      %swap3A_955 = vector.shape_cast %swap3A_954 : vector<1x16xf32> to vector<16xf32>
      %swap3A_956 = vector.shape_cast %mul3A_949 : vector<16xf32> to vector<1x16xf32>
      tpu.vector_store %arg12[%swap3A_952, %swap3A_953], %swap3A_956 {strides = array<i32>} : memref<128x128xf32, #tpu.memory_space<vmem>>, vector<1x16xf32>,
      %add3A_957 = arith.constant 7 : i32
      %add3A_958 = arith.addi %mul3A_100, %add3A_957 : i32
      %get3A_959 = arith.index_cast %add3A_958 : i32 to index
      %get3A_960 = arith.constant 48 : index
      %get3A_961 = tpu.vector_load %arg12[%get3A_959, %get3A_960] {strides = array<i32>} : memref<128x128xf32, #tpu.memory_space<vmem>>, vector<1x16xf32>,
      %get3A_962 = vector.shape_cast %get3A_961 : vector<1x16xf32> to vector<16xf32>
      %mul3A_963 = arith.mulf %get3A_962, %get3A_914 : vector<16xf32>
      %add3A_964 = arith.constant 7 : i32
      %add3A_965 = arith.addi %mul3A_100, %add3A_964 : i32
      %swap3A_966 = arith.index_cast %add3A_965 : i32 to index
      %swap3A_967 = arith.constant 48 : index
      %swap3A_968 = tpu.vector_load %arg12[%swap3A_966, %swap3A_967] {strides = array<i32>} : memref<128x128xf32, #tpu.memory_space<vmem>>, vector<1x16xf32>,
      %swap3A_969 = vector.shape_cast %swap3A_968 : vector<1x16xf32> to vector<16xf32>
      %swap3A_970 = vector.shape_cast %mul3A_963 : vector<16xf32> to vector<1x16xf32>
      tpu.vector_store %arg12[%swap3A_966, %swap3A_967], %swap3A_970 {strides = array<i32>} : memref<128x128xf32, #tpu.memory_space<vmem>>, vector<1x16xf32>,
      %add3A_971 = arith.constant 7 : i32
      %add3A_972 = arith.addi %mul3A_100, %add3A_971 : i32
      %get3A_973 = arith.index_cast %add3A_972 : i32 to index
      %get3A_974 = arith.constant 64 : index
      %get3A_975 = tpu.vector_load %arg12[%get3A_973, %get3A_974] {strides = array<i32>} : memref<128x128xf32, #tpu.memory_space<vmem>>, vector<1x16xf32>,
      %get3A_976 = vector.shape_cast %get3A_975 : vector<1x16xf32> to vector<16xf32>
      %mul3A_977 = arith.mulf %get3A_976, %get3A_914 : vector<16xf32>
      %add3A_978 = arith.constant 7 : i32
      %add3A_979 = arith.addi %mul3A_100, %add3A_978 : i32
      %swap3A_980 = arith.index_cast %add3A_979 : i32 to index
      %swap3A_981 = arith.constant 64 : index
      %swap3A_982 = tpu.vector_load %arg12[%swap3A_980, %swap3A_981] {strides = array<i32>} : memref<128x128xf32, #tpu.memory_space<vmem>>, vector<1x16xf32>,
      %swap3A_983 = vector.shape_cast %swap3A_982 : vector<1x16xf32> to vector<16xf32>
      %swap3A_984 = vector.shape_cast %mul3A_977 : vector<16xf32> to vector<1x16xf32>
      tpu.vector_store %arg12[%swap3A_980, %swap3A_981], %swap3A_984 {strides = array<i32>} : memref<128x128xf32, #tpu.memory_space<vmem>>, vector<1x16xf32>,
      %add3A_985 = arith.constant 7 : i32
      %add3A_986 = arith.addi %mul3A_100, %add3A_985 : i32
      %get3A_987 = arith.index_cast %add3A_986 : i32 to index
      %get3A_988 = arith.constant 80 : index
      %get3A_989 = tpu.vector_load %arg12[%get3A_987, %get3A_988] {strides = array<i32>} : memref<128x128xf32, #tpu.memory_space<vmem>>, vector<1x16xf32>,
      %get3A_990 = vector.shape_cast %get3A_989 : vector<1x16xf32> to vector<16xf32>
      %mul3A_991 = arith.mulf %get3A_990, %get3A_914 : vector<16xf32>
      %add3A_992 = arith.constant 7 : i32
      %add3A_993 = arith.addi %mul3A_100, %add3A_992 : i32
      %swap3A_994 = arith.index_cast %add3A_993 : i32 to index
      %swap3A_995 = arith.constant 80 : index
      %swap3A_996 = tpu.vector_load %arg12[%swap3A_994, %swap3A_995] {strides = array<i32>} : memref<128x128xf32, #tpu.memory_space<vmem>>, vector<1x16xf32>,
      %swap3A_997 = vector.shape_cast %swap3A_996 : vector<1x16xf32> to vector<16xf32>
      %swap3A_998 = vector.shape_cast %mul3A_991 : vector<16xf32> to vector<1x16xf32>
      tpu.vector_store %arg12[%swap3A_994, %swap3A_995], %swap3A_998 {strides = array<i32>} : memref<128x128xf32, #tpu.memory_space<vmem>>, vector<1x16xf32>,
      %add3A_999 = arith.constant 7 : i32
      %add3A_1000 = arith.addi %mul3A_100, %add3A_999 : i32
      %get3A_1001 = arith.index_cast %add3A_1000 : i32 to index
      %get3A_1002 = arith.constant 96 : index
      %get3A_1003 = tpu.vector_load %arg12[%get3A_1001, %get3A_1002] {strides = array<i32>} : memref<128x128xf32, #tpu.memory_space<vmem>>, vector<1x16xf32>,
      %get3A_1004 = vector.shape_cast %get3A_1003 : vector<1x16xf32> to vector<16xf32>
      %mul3A_1005 = arith.mulf %get3A_1004, %get3A_914 : vector<16xf32>
      %add3A_1006 = arith.constant 7 : i32
      %add3A_1007 = arith.addi %mul3A_100, %add3A_1006 : i32
      %swap3A_1008 = arith.index_cast %add3A_1007 : i32 to index
      %swap3A_1009 = arith.constant 96 : index
      %swap3A_1010 = tpu.vector_load %arg12[%swap3A_1008, %swap3A_1009] {strides = array<i32>} : memref<128x128xf32, #tpu.memory_space<vmem>>, vector<1x16xf32>,
      %swap3A_1011 = vector.shape_cast %swap3A_1010 : vector<1x16xf32> to vector<16xf32>
      %swap3A_1012 = vector.shape_cast %mul3A_1005 : vector<16xf32> to vector<1x16xf32>
      tpu.vector_store %arg12[%swap3A_1008, %swap3A_1009], %swap3A_1012 {strides = array<i32>} : memref<128x128xf32, #tpu.memory_space<vmem>>, vector<1x16xf32>,
      %add3A_1013 = arith.constant 7 : i32
      %add3A_1014 = arith.addi %mul3A_100, %add3A_1013 : i32
      %get3A_1015 = arith.index_cast %add3A_1014 : i32 to index
      %get3A_1016 = arith.constant 112 : index
      %get3A_1017 = tpu.vector_load %arg12[%get3A_1015, %get3A_1016] {strides = array<i32>} : memref<128x128xf32, #tpu.memory_space<vmem>>, vector<1x16xf32>,
      %get3A_1018 = vector.shape_cast %get3A_1017 : vector<1x16xf32> to vector<16xf32>
      %mul3A_1019 = arith.mulf %get3A_1018, %get3A_914 : vector<16xf32>
      %add3A_1020 = arith.constant 7 : i32
      %add3A_1021 = arith.addi %mul3A_100, %add3A_1020 : i32
      %swap3A_1022 = arith.index_cast %add3A_1021 : i32 to index
      %swap3A_1023 = arith.constant 112 : index
      %swap3A_1024 = tpu.vector_load %arg12[%swap3A_1022, %swap3A_1023] {strides = array<i32>} : memref<128x128xf32, #tpu.memory_space<vmem>>, vector<1x16xf32>,
      %swap3A_1025 = vector.shape_cast %swap3A_1024 : vector<1x16xf32> to vector<16xf32>
      %swap3A_1026 = vector.shape_cast %mul3A_1019 : vector<16xf32> to vector<1x16xf32>
      tpu.vector_store %arg12[%swap3A_1022, %swap3A_1023], %swap3A_1026 {strides = array<i32>} : memref<128x128xf32, #tpu.memory_space<vmem>>, vector<1x16xf32>,
    }
    %scan3A_65 = arith.constant 16 : i32
    %dma_wait3A_66 = arith.constant 78 : i32
    %dma_wait3A_67 = arith.constant 0 : i32
    %dma_wait3A_68 = arith.constant 0 : i32
    %dma_wait3A_69 = arith.constant 0 : i32
    %dma_wait3A_70 = tpu.memref_slice %arg9[%dma_wait3A_68, %dma_wait3A_69] : memref<2x128xi32, #tpu.memory_space<vmem>> -> memref<1x128xi32, #tpu.memory_space<vmem>>
    %dma_wait3A_71 = tpu.memref_squeeze %dma_wait3A_70 : memref<1x128xi32, #tpu.memory_space<vmem>> -> memref<128xi32, #tpu.memory_space<vmem>>
    %dma_wait3A_72 = arith.constant 0 : i32
    %dma_wait3A_73 = tpu.memref_slice %arg4[%add3A, %dma_wait3A_66, %dma_wait3A_67, %dma_wait3A_72] : memref<32x79x1x128xi32, #tpu.memory_space<hbm>> -> memref<1x1x1x128xi32, #tpu.memory_space<hbm>>
    %dma_wait3A_74 = tpu.memref_squeeze %dma_wait3A_73 : memref<1x1x1x128xi32, #tpu.memory_space<hbm>> -> memref<128xi32, #tpu.memory_space<hbm>>
    %dma_wait3A_75 = arith.constant 0 : i32
    %dma_wait3A_76 = tpu.memref_slice %arg9[%dma_wait3A_68, %dma_wait3A_75] : memref<2x128xi32, #tpu.memory_space<vmem>> -> memref<1x128xi32, #tpu.memory_space<vmem>>
    %dma_wait3A_77 = tpu.memref_squeeze %dma_wait3A_76 : memref<1x128xi32, #tpu.memory_space<vmem>> -> memref<128xi32, #tpu.memory_space<vmem>>
    %dma_wait3A_78 = arith.constant 0 : i32
    %dma_wait3A_79 = tpu.memref_slice %arg4[%add3A, %dma_wait3A_66, %dma_wait3A_67, %dma_wait3A_78] : memref<32x79x1x128xi32, #tpu.memory_space<hbm>> -> memref<1x1x1x128xi32, #tpu.memory_space<hbm>>
    %dma_wait3A_80 = tpu.memref_squeeze %dma_wait3A_79 : memref<1x1x1x128xi32, #tpu.memory_space<hbm>> -> memref<128xi32, #tpu.memory_space<hbm>>
    tpu.wait_dma2 semaphore(%arg17 : memref<!tpu.dma_semaphore, #tpu.memory_space<semaphore_mem>>) src(%dma_wait3A_80 : memref<128xi32, #tpu.memory_space<hbm>>) dst(%dma_wait3A_77 : memref<128xi32, #tpu.memory_space<vmem>>)
    %dma_start3A_81 = arith.constant 0 : i32
    %dma_start3A_82 = arith.constant 0 : i32
    %dma_start3A_83 = tpu.memref_slice %arg9[%dma_start3A_81, %dma_start3A_82] : memref<2x128xi32, #tpu.memory_space<vmem>> -> memref<1x128xi32, #tpu.memory_space<vmem>>
    %dma_start3A_84 = tpu.memref_squeeze %dma_start3A_83 : memref<1x128xi32, #tpu.memory_space<vmem>> -> memref<128xi32, #tpu.memory_space<vmem>>
    %dma_start3A_85 = arith.constant 0 : i32
    %dma_start3A_86 = arith.constant 0 : i32
    %dma_start3A_87 = tpu.memref_slice %arg14[%dma_start3A_85, %dma_start3A_86] : memref<10240x128xf32, #tpu.memory_space<vmem_shared>> -> memref<10240x128xf32, #tpu.memory_space<vmem_shared>>
    tpu.enqueue_indirect_dma source(%arg12 : memref<128x128xf32, #tpu.memory_space<vmem>>) target(%dma_start3A_87 : memref<10240x128xf32, #tpu.memory_space<vmem_shared>>) offsets(%dma_start3A_84 : memref<128xi32, #tpu.memory_space<vmem>>) semaphore(%arg21 : memref<!tpu.dma_semaphore, #tpu.memory_space<semaphore_mem>>) {add = true}
    %dma_wait3A_88 = arith.constant 0 : i32
    %dma_wait3A_89 = arith.constant 0 : i32
    %dma_wait3A_90 = tpu.memref_slice %arg9[%dma_wait3A_88, %dma_wait3A_89] : memref<2x128xi32, #tpu.memory_space<vmem>> -> memref<1x128xi32, #tpu.memory_space<vmem>>
    %dma_wait3A_91 = tpu.memref_squeeze %dma_wait3A_90 : memref<1x128xi32, #tpu.memory_space<vmem>> -> memref<128xi32, #tpu.memory_space<vmem>>
    %dma_wait3A_92 = arith.constant 0 : i32
    %dma_wait3A_93 = arith.constant 0 : i32
    %dma_wait3A_94 = tpu.memref_slice %arg14[%dma_wait3A_92, %dma_wait3A_93] : memref<10240x128xf32, #tpu.memory_space<vmem_shared>> -> memref<10240x128xf32, #tpu.memory_space<vmem_shared>>
    tpu.wait_indirect_dma semaphore(%arg21 : memref<!tpu.dma_semaphore, #tpu.memory_space<semaphore_mem>>) src(%arg12 : memref<128x128xf32, #tpu.memory_space<vmem>>) dst(%dma_wait3A_94 : memref<10240x128xf32, #tpu.memory_space<vmem_shared>>)
    %barrier3A_95 = arith.constant 0 : index
    tpu.barrier barrier_id(%barrier3A_95)
    %mul3A_96 = arith.constant 640 : i32
    %mul3A_97 = arith.muli %arg1, %mul3A_96 : i32
    "tpu.region"() ({
      %run_scoped3A = tpu.sem_alloc : memref<!tpu.dma_semaphore, #tpu.memory_space<semaphore_mem>>
      %dma_start3A_98 = arith.constant 0 : i32
      %dma_start3A_99 = tpu.memref_slice %arg7[%arg0, %mul3A_97, %dma_start3A_98] : memref<2x10240x128xf32, #tpu.memory_space<hbm>> -> memref<1x640x128xf32, #tpu.memory_space<hbm>>
      %dma_start3A_100 = tpu.memref_squeeze %dma_start3A_99 : memref<1x640x128xf32, #tpu.memory_space<hbm>> -> memref<640x128xf32, #tpu.memory_space<hbm>>
      %dma_start3A_101 = arith.constant 0 : i32
      %dma_start3A_102 = tpu.memref_slice %arg14[%mul3A_97, %dma_start3A_101] : memref<10240x128xf32, #tpu.memory_space<vmem_shared>> -> memref<640x128xf32, #tpu.memory_space<vmem_shared>>
      tpu.enqueue_dma source(%dma_start3A_102 : memref<640x128xf32, #tpu.memory_space<vmem_shared>>) target(%dma_start3A_100 : memref<640x128xf32, #tpu.memory_space<hbm>>) target_semaphore(%run_scoped3A : memref<!tpu.dma_semaphore, #tpu.memory_space<semaphore_mem>>)
      %dma_wait3A_103 = arith.constant 0 : i32
      %dma_wait3A_104 = tpu.memref_slice %arg7[%arg0, %mul3A_97, %dma_wait3A_103] : memref<2x10240x128xf32, #tpu.memory_space<hbm>> -> memref<1x640x128xf32, #tpu.memory_space<hbm>>
      %dma_wait3A_105 = tpu.memref_squeeze %dma_wait3A_104 : memref<1x640x128xf32, #tpu.memory_space<hbm>> -> memref<640x128xf32, #tpu.memory_space<hbm>>
      %dma_wait3A_106 = arith.constant 0 : i32
      %dma_wait3A_107 = tpu.memref_slice %arg14[%mul3A_97, %dma_wait3A_106] : memref<10240x128xf32, #tpu.memory_space<vmem_shared>> -> memref<640x128xf32, #tpu.memory_space<vmem_shared>>
      tpu.wait_dma2 semaphore(%run_scoped3A : memref<!tpu.dma_semaphore, #tpu.memory_space<semaphore_mem>>) src(%dma_wait3A_107 : memref<640x128xf32, #tpu.memory_space<vmem_shared>>) dst(%dma_wait3A_105 : memref<640x128xf32, #tpu.memory_space<hbm>>)
      tpu.yield
    }) : () -> ()
    return
  }
}

</mosaic_0001>

<sc_bundles>
// kernel: _edge_call.3.cloned.1.call-start
scs
__scs_entry_jumppad:
0x0: {  	(pc) =	sbr.rel $0x88, $3  }
0x1: {  	(tag) =	ssettag $0x0;
	lr =	simm.s32 $0x1  }
0x2: {  	[smem:$0x3F9C] =	sst lr;
	_ =	strace $0xD0000000  }
0x3: {  	_ = 	snop  }
0x4: {  	_ = 	snop  }
0x5: {  	_ = 	snop  }
0x6: {  	_ = 	snop  }
0x7: {  	_ = 	snop  }
__scs_overlays_trampoline_lowered:
0x8: {  	[smem:$0x3FAB] =	sst s0  }
0x9: {  	[smem:$0x3FAC] =	sst s1  }
0xa: {  	[smem:$0x3FAD] =	sst s2  }
0xb: {  	[smem:$0x3FAE] =	sst s3  }
0xc: {  	[smem:$0x3FAF] =	sst s4  }
0xd: {  	[smem:$0x3FB0] =	sst s5  }
0xe: {  	[smem:$0x3FB1] =	sst s6  }
0xf: {  	[smem:$0x3FB2] =	sst s7  }
0x10: {  	[smem:$0x3FB3] =	sst s8  }
0x11: {  	[smem:$0x3FB4] =	sst s9;
	s0 =	simm.s32 @!p0 $0x0  }
0x12: {  	s1 =	sld [smem:$0x3F9A];
	s0 =	simm.s32 @p0 $0x1  }
0x13: {  	[smem:$0x3FB5] =	sst s0;
	s0 =	simm.s32 @!p1 $0x0  }
0x14: {  	s2 =	sld [smem:$0x3F99];
	s0 =	simm.s32 @p1 $0x1  }
0x15: {  	[smem:$0x3FB6] =	sst s0;
	s0 =	simm.s32 @!p2 $0x0  }
0x16: {  	s3 =	sld [smem:$0x3FDB];
	s0 =	simm.s32 @p2 $0x1  }
0x17: {  	s4 =	simm.s32 $0x1BF5;
	[smem:$0x3FB8] =	sst s0  }
0x18: {  	s0 =	sld [smem:$0x3F9B];
	_ =	swait.ge [sflag:s4], $0x0  }
0x19: {  	s7 =	sld [smem:$0x3F9C]  }
0x1a: {  	s8 =	sadd.s32 $0xFFFFE003, lr  }
0x1b: {  	s9 =	sadd.s32 $0xFFFFFEF7, lr;
	s5 =	simm.s32 $0xFFFFFFFF;
	p2 =	slt.u32 s8, $0xFFFFF086  }
0x1c: {  	p1 =	slt.u32 s9, $0xF7A;
	s5 =	simm.s32 @!p2 $0x0  }
0x1d: {  	s5 =	simm.s32 @p1 $0x1;
	p0 =	seq.s32 s7, s2  }
0x1e: {  	s7 =	smul.u32 @!p0 $0xF7A, s2;
	p2 =	seq.s32 @!p0 s5, $0x0  }
0x1f: {  	s9 =	smul.u32 $0xF7A, s1;
	s8 =	simm.s32 @!p0 $0x1BF5;
	p2 =	por !p2, p0  }
0x20: {  	[sflag:s8] =	ssyncset.s32 @!p0 $0xFFFFF086;
	s6 =	sadd.s32 @!p0 s3, s7;
	s7 =	simm.s32 @!p0 $0x108  }
0x21: {  	s3 =	sadd.s32 s3, s9;
	s6 =	sadd.s32 @!p0 $0x88, s6;
	s7 =	simm.s32 @p2 $0x1082  }
0x22: {  	[simem:s7], [sflag:s8] =	dma.local @!p0 [hbm:s6], $0xF7A  }
0x23: {  	s9 =	sor.u32 $0xD0000000, s2;
	s6 =	simm.s32 $0x108;
	_ =	swait.ge @!p0 [sflag:s8], $0x0  }
0x24: {  	s3 =	sadd.s32 $0x88, s3;
	s6 =	simm.s32 @!p1 $0x1082;
	[sflag:s4] =	ssyncset.s32 $0xFFFFF086  }
0x25: {  	[simem:s6], [sflag:s4] =	dma.local [hbm:s3], $0xF7A  }
0x26: {  	[smem:$0x3F9C] =	sst s1;
	(tag) =	ssettag s2;
	_ =	strace s9  }
0x27: {  	s1 =	sld [smem:$0x3FAC]  }
0x28: {  	s2 =	sld [smem:$0x3FAD]  }
0x29: {  	s4 =	sld [smem:$0x3FAF]  }
0x2a: {  	p0 =	seq.s32 s5, $0x0;
	s5 =	sld [smem:$0x3FB0]  }
0x2b: {  	s6 =	sld [smem:$0x3FB1]  }
0x2c: {  	s7 =	sld [smem:$0x3FB2]  }
0x2d: {  	s3 =	simm.s32 $0x108;
	s8 =	sld [smem:$0x3FB3]  }
0x2e: {  	s3 =	simm.s32 @!p0 $0x1082;
	s9 =	sld [smem:$0x3FB4]  }
0x2f: {  	lr =	sadd.s32 s0, s3;
	s0 =	sld [smem:$0x3FAB]  }
0x30: {  	s3 =	sld [smem:$0x3FAE]  }
0x31: {  	[smem:$0x3FB7] =	sst s10  }
0x32: {  	s10 =	sld [smem:$0x3FB5];
	_ =	sdelay $0x3  }
0x33: {  	p0 =	seq.s32 s10, $0x1;
	s10 =	sld [smem:$0x3FB7];
	_ =	sdelay $0x3  }
0x34: {  	[smem:$0x3FB7] =	sst s10  }
0x35: {  	s10 =	sld [smem:$0x3FB6];
	_ =	sdelay $0x3  }
0x36: {  	p1 =	seq.s32 s10, $0x1;
	s10 =	sld [smem:$0x3FB7];
	_ =	sdelay $0x3  }
0x37: {  	[smem:$0x3FB7] =	sst s10  }
0x38: {  	s10 =	sld [smem:$0x3FB8]  }
0x39: {  	_ = 	snop;
	(pc) =	sbr.ind lr, $3  }
0x3a: {  	_ = 	snop  }
0x3b: {  	_ = 	snop  }
0x3c: {  	p2 =	seq.s32 s10, $0x1;
	s10 =	sld [smem:$0x3FB7]  }
0x3d: {  	_ =	shalt  }
0x3e: {  	_ =	shalt  }
0x3f: {  	_ =	shalt  }
0x40: {  	_ =	shalt  }
0x41: {  	_ =	shalt  }
0x42: {  	_ =	shalt  }
0x43: {  	_ =	shalt  }
0x44: {  	_ =	shalt  }
0x45: {  	_ =	shalt  }
0x46: {  	_ =	shalt  }
0x47: {  	_ =	shalt  }
0x48: {  	_ =	shalt  }
0x49: {  	_ =	shalt  }
0x4a: {  	_ =	shalt  }
0x4b: {  	_ =	shalt  }
0x4c: {  	_ =	shalt  }
0x4d: {  	_ =	shalt  }
0x4e: {  	_ =	shalt  }
0x4f: {  	_ =	shalt  }
0x50: {  	_ =	shalt  }
0x51: {  	_ =	shalt  }
0x52: {  	_ =	shalt  }
0x53: {  	_ =	shalt  }
0x54: {  	_ =	shalt  }
0x55: {  	_ =	shalt  }
0x56: {  	_ =	shalt  }
0x57: {  	_ =	shalt  }
0x58: {  	_ =	shalt  }
0x59: {  	_ =	shalt  }
0x5a: {  	_ =	shalt  }
0x5b: {  	_ =	shalt  }
0x5c: {  	_ =	shalt  }
0x5d: {  	_ =	shalt  }
0x5e: {  	_ =	shalt  }
0x5f: {  	_ =	shalt  }
0x60: {  	_ =	shalt  }
0x61: {  	_ =	shalt  }
0x62: {  	_ =	shalt  }
0x63: {  	_ =	shalt  }
0x64: {  	_ =	shalt  }
0x65: {  	_ =	shalt  }
0x66: {  	_ =	shalt  }
0x67: {  	_ =	shalt  }
0x68: {  	_ =	shalt  }
0x69: {  	_ =	shalt  }
0x6a: {  	_ =	shalt  }
0x6b: {  	_ =	shalt  }
0x6c: {  	_ =	shalt  }
0x6d: {  	_ =	shalt  }
0x6e: {  	_ =	shalt  }
0x6f: {  	_ =	shalt  }
0x70: {  	_ =	shalt  }
0x71: {  	_ =	shalt  }
0x72: {  	_ =	shalt  }
0x73: {  	_ =	shalt  }
0x74: {  	_ =	shalt  }
0x75: {  	_ =	shalt  }
0x76: {  	_ =	shalt  }
0x77: {  	_ =	shalt  }
0x78: {  	_ =	shalt  }
0x79: {  	_ =	shalt  }
0x7a: {  	_ =	shalt  }
0x7b: {  	_ =	shalt  }
0x7c: {  	_ =	shalt  }
0x7d: {  	_ =	shalt  }
0x7e: {  	_ =	shalt  }
0x7f: {  	_ =	shalt  }
0x80: {  	_ =	shalt  }
0x81: {  	_ =	shalt  }
0x82: {  	_ =	shalt  }
0x83: {  	_ =	shalt  }
0x84: {  	_ =	shalt  }
0x85: {  	_ =	shalt  }
0x86: {  	_ =	shalt  }
0x87: {  	_ =	shalt  }
.Lfunc_end0:
.L_simem_size_0:
called_computation_lowered:
.L_overlay_start_0:
0x88: {  	s2 =	sld [smem:$0x3FD9]  }
0x89: {  	s3 =	sld [smem:$0x3FFE];
	_ =	sdelay $0x1  }
0x8a: {  	s1 =	srdreg.scid  }
0x8b: {  	s0 =	sand.u32 $0x1, s1  }
0x8c: {  	s17 =	sshll.u32 s0, $0xA;
	s2 =	sadd.s32 s3, s2  }
0x8d: {  	s2 =	sadd.s32 s2, s17  }
0x8e: {  	[smem:$0x3FC3] =	sst s2  }
0x8f: {  	_ = 	snop  }
0x90: {  	s2 =	sld [smem:$0x3FC9]  }
0x91: {  	s18 =	sld [smem:$0x3FC7]  }
0x92: {  	s4 =	sld [smem:$0x3FC6]  }
0x93: {  	s5 =	sld [smem:$0x3FC5]  }
0x94: {  	s6 =	sld [smem:$0x3FD0];
	(tm) =	ssettm $0x1  }
0x95: {  	s7 =	sld [smem:$0x3FFB];
	_ =	sdelay $0x3  }
0x96: {  	_ =	strace s7  }
0x97: {  	s7 =	sld [smem:$0x3FFC];
	_ =	sdelay $0x3  }
0x98: {  	_ =	strace s7  }
0x99: {  	s7 =	sld [smem:$0x3FFD];
	_ =	sdelay $0x3  }
0x9a: {  	_ =	strace s7  }
0x9b: {  	_ =	strace $0x8FFFFFFF  }
0x9c: {  	s19 =	sld [smem:$0x3FDB];
	_ =	sdelay $0x1  }
0x9d: {  	s8 =	simm.s32 $_scs_section_size  }
0x9e: {  	s9 =	simm.s32 $_size__tile_overlayer_lowered;
	s10 =	simm.s32 $_tile_overlayer_lowered  }
0x9f: {  	s22 =	simm.s32 $0x1BFF;
	s21 =	sshll.u32 s10, $0x1;
	s7 =	sadd.s32 s8, s19  }
0xa0: {  	s11 =	simm.s32 $0x0;
	s20 =	sshll.u32 s9, $0x1;
	s9 =	sadd.s32 s21, s7  }
0xa1: {  	[timem:s11], [sflag:s22] =	dma.local [hbm:s9], s20  }
0xa2: {  	_ =	swait.ge [sflag:s22], s20  }
0xa3: {  	s8 =	ssub.s32 $0x0, s20;
	[sflag:s22] =	ssyncset.done $0x0  }
0xa4: {  	[sflag:s22] =	ssyncadd.s32 s8;
	_ =	sdelay $0x1  }
0xa5: {  	s23 =	simm.s32 $0x1B8B  }
0xa6: {  	_ =	swait.ge [sflag:s23], $0x1  }
0xa7: {  	[sflag:s23] =	ssyncset.done $0x0  }
0xa8: {  	s25 =	simm.s32 $0x1B8E;
	s24 =	sld [smem:$0x3FFE];
	[sflag:s23] =	ssyncadd.s32 $0xFFFFFFFF  }
0xa9: {  	s26 =	simm.s32 $execute0_lowered;
	[smem:$0x3FD2] =	sst s25  }
0xaa: {  	s9 =	sshll.u32 s26, $0x1;
	_ =	strace $0x80000046;
	[dreg:$0x1] =	wrdreg $0xFFFFFFFF  }
0xab: {  	s28 =	simm.s32 $_size_execute0_lowered;
	s7 =	sadd.s32 s7, s9;
	[dreg:$0x0] =	wrdreg $0x0  }
0xac: {  	s9 =	sshll.u32 s28, $0x1;
	[dreg:$0x2] =	wrdreg s7  }
0xad: {  	[dreg:$0x3] =	wrdreg s9  }
0xae: {  	[dreg:$0x4] =	wrdreg $0xC0  }
0xaf: {  	_ =	task [dreg:s11], $0x5FFFF  }
0xb0: {  	[dreg:$0x1] =	wrdreg $0xFFFFFFFF  }
0xb1: {  	[dreg:$0x0] =	wrdreg $0x60  }
0xb2: {  	[dreg:$0x2] =	wrdreg s2  }
0xb3: {  	[dreg:$0x3] =	wrdreg s24  }
0xb4: {  	[dreg:$0x4] =	wrdreg s18  }
0xb5: {  	[dreg:$0x5] =	wrdreg s4  }
0xb6: {  	[dreg:$0x6] =	wrdreg s5  }
0xb7: {  	[dreg:$0x7] =	wrdreg s6  }
0xb8: {  	[dreg:$0x8] =	wrdreg $0xB9000  }
0xb9: {  	[dreg:$0x9] =	wrdreg $0x9  }
0xba: {  	_ =	task.clear_ibuf [dreg:s11], $0xAFFFF;
	_ =	strace $0x90000046  }
0xbb: {  	s29 =	simm.s32 $0x9;
	_ =	strace $0x80000048  }
0xbc: {  	_ =	swait.ge [sflag:s29], $0x1  }
0xbd: {  	[sflag:s29] =	ssyncadd.s32 $0xFFFFFFFF  }
0xbe: {  	_ =	strace $0x90000048  }
0xbf: {  	_ =	sfence  }
0xc0: {  	s30 =	sld [smem:$0x0];
	_ =	sdelay $0x2  }
0xc1: {  	s31 =	sshll.u32 s1, $0xD;
	s1 =	sshrl.u32 s1, $0x2  }
0xc2: {  	s3 =	sand.u32 $0x4000, s31;
	s1 =	sadd.s32 s1, s30  }
0xc3: {  	s0 =	sor.u32 s3, s0;
	s1 =	sshll.u32 s1, $0x11  }
0xc4: {  	s0 =	sor.u32 s1, s0  }
0xc5: {  	s0 =	sadd.s32 $0x8F2B, s0  }
0xc6: {  	[sflag:s0] =	ssyncadd.remote.s32 $0x1  }
0xc7: {  	_ =	sfence.sel $0xFFFF  }
0xc8: {  	[dreg:$0x0] =	wrdreg $0xFFFFFFFF;
	(pc) =	sbr.abs _section_cstart, $3  }
0xc9: {  	[dreg:$0x1] =	wrdreg $0xFFFFFFFF  }
0xca: {  	_ =	task.clear_ibuf [dreg:s11], $0x2FFFF;
	_ =	strace $0x9FFFFFFF  }
0xcb: {  	(tm) =	ssettm $0x7FFFFFFF  }
tec
execute0_lowered:
.L_overlay_start_1:
0x0: {  	(tag) =	ssettag $0x1  }
0x1: {  	s0 =	rddreg [dreg:$0x0]  }
0x2: {  	s1 =	rddreg [dreg:$0x1]  }
0x3: {  	s2 =	rddreg [dreg:$0x2]  }
0x4: {  	s3 =	rddreg [dreg:$0x3]  }
0x5: {  	s4 =	srdreg.scid;
	s7 =	rddreg [dreg:$0x5]  }
0x6: {  	s13 =	stileid.u32;
	s6 =	rddreg [dreg:$0x6]  }
0x7: {  	s8 =	simm.s32 $0x0;
	s15 =	simm.s32 $0x9;
	s18 =	simm.s32 $0x80  }
0x8: {  	s19 =	simm.s32 $0x3900;
	s28 =	simm.s32 $0x3;
	s29 =	simm.s32 $0x2  }
0x9: {  	s30 =	simm.s32 $0x6;
	s31 =	simm.s32 $0x7;
	s4 =	sand.u32 $0x1, s4  }
0xa: {  	s5 =	sshll.u32 s13, $0x1;
	s10 =	smul.u32 $0x50000, s13;
	[smem:$0x7FF] =	sst s8  }
0xb: {  	s12 =	smul.u32 $0x14000, s13;
	s26 =	sshll.u32 s13, $0x6;
	s5 =	sor.u32 s4, s5  }
0xc: {  	_ =	strace $0x80000047;
	s11 =	ssub.s32 $0x2, s4;
	s4 =	smul.u32 $0x140000, s4  }
0xd: {  	s16 =	sor.u32 $0x1C09, s26;
	s26 =	simm.s32 $0x3100;
	s9 =	smul.u32 $0x500, s5  }
0xe: {  	s8 =	smul.u32 $0x2780, s5;
	s20 =	sshrl.u32 s11, $0x1;
	s10 =	sshrl.u32 s10, $0x2  }
0xf: {  	s11 =	ssub.s32 s11, s20;
	s21 =	sadd.s32 s10, s6;
	s4 =	sadd.s32 s12, s4  }
0x10: {  	s20 =	simm.s32 $0x2800;
	s1 =	sadd.s32 s9, s1;
	s9 =	smul.u32 $0x27800, s5  }
0x11: {  	s22 =	sshrl.u32 s8, $0x3;
	s4 =	sshrl.u32 s4, $0x3;
	s25 =	smax.u32 s11, $0x1  }
0x12: {  	s17 =	sshrl.u32 s21, $0x3;
	s1 =	sadd.s32 $0x400, s1;
	[dreg:$0xc] =	wrdreg s25  }
0x13: {  	s21 =	simm.s32 $0x2900;
	s5 =	sadd.s32 s2, s22;
	[dreg:$0x8] =	wrdreg s1  }
0x14: {  	s4 =	sadd.s32 s7, s4;
	s22 =	simm.s32 $0x1;
	[dreg:$0x9] =	wrdreg s5  }
0x15: {  	s25 =	simm.s32 $0x2880;
	s23 =	sshrl.u32 s9, $0x3;
	[dreg:$0xb] =	wrdreg s4  }
0x16: {  	s5 =	simm.s32 $0x4;
	s4 =	simm.s32 $0x0;
	s24 =	sadd.s32 s3, s23  }
0x17: {  	s23 =	simm.s32 $0x5;
	[dreg:$0xa] =	wrdreg s24;
	s24 =	simm.s32 $0x7900  }
.LBB2_1:
0x18: {  	s7 =	simm.s32 $0x0;
	s1 =	rddreg [dreg:$0x8]  }
0x19: {  	[tilespmem:s7], [sflag:$0x9] =	stream.linear.gather [hbm4b:s1+s7], $0x2780, $0x38;
	[tilespmem:$0x1F900] =	vst v63  }
0x1a: {  	_ =	swait.ge [sflag:s15], $0x2780  }
0x1b: {  	[sflag:s15] =	ssyncset.done $0x0  }
0x1c: {  	[sflag:s15] =	ssyncadd.s32 $0xFFFFD880  }
0x1d: {  	s12 =	rddreg [dreg:$0x4]  }
0x1e: {  	[spmem:s17], [sflag:s16] =	dma.local [hbm:s12], $0x2800  }
0x1f: {  	_ =	swait.ge [sflag:s15], $0x2800  }
0x20: {  	[sflag:s15] =	ssyncset.done $0x0  }
0x21: {  	[sflag:s15] =	ssyncadd.s32 $0xFFFFD800  }
0x22: {  	[bflag:$0x0] =	sbarrier.arrive $0xFFFF  }
0x23: {  	[tilespmem:s19], [sflag:$0x1] =	stream.indirect.gather [hbm4b:s0+s18], $0x80, s7, s18, $0xb8;
	[tilespmem:$0x1F900] =	vst v63  }
0x24: {  	s13 =	rddreg [dreg:$0x9]  }
0x25: {  	[tilespmem:s20], [sflag:$0x3] =	stream.linear.gather [hbm4b:s13+s7], $0x80, $0x38;
	[tilespmem:$0x1F900] =	vst v63  }
0x26: {  	s10 =	simm.s32 $0x0;
	s14 =	rddreg [dreg:$0xa]  }
0x27: {  	[tilespmem:s21], [sflag:$0x5] =	stream.linear.gather [hbm4b:s14+s7], $0x800, $0x38;
	[tilespmem:$0x1F900] =	vst v63  }
.LBB2_2:
0x28: {  	_ =	swait.ge [sflag:s22], $0x4000  }
0x29: {  	[sflag:s22] =	ssyncset.done $0x0  }
0x2a: {  	[sflag:s22] =	ssyncadd.s32 $0xFFFFC000  }
0x2b: {  	_ =	swait.ge [sflag:s23], $0x800  }
0x2c: {  	p0 =	seq.s32 s10, $0x0;
	[sflag:s23] =	ssyncset.done $0x0  }
0x2d: {  	s1 =	simm.s32 @!p0 $0x8;
	[sflag:s23] =	ssyncadd.s32 $0xFFFFF800  }
0x2e: {  	s7 =	sshllo.u32 s10, $0x1;
	_ =	swait.ge @!p0 [sflag:s1], $0x4000  }
0x2f: {  	s13 =	sshll.u32 s7, $0x7;
	[sflag:s1] =	ssyncset.done @!p0 $0x0  }
0x30: {  	[sflag:s1] =	ssyncadd.s32 @!p0 $0xFFFFC000;
	s1 =	sadd.s32 s8, s13  }
0x31: {  	[tilespmem:s24], [sflag:$0x2] =	stream.indirect.gather [hbm4b:s0+s18], $0x80, s13, s18, $0xb8;
	[tilespmem:$0x1F900] =	vst v63  }
0x32: {  	s1 =	sshrl.u32 s1, $0x3  }
0x33: {  	s11 =	simm.s32 $0x0;
	s14 =	sshll.u32 s7, $0xB;
	s1 =	sadd.s32 s2, s1  }
0x34: {  	[tilespmem:s25], [sflag:$0x4] =	stream.linear.gather [hbm4b:s1+s11], $0x80, $0x38;
	[tilespmem:$0x1F900] =	vst v63  }
0x35: {  	s1 =	sadd.s32 s9, s14  }
0x36: {  	s1 =	sshrl.u32 s1, $0x3  }
0x37: {  	s12 =	simm.s32 $0x3B00;
	s1 =	sadd.s32 s3, s1  }
0x38: {  	[tilespmem:s26], [sflag:$0x6] =	stream.linear.gather [hbm4b:s1+s11], $0x800, $0x38;
	[tilespmem:$0x1F900] =	vst v63  }
0x39: {  	s11 =	simm.s32 $0x0;
	v1 =	vld [tilespmem:s12+$0xFFFFFE70]  }
0x3a: {  	v2 =	vld [tilespmem:s11+$0x2900]  }
0x3b: {  	v3 =	vld [tilespmem:s12+$0xFFFFFE00]  }
0x3c: {  	v4 =	vld [tilespmem:s12+$0xFFFFFE20]  }
0x3d: {  	v0 =	vld [tilespmem:s12+$0xFFFFFE50]  }
0x3e: {  	v5 =	vld [tilespmem:s12+$0xFFFFFE30]  }
0x3f: {  	v7 =	vld [tilespmem:s12+$0xFFFFFE10];
	v1 =	vmul.f32 v1, v2  }
0x40: {  	v8 =	vld [tilespmem:s12+$0xFFFFFE40];
	v3 =	vmul.f32 v3, v2  }
0x41: {  	v6 =	vld [tilespmem:s12+$0xFFFFFE60];
	v4 =	vmul.f32 v4, v2;
	[tilespmem:s12+$0xFFFFFE70] =	vst v1  }
0x42: {  	v0 =	vmul.f32 v0, v2;
	[tilespmem:s12+$0xFFFFFE00] =	vst v3  }
0x43: {  	v1 =	vmul.f32 v5, v2;
	[tilespmem:s12+$0xFFFFFE20] =	vst v4  }
0x44: {  	v3 =	vmul.f32 v7, v2;
	[tilespmem:s12+$0xFFFFFE50] =	vst v0  }
0x45: {  	v0 =	vmul.f32 v8, v2;
	[tilespmem:s12+$0xFFFFFE30] =	vst v1  }
0x46: {  	v1 =	vmul.f32 v6, v2;
	[tilespmem:s12+$0xFFFFFE10] =	vst v3  }
0x47: {  	[tilespmem:s12+$0xFFFFFE40] =	vst v0  }
0x48: {  	v0 =	vld [tilespmem:s12+$0xFFFFFE90];
	[tilespmem:s12+$0xFFFFFE60] =	vst v1  }
0x49: {  	v1 =	vld [tilespmem:s11+$0x2910]  }
0x4a: {  	v3 =	vld [tilespmem:s12+$0xFFFFFEC0]  }
0x4b: {  	v4 =	vld [tilespmem:s12+$0xFFFFFEE0]  }
0x4c: {  	v2 =	vld [tilespmem:s12+$0xFFFFFEF0]  }
0x4d: {  	v5 =	vld [tilespmem:s12+$0xFFFFFE80]  }
0x4e: {  	v6 =	vld [tilespmem:s12+$0xFFFFFED0];
	v0 =	vmul.f32 v0, v1  }
0x4f: {  	v8 =	vld [tilespmem:s12+$0xFFFFFEB0];
	v3 =	vmul.f32 v3, v1  }
0x50: {  	v7 =	vld [tilespmem:s12+$0xFFFFFEA0];
	v4 =	vmul.f32 v4, v1;
	[tilespmem:s12+$0xFFFFFE90] =	vst v0  }
0x51: {  	v2 =	vmul.f32 v2, v1;
	[tilespmem:s12+$0xFFFFFEC0] =	vst v3  }
0x52: {  	v0 =	vmul.f32 v5, v1;
	[tilespmem:s12+$0xFFFFFEE0] =	vst v4  }
0x53: {  	v3 =	vmul.f32 v6, v1;
	[tilespmem:s12+$0xFFFFFEF0] =	vst v2  }
0x54: {  	[tilespmem:s12+$0xFFFFFE80] =	vst v0;
	v0 =	vmul.f32 v8, v1  }
0x55: {  	v1 =	vmul.f32 v7, v1;
	[tilespmem:s12+$0xFFFFFED0] =	vst v3  }
0x56: {  	[tilespmem:s12+$0xFFFFFEB0] =	vst v0  }
0x57: {  	[tilespmem:s12+$0xFFFFFEA0] =	vst v1;
	v0 =	vld [tilespmem:s12+$0xFFFFFF20]  }
0x58: {  	v1 =	vld [tilespmem:s11+$0x2920]  }
0x59: {  	v3 =	vld [tilespmem:s12+$0xFFFFFF00]  }
0x5a: {  	v4 =	vld [tilespmem:s12+$0xFFFFFF60]  }
0x5b: {  	v2 =	vld [tilespmem:s12+$0xFFFFFF70]  }
0x5c: {  	v5 =	vld [tilespmem:s12+$0xFFFFFF50]  }
0x5d: {  	v6 =	vld [tilespmem:s12+$0xFFFFFF10];
	v0 =	vmul.f32 v0, v1  }
0x5e: {  	v8 =	vld [tilespmem:s12+$0xFFFFFF30];
	v3 =	vmul.f32 v3, v1  }
0x5f: {  	v7 =	vld [tilespmem:s12+$0xFFFFFF40];
	v4 =	vmul.f32 v4, v1;
	[tilespmem:s12+$0xFFFFFF20] =	vst v0  }
0x60: {  	v2 =	vmul.f32 v2, v1;
	[tilespmem:s12+$0xFFFFFF00] =	vst v3  }
0x61: {  	v0 =	vmul.f32 v5, v1;
	[tilespmem:s12+$0xFFFFFF60] =	vst v4  }
0x62: {  	v3 =	vmul.f32 v6, v1;
	[tilespmem:s12+$0xFFFFFF70] =	vst v2  }
0x63: {  	[tilespmem:s12+$0xFFFFFF50] =	vst v0;
	v0 =	vmul.f32 v8, v1  }
0x64: {  	v1 =	vmul.f32 v7, v1;
	[tilespmem:s12+$0xFFFFFF10] =	vst v3  }
0x65: {  	[tilespmem:s12+$0xFFFFFF30] =	vst v0  }
0x66: {  	[tilespmem:s12+$0xFFFFFF40] =	vst v1;
	v0 =	vld [tilespmem:s12+$0xFFFFFF80]  }
0x67: {  	v2 =	vld [tilespmem:s11+$0x2930]  }
0x68: {  	v1 =	vld [tilespmem:s12+$0xFFFFFF90]  }
0x69: {  	v3 =	vld [tilespmem:s12+$0xFFFFFFE0]  }
0x6a: {  	v4 =	vld [tilespmem:s12+$0xFFFFFFA0]  }
0x6b: {  	v5 =	vld [tilespmem:s12+$0xFFFFFFB0]  }
0x6c: {  	v6 =	vld [tilespmem:s12+$0xFFFFFFF0];
	v0 =	vmul.f32 v0, v2  }
0x6d: {  	v7 =	vld [tilespmem:s12+$0xFFFFFFC0];
	v1 =	vmul.f32 v1, v2  }
0x6e: {  	v8 =	vld [tilespmem:s12+$0xFFFFFFD0];
	v3 =	vmul.f32 v3, v2;
	[tilespmem:s12+$0xFFFFFF80] =	vst v0  }
0x6f: {  	v4 =	vmul.f32 v4, v2;
	[tilespmem:s12+$0xFFFFFF90] =	vst v1;
	v0 =	vld [tilespmem:s12+$0x70]  }
0x70: {  	v5 =	vmul.f32 v5, v2;
	[tilespmem:s12+$0xFFFFFFE0] =	vst v3;
	v1 =	vld [tilespmem:s12+$0x60]  }
0x71: {  	v6 =	vmul.f32 v6, v2;
	[tilespmem:s12+$0xFFFFFFA0] =	vst v4;
	v3 =	vld [tilespmem:s12+$0x20]  }
0x72: {  	v4 =	vmul.f32 v7, v2;
	[tilespmem:s12+$0xFFFFFFB0] =	vst v5;
	v5 =	vld [tilespmem:s12+$0x30]  }
0x73: {  	v2 =	vmul.f32 v8, v2;
	[tilespmem:s12+$0xFFFFFFF0] =	vst v6;
	v7 =	vld [tilespmem:s12+$0x50]  }
0x74: {  	v6 =	vld [tilespmem:s12+$0x0];
	[tilespmem:s12+$0xFFFFFFC0] =	vst v4  }
0x75: {  	v8 =	vld [tilespmem:s12+$0x10];
	[tilespmem:s12+$0xFFFFFFD0] =	vst v2  }
0x76: {  	v2 =	vld [tilespmem:s11+$0x2940]  }
0x77: {  	s13 =	sshll.u32 s10, $0x1;
	s14 =	simm.s32 $0x3B00;
	s1 =	simm.s32 $0x200;
	v4 =	vld [tilespmem:s12+$0x40]  }
.LBB2_3:
0x78: {  	p0 =	sne.s32 s1, $0x1E00  }
0x79: {  	s12 =	sadd.s32 $0x400, s12;
	s7 =	smov.u32 s1;
	s1 =	sadd.s32 $0x200, s1  }
0x7a: {  	_ = 	snop  }
0x7b: {  	v5 =	vmul.f32 v5, v2;
	v7 =	vmul.f32 v7, v2  }
0x7c: {  	v3 =	vmul.f32 v3, v2;
	v6 =	vmul.f32 v6, v2  }
0x7d: {  	v4 =	vmul.f32 v4, v2;
	v8 =	vmul.f32 v8, v2;
	[tilespmem:s14+$0x30] =	vst v5  }
0x7e: {  	v1 =	vmul.f32 v1, v2;
	v0 =	vmul.f32 v0, v2;
	[tilespmem:s14+$0x20] =	vst v3;
	v2 =	vld [tilespmem:s14+$0x80]  }
0x7f: {  	[tilespmem:s14+$0x10] =	vst v8;
	v3 =	vld [tilespmem:s14+$0xF0]  }
0x80: {  	[tilespmem:s14+$0x40] =	vst v4;
	v4 =	vld [tilespmem:s14+$0xB0]  }
0x81: {  	[tilespmem:s14+$0x70] =	vst v0;
	v5 =	vld [tilespmem:s14+$0xA0]  }
0x82: {  	v0 =	vld [tilespmem:s12+$0x70];
	[tilespmem:s14+$0x50] =	vst v7  }
0x83: {  	[tilespmem:s14+$0x60] =	vst v1;
	v7 =	vld [tilespmem:s14+$0xD0]  }
0x84: {  	[tilespmem:s14+$0x0] =	vst v6;
	v6 =	vld [tilespmem:s14+$0x90]  }
0x85: {  	v8 =	vld [tilespmem:s11+$0x2950]  }
0x86: {  	v1 =	vld [tilespmem:s12+$0x60]  }
0x87: {  	v9 =	vld [tilespmem:s14+$0xC0]  }
0x88: {  	v10 =	vld [tilespmem:s14+$0xE0];
	_ =	sdelay $0x1  }
0x89: {  	v2 =	vmul.f32 v2, v8;
	v6 =	vmul.f32 v6, v8  }
0x8a: {  	v5 =	vmul.f32 v5, v8;
	v4 =	vmul.f32 v4, v8  }
0x8b: {  	v7 =	vmul.f32 v7, v8;
	[tilespmem:s14+$0x80] =	vst v2;
	v2 =	vmul.f32 v9, v8  }
0x8c: {  	v3 =	vmul.f32 v3, v8;
	[tilespmem:s14+$0xB0] =	vst v4;
	v4 =	vmul.f32 v10, v8  }
0x8d: {  	[tilespmem:s14+$0xA0] =	vst v5  }
0x8e: {  	[tilespmem:s14+$0x90] =	vst v6;
	v5 =	vld [tilespmem:s14+$0x100]  }
0x8f: {  	[tilespmem:s14+$0xF0] =	vst v3;
	v3 =	vld [tilespmem:s14+$0x110]  }
0x90: {  	[tilespmem:s14+$0xD0] =	vst v7;
	v6 =	vld [tilespmem:s14+$0x150]  }
0x91: {  	[tilespmem:s14+$0xE0] =	vst v4;
	v4 =	vld [tilespmem:s14+$0x130]  }
0x92: {  	[tilespmem:s14+$0xC0] =	vst v2;
	v2 =	vld [tilespmem:s14+$0x160]  }
0x93: {  	v7 =	vld [tilespmem:s11+$0x2960]  }
0x94: {  	v8 =	vld [tilespmem:s14+$0x120]  }
0x95: {  	v9 =	vld [tilespmem:s14+$0x140]  }
0x96: {  	v10 =	vld [tilespmem:s14+$0x170];
	_ =	sdelay $0x1  }
0x97: {  	v5 =	vmul.f32 v5, v7;
	v2 =	vmul.f32 v2, v7  }
0x98: {  	v4 =	vmul.f32 v4, v7;
	v8 =	vmul.f32 v8, v7  }
0x99: {  	v6 =	vmul.f32 v6, v7;
	[tilespmem:s14+$0x100] =	vst v5;
	v5 =	vmul.f32 v9, v7  }
0x9a: {  	v3 =	vmul.f32 v3, v7;
	[tilespmem:s14+$0x130] =	vst v4;
	v4 =	vmul.f32 v10, v7  }
0x9b: {  	[tilespmem:s14+$0x150] =	vst v6  }
0x9c: {  	[tilespmem:s14+$0x120] =	vst v8;
	v6 =	vld [tilespmem:s14+$0x1A0]  }
0x9d: {  	[tilespmem:s14+$0x110] =	vst v3;
	v3 =	vld [tilespmem:s14+$0x180]  }
0x9e: {  	[tilespmem:s14+$0x170] =	vst v4;
	v4 =	vld [tilespmem:s14+$0x1E0]  }
0x9f: {  	[tilespmem:s14+$0x140] =	vst v5;
	v5 =	vld [tilespmem:s14+$0x1D0]  }
0xa0: {  	[tilespmem:s14+$0x160] =	vst v2;
	v2 =	vld [tilespmem:s14+$0x190]  }
0xa1: {  	v7 =	vld [tilespmem:s11+$0x2970]  }
0xa2: {  	v8 =	vld [tilespmem:s14+$0x1B0]  }
0xa3: {  	v9 =	vld [tilespmem:s14+$0x1C0]  }
0xa4: {  	v10 =	vld [tilespmem:s14+$0x1F0];
	_ =	sdelay $0x1  }
0xa5: {  	v3 =	vmul.f32 v3, v7;
	v2 =	vmul.f32 v2, v7  }
0xa6: {  	v6 =	vmul.f32 v6, v7;
	v8 =	vmul.f32 v8, v7  }
0xa7: {  	v5 =	vmul.f32 v5, v7;
	[tilespmem:s14+$0x180] =	vst v3;
	v3 =	vmul.f32 v9, v7  }
0xa8: {  	v4 =	vmul.f32 v4, v7;
	[tilespmem:s14+$0x1A0] =	vst v6;
	v6 =	vmul.f32 v10, v7  }
0xa9: {  	[tilespmem:s14+$0x1D0] =	vst v5  }
0xaa: {  	v5 =	vld [tilespmem:s12+$0xFFFFFE50];
	[tilespmem:s14+$0x1E0] =	vst v4  }
0xab: {  	v4 =	vld [tilespmem:s12+$0xFFFFFE30];
	[tilespmem:s14+$0x1F0] =	vst v6  }
0xac: {  	v6 =	vld [tilespmem:s12+$0xFFFFFE60];
	[tilespmem:s14+$0x1B0] =	vst v8  }
0xad: {  	v7 =	vld [tilespmem:s12+$0xFFFFFE70];
	[tilespmem:s14+$0x190] =	vst v2  }
0xae: {  	s11 =	sshra.s32 s7, $0x2;
	v2 =	vld [tilespmem:s12+$0xFFFFFE00];
	[tilespmem:s14+$0x1C0] =	vst v3;
	s14 =	smov.u32 s12  }
0xaf: {  	v3 =	vld [tilespmem:s11+$0x2900]  }
0xb0: {  	v8 =	vld [tilespmem:s12+$0xFFFFFE20]  }
0xb1: {  	v9 =	vld [tilespmem:s12+$0xFFFFFE10]  }
0xb2: {  	v10 =	vld [tilespmem:s12+$0xFFFFFE40];
	_ =	sdelay $0x1  }
0xb3: {  	v2 =	vmul.f32 v2, v3;
	v7 =	vmul.f32 v7, v3  }
0xb4: {  	v6 =	vmul.f32 v6, v3;
	v8 =	vmul.f32 v8, v3  }
0xb5: {  	v4 =	vmul.f32 v4, v3;
	v9 =	vmul.f32 v9, v3;
	[tilespmem:s12+$0xFFFFFE70] =	vst v7  }
0xb6: {  	[tilespmem:s12+$0xFFFFFE00] =	vst v2;
	v2 =	vmul.f32 v10, v3;
	v3 =	vmul.f32 v5, v3  }
0xb7: {  	[tilespmem:s12+$0xFFFFFE20] =	vst v8  }
0xb8: {  	[tilespmem:s12+$0xFFFFFE30] =	vst v4;
	v4 =	vld [tilespmem:s12+$0xFFFFFEF0]  }
0xb9: {  	[tilespmem:s12+$0xFFFFFE50] =	vst v3;
	v3 =	vld [tilespmem:s12+$0xFFFFFED0]  }
0xba: {  	[tilespmem:s12+$0xFFFFFE10] =	vst v9;
	v5 =	vld [tilespmem:s12+$0xFFFFFEE0]  }
0xbb: {  	[tilespmem:s12+$0xFFFFFE60] =	vst v6;
	v6 =	vld [tilespmem:s12+$0xFFFFFEC0]  }
0xbc: {  	[tilespmem:s12+$0xFFFFFE40] =	vst v2;
	v2 =	vld [tilespmem:s12+$0xFFFFFE90]  }
0xbd: {  	v7 =	vld [tilespmem:s11+$0x2910]  }
0xbe: {  	v8 =	vld [tilespmem:s12+$0xFFFFFE80]  }
0xbf: {  	v9 =	vld [tilespmem:s12+$0xFFFFFEA0]  }
0xc0: {  	v10 =	vld [tilespmem:s12+$0xFFFFFEB0];
	_ =	sdelay $0x1  }
0xc1: {  	v2 =	vmul.f32 v2, v7;
	v6 =	vmul.f32 v6, v7  }
0xc2: {  	v5 =	vmul.f32 v5, v7;
	v8 =	vmul.f32 v8, v7  }
0xc3: {  	v3 =	vmul.f32 v3, v7;
	[tilespmem:s12+$0xFFFFFE90] =	vst v2;
	v2 =	vmul.f32 v9, v7  }
0xc4: {  	v4 =	vmul.f32 v4, v7;
	v9 =	vmul.f32 v10, v7;
	[tilespmem:s12+$0xFFFFFEC0] =	vst v6  }
0xc5: {  	[tilespmem:s12+$0xFFFFFEE0] =	vst v5  }
0xc6: {  	[tilespmem:s12+$0xFFFFFE80] =	vst v8;
	v5 =	vld [tilespmem:s12+$0xFFFFFF70]  }
0xc7: {  	[tilespmem:s12+$0xFFFFFEF0] =	vst v4;
	v4 =	vld [tilespmem:s12+$0xFFFFFF50]  }
0xc8: {  	[tilespmem:s12+$0xFFFFFED0] =	vst v3;
	v3 =	vld [tilespmem:s12+$0xFFFFFF10]  }
0xc9: {  	[tilespmem:s12+$0xFFFFFEB0] =	vst v9;
	v6 =	vld [tilespmem:s12+$0xFFFFFF60]  }
0xca: {  	[tilespmem:s12+$0xFFFFFEA0] =	vst v2;
	v2 =	vld [tilespmem:s12+$0xFFFFFF20]  }
0xcb: {  	v7 =	vld [tilespmem:s11+$0x2920]  }
0xcc: {  	v8 =	vld [tilespmem:s12+$0xFFFFFF00]  }
0xcd: {  	v9 =	vld [tilespmem:s12+$0xFFFFFF40]  }
0xce: {  	v10 =	vld [tilespmem:s12+$0xFFFFFF30];
	_ =	sdelay $0x1  }
0xcf: {  	v2 =	vmul.f32 v2, v7;
	v6 =	vmul.f32 v6, v7  }
0xd0: {  	v3 =	vmul.f32 v3, v7;
	v8 =	vmul.f32 v8, v7  }
0xd1: {  	v4 =	vmul.f32 v4, v7;
	[tilespmem:s12+$0xFFFFFF20] =	vst v2;
	v2 =	vmul.f32 v9, v7  }
0xd2: {  	v5 =	vmul.f32 v5, v7;
	[tilespmem:s12+$0xFFFFFF00] =	vst v8;
	v8 =	vmul.f32 v10, v7  }
0xd3: {  	[tilespmem:s12+$0xFFFFFF60] =	vst v6  }
0xd4: {  	[tilespmem:s12+$0xFFFFFF50] =	vst v4;
	v4 =	vld [tilespmem:s12+$0xFFFFFFF0]  }
0xd5: {  	[tilespmem:s12+$0xFFFFFF70] =	vst v5;
	v5 =	vld [tilespmem:s12+$0xFFFFFFD0]  }
0xd6: {  	[tilespmem:s12+$0xFFFFFF10] =	vst v3;
	v3 =	vld [tilespmem:s12+$0xFFFFFFB0]  }
0xd7: {  	[tilespmem:s12+$0xFFFFFF30] =	vst v8;
	v6 =	vld [tilespmem:s12+$0xFFFFFFE0]  }
0xd8: {  	[tilespmem:s12+$0xFFFFFF40] =	vst v2;
	v2 =	vld [tilespmem:s12+$0xFFFFFF80]  }
0xd9: {  	v7 =	vld [tilespmem:s11+$0x2930]  }
0xda: {  	v8 =	vld [tilespmem:s12+$0xFFFFFF90]  }
0xdb: {  	v9 =	vld [tilespmem:s12+$0xFFFFFFA0]  }
0xdc: {  	v10 =	vld [tilespmem:s12+$0xFFFFFFC0];
	_ =	sdelay $0x1  }
0xdd: {  	v2 =	vmul.f32 v2, v7;
	v6 =	vmul.f32 v6, v7  }
0xde: {  	v3 =	vmul.f32 v3, v7;
	v8 =	vmul.f32 v8, v7  }
0xdf: {  	[tilespmem:s12+$0xFFFFFF80] =	vst v2;
	v2 =	vmul.f32 v9, v7;
	v9 =	vmul.f32 v5, v7  }
0xe0: {  	v4 =	vmul.f32 v4, v7;
	[tilespmem:s12+$0xFFFFFF90] =	vst v8;
	v8 =	vmul.f32 v10, v7  }
0xe1: {  	[tilespmem:s12+$0xFFFFFFE0] =	vst v6  }
0xe2: {  	[tilespmem:s12+$0xFFFFFFA0] =	vst v2  }
0xe3: {  	[tilespmem:s12+$0xFFFFFFB0] =	vst v3;
	v3 =	vld [tilespmem:s12+$0x20]  }
0xe4: {  	[tilespmem:s12+$0xFFFFFFF0] =	vst v4;
	v5 =	vld [tilespmem:s12+$0x30]  }
.Ltmp0:
0xe5: {  	[tilespmem:s12+$0xFFFFFFC0] =	vst v8;
	v4 =	vld [tilespmem:s12+$0x40];
	(pc) =	sbr.rel @p0 .LBB2_3-.Ltmp0, $4  }
0xe6: {  	[tilespmem:s12+$0xFFFFFFD0] =	vst v9;
	v7 =	vld [tilespmem:s12+$0x50]  }
0xe7: {  	v2 =	vld [tilespmem:s11+$0x2940]  }
0xe8: {  	v6 =	vld [tilespmem:s12+$0x0]  }
0xe9: {  	v8 =	vld [tilespmem:s12+$0x10]  }
0xea: {  	_ =	sdelay $0x1  }
0xeb: {  	v5 =	vmul.f32 v5, v2  }
0xec: {  	v3 =	vmul.f32 v3, v2  }
0xed: {  	v4 =	vmul.f32 v4, v2;
	[tilespmem:s14+$0x30] =	vst v5  }
0xee: {  	v0 =	vmul.f32 v0, v2;
	[tilespmem:s14+$0x20] =	vst v3  }
0xef: {  	v1 =	vmul.f32 v1, v2;
	[tilespmem:s14+$0x40] =	vst v4  }
0xf0: {  	v8 =	vmul.f32 v8, v2;
	[tilespmem:s14+$0x70] =	vst v0  }
0xf1: {  	v3 =	vmul.f32 v7, v2;
	[tilespmem:s14+$0x60] =	vst v1  }
0xf2: {  	v0 =	vmul.f32 v6, v2;
	[tilespmem:s14+$0x10] =	vst v8  }
0xf3: {  	[tilespmem:s14+$0x50] =	vst v3  }
0xf4: {  	v5 =	vld [tilespmem:s14+$0x80];
	[tilespmem:s14+$0x0] =	vst v0  }
0xf5: {  	v0 =	vld [tilespmem:s11+$0x2950]  }
0xf6: {  	v1 =	vld [tilespmem:s14+$0xB0]  }
0xf7: {  	v2 =	vld [tilespmem:s14+$0xA0]  }
0xf8: {  	v3 =	vld [tilespmem:s14+$0x90]  }
0xf9: {  	v4 =	vld [tilespmem:s14+$0xF0]  }
0xfa: {  	v6 =	vld [tilespmem:s14+$0xD0];
	v5 =	vmul.f32 v5, v0  }
0xfb: {  	v7 =	vld [tilespmem:s14+$0xE0];
	v1 =	vmul.f32 v1, v0  }
0xfc: {  	v8 =	vld [tilespmem:s14+$0xC0];
	v2 =	vmul.f32 v2, v0;
	[tilespmem:s14+$0x80] =	vst v5  }
0xfd: {  	v3 =	vmul.f32 v3, v0;
	[tilespmem:s14+$0xB0] =	vst v1  }
0xfe: {  	v1 =	vmul.f32 v4, v0;
	[tilespmem:s14+$0xA0] =	vst v2  }
0xff: {  	v2 =	vmul.f32 v6, v0;
	[tilespmem:s14+$0x90] =	vst v3  }
0x100: {  	v4 =	vmul.f32 v7, v0;
	[tilespmem:s14+$0xF0] =	vst v1  }
0x101: {  	v0 =	vmul.f32 v8, v0;
	[tilespmem:s14+$0xD0] =	vst v2  }
0x102: {  	[tilespmem:s14+$0xE0] =	vst v4  }
0x103: {  	v3 =	vld [tilespmem:s14+$0x100];
	[tilespmem:s14+$0xC0] =	vst v0  }
0x104: {  	v0 =	vld [tilespmem:s11+$0x2960]  }
0x105: {  	v2 =	vld [tilespmem:s14+$0x130]  }
0x106: {  	v1 =	vld [tilespmem:s14+$0x110]  }
0x107: {  	v4 =	vld [tilespmem:s14+$0x150]  }
0x108: {  	v5 =	vld [tilespmem:s14+$0x120]  }
0x109: {  	v6 =	vld [tilespmem:s14+$0x170];
	v3 =	vmul.f32 v3, v0  }
0x10a: {  	v7 =	vld [tilespmem:s14+$0x140];
	v2 =	vmul.f32 v2, v0  }
0x10b: {  	v8 =	vld [tilespmem:s14+$0x160];
	v1 =	vmul.f32 v1, v0;
	[tilespmem:s14+$0x100] =	vst v3  }
0x10c: {  	v3 =	vmul.f32 v4, v0;
	[tilespmem:s14+$0x130] =	vst v2  }
0x10d: {  	v4 =	vmul.f32 v5, v0;
	[tilespmem:s14+$0x110] =	vst v1  }
0x10e: {  	v2 =	vmul.f32 v6, v0;
	[tilespmem:s14+$0x150] =	vst v3  }
0x10f: {  	[tilespmem:s14+$0x120] =	vst v4;
	v4 =	vmul.f32 v7, v0  }
0x110: {  	v0 =	vmul.f32 v8, v0;
	[tilespmem:s14+$0x170] =	vst v2  }
0x111: {  	[tilespmem:s14+$0x140] =	vst v4  }
0x112: {  	v1 =	vld [tilespmem:s14+$0x180];
	[tilespmem:s14+$0x160] =	vst v0  }
0x113: {  	v0 =	vld [tilespmem:s11+$0x2970]  }
0x114: {  	v3 =	vld [tilespmem:s14+$0x1A0]  }
0x115: {  	v2 =	vld [tilespmem:s14+$0x1D0]  }
0x116: {  	v4 =	vld [tilespmem:s14+$0x1E0]  }
0x117: {  	v5 =	vld [tilespmem:s14+$0x1F0]  }
0x118: {  	v6 =	vld [tilespmem:s14+$0x1B0];
	v1 =	vmul.f32 v1, v0  }
0x119: {  	v7 =	vld [tilespmem:s14+$0x190];
	v3 =	vmul.f32 v3, v0  }
0x11a: {  	v8 =	vld [tilespmem:s14+$0x1C0];
	[tilespmem:s14+$0x180] =	vst v1;
	v1 =	vmul.f32 v2, v0  }
0x11b: {  	[tilespmem:s14+$0x1A0] =	vst v3;
	v2 =	vmul.f32 v4, v0  }
0x11c: {  	v3 =	vmul.f32 v5, v0;
	[tilespmem:s14+$0x1D0] =	vst v1  }
0x11d: {  	v1 =	vmul.f32 v6, v0;
	[tilespmem:s14+$0x1E0] =	vst v2  }
0x11e: {  	v2 =	vmul.f32 v7, v0;
	[tilespmem:s14+$0x1F0] =	vst v3  }
0x11f: {  	v0 =	vmul.f32 v8, v0;
	[tilespmem:s14+$0x1B0] =	vst v1  }
0x120: {  	[tilespmem:s14+$0x190] =	vst v2  }
0x121: {  	[tilespmem:s14+$0x1C0] =	vst v0  }
0x122: {  	_ =	swait.ge [sflag:s28], $0x80  }
0x123: {  	[sflag:s28] =	ssyncset.done $0x0  }
0x124: {  	[sflag:s28] =	ssyncadd.s32 $0xFFFFFF80  }
0x125: {  	[spmem:s6] =	stream.indirect.scatter.add.f32 [tilespmem:s19], [sflag:$0x7], $0x80, s20, s18, $0xb8;
	[tilespmem:$0x1F900] =	vst v63  }
0x126: {  	_ =	swait.ge [sflag:s29], $0x4000  }
0x127: {  	[sflag:s29] =	ssyncset.done $0x0  }
0x128: {  	[sflag:s29] =	ssyncadd.s32 $0xFFFFC000  }
0x129: {  	_ =	swait.ge [sflag:s30], $0x800  }
0x12a: {  	[sflag:s30] =	ssyncset.done $0x0  }
0x12b: {  	[sflag:s30] =	ssyncadd.s32 $0xFFFFF800  }
0x12c: {  	_ =	swait.ge [sflag:s31], $0x4000  }
0x12d: {  	s1 =	sadd.s32 $0x2, s13;
	[sflag:s31] =	ssyncset.done $0x0  }
0x12e: {  	s7 =	sshll.u32 s1, $0x7;
	[sflag:s31] =	ssyncadd.s32 $0xFFFFC000  }
0x12f: {  	[tilespmem:s19], [sflag:$0x1] =	stream.indirect.gather [hbm4b:s0+s18], $0x80, s7, s18, $0xb8;
	[tilespmem:$0x1F900] =	vst v63  }
0x130: {  	s1 =	sshll.u32 s1, $0xB;
	s7 =	sadd.s32 s8, s7  }
0x131: {  	s1 =	sadd.s32 s9, s1;
	s7 =	sshrl.u32 s7, $0x3  }
0x132: {  	s1 =	sshrl.u32 s1, $0x3;
	s14 =	simm.s32 $0x0;
	s7 =	sadd.s32 s2, s7  }
0x133: {  	[tilespmem:s20], [sflag:$0x3] =	stream.linear.gather [hbm4b:s7+s14], $0x80, $0x38;
	[tilespmem:$0x1F900] =	vst v63  }
0x134: {  	s12 =	simm.s32 $0x7B00;
	s1 =	sadd.s32 s3, s1  }
0x135: {  	[tilespmem:s21], [sflag:$0x5] =	stream.linear.gather [hbm4b:s1+s14], $0x800, $0x38;
	[tilespmem:$0x1F900] =	vst v63  }
0x136: {  	s11 =	simm.s32 $0x0;
	v1 =	vld [tilespmem:s12+$0xFFFFFE70]  }
0x137: {  	v2 =	vld [tilespmem:s11+$0x3100]  }
0x138: {  	v3 =	vld [tilespmem:s12+$0xFFFFFE00]  }
0x139: {  	v4 =	vld [tilespmem:s12+$0xFFFFFE20]  }
0x13a: {  	v0 =	vld [tilespmem:s12+$0xFFFFFE50]  }
0x13b: {  	v5 =	vld [tilespmem:s12+$0xFFFFFE30]  }
0x13c: {  	v7 =	vld [tilespmem:s12+$0xFFFFFE10];
	v1 =	vmul.f32 v1, v2  }
0x13d: {  	v8 =	vld [tilespmem:s12+$0xFFFFFE40];
	v3 =	vmul.f32 v3, v2  }
0x13e: {  	v6 =	vld [tilespmem:s12+$0xFFFFFE60];
	v4 =	vmul.f32 v4, v2;
	[tilespmem:s12+$0xFFFFFE70] =	vst v1  }
0x13f: {  	v0 =	vmul.f32 v0, v2;
	[tilespmem:s12+$0xFFFFFE00] =	vst v3  }
0x140: {  	v1 =	vmul.f32 v5, v2;
	[tilespmem:s12+$0xFFFFFE20] =	vst v4  }
0x141: {  	v3 =	vmul.f32 v7, v2;
	[tilespmem:s12+$0xFFFFFE50] =	vst v0  }
0x142: {  	v0 =	vmul.f32 v8, v2;
	[tilespmem:s12+$0xFFFFFE30] =	vst v1  }
0x143: {  	v1 =	vmul.f32 v6, v2;
	[tilespmem:s12+$0xFFFFFE10] =	vst v3  }
0x144: {  	[tilespmem:s12+$0xFFFFFE40] =	vst v0  }
0x145: {  	v0 =	vld [tilespmem:s12+$0xFFFFFE90];
	[tilespmem:s12+$0xFFFFFE60] =	vst v1  }
0x146: {  	v1 =	vld [tilespmem:s11+$0x3110]  }
0x147: {  	v3 =	vld [tilespmem:s12+$0xFFFFFEC0]  }
0x148: {  	v4 =	vld [tilespmem:s12+$0xFFFFFEE0]  }
0x149: {  	v2 =	vld [tilespmem:s12+$0xFFFFFEF0]  }
0x14a: {  	v5 =	vld [tilespmem:s12+$0xFFFFFE80]  }
0x14b: {  	v6 =	vld [tilespmem:s12+$0xFFFFFED0];
	v0 =	vmul.f32 v0, v1  }
0x14c: {  	v8 =	vld [tilespmem:s12+$0xFFFFFEB0];
	v3 =	vmul.f32 v3, v1  }
0x14d: {  	v7 =	vld [tilespmem:s12+$0xFFFFFEA0];
	v4 =	vmul.f32 v4, v1;
	[tilespmem:s12+$0xFFFFFE90] =	vst v0  }
0x14e: {  	v2 =	vmul.f32 v2, v1;
	[tilespmem:s12+$0xFFFFFEC0] =	vst v3  }
0x14f: {  	v0 =	vmul.f32 v5, v1;
	[tilespmem:s12+$0xFFFFFEE0] =	vst v4  }
0x150: {  	v3 =	vmul.f32 v6, v1;
	[tilespmem:s12+$0xFFFFFEF0] =	vst v2  }
0x151: {  	[tilespmem:s12+$0xFFFFFE80] =	vst v0;
	v0 =	vmul.f32 v8, v1  }
0x152: {  	v1 =	vmul.f32 v7, v1;
	[tilespmem:s12+$0xFFFFFED0] =	vst v3  }
0x153: {  	[tilespmem:s12+$0xFFFFFEB0] =	vst v0  }
0x154: {  	[tilespmem:s12+$0xFFFFFEA0] =	vst v1;
	v0 =	vld [tilespmem:s12+$0xFFFFFF20]  }
0x155: {  	v1 =	vld [tilespmem:s11+$0x3120]  }
0x156: {  	v3 =	vld [tilespmem:s12+$0xFFFFFF00]  }
0x157: {  	v4 =	vld [tilespmem:s12+$0xFFFFFF60]  }
0x158: {  	v2 =	vld [tilespmem:s12+$0xFFFFFF70]  }
0x159: {  	v5 =	vld [tilespmem:s12+$0xFFFFFF50]  }
0x15a: {  	v6 =	vld [tilespmem:s12+$0xFFFFFF10];
	v0 =	vmul.f32 v0, v1  }
0x15b: {  	v8 =	vld [tilespmem:s12+$0xFFFFFF30];
	v3 =	vmul.f32 v3, v1  }
0x15c: {  	v7 =	vld [tilespmem:s12+$0xFFFFFF40];
	v4 =	vmul.f32 v4, v1;
	[tilespmem:s12+$0xFFFFFF20] =	vst v0  }
0x15d: {  	v2 =	vmul.f32 v2, v1;
	[tilespmem:s12+$0xFFFFFF00] =	vst v3  }
0x15e: {  	v0 =	vmul.f32 v5, v1;
	[tilespmem:s12+$0xFFFFFF60] =	vst v4  }
0x15f: {  	v3 =	vmul.f32 v6, v1;
	[tilespmem:s12+$0xFFFFFF70] =	vst v2  }
0x160: {  	[tilespmem:s12+$0xFFFFFF50] =	vst v0;
	v0 =	vmul.f32 v8, v1  }
0x161: {  	v1 =	vmul.f32 v7, v1;
	[tilespmem:s12+$0xFFFFFF10] =	vst v3  }
0x162: {  	[tilespmem:s12+$0xFFFFFF30] =	vst v0  }
0x163: {  	[tilespmem:s12+$0xFFFFFF40] =	vst v1;
	v0 =	vld [tilespmem:s12+$0xFFFFFF80]  }
0x164: {  	v2 =	vld [tilespmem:s11+$0x3130]  }
0x165: {  	v1 =	vld [tilespmem:s12+$0xFFFFFF90]  }
0x166: {  	v3 =	vld [tilespmem:s12+$0xFFFFFFE0]  }
0x167: {  	v4 =	vld [tilespmem:s12+$0xFFFFFFA0]  }
0x168: {  	v5 =	vld [tilespmem:s12+$0xFFFFFFB0]  }
0x169: {  	v6 =	vld [tilespmem:s12+$0xFFFFFFF0];
	v0 =	vmul.f32 v0, v2  }
0x16a: {  	v7 =	vld [tilespmem:s12+$0xFFFFFFC0];
	v1 =	vmul.f32 v1, v2  }
0x16b: {  	v8 =	vld [tilespmem:s12+$0xFFFFFFD0];
	v3 =	vmul.f32 v3, v2;
	[tilespmem:s12+$0xFFFFFF80] =	vst v0  }
0x16c: {  	v4 =	vmul.f32 v4, v2;
	[tilespmem:s12+$0xFFFFFF90] =	vst v1;
	v0 =	vld [tilespmem:s12+$0x70]  }
0x16d: {  	v5 =	vmul.f32 v5, v2;
	[tilespmem:s12+$0xFFFFFFE0] =	vst v3;
	v1 =	vld [tilespmem:s12+$0x60]  }
0x16e: {  	v6 =	vmul.f32 v6, v2;
	[tilespmem:s12+$0xFFFFFFA0] =	vst v4;
	v3 =	vld [tilespmem:s12+$0x20]  }
0x16f: {  	v4 =	vmul.f32 v7, v2;
	[tilespmem:s12+$0xFFFFFFB0] =	vst v5;
	v5 =	vld [tilespmem:s12+$0x30]  }
0x170: {  	v2 =	vmul.f32 v8, v2;
	[tilespmem:s12+$0xFFFFFFF0] =	vst v6;
	v7 =	vld [tilespmem:s12+$0x50]  }
0x171: {  	v6 =	vld [tilespmem:s12+$0x0];
	[tilespmem:s12+$0xFFFFFFC0] =	vst v4  }
0x172: {  	v8 =	vld [tilespmem:s12+$0x10];
	[tilespmem:s12+$0xFFFFFFD0] =	vst v2  }
0x173: {  	v2 =	vld [tilespmem:s11+$0x3140]  }
0x174: {  	s13 =	simm.s32 $0x7B00;
	s1 =	simm.s32 $0x200;
	v4 =	vld [tilespmem:s12+$0x40]  }
.LBB2_5:
0x175: {  	p0 =	sne.s32 s1, $0x1E00  }
0x176: {  	s12 =	sadd.s32 $0x400, s12;
	s7 =	smov.u32 s1;
	s1 =	sadd.s32 $0x200, s1  }
0x177: {  	_ = 	snop  }
0x178: {  	v5 =	vmul.f32 v5, v2;
	v7 =	vmul.f32 v7, v2  }
0x179: {  	v3 =	vmul.f32 v3, v2;
	v6 =	vmul.f32 v6, v2  }
0x17a: {  	v4 =	vmul.f32 v4, v2;
	v8 =	vmul.f32 v8, v2;
	[tilespmem:s13+$0x30] =	vst v5  }
0x17b: {  	v1 =	vmul.f32 v1, v2;
	v0 =	vmul.f32 v0, v2;
	[tilespmem:s13+$0x20] =	vst v3;
	v2 =	vld [tilespmem:s13+$0x80]  }
0x17c: {  	[tilespmem:s13+$0x10] =	vst v8;
	v3 =	vld [tilespmem:s13+$0xF0]  }
0x17d: {  	[tilespmem:s13+$0x40] =	vst v4;
	v4 =	vld [tilespmem:s13+$0xB0]  }
0x17e: {  	[tilespmem:s13+$0x70] =	vst v0;
	v5 =	vld [tilespmem:s13+$0xA0]  }
0x17f: {  	v0 =	vld [tilespmem:s12+$0x70];
	[tilespmem:s13+$0x50] =	vst v7  }
0x180: {  	[tilespmem:s13+$0x60] =	vst v1;
	v7 =	vld [tilespmem:s13+$0xD0]  }
0x181: {  	[tilespmem:s13+$0x0] =	vst v6;
	v6 =	vld [tilespmem:s13+$0x90]  }
0x182: {  	v8 =	vld [tilespmem:s11+$0x3150]  }
0x183: {  	v1 =	vld [tilespmem:s12+$0x60]  }
0x184: {  	v9 =	vld [tilespmem:s13+$0xC0]  }
0x185: {  	v10 =	vld [tilespmem:s13+$0xE0];
	_ =	sdelay $0x1  }
0x186: {  	v2 =	vmul.f32 v2, v8;
	v6 =	vmul.f32 v6, v8  }
0x187: {  	v5 =	vmul.f32 v5, v8;
	v4 =	vmul.f32 v4, v8  }
0x188: {  	v7 =	vmul.f32 v7, v8;
	[tilespmem:s13+$0x80] =	vst v2;
	v2 =	vmul.f32 v9, v8  }
0x189: {  	v3 =	vmul.f32 v3, v8;
	[tilespmem:s13+$0xB0] =	vst v4;
	v4 =	vmul.f32 v10, v8  }
0x18a: {  	[tilespmem:s13+$0xA0] =	vst v5  }
0x18b: {  	[tilespmem:s13+$0x90] =	vst v6;
	v5 =	vld [tilespmem:s13+$0x100]  }
0x18c: {  	[tilespmem:s13+$0xF0] =	vst v3;
	v3 =	vld [tilespmem:s13+$0x110]  }
0x18d: {  	[tilespmem:s13+$0xD0] =	vst v7;
	v6 =	vld [tilespmem:s13+$0x150]  }
0x18e: {  	[tilespmem:s13+$0xE0] =	vst v4;
	v4 =	vld [tilespmem:s13+$0x130]  }
0x18f: {  	[tilespmem:s13+$0xC0] =	vst v2;
	v2 =	vld [tilespmem:s13+$0x160]  }
0x190: {  	v7 =	vld [tilespmem:s11+$0x3160]  }
0x191: {  	v8 =	vld [tilespmem:s13+$0x120]  }
0x192: {  	v9 =	vld [tilespmem:s13+$0x140]  }
0x193: {  	v10 =	vld [tilespmem:s13+$0x170];
	_ =	sdelay $0x1  }
0x194: {  	v5 =	vmul.f32 v5, v7;
	v2 =	vmul.f32 v2, v7  }
0x195: {  	v4 =	vmul.f32 v4, v7;
	v8 =	vmul.f32 v8, v7  }
0x196: {  	v6 =	vmul.f32 v6, v7;
	[tilespmem:s13+$0x100] =	vst v5;
	v5 =	vmul.f32 v9, v7  }
0x197: {  	v3 =	vmul.f32 v3, v7;
	[tilespmem:s13+$0x130] =	vst v4;
	v4 =	vmul.f32 v10, v7  }
0x198: {  	[tilespmem:s13+$0x150] =	vst v6  }
0x199: {  	[tilespmem:s13+$0x120] =	vst v8;
	v6 =	vld [tilespmem:s13+$0x1A0]  }
0x19a: {  	[tilespmem:s13+$0x110] =	vst v3;
	v3 =	vld [tilespmem:s13+$0x180]  }
0x19b: {  	[tilespmem:s13+$0x170] =	vst v4;
	v4 =	vld [tilespmem:s13+$0x1E0]  }
0x19c: {  	[tilespmem:s13+$0x140] =	vst v5;
	v5 =	vld [tilespmem:s13+$0x1D0]  }
0x19d: {  	[tilespmem:s13+$0x160] =	vst v2;
	v2 =	vld [tilespmem:s13+$0x190]  }
0x19e: {  	v7 =	vld [tilespmem:s11+$0x3170]  }
0x19f: {  	v8 =	vld [tilespmem:s13+$0x1B0]  }
0x1a0: {  	v9 =	vld [tilespmem:s13+$0x1C0]  }
0x1a1: {  	v10 =	vld [tilespmem:s13+$0x1F0];
	_ =	sdelay $0x1  }
0x1a2: {  	v3 =	vmul.f32 v3, v7;
	v2 =	vmul.f32 v2, v7  }
0x1a3: {  	v6 =	vmul.f32 v6, v7;
	v8 =	vmul.f32 v8, v7  }
0x1a4: {  	v5 =	vmul.f32 v5, v7;
	[tilespmem:s13+$0x180] =	vst v3;
	v3 =	vmul.f32 v9, v7  }
0x1a5: {  	v4 =	vmul.f32 v4, v7;
	[tilespmem:s13+$0x1A0] =	vst v6;
	v6 =	vmul.f32 v10, v7  }
0x1a6: {  	[tilespmem:s13+$0x1D0] =	vst v5  }
0x1a7: {  	v5 =	vld [tilespmem:s12+$0xFFFFFE50];
	[tilespmem:s13+$0x1E0] =	vst v4  }
0x1a8: {  	v4 =	vld [tilespmem:s12+$0xFFFFFE30];
	[tilespmem:s13+$0x1F0] =	vst v6  }
0x1a9: {  	v6 =	vld [tilespmem:s12+$0xFFFFFE60];
	[tilespmem:s13+$0x1B0] =	vst v8  }
0x1aa: {  	v7 =	vld [tilespmem:s12+$0xFFFFFE70];
	[tilespmem:s13+$0x190] =	vst v2  }
0x1ab: {  	s11 =	sshra.s32 s7, $0x2;
	v2 =	vld [tilespmem:s12+$0xFFFFFE00];
	[tilespmem:s13+$0x1C0] =	vst v3;
	s13 =	smov.u32 s12  }
0x1ac: {  	v3 =	vld [tilespmem:s11+$0x3100]  }
0x1ad: {  	v8 =	vld [tilespmem:s12+$0xFFFFFE20]  }
0x1ae: {  	v9 =	vld [tilespmem:s12+$0xFFFFFE10]  }
0x1af: {  	v10 =	vld [tilespmem:s12+$0xFFFFFE40];
	_ =	sdelay $0x1  }
0x1b0: {  	v2 =	vmul.f32 v2, v3;
	v7 =	vmul.f32 v7, v3  }
0x1b1: {  	v6 =	vmul.f32 v6, v3;
	v8 =	vmul.f32 v8, v3  }
0x1b2: {  	v4 =	vmul.f32 v4, v3;
	v9 =	vmul.f32 v9, v3;
	[tilespmem:s12+$0xFFFFFE70] =	vst v7  }
0x1b3: {  	[tilespmem:s12+$0xFFFFFE00] =	vst v2;
	v2 =	vmul.f32 v10, v3;
	v3 =	vmul.f32 v5, v3  }
0x1b4: {  	[tilespmem:s12+$0xFFFFFE20] =	vst v8  }
0x1b5: {  	[tilespmem:s12+$0xFFFFFE30] =	vst v4;
	v4 =	vld [tilespmem:s12+$0xFFFFFEF0]  }
0x1b6: {  	[tilespmem:s12+$0xFFFFFE50] =	vst v3;
	v3 =	vld [tilespmem:s12+$0xFFFFFED0]  }
0x1b7: {  	[tilespmem:s12+$0xFFFFFE10] =	vst v9;
	v5 =	vld [tilespmem:s12+$0xFFFFFEE0]  }
0x1b8: {  	[tilespmem:s12+$0xFFFFFE60] =	vst v6;
	v6 =	vld [tilespmem:s12+$0xFFFFFEC0]  }
0x1b9: {  	[tilespmem:s12+$0xFFFFFE40] =	vst v2;
	v2 =	vld [tilespmem:s12+$0xFFFFFE90]  }
0x1ba: {  	v7 =	vld [tilespmem:s11+$0x3110]  }
0x1bb: {  	v8 =	vld [tilespmem:s12+$0xFFFFFE80]  }
0x1bc: {  	v9 =	vld [tilespmem:s12+$0xFFFFFEA0]  }
0x1bd: {  	v10 =	vld [tilespmem:s12+$0xFFFFFEB0];
	_ =	sdelay $0x1  }
0x1be: {  	v2 =	vmul.f32 v2, v7;
	v6 =	vmul.f32 v6, v7  }
0x1bf: {  	v5 =	vmul.f32 v5, v7;
	v8 =	vmul.f32 v8, v7  }
0x1c0: {  	v3 =	vmul.f32 v3, v7;
	[tilespmem:s12+$0xFFFFFE90] =	vst v2;
	v2 =	vmul.f32 v9, v7  }
0x1c1: {  	v4 =	vmul.f32 v4, v7;
	v9 =	vmul.f32 v10, v7;
	[tilespmem:s12+$0xFFFFFEC0] =	vst v6  }
0x1c2: {  	[tilespmem:s12+$0xFFFFFEE0] =	vst v5  }
0x1c3: {  	[tilespmem:s12+$0xFFFFFE80] =	vst v8;
	v5 =	vld [tilespmem:s12+$0xFFFFFF70]  }
0x1c4: {  	[tilespmem:s12+$0xFFFFFEF0] =	vst v4;
	v4 =	vld [tilespmem:s12+$0xFFFFFF50]  }
0x1c5: {  	[tilespmem:s12+$0xFFFFFED0] =	vst v3;
	v3 =	vld [tilespmem:s12+$0xFFFFFF10]  }
0x1c6: {  	[tilespmem:s12+$0xFFFFFEB0] =	vst v9;
	v6 =	vld [tilespmem:s12+$0xFFFFFF60]  }
0x1c7: {  	[tilespmem:s12+$0xFFFFFEA0] =	vst v2;
	v2 =	vld [tilespmem:s12+$0xFFFFFF20]  }
0x1c8: {  	v7 =	vld [tilespmem:s11+$0x3120]  }
0x1c9: {  	v8 =	vld [tilespmem:s12+$0xFFFFFF00]  }
0x1ca: {  	v9 =	vld [tilespmem:s12+$0xFFFFFF40]  }
0x1cb: {  	v10 =	vld [tilespmem:s12+$0xFFFFFF30];
	_ =	sdelay $0x1  }
0x1cc: {  	v2 =	vmul.f32 v2, v7;
	v6 =	vmul.f32 v6, v7  }
0x1cd: {  	v3 =	vmul.f32 v3, v7;
	v8 =	vmul.f32 v8, v7  }
0x1ce: {  	v4 =	vmul.f32 v4, v7;
	[tilespmem:s12+$0xFFFFFF20] =	vst v2;
	v2 =	vmul.f32 v9, v7  }
0x1cf: {  	v5 =	vmul.f32 v5, v7;
	[tilespmem:s12+$0xFFFFFF00] =	vst v8;
	v8 =	vmul.f32 v10, v7  }
0x1d0: {  	[tilespmem:s12+$0xFFFFFF60] =	vst v6  }
0x1d1: {  	[tilespmem:s12+$0xFFFFFF50] =	vst v4;
	v4 =	vld [tilespmem:s12+$0xFFFFFFF0]  }
0x1d2: {  	[tilespmem:s12+$0xFFFFFF70] =	vst v5;
	v5 =	vld [tilespmem:s12+$0xFFFFFFD0]  }
0x1d3: {  	[tilespmem:s12+$0xFFFFFF10] =	vst v3;
	v3 =	vld [tilespmem:s12+$0xFFFFFFB0]  }
0x1d4: {  	[tilespmem:s12+$0xFFFFFF30] =	vst v8;
	v6 =	vld [tilespmem:s12+$0xFFFFFFE0]  }
0x1d5: {  	[tilespmem:s12+$0xFFFFFF40] =	vst v2;
	v2 =	vld [tilespmem:s12+$0xFFFFFF80]  }
0x1d6: {  	v7 =	vld [tilespmem:s11+$0x3130]  }
0x1d7: {  	v8 =	vld [tilespmem:s12+$0xFFFFFF90]  }
0x1d8: {  	v9 =	vld [tilespmem:s12+$0xFFFFFFA0]  }
0x1d9: {  	v10 =	vld [tilespmem:s12+$0xFFFFFFC0];
	_ =	sdelay $0x1  }
0x1da: {  	v2 =	vmul.f32 v2, v7;
	v6 =	vmul.f32 v6, v7  }
0x1db: {  	v3 =	vmul.f32 v3, v7;
	v8 =	vmul.f32 v8, v7  }
0x1dc: {  	[tilespmem:s12+$0xFFFFFF80] =	vst v2;
	v2 =	vmul.f32 v9, v7;
	v9 =	vmul.f32 v5, v7  }
0x1dd: {  	v4 =	vmul.f32 v4, v7;
	[tilespmem:s12+$0xFFFFFF90] =	vst v8;
	v8 =	vmul.f32 v10, v7  }
0x1de: {  	[tilespmem:s12+$0xFFFFFFE0] =	vst v6  }
0x1df: {  	[tilespmem:s12+$0xFFFFFFA0] =	vst v2  }
0x1e0: {  	[tilespmem:s12+$0xFFFFFFB0] =	vst v3;
	v3 =	vld [tilespmem:s12+$0x20]  }
0x1e1: {  	[tilespmem:s12+$0xFFFFFFF0] =	vst v4;
	v5 =	vld [tilespmem:s12+$0x30]  }
.Ltmp1:
0x1e2: {  	[tilespmem:s12+$0xFFFFFFC0] =	vst v8;
	v4 =	vld [tilespmem:s12+$0x40];
	(pc) =	sbr.rel @p0 .LBB2_5-.Ltmp1, $4  }
0x1e3: {  	[tilespmem:s12+$0xFFFFFFD0] =	vst v9;
	v7 =	vld [tilespmem:s12+$0x50]  }
0x1e4: {  	v2 =	vld [tilespmem:s11+$0x3140]  }
0x1e5: {  	v6 =	vld [tilespmem:s12+$0x0]  }
0x1e6: {  	v8 =	vld [tilespmem:s12+$0x10]  }
0x1e7: {  	_ =	sdelay $0x1  }
0x1e8: {  	v5 =	vmul.f32 v5, v2  }
0x1e9: {  	v3 =	vmul.f32 v3, v2  }
0x1ea: {  	v4 =	vmul.f32 v4, v2;
	[tilespmem:s13+$0x30] =	vst v5  }
0x1eb: {  	v0 =	vmul.f32 v0, v2;
	[tilespmem:s13+$0x20] =	vst v3  }
0x1ec: {  	v26 =	vmul.f32 v7, v2;
	[tilespmem:s13+$0x40] =	vst v4  }
0x1ed: {  	v1 =	vmul.f32 v1, v2;
	[tilespmem:s13+$0x70] =	vst v0  }
0x1ee: {  	v28 =	vmul.f32 v6, v2;
	[tilespmem:s13+$0x50] =	vst v26  }
0x1ef: {  	v8 =	vmul.f32 v8, v2;
	[tilespmem:s13+$0x60] =	vst v1  }
0x1f0: {  	[tilespmem:s13+$0x0] =	vst v28  }
0x1f1: {  	v27 =	vld [tilespmem:s13+$0x80];
	[tilespmem:s13+$0x10] =	vst v8  }
0x1f2: {  	v0 =	vld [tilespmem:s11+$0x3150]  }
0x1f3: {  	v29 =	vld [tilespmem:s13+$0xB0]  }
0x1f4: {  	v30 =	vld [tilespmem:s13+$0xA0]  }
0x1f5: {  	v31 =	vld [tilespmem:s13+$0x90]  }
0x1f6: {  	v32 =	vld [tilespmem:s13+$0xF0]  }
0x1f7: {  	v33 =	vld [tilespmem:s13+$0xD0];
	v5 =	vmul.f32 v27, v0  }
0x1f8: {  	v34 =	vld [tilespmem:s13+$0xE0];
	v1 =	vmul.f32 v29, v0  }
0x1f9: {  	v35 =	vld [tilespmem:s13+$0xC0];
	v2 =	vmul.f32 v30, v0;
	[tilespmem:s13+$0x80] =	vst v5  }
0x1fa: {  	v3 =	vmul.f32 v31, v0;
	[tilespmem:s13+$0xB0] =	vst v1  }
0x1fb: {  	v36 =	vmul.f32 v32, v0;
	[tilespmem:s13+$0xA0] =	vst v2  }
0x1fc: {  	v37 =	vmul.f32 v33, v0;
	[tilespmem:s13+$0x90] =	vst v3  }
0x1fd: {  	v39 =	vmul.f32 v34, v0;
	[tilespmem:s13+$0xF0] =	vst v36  }
0x1fe: {  	v0 =	vmul.f32 v35, v0;
	[tilespmem:s13+$0xD0] =	vst v37  }
0x1ff: {  	[tilespmem:s13+$0xE0] =	vst v39  }
0x200: {  	v38 =	vld [tilespmem:s13+$0x100];
	[tilespmem:s13+$0xC0] =	vst v0  }
0x201: {  	v0 =	vld [tilespmem:s11+$0x3160]  }
0x202: {  	v41 =	vld [tilespmem:s13+$0x130]  }
0x203: {  	v42 =	vld [tilespmem:s13+$0x150]  }
0x204: {  	v43 =	vld [tilespmem:s13+$0x120]  }
0x205: {  	v40 =	vld [tilespmem:s13+$0x110]  }
0x206: {  	v44 =	vld [tilespmem:s13+$0x170];
	v3 =	vmul.f32 v38, v0  }
0x207: {  	v45 =	vld [tilespmem:s13+$0x140];
	v2 =	vmul.f32 v41, v0  }
0x208: {  	v46 =	vld [tilespmem:s13+$0x160];
	v47 =	vmul.f32 v42, v0;
	[tilespmem:s13+$0x100] =	vst v3  }
0x209: {  	v48 =	vmul.f32 v43, v0;
	[tilespmem:s13+$0x130] =	vst v2  }
0x20a: {  	v1 =	vmul.f32 v40, v0;
	[tilespmem:s13+$0x150] =	vst v47  }
0x20b: {  	v49 =	vmul.f32 v44, v0;
	[tilespmem:s13+$0x120] =	vst v48  }
0x20c: {  	v51 =	vmul.f32 v45, v0;
	[tilespmem:s13+$0x110] =	vst v1  }
0x20d: {  	v0 =	vmul.f32 v46, v0;
	[tilespmem:s13+$0x170] =	vst v49  }
0x20e: {  	[tilespmem:s13+$0x140] =	vst v51  }
0x20f: {  	v52 =	vld [tilespmem:s13+$0x180];
	[tilespmem:s13+$0x160] =	vst v0  }
0x210: {  	v0 =	vld [tilespmem:s11+$0x3170]  }
0x211: {  	v50 =	vld [tilespmem:s13+$0x1A0]  }
0x212: {  	v53 =	vld [tilespmem:s13+$0x1D0]  }
0x213: {  	v54 =	vld [tilespmem:s13+$0x1E0]  }
0x214: {  	v55 =	vld [tilespmem:s13+$0x1F0]  }
0x215: {  	v56 =	vld [tilespmem:s13+$0x1B0];
	v1 =	vmul.f32 v52, v0  }
0x216: {  	v57 =	vld [tilespmem:s13+$0x190];
	v3 =	vmul.f32 v50, v0  }
0x217: {  	v58 =	vld [tilespmem:s13+$0x1C0];
	v59 =	vmul.f32 v53, v0;
	[tilespmem:s13+$0x180] =	vst v1  }
0x218: {  	v60 =	vmul.f32 v54, v0;
	[tilespmem:s13+$0x1A0] =	vst v3  }
0x219: {  	v61 =	vmul.f32 v55, v0;
	[tilespmem:s13+$0x1D0] =	vst v59  }
0x21a: {  	v62 =	vmul.f32 v56, v0;
	[tilespmem:s13+$0x1E0] =	vst v60  }
0x21b: {  	v63 =	vmul.f32 v57, v0;
	[tilespmem:s13+$0x1F0] =	vst v61  }
0x21c: {  	s10 =	sadd.s32 $0x1, s10;
	v0 =	vmul.f32 v58, v0;
	[tilespmem:s13+$0x1B0] =	vst v62  }
0x21d: {  	p0 =	sne.s32 s10, $0x27;
	[tilespmem:s13+$0x190] =	vst v63  }
.Ltmp2:
0x21e: {  	[tilespmem:s13+$0x1C0] =	vst v0;
	(pc) =	sbr.rel @p0 .LBB2_2-.Ltmp2, $4  }
0x21f: {  	_ =	swait.ge [sflag:s5], $0x80  }
0x220: {  	[sflag:s5] =	ssyncset.done $0x0  }
0x221: {  	[sflag:s5] =	ssyncadd.s32 $0xFFFFFF80  }
0x222: {  	[spmem:s6] =	stream.indirect.scatter.add.f32 [tilespmem:s24], [sflag:$0x8], $0x80, s25, s18, $0xb8;
	[tilespmem:$0x1F900] =	vst v63  }
0x223: {  	_ =	swait.ge [sflag:s22], $0x4000  }
0x224: {  	[sflag:s22] =	ssyncset.done $0x0  }
0x225: {  	[sflag:s22] =	ssyncadd.s32 $0xFFFFC000  }
0x226: {  	_ =	swait.ge [sflag:s23], $0x800  }
0x227: {  	[sflag:s23] =	ssyncset.done $0x0  }
0x228: {  	s1 =	simm.s32 $0x8;
	[sflag:s23] =	ssyncadd.s32 $0xFFFFF800  }
0x229: {  	_ =	swait.ge [sflag:s1], $0x4000  }
0x22a: {  	[sflag:s1] =	ssyncset.done $0x0  }
0x22b: {  	s11 =	simm.s32 $0x3B00;
	[sflag:s1] =	ssyncadd.s32 $0xFFFFC000  }
0x22c: {  	s10 =	simm.s32 $0x0;
	v1 =	vld [tilespmem:s11+$0xFFFFFE70]  }
0x22d: {  	v2 =	vld [tilespmem:s10+$0x2900]  }
0x22e: {  	v3 =	vld [tilespmem:s11+$0xFFFFFE00]  }
0x22f: {  	v4 =	vld [tilespmem:s11+$0xFFFFFE20]  }
0x230: {  	v0 =	vld [tilespmem:s11+$0xFFFFFE50]  }
0x231: {  	v5 =	vld [tilespmem:s11+$0xFFFFFE30]  }
0x232: {  	v7 =	vld [tilespmem:s11+$0xFFFFFE10];
	v1 =	vmul.f32 v1, v2  }
0x233: {  	v8 =	vld [tilespmem:s11+$0xFFFFFE40];
	v3 =	vmul.f32 v3, v2  }
0x234: {  	v6 =	vld [tilespmem:s11+$0xFFFFFE60];
	v4 =	vmul.f32 v4, v2;
	[tilespmem:s11+$0xFFFFFE70] =	vst v1  }
0x235: {  	v0 =	vmul.f32 v0, v2;
	[tilespmem:s11+$0xFFFFFE00] =	vst v3  }
0x236: {  	v1 =	vmul.f32 v5, v2;
	[tilespmem:s11+$0xFFFFFE20] =	vst v4  }
0x237: {  	v3 =	vmul.f32 v7, v2;
	[tilespmem:s11+$0xFFFFFE50] =	vst v0  }
0x238: {  	v0 =	vmul.f32 v8, v2;
	[tilespmem:s11+$0xFFFFFE30] =	vst v1  }
0x239: {  	v1 =	vmul.f32 v6, v2;
	[tilespmem:s11+$0xFFFFFE10] =	vst v3  }
0x23a: {  	[tilespmem:s11+$0xFFFFFE40] =	vst v0  }
0x23b: {  	v0 =	vld [tilespmem:s11+$0xFFFFFE90];
	[tilespmem:s11+$0xFFFFFE60] =	vst v1  }
0x23c: {  	v1 =	vld [tilespmem:s10+$0x2910]  }
0x23d: {  	v3 =	vld [tilespmem:s11+$0xFFFFFEC0]  }
0x23e: {  	v4 =	vld [tilespmem:s11+$0xFFFFFEE0]  }
0x23f: {  	v2 =	vld [tilespmem:s11+$0xFFFFFEF0]  }
0x240: {  	v5 =	vld [tilespmem:s11+$0xFFFFFE80]  }
0x241: {  	v6 =	vld [tilespmem:s11+$0xFFFFFED0];
	v0 =	vmul.f32 v0, v1  }
0x242: {  	v8 =	vld [tilespmem:s11+$0xFFFFFEB0];
	v3 =	vmul.f32 v3, v1  }
0x243: {  	v7 =	vld [tilespmem:s11+$0xFFFFFEA0];
	v4 =	vmul.f32 v4, v1;
	[tilespmem:s11+$0xFFFFFE90] =	vst v0  }
0x244: {  	v2 =	vmul.f32 v2, v1;
	[tilespmem:s11+$0xFFFFFEC0] =	vst v3  }
0x245: {  	v0 =	vmul.f32 v5, v1;
	[tilespmem:s11+$0xFFFFFEE0] =	vst v4  }
0x246: {  	v3 =	vmul.f32 v6, v1;
	[tilespmem:s11+$0xFFFFFEF0] =	vst v2  }
0x247: {  	[tilespmem:s11+$0xFFFFFE80] =	vst v0;
	v0 =	vmul.f32 v8, v1  }
0x248: {  	v1 =	vmul.f32 v7, v1;
	[tilespmem:s11+$0xFFFFFED0] =	vst v3  }
0x249: {  	[tilespmem:s11+$0xFFFFFEB0] =	vst v0  }
0x24a: {  	[tilespmem:s11+$0xFFFFFEA0] =	vst v1;
	v0 =	vld [tilespmem:s11+$0xFFFFFF20]  }
0x24b: {  	v1 =	vld [tilespmem:s10+$0x2920]  }
0x24c: {  	v3 =	vld [tilespmem:s11+$0xFFFFFF00]  }
0x24d: {  	v4 =	vld [tilespmem:s11+$0xFFFFFF60]  }
0x24e: {  	v2 =	vld [tilespmem:s11+$0xFFFFFF70]  }
0x24f: {  	v5 =	vld [tilespmem:s11+$0xFFFFFF50]  }
0x250: {  	v6 =	vld [tilespmem:s11+$0xFFFFFF10];
	v0 =	vmul.f32 v0, v1  }
0x251: {  	v8 =	vld [tilespmem:s11+$0xFFFFFF30];
	v3 =	vmul.f32 v3, v1  }
0x252: {  	v7 =	vld [tilespmem:s11+$0xFFFFFF40];
	v4 =	vmul.f32 v4, v1;
	[tilespmem:s11+$0xFFFFFF20] =	vst v0  }
0x253: {  	v2 =	vmul.f32 v2, v1;
	[tilespmem:s11+$0xFFFFFF00] =	vst v3  }
0x254: {  	v0 =	vmul.f32 v5, v1;
	[tilespmem:s11+$0xFFFFFF60] =	vst v4  }
0x255: {  	v3 =	vmul.f32 v6, v1;
	[tilespmem:s11+$0xFFFFFF70] =	vst v2  }
0x256: {  	[tilespmem:s11+$0xFFFFFF50] =	vst v0;
	v0 =	vmul.f32 v8, v1  }
0x257: {  	v1 =	vmul.f32 v7, v1;
	[tilespmem:s11+$0xFFFFFF10] =	vst v3  }
0x258: {  	[tilespmem:s11+$0xFFFFFF30] =	vst v0  }
0x259: {  	[tilespmem:s11+$0xFFFFFF40] =	vst v1;
	v0 =	vld [tilespmem:s11+$0xFFFFFF80]  }
0x25a: {  	v2 =	vld [tilespmem:s10+$0x2930]  }
0x25b: {  	v1 =	vld [tilespmem:s11+$0xFFFFFF90]  }
0x25c: {  	v3 =	vld [tilespmem:s11+$0xFFFFFFE0]  }
0x25d: {  	v4 =	vld [tilespmem:s11+$0xFFFFFFA0]  }
0x25e: {  	v5 =	vld [tilespmem:s11+$0xFFFFFFB0]  }
0x25f: {  	v6 =	vld [tilespmem:s11+$0xFFFFFFF0];
	v0 =	vmul.f32 v0, v2  }
0x260: {  	v7 =	vld [tilespmem:s11+$0xFFFFFFC0];
	v1 =	vmul.f32 v1, v2  }
0x261: {  	v8 =	vld [tilespmem:s11+$0xFFFFFFD0];
	v3 =	vmul.f32 v3, v2;
	[tilespmem:s11+$0xFFFFFF80] =	vst v0  }
0x262: {  	v4 =	vmul.f32 v4, v2;
	[tilespmem:s11+$0xFFFFFF90] =	vst v1;
	v0 =	vld [tilespmem:s11+$0x70]  }
0x263: {  	v5 =	vmul.f32 v5, v2;
	[tilespmem:s11+$0xFFFFFFE0] =	vst v3;
	v1 =	vld [tilespmem:s11+$0x60]  }
0x264: {  	v6 =	vmul.f32 v6, v2;
	[tilespmem:s11+$0xFFFFFFA0] =	vst v4;
	v3 =	vld [tilespmem:s11+$0x20]  }
0x265: {  	v4 =	vmul.f32 v7, v2;
	[tilespmem:s11+$0xFFFFFFB0] =	vst v5;
	v5 =	vld [tilespmem:s11+$0x30]  }
0x266: {  	v2 =	vmul.f32 v8, v2;
	[tilespmem:s11+$0xFFFFFFF0] =	vst v6;
	v7 =	vld [tilespmem:s11+$0x50]  }
0x267: {  	v6 =	vld [tilespmem:s11+$0x0];
	[tilespmem:s11+$0xFFFFFFC0] =	vst v4  }
0x268: {  	v8 =	vld [tilespmem:s11+$0x10];
	[tilespmem:s11+$0xFFFFFFD0] =	vst v2  }
0x269: {  	v2 =	vld [tilespmem:s10+$0x2940]  }
0x26a: {  	s12 =	simm.s32 $0x3B00;
	s1 =	simm.s32 $0x200;
	v4 =	vld [tilespmem:s11+$0x40]  }
.LBB2_8:
0x26b: {  	p0 =	sne.s32 s1, $0x1E00  }
0x26c: {  	s11 =	sadd.s32 $0x400, s11;
	s7 =	smov.u32 s1;
	s1 =	sadd.s32 $0x200, s1  }
0x26d: {  	_ = 	snop  }
0x26e: {  	v5 =	vmul.f32 v5, v2;
	v7 =	vmul.f32 v7, v2  }
0x26f: {  	v3 =	vmul.f32 v3, v2;
	v6 =	vmul.f32 v6, v2  }
0x270: {  	v4 =	vmul.f32 v4, v2;
	v8 =	vmul.f32 v8, v2;
	[tilespmem:s12+$0x30] =	vst v5  }
0x271: {  	v1 =	vmul.f32 v1, v2;
	v0 =	vmul.f32 v0, v2;
	[tilespmem:s12+$0x20] =	vst v3;
	v2 =	vld [tilespmem:s12+$0x80]  }
0x272: {  	[tilespmem:s12+$0x10] =	vst v8;
	v3 =	vld [tilespmem:s12+$0xF0]  }
0x273: {  	[tilespmem:s12+$0x40] =	vst v4;
	v4 =	vld [tilespmem:s12+$0xB0]  }
0x274: {  	[tilespmem:s12+$0x70] =	vst v0;
	v5 =	vld [tilespmem:s12+$0xA0]  }
0x275: {  	v0 =	vld [tilespmem:s11+$0x70];
	[tilespmem:s12+$0x50] =	vst v7  }
0x276: {  	[tilespmem:s12+$0x60] =	vst v1;
	v7 =	vld [tilespmem:s12+$0xD0]  }
0x277: {  	[tilespmem:s12+$0x0] =	vst v6;
	v6 =	vld [tilespmem:s12+$0x90]  }
0x278: {  	v8 =	vld [tilespmem:s10+$0x2950]  }
0x279: {  	v1 =	vld [tilespmem:s11+$0x60]  }
0x27a: {  	v9 =	vld [tilespmem:s12+$0xC0]  }
0x27b: {  	v10 =	vld [tilespmem:s12+$0xE0];
	_ =	sdelay $0x1  }
0x27c: {  	v2 =	vmul.f32 v2, v8;
	v6 =	vmul.f32 v6, v8  }
0x27d: {  	v5 =	vmul.f32 v5, v8;
	v4 =	vmul.f32 v4, v8  }
0x27e: {  	v7 =	vmul.f32 v7, v8;
	[tilespmem:s12+$0x80] =	vst v2;
	v2 =	vmul.f32 v9, v8  }
0x27f: {  	v3 =	vmul.f32 v3, v8;
	[tilespmem:s12+$0xB0] =	vst v4;
	v4 =	vmul.f32 v10, v8  }
0x280: {  	[tilespmem:s12+$0xA0] =	vst v5  }
0x281: {  	[tilespmem:s12+$0x90] =	vst v6;
	v5 =	vld [tilespmem:s12+$0x100]  }
0x282: {  	[tilespmem:s12+$0xF0] =	vst v3;
	v3 =	vld [tilespmem:s12+$0x110]  }
0x283: {  	[tilespmem:s12+$0xD0] =	vst v7;
	v6 =	vld [tilespmem:s12+$0x150]  }
0x284: {  	[tilespmem:s12+$0xE0] =	vst v4;
	v4 =	vld [tilespmem:s12+$0x130]  }
0x285: {  	[tilespmem:s12+$0xC0] =	vst v2;
	v2 =	vld [tilespmem:s12+$0x160]  }
0x286: {  	v7 =	vld [tilespmem:s10+$0x2960]  }
0x287: {  	v8 =	vld [tilespmem:s12+$0x120]  }
0x288: {  	v9 =	vld [tilespmem:s12+$0x140]  }
0x289: {  	v10 =	vld [tilespmem:s12+$0x170];
	_ =	sdelay $0x1  }
0x28a: {  	v5 =	vmul.f32 v5, v7;
	v2 =	vmul.f32 v2, v7  }
0x28b: {  	v4 =	vmul.f32 v4, v7;
	v8 =	vmul.f32 v8, v7  }
0x28c: {  	v6 =	vmul.f32 v6, v7;
	[tilespmem:s12+$0x100] =	vst v5;
	v5 =	vmul.f32 v9, v7  }
0x28d: {  	v3 =	vmul.f32 v3, v7;
	[tilespmem:s12+$0x130] =	vst v4;
	v4 =	vmul.f32 v10, v7  }
0x28e: {  	[tilespmem:s12+$0x150] =	vst v6  }
0x28f: {  	[tilespmem:s12+$0x120] =	vst v8;
	v6 =	vld [tilespmem:s12+$0x1A0]  }
0x290: {  	[tilespmem:s12+$0x110] =	vst v3;
	v3 =	vld [tilespmem:s12+$0x180]  }
0x291: {  	[tilespmem:s12+$0x170] =	vst v4;
	v4 =	vld [tilespmem:s12+$0x1E0]  }
0x292: {  	[tilespmem:s12+$0x140] =	vst v5;
	v5 =	vld [tilespmem:s12+$0x1D0]  }
0x293: {  	[tilespmem:s12+$0x160] =	vst v2;
	v2 =	vld [tilespmem:s12+$0x190]  }
0x294: {  	v7 =	vld [tilespmem:s10+$0x2970]  }
0x295: {  	v8 =	vld [tilespmem:s12+$0x1B0]  }
0x296: {  	v9 =	vld [tilespmem:s12+$0x1C0]  }
0x297: {  	v10 =	vld [tilespmem:s12+$0x1F0];
	_ =	sdelay $0x1  }
0x298: {  	v3 =	vmul.f32 v3, v7;
	v2 =	vmul.f32 v2, v7  }
0x299: {  	v6 =	vmul.f32 v6, v7;
	v8 =	vmul.f32 v8, v7  }
0x29a: {  	v5 =	vmul.f32 v5, v7;
	[tilespmem:s12+$0x180] =	vst v3;
	v3 =	vmul.f32 v9, v7  }
0x29b: {  	v4 =	vmul.f32 v4, v7;
	[tilespmem:s12+$0x1A0] =	vst v6;
	v6 =	vmul.f32 v10, v7  }
0x29c: {  	[tilespmem:s12+$0x1D0] =	vst v5  }
0x29d: {  	v5 =	vld [tilespmem:s11+$0xFFFFFE50];
	[tilespmem:s12+$0x1E0] =	vst v4  }
0x29e: {  	v4 =	vld [tilespmem:s11+$0xFFFFFE30];
	[tilespmem:s12+$0x1F0] =	vst v6  }
0x29f: {  	v6 =	vld [tilespmem:s11+$0xFFFFFE60];
	[tilespmem:s12+$0x1B0] =	vst v8  }
0x2a0: {  	v7 =	vld [tilespmem:s11+$0xFFFFFE70];
	[tilespmem:s12+$0x190] =	vst v2  }
0x2a1: {  	s10 =	sshra.s32 s7, $0x2;
	v2 =	vld [tilespmem:s11+$0xFFFFFE00];
	[tilespmem:s12+$0x1C0] =	vst v3;
	s12 =	smov.u32 s11  }
0x2a2: {  	v3 =	vld [tilespmem:s10+$0x2900]  }
0x2a3: {  	v8 =	vld [tilespmem:s11+$0xFFFFFE20]  }
0x2a4: {  	v9 =	vld [tilespmem:s11+$0xFFFFFE10]  }
0x2a5: {  	v10 =	vld [tilespmem:s11+$0xFFFFFE40];
	_ =	sdelay $0x1  }
0x2a6: {  	v2 =	vmul.f32 v2, v3;
	v7 =	vmul.f32 v7, v3  }
0x2a7: {  	v6 =	vmul.f32 v6, v3;
	v8 =	vmul.f32 v8, v3  }
0x2a8: {  	v4 =	vmul.f32 v4, v3;
	v9 =	vmul.f32 v9, v3;
	[tilespmem:s11+$0xFFFFFE70] =	vst v7  }
0x2a9: {  	[tilespmem:s11+$0xFFFFFE00] =	vst v2;
	v2 =	vmul.f32 v10, v3;
	v3 =	vmul.f32 v5, v3  }
0x2aa: {  	[tilespmem:s11+$0xFFFFFE20] =	vst v8  }
0x2ab: {  	[tilespmem:s11+$0xFFFFFE30] =	vst v4;
	v4 =	vld [tilespmem:s11+$0xFFFFFEF0]  }
0x2ac: {  	[tilespmem:s11+$0xFFFFFE50] =	vst v3;
	v3 =	vld [tilespmem:s11+$0xFFFFFED0]  }
0x2ad: {  	[tilespmem:s11+$0xFFFFFE10] =	vst v9;
	v5 =	vld [tilespmem:s11+$0xFFFFFEE0]  }
0x2ae: {  	[tilespmem:s11+$0xFFFFFE60] =	vst v6;
	v6 =	vld [tilespmem:s11+$0xFFFFFEC0]  }
0x2af: {  	[tilespmem:s11+$0xFFFFFE40] =	vst v2;
	v2 =	vld [tilespmem:s11+$0xFFFFFE90]  }
0x2b0: {  	v7 =	vld [tilespmem:s10+$0x2910]  }
0x2b1: {  	v8 =	vld [tilespmem:s11+$0xFFFFFE80]  }
0x2b2: {  	v9 =	vld [tilespmem:s11+$0xFFFFFEA0]  }
0x2b3: {  	v10 =	vld [tilespmem:s11+$0xFFFFFEB0];
	_ =	sdelay $0x1  }
0x2b4: {  	v2 =	vmul.f32 v2, v7;
	v6 =	vmul.f32 v6, v7  }
0x2b5: {  	v5 =	vmul.f32 v5, v7;
	v8 =	vmul.f32 v8, v7  }
0x2b6: {  	v3 =	vmul.f32 v3, v7;
	[tilespmem:s11+$0xFFFFFE90] =	vst v2;
	v2 =	vmul.f32 v9, v7  }
0x2b7: {  	v4 =	vmul.f32 v4, v7;
	v9 =	vmul.f32 v10, v7;
	[tilespmem:s11+$0xFFFFFEC0] =	vst v6  }
0x2b8: {  	[tilespmem:s11+$0xFFFFFEE0] =	vst v5  }
0x2b9: {  	[tilespmem:s11+$0xFFFFFE80] =	vst v8;
	v5 =	vld [tilespmem:s11+$0xFFFFFF70]  }
0x2ba: {  	[tilespmem:s11+$0xFFFFFEF0] =	vst v4;
	v4 =	vld [tilespmem:s11+$0xFFFFFF50]  }
0x2bb: {  	[tilespmem:s11+$0xFFFFFED0] =	vst v3;
	v3 =	vld [tilespmem:s11+$0xFFFFFF10]  }
0x2bc: {  	[tilespmem:s11+$0xFFFFFEB0] =	vst v9;
	v6 =	vld [tilespmem:s11+$0xFFFFFF60]  }
0x2bd: {  	[tilespmem:s11+$0xFFFFFEA0] =	vst v2;
	v2 =	vld [tilespmem:s11+$0xFFFFFF20]  }
0x2be: {  	v7 =	vld [tilespmem:s10+$0x2920]  }
0x2bf: {  	v8 =	vld [tilespmem:s11+$0xFFFFFF00]  }
0x2c0: {  	v9 =	vld [tilespmem:s11+$0xFFFFFF40]  }
0x2c1: {  	v10 =	vld [tilespmem:s11+$0xFFFFFF30];
	_ =	sdelay $0x1  }
0x2c2: {  	v2 =	vmul.f32 v2, v7;
	v6 =	vmul.f32 v6, v7  }
0x2c3: {  	v3 =	vmul.f32 v3, v7;
	v8 =	vmul.f32 v8, v7  }
0x2c4: {  	v4 =	vmul.f32 v4, v7;
	[tilespmem:s11+$0xFFFFFF20] =	vst v2;
	v2 =	vmul.f32 v9, v7  }
0x2c5: {  	v5 =	vmul.f32 v5, v7;
	[tilespmem:s11+$0xFFFFFF00] =	vst v8;
	v8 =	vmul.f32 v10, v7  }
0x2c6: {  	[tilespmem:s11+$0xFFFFFF60] =	vst v6  }
0x2c7: {  	[tilespmem:s11+$0xFFFFFF50] =	vst v4;
	v4 =	vld [tilespmem:s11+$0xFFFFFFF0]  }
0x2c8: {  	[tilespmem:s11+$0xFFFFFF70] =	vst v5;
	v5 =	vld [tilespmem:s11+$0xFFFFFFD0]  }
0x2c9: {  	[tilespmem:s11+$0xFFFFFF10] =	vst v3;
	v3 =	vld [tilespmem:s11+$0xFFFFFFB0]  }
0x2ca: {  	[tilespmem:s11+$0xFFFFFF30] =	vst v8;
	v6 =	vld [tilespmem:s11+$0xFFFFFFE0]  }
0x2cb: {  	[tilespmem:s11+$0xFFFFFF40] =	vst v2;
	v2 =	vld [tilespmem:s11+$0xFFFFFF80]  }
0x2cc: {  	v7 =	vld [tilespmem:s10+$0x2930]  }
0x2cd: {  	v8 =	vld [tilespmem:s11+$0xFFFFFF90]  }
0x2ce: {  	v9 =	vld [tilespmem:s11+$0xFFFFFFA0]  }
0x2cf: {  	v10 =	vld [tilespmem:s11+$0xFFFFFFC0];
	_ =	sdelay $0x1  }
0x2d0: {  	v2 =	vmul.f32 v2, v7;
	v6 =	vmul.f32 v6, v7  }
0x2d1: {  	v3 =	vmul.f32 v3, v7;
	v8 =	vmul.f32 v8, v7  }
0x2d2: {  	[tilespmem:s11+$0xFFFFFF80] =	vst v2;
	v2 =	vmul.f32 v9, v7;
	v9 =	vmul.f32 v5, v7  }
0x2d3: {  	v4 =	vmul.f32 v4, v7;
	[tilespmem:s11+$0xFFFFFF90] =	vst v8;
	v8 =	vmul.f32 v10, v7  }
0x2d4: {  	[tilespmem:s11+$0xFFFFFFE0] =	vst v6  }
0x2d5: {  	[tilespmem:s11+$0xFFFFFFA0] =	vst v2  }
0x2d6: {  	[tilespmem:s11+$0xFFFFFFB0] =	vst v3;
	v3 =	vld [tilespmem:s11+$0x20]  }
0x2d7: {  	[tilespmem:s11+$0xFFFFFFF0] =	vst v4;
	v5 =	vld [tilespmem:s11+$0x30]  }
.Ltmp3:
0x2d8: {  	[tilespmem:s11+$0xFFFFFFC0] =	vst v8;
	v4 =	vld [tilespmem:s11+$0x40];
	(pc) =	sbr.rel @p0 .LBB2_8-.Ltmp3, $4  }
0x2d9: {  	[tilespmem:s11+$0xFFFFFFD0] =	vst v9;
	v7 =	vld [tilespmem:s11+$0x50]  }
0x2da: {  	v2 =	vld [tilespmem:s10+$0x2940]  }
0x2db: {  	v6 =	vld [tilespmem:s11+$0x0]  }
0x2dc: {  	v8 =	vld [tilespmem:s11+$0x10]  }
0x2dd: {  	_ =	sdelay $0x1  }
0x2de: {  	v5 =	vmul.f32 v5, v2  }
0x2df: {  	v3 =	vmul.f32 v3, v2  }
0x2e0: {  	v4 =	vmul.f32 v4, v2;
	[tilespmem:s12+$0x30] =	vst v5  }
0x2e1: {  	v0 =	vmul.f32 v0, v2;
	[tilespmem:s12+$0x20] =	vst v3  }
0x2e2: {  	v26 =	vmul.f32 v7, v2;
	[tilespmem:s12+$0x40] =	vst v4  }
0x2e3: {  	v1 =	vmul.f32 v1, v2;
	[tilespmem:s12+$0x70] =	vst v0  }
0x2e4: {  	v28 =	vmul.f32 v6, v2;
	[tilespmem:s12+$0x50] =	vst v26  }
0x2e5: {  	v8 =	vmul.f32 v8, v2;
	[tilespmem:s12+$0x60] =	vst v1  }
0x2e6: {  	[tilespmem:s12+$0x0] =	vst v28  }
0x2e7: {  	v27 =	vld [tilespmem:s12+$0x80];
	[tilespmem:s12+$0x10] =	vst v8  }
0x2e8: {  	v0 =	vld [tilespmem:s10+$0x2950]  }
0x2e9: {  	v29 =	vld [tilespmem:s12+$0xB0]  }
0x2ea: {  	v30 =	vld [tilespmem:s12+$0xA0]  }
0x2eb: {  	v31 =	vld [tilespmem:s12+$0x90]  }
0x2ec: {  	v32 =	vld [tilespmem:s12+$0xF0]  }
0x2ed: {  	v33 =	vld [tilespmem:s12+$0xD0];
	v5 =	vmul.f32 v27, v0  }
0x2ee: {  	v34 =	vld [tilespmem:s12+$0xE0];
	v1 =	vmul.f32 v29, v0  }
0x2ef: {  	v35 =	vld [tilespmem:s12+$0xC0];
	v2 =	vmul.f32 v30, v0;
	[tilespmem:s12+$0x80] =	vst v5  }
0x2f0: {  	v3 =	vmul.f32 v31, v0;
	[tilespmem:s12+$0xB0] =	vst v1  }
0x2f1: {  	v36 =	vmul.f32 v32, v0;
	[tilespmem:s12+$0xA0] =	vst v2  }
0x2f2: {  	v37 =	vmul.f32 v33, v0;
	[tilespmem:s12+$0x90] =	vst v3  }
0x2f3: {  	v39 =	vmul.f32 v34, v0;
	[tilespmem:s12+$0xF0] =	vst v36  }
0x2f4: {  	v0 =	vmul.f32 v35, v0;
	[tilespmem:s12+$0xD0] =	vst v37  }
0x2f5: {  	[tilespmem:s12+$0xE0] =	vst v39  }
0x2f6: {  	v38 =	vld [tilespmem:s12+$0x100];
	[tilespmem:s12+$0xC0] =	vst v0  }
0x2f7: {  	v0 =	vld [tilespmem:s10+$0x2960]  }
0x2f8: {  	v41 =	vld [tilespmem:s12+$0x130]  }
0x2f9: {  	v42 =	vld [tilespmem:s12+$0x150]  }
0x2fa: {  	v43 =	vld [tilespmem:s12+$0x120]  }
0x2fb: {  	v40 =	vld [tilespmem:s12+$0x110]  }
0x2fc: {  	v44 =	vld [tilespmem:s12+$0x170];
	v3 =	vmul.f32 v38, v0  }
0x2fd: {  	v45 =	vld [tilespmem:s12+$0x140];
	v2 =	vmul.f32 v41, v0  }
0x2fe: {  	v46 =	vld [tilespmem:s12+$0x160];
	v47 =	vmul.f32 v42, v0;
	[tilespmem:s12+$0x100] =	vst v3  }
0x2ff: {  	v48 =	vmul.f32 v43, v0;
	[tilespmem:s12+$0x130] =	vst v2  }
0x300: {  	v1 =	vmul.f32 v40, v0;
	[tilespmem:s12+$0x150] =	vst v47  }
0x301: {  	v49 =	vmul.f32 v44, v0;
	[tilespmem:s12+$0x120] =	vst v48  }
0x302: {  	v51 =	vmul.f32 v45, v0;
	[tilespmem:s12+$0x110] =	vst v1  }
0x303: {  	v0 =	vmul.f32 v46, v0;
	[tilespmem:s12+$0x170] =	vst v49  }
0x304: {  	[tilespmem:s12+$0x140] =	vst v51  }
0x305: {  	v52 =	vld [tilespmem:s12+$0x180];
	[tilespmem:s12+$0x160] =	vst v0  }
0x306: {  	v0 =	vld [tilespmem:s10+$0x2970]  }
0x307: {  	v50 =	vld [tilespmem:s12+$0x1A0]  }
0x308: {  	v53 =	vld [tilespmem:s12+$0x1D0]  }
0x309: {  	v54 =	vld [tilespmem:s12+$0x1E0]  }
0x30a: {  	v55 =	vld [tilespmem:s12+$0x1F0]  }
0x30b: {  	v56 =	vld [tilespmem:s12+$0x1B0];
	v1 =	vmul.f32 v52, v0  }
0x30c: {  	v57 =	vld [tilespmem:s12+$0x190];
	v3 =	vmul.f32 v50, v0  }
0x30d: {  	v58 =	vld [tilespmem:s12+$0x1C0];
	v59 =	vmul.f32 v53, v0;
	[tilespmem:s12+$0x180] =	vst v1  }
0x30e: {  	v60 =	vmul.f32 v54, v0;
	[tilespmem:s12+$0x1A0] =	vst v3  }
0x30f: {  	v61 =	vmul.f32 v55, v0;
	[tilespmem:s12+$0x1D0] =	vst v59  }
0x310: {  	v62 =	vmul.f32 v56, v0;
	[tilespmem:s12+$0x1E0] =	vst v60  }
0x311: {  	v63 =	vmul.f32 v57, v0;
	[tilespmem:s12+$0x1F0] =	vst v61  }
0x312: {  	v0 =	vmul.f32 v58, v0;
	[tilespmem:s12+$0x1B0] =	vst v62  }
0x313: {  	[tilespmem:s12+$0x190] =	vst v63  }
0x314: {  	[tilespmem:s12+$0x1C0] =	vst v0  }
0x315: {  	_ =	swait.ge [sflag:s28], $0x80  }
0x316: {  	[sflag:s28] =	ssyncset.done $0x0  }
0x317: {  	[sflag:s28] =	ssyncadd.s32 $0xFFFFFF80  }
0x318: {  	[spmem:s6] =	stream.indirect.scatter.add.f32 [tilespmem:s19], [sflag:$0x7], $0x80, s20, s18, $0xb8;
	[tilespmem:$0x1F900] =	vst v63  }
0x319: {  	_ =	swait.ge [sflag:s31], $0x4000  }
0x31a: {  	[sflag:s31] =	ssyncset.done $0x0  }
0x31b: {  	[sflag:s31] =	ssyncadd.s32 $0xFFFFC000  }
0x31c: {  	[bflag:$0x0] =	sbarrier.arrive $0xFFFF  }
0x31d: {  	s1 =	rddreg [dreg:$0xb]  }
0x31e: {  	[hbm:s1], [sflag:s16] =	dma.local [spmem:s17], $0x2800  }
0x31f: {  	_ =	swait.ge [sflag:s15], $0x2800  }
0x320: {  	s4 =	sadd.s32 $0x1, s4;
	s14 =	rddreg [dreg:$0xc]  }
0x321: {  	p0 =	sne.s32 s4, s14  }
.Ltmp4:
0x322: {  	_ = 	snop;
	(pc) =	sbr.rel @p0 .LBB2_1-.Ltmp4, $3  }
0x323: {  	_ =	sdelay $0x1  }
0x324: {  	[sflag:s15] =	ssyncset.done $0x0  }
0x325: {  	[sflag:s15] =	ssyncadd.s32 $0xFFFFD800  }
0x326: {  	_ =	sfence.sel $0x180000  }
0x327: {  	[bflag:$0x0] =	sbarrier.arrive $0xFFFF  }
0x328: {  	_ =	strace $0x90000047  }
0x329: {  	s0 =	stileid.u32;
	[bflag:$0x2] =	sbarrier.arrive $0xFFFF  }
0x32a: {  	p0 =	sne.s32 s0, $0x0;
	s0 =	rddreg [dreg:$0x7]  }
0x32b: {  	s0 =	sadd.s32 @!p0 $0x100000, s0  }
0x32c: {  	[sflag:s0] =	ssyncadd.tile.s32 @!p0 $0x1;
	_ =	shalt  }
.Lfunc_end2:
_tile_overlayer_lowered:
.L_overlay_start_2:
0x32d: {  	(tag) =	ssettag $0x2  }
0x32e: {  	s0 =	rddreg [dreg:$0x0];
	s2 =	stileid.u32  }
0x32f: {  	s1 =	rddreg [dreg:$0x1];
	p0 =	sne.s32 s2, $0x0  }
0x330: {  	s3 =	rddreg [dreg:$0x2];
	[bflag:$0x3] =	sbarrier.arrive $0xFFFF;
	s2 =	simm.s32 @!p0 $0x1C09  }
0x331: {  	[timem:s3], [sflag:s2] =	dma.local @!p0 [hbm:s0], s1  }
0x332: {  	s0 =	simm.s32 @!p0 $0x9  }
0x333: {  	_ =	swait.ge @!p0 [sflag:s0], s1  }
0x334: {  	s1 =	ssub.s32 @!p0 $0x0, s1;
	[sflag:s0] =	ssyncset.done @!p0 $0x0  }
0x335: {  	[sflag:s0] =	ssyncadd.s32 @!p0 s1  }
0x336: {  	[bflag:$0x3] =	sbarrier.arrive $0xFFFF  }
0x337: {  	_ =	shalt  }

</sc_bundles>
